<compile_context>
chip_gen: v7x
topology: tpu7x:2x2x1
jax: 0.10.2.dev20260603
libtpu: 0.0.44.dev20260713+nightly
codegen_flags: <defaults>
</compile_context>

<pallas_src>
import functools

import jax
import jax.numpy as jnp
import numpy as np
from jax import lax
from jax.experimental import pallas as pl
from jax.experimental.pallas import tpu as pltpu
from jax.experimental.pallas import tpu_sc as plsc

N_NODES = 10000
N_EDGES = 160000
D = 16
NW = 32
ROW = 128
NR = 40
PER_W = NR * ROW
E_PAD = NW * PER_W
N_PAD = 10240
ROWS_PER_SUB = N_PAD // 16

EMB_SCALE = float(1.14136 * np.exp(2.0) * 4.0)
INV_STEP = 17.0 / 8.0

_rh = np.zeros((16, 256), np.float32)
_ri = np.zeros((16, 256), np.float32)
for _h in range(16):
    for _i in range(16):
        _rh[_h, _h * 16 + _i] = 1.0
        _ri[_i, _h * 16 + _i] = 1.0

_MESH = dict(core_axis_name="c", subcore_axis_name="s", num_cores=2, num_subcores=16)

DB = 8192
_q = np.arange(DB)
_ein = 8 * (_q % (DB // 8)) + _q // (DB // 8)
_t = np.arange(DB)
_eout = _ein[(DB // 4) * (_t % 4) + _t // 4]
_blk = np.arange(0, E_PAD, DB)[:, None]
_PERM_IN = (_blk + _ein[None, :]).reshape(-1).astype(np.int32)
_PERM_OUT = (_blk + _eout[None, :]).reshape(-1).astype(np.int32)


def _gather_body(nr, x_hbm, src_hbm, dst_hbm, xs_hbm, xd_hbm, idx_v, rows_v, sem):
    per_w = nr * ROW
    c = lax.axis_index("c")
    s = lax.axis_index("s")
    wid = s * 2 + c
    base = wid * per_w
    for ind_hbm, out_hbm in ((src_hbm, xs_hbm), (dst_hbm, xd_hbm)):
        pltpu.sync_copy(ind_hbm.at[wid], idx_v)

        def grp(g, carry):
            handles = []
            for b in range(4):
                j = g * 4 + b
                handles.append(
                    pltpu.async_copy(
                        x_hbm.at[idx_v.at[j]], rows_v.at[pl.ds(j * ROW, ROW)], sem
                    )
                )
            for h in handles:
                h.wait()
            return carry

        lax.fori_loop(0, nr // 4, grp, 0)
        pltpu.sync_copy(rows_v, out_hbm.at[pl.ds(base, per_w)])


def _make_gather(e_half):
    nr = e_half // (NW * ROW)
    return functools.partial(
        pl.kernel,
        out_type=[
            jax.ShapeDtypeStruct((e_half, D), jnp.float32),
            jax.ShapeDtypeStruct((e_half, D), jnp.float32),
        ],
        mesh=plsc.VectorSubcoreMesh(**_MESH),
        scratch_types=[
            pltpu.VMEM((nr, ROW), jnp.int32),
            pltpu.VMEM((nr * ROW, D), jnp.float32),
            pltpu.SemaphoreType.DMA,
        ],
        compiler_params=pltpu.CompilerParams(use_tc_tiling_on_sc=False),
    )(functools.partial(_gather_body, nr))


def _sus(t):
    safe = jnp.where(t > 0.0, t, 1.0)
    return jnp.where(t > 0.0, jnp.exp(-1.0 / safe), 0.0)


def _mm_t(w, a):
    return lax.dot_general(w, a, (((0,), (0,)), ((), ())),
                           preferred_element_type=jnp.float32)


def _mm_r(w, a):
    return lax.dot_general(w, a, (((0,), (1,)), ((), ())),
                           preferred_element_type=jnp.float32)


def _dense_body(el_ref, sh_ref, xs_ref, xd_ref, wk1_ref, wv1_ref, wq_ref,
                wdot_ref, ak_ref, av_ref, rh_ref, ri_ref, out_ref):
    B = xs_ref.shape[0] * 128 // D
    el = el_ref[...]
    sh = sh_ref[...]
    xsp = xs_ref[...]
    xdp = xd_ref[...]
    xs = jnp.concatenate([xsp[:, D * p:D * (p + 1)] for p in range(8)], axis=0)
    xd = jnp.concatenate([xdp[:, D * p:D * (p + 1)] for p in range(8)], axis=0)
    i16 = lax.broadcasted_iota(jnp.int32, (D, 1), 0).astype(jnp.float32)
    diff = el * INV_STEP - (i16 + 1.0)
    emb_t = EMB_SCALE * _sus(diff + 1.0) * _sus(1.0 - diff)
    cutoff = _sus(10.0 - 1.25 * el)

    def silu(t):
        return t / (1.0 + jnp.exp(-t))

    hk_t = silu(_mm_t(wk1_ref[...], emb_t) * 0.25)
    hv_t = silu(_mm_t(wv1_ref[...], emb_t) * 0.25)
    tile_xs_t = _mm_r(ri_ref[...], xs)
    ok_t = _mm_t(rh_ref[...], hk_t) * tile_xs_t
    ov_t = _mm_t(rh_ref[...], hv_t) * tile_xs_t
    scale = sh * (1.0 / 16.0)
    k_t = _mm_t(ak_ref[...], ok_t) * scale
    v_t = _mm_t(av_ref[...], ov_t) * scale
    t_t = _mm_t(wdot_ref[...], _mm_r(wq_ref[...], xd))
    dot = jnp.sum(t_t * k_t, axis=0, keepdims=True) * (1.0 / 64.0)
    w = cutoff * jnp.exp(dot)
    u_t = jnp.sqrt(w) * v_t
    out32_t = jnp.concatenate([u_t, jnp.broadcast_to(w, u_t.shape)], axis=0)
    r0 = lax.broadcasted_iota(jnp.int32, (2 * D, 2 * D), 0)
    r1 = lax.broadcasted_iota(jnp.int32, (2 * D, 2 * D), 1)
    eye = (r0 == r1).astype(jnp.float32)
    out32 = _mm_t(out32_t, eye)
    q = B // 4
    out_ref[...] = jnp.concatenate([out32[q * a:q * (a + 1), :] for a in range(4)],
                                   axis=1)


def _dense_call(el, sh, xs, xd, wk1, wv1, wq, wdot, ak, av, rh, ri):
    B = DB
    e_half = el.shape[1]
    grid = (e_half // B,)
    edge = lambda i: (i, 0)
    lane = lambda i: (0, i)
    full = lambda i: (0, 0)
    return pl.pallas_call(
        _dense_body,
        grid=grid,
        in_specs=[
            pl.BlockSpec((1, B), lane),
            pl.BlockSpec((1, B), lane),
            pl.BlockSpec((B * D // 128, 128), edge),
            pl.BlockSpec((B * D // 128, 128), edge),
            pl.BlockSpec((D, D), full),
            pl.BlockSpec((D, D), full),
            pl.BlockSpec((D, D), full),
            pl.BlockSpec((D, D), full),
            pl.BlockSpec((256, D), full),
            pl.BlockSpec((256, D), full),
            pl.BlockSpec((D, 256), full),
            pl.BlockSpec((D, 256), full),
        ],
        out_specs=pl.BlockSpec((B * 2 * D // 128, 128), edge),
        out_shape=jax.ShapeDtypeStruct((e_half * 2 * D // 128, 128), jnp.float32),
    )(el, sh, xs, xd, wk1, wv1, wq, wdot, ak, av, rh, ri)


def _scatter_body(dst_hbm, vals_hbm, init_hbm, part_hbm, table, idx_v, vals_v, sem):
    c = lax.axis_index("c")
    s = lax.axis_index("s")
    wid = s * 2 + c
    pltpu.sync_copy(
        init_hbm.at[c, pl.ds(s * ROWS_PER_SUB, ROWS_PER_SUB)],
        table.at[pl.ds(s * ROWS_PER_SUB, ROWS_PER_SUB)],
    )
    plsc.subcore_barrier()
    pltpu.sync_copy(dst_hbm.at[wid], idx_v)
    pltpu.sync_copy(vals_hbm.at[pl.ds(wid * (20 * ROW), 20 * ROW)], vals_v)
    for j in range(20):
        pltpu.sync_copy(
            vals_v.at[pl.ds(j * ROW, ROW)], table.at[idx_v.at[j]], add=True
        )
    plsc.subcore_barrier()
    pltpu.sync_copy(
        table.at[pl.ds(s * ROWS_PER_SUB, ROWS_PER_SUB)],
        part_hbm.at[c, pl.ds(s * ROWS_PER_SUB, ROWS_PER_SUB)],
    )


def _make_scatter():
    return functools.partial(
        pl.kernel,
        out_type=jax.ShapeDtypeStruct((2, N_PAD, 2 * D), jnp.float32),
        mesh=plsc.VectorSubcoreMesh(**_MESH),
        scratch_types=[
            pltpu.VMEM_SHARED((N_PAD, 2 * D), jnp.float32),
            pltpu.VMEM((NR // 2, ROW), jnp.int32),
            pltpu.VMEM((20 * ROW, 2 * D), jnp.float32),
            pltpu.SemaphoreType.DMA,
        ],
        compiler_params=pltpu.CompilerParams(use_tc_tiling_on_sc=False),
    )(_scatter_body)


def _final_body(p_ref, out_ref):
    sacc = p_ref[0] + p_ref[1]
    outs = []
    for a in range(4):
        piece = sacc[:, 32 * a:32 * (a + 1)]
        u = piece[:, :D]
        z = piece[:, D:D + 1]
        zz = jnp.where(z == 0.0, 1.0, z)
        outs.append(u / jnp.sqrt(zz))
    out_ref[...] = jnp.concatenate(outs, axis=1)


def _final_call(parts):
    rows = 512
    nrows = N_PAD * 2 * D // 128
    return pl.pallas_call(
        _final_body,
        grid=(nrows // rows,),
        in_specs=[pl.BlockSpec((2, rows, 128), lambda i: (0, i, 0))],
        out_specs=pl.BlockSpec((rows, 4 * D), lambda i: (i, 0)),
        out_shape=jax.ShapeDtypeStruct((nrows, 4 * D), jnp.float32),
    )(parts)


def kernel(x, edge_index, edge_attr, node_attr, batch, additional_message_features,
           Wq, Wk_fc1, Wk_fc2, Wv_fc1, Wv_fc2, Wdot):
    del node_attr, batch
    pad = E_PAD - N_EDGES
    src = edge_index[0].astype(jnp.int32)
    dst = edge_index[1].astype(jnp.int32)
    src3 = jnp.concatenate([src, jnp.zeros((pad,), jnp.int32)]).reshape(NW, NR, ROW)
    dst_p = jnp.concatenate([dst, jnp.zeros((pad,), jnp.int32)])
    dst3 = dst_p.reshape(NW, NR, ROW)
    dst3_sc = dst_p[jnp.asarray(_PERM_OUT)].reshape(NW, NR, ROW)
    el = jnp.concatenate(
        [additional_message_features[:, 0], jnp.full((pad,), 100.0, jnp.float32)]
    )[jnp.asarray(_PERM_IN)].reshape(1, E_PAD)
    sh = jnp.concatenate(
        [edge_attr[:, 0], jnp.zeros((pad,), jnp.float32)]
    )[jnp.asarray(_PERM_IN)].reshape(1, E_PAD)
    ak = Wk_fc2.reshape(256, D)
    av = Wv_fc2.reshape(256, D)
    rh = jnp.asarray(_rh)
    ri = jnp.asarray(_ri)
    zeros = jnp.zeros((2, N_PAD, 2 * D), jnp.float32)

    eh = E_PAD // 2
    nrh = NR // 2
    gather = _make_gather(eh)
    scatter = _make_scatter()
    dst_sc_flat = dst3_sc.reshape(2, eh)
    parts = zeros
    for h in range(2):
        s3 = src3.reshape(2, eh)[h].reshape(NW, nrh, ROW)
        d3 = dst3.reshape(2, eh)[h].reshape(NW, nrh, ROW)
        xs, xd = gather(x, s3, d3)
        vals = _dense_call(
            el[:, h * eh:(h + 1) * eh], sh[:, h * eh:(h + 1) * eh],
            xs.reshape(eh * D // 128, 128), xd.reshape(eh * D // 128, 128),
            Wk_fc1, Wv_fc1, Wq, Wdot, ak, av, rh, ri,
        )
        parts = scatter(
            dst_sc_flat[h].reshape(NW, nrh, ROW), vals.reshape(eh, 2 * D), parts
        )
    parts128 = parts.reshape(2, N_PAD * 2 * D // 128, 128)
    return _final_call(parts128).reshape(N_PAD, D)[:N_NODES]

# --- scband reference (transcript-rebuilt; emitter-appended) ---
"""Pipeline reference for scband-setransformer-layer-44212393345041 (READ-ONLY COPY).

The authoritative reference and input builder live on the scoring server;
editing this copy changes nothing except your own understanding.
"""

import jax, jax.numpy as jnp
import numpy as np

N_NODES = 10000
N_EDGES = 160000
D_IN = 16
D_HID = 16
D_OUT = 16
N_BASIS = 16
FC_HID = 16
MAX_RADIUS = 8.0


def _sus(x):
    # e3nn soft_unit_step: exp(-1/x) for x>0 else 0
    safe = jnp.where(x > 0.0, x, 1.0)
    return jnp.where(x > 0.0, jnp.exp(-1.0 / safe), 0.0)


def _soft_one_hot_smooth_finite(x, start, end, number):
    # e3nn soft_one_hot_linspace(basis='smooth_finite', cutoff=True)
    values = jnp.linspace(start, end, number + 2)[1:-1]
    step = (end - start) / (number + 1)
    diff = (x[:, None] - values[None, :]) / step
    return 1.14136 * jnp.exp(2.0) * _sus(diff + 1.0) * _sus(1.0 - diff)


def setup_inputs(seed: int = 0) -> dict:
    key = jax.random.key(seed)
    ks = jax.random.split(key, 12)
    x = jax.random.normal(ks[0], (N_NODES, D_IN), dtype=jnp.float32)
    edge_index = jax.random.randint(ks[1], (2, N_EDGES), 0, N_NODES)
    edge_attr = jax.random.uniform(ks[2], (N_EDGES, 1), dtype=jnp.float32)
    node_attr = jax.random.normal(ks[3], (N_NODES, 1), dtype=jnp.float32)
    batch = jnp.sort(jax.random.randint(ks[4], (N_NODES,), 0, 8))
    additional_message_features = jax.random.uniform(ks[5], (N_EDGES, 1), dtype=jnp.float32)
    # learned parameters
    Wq = jax.random.normal(ks[6], (D_IN, D_HID), dtype=jnp.float32)
    Wk_fc1 = jax.random.normal(ks[7], (N_BASIS, FC_HID), dtype=jnp.float32)
    Wk_fc2 = jax.random.normal(ks[8], (FC_HID, D_IN * D_HID), dtype=jnp.float32)
    Wv_fc1 = jax.random.normal(ks[9], (N_BASIS, FC_HID), dtype=jnp.float32)
    Wv_fc2 = jax.random.normal(ks[10], (FC_HID, D_IN * D_OUT), dtype=jnp.float32)
    Wdot = jax.random.normal(ks[11], (D_HID, D_HID), dtype=jnp.float32)
    return {
        'x': x, 'edge_index': edge_index, 'edge_attr': edge_attr,
        'node_attr': node_attr, 'batch': batch,
        'additional_message_features': additional_message_features,
        'Wq': Wq, 'Wk_fc1': Wk_fc1, 'Wk_fc2': Wk_fc2,
        'Wv_fc1': Wv_fc1, 'Wv_fc2': Wv_fc2, 'Wdot': Wdot,
    }


def reference(x, edge_index, edge_attr, node_attr, batch, additional_message_features,
              Wq, Wk_fc1, Wk_fc2, Wv_fc1, Wv_fc2, Wdot):
    src = edge_index[0]
    dst = edge_index[1]
    edge_length = additional_message_features.reshape(-1)
    # radial embedding
    emb = _soft_one_hot_smooth_finite(edge_length, 0.0, MAX_RADIUS, N_BASIS)
    emb = emb * (N_BASIS ** 0.5)
    edge_weight_cutoff = _sus(10.0 * (1.0 - edge_length / MAX_RADIUS))
    # q = Linear(x)  (e3nn Linear on scalar irreps: fan-in normalized matmul)
    q = (x @ Wq) / jnp.sqrt(float(D_IN))
    # FullyConnectedNet radial MLPs (silu hidden, fan-in normalized)
    hk = jax.nn.silu((emb @ Wk_fc1) / jnp.sqrt(float(N_BASIS)))
    wk = (hk @ Wk_fc2) / jnp.sqrt(float(FC_HID))
    hv = jax.nn.silu((emb @ Wv_fc1) / jnp.sqrt(float(N_BASIS)))
    wv = (hv @ Wv_fc2) / jnp.sqrt(float(FC_HID))
    # per-edge tensor products (scalar irreps x 1x0e -> scalar irreps)
    xs = x[src]
    sh = edge_attr[:, 0]
    k = jnp.einsum('ei,eio->eo', xs, wk.reshape(-1, D_IN, D_HID)) * sh[:, None]
    k = k / jnp.sqrt(float(D_IN * 1))
    v = jnp.einsum('ei,eio->eo', xs, wv.reshape(-1, D_IN, D_OUT)) * sh[:, None]
    v = v / jnp.sqrt(float(D_IN * 1))
    # dot = FullyConnectedTensorProduct(hidden, hidden, '0e') with shared weights
    dot = jnp.einsum('ei,ij,ej->e', q[dst], Wdot, k) / jnp.sqrt(float(D_HID * D_HID))
    exp = edge_weight_cutoff[:, None] * jnp.exp(dot[:, None])
    z = jax.ops.segment_sum(exp, dst, num_segments=N_NODES)
    z = jnp.where(z == 0.0, 1.0, z)
    alpha = exp / z[dst]
    out = jax.ops.segment_sum(jnp.sqrt(jax.nn.relu(alpha)) * v, dst, num_segments=N_NODES)
    return out

if __name__ == "__main__":
    import jax
    _d = setup_inputs()
    print(jax.jit(kernel)(*tuple(_d.values())))

</pallas_src>

<mosaic_0001>
#map = affine_map<(d0, d1) -> (0, 0)>
#map1 = affine_map<(d0, d1) -> (0, 0, 0)>
module attributes {stable_mosaic.version = 14 : i64} {
  func.func @_gather_body(%arg0: i32, %arg1: i32, %arg2: memref<10000x16xf32, #tpu.memory_space<hbm>>, %arg3: memref<32x20x128xi32, #tpu.memory_space<hbm>>, %arg4: memref<32x20x128xi32, #tpu.memory_space<hbm>>, %arg5: memref<81920x16xf32, #tpu.memory_space<hbm>>, %arg6: memref<81920x16xf32, #tpu.memory_space<hbm>>, %arg7: memref<20x128xi32, #tpu.memory_space<vmem>>, %arg8: memref<2560x16xf32, #tpu.memory_space<vmem>>, %arg9: memref<!tpu.dma_semaphore, #tpu.memory_space<semaphore_mem>>) attributes {dimension_semantics = [#tpu.dimension_semantics<core_parallel>, #tpu.dimension_semantics<subcore_parallel>], iteration_bounds = array<i64: 2, 16>, scalar_prefetch = 0 : i64, scratch_operands = 3 : i64, tpu.core_type = #tpu.core_type<sc_vector_subcore>, window_params = [{transform_indices = #map}, {transform_indices = #map1}, {transform_indices = #map1}, {transform_indices = #map}, {transform_indices = #map}]} {
    %mul3A = arith.constant 2 : i32
    %mul3A_0 = arith.muli %arg1, %mul3A : i32
    %add3A = arith.addi %mul3A_0, %arg0 : i32
    %mul3A_1 = arith.constant 2560 : i32
    %mul3A_2 = arith.muli %add3A, %mul3A_1 : i32
    "tpu.region"() ({
      %run_scoped3A = tpu.sem_alloc : memref<!tpu.dma_semaphore, #tpu.memory_space<semaphore_mem>>
      %dma_start3A = arith.constant 0 : i32
      %dma_start3A_14 = arith.constant 0 : i32
      %dma_start3A_15 = tpu.memref_slice %arg3[%add3A, %dma_start3A, %dma_start3A_14] : memref<32x20x128xi32, #tpu.memory_space<hbm>> -> memref<1x20x128xi32, #tpu.memory_space<hbm>>
      %dma_start3A_16 = tpu.memref_squeeze %dma_start3A_15 : memref<1x20x128xi32, #tpu.memory_space<hbm>> -> memref<20x128xi32, #tpu.memory_space<hbm>>
      %dma_start3A_17 = arith.constant 0 : i32
      %dma_start3A_18 = arith.constant 0 : i32
      %dma_start3A_19 = tpu.memref_slice %arg3[%add3A, %dma_start3A_17, %dma_start3A_18] : memref<32x20x128xi32, #tpu.memory_space<hbm>> -> memref<1x20x128xi32, #tpu.memory_space<hbm>>
      %dma_start3A_20 = tpu.memref_squeeze %dma_start3A_19 : memref<1x20x128xi32, #tpu.memory_space<hbm>> -> memref<20x128xi32, #tpu.memory_space<hbm>>
      tpu.enqueue_dma source(%dma_start3A_20 : memref<20x128xi32, #tpu.memory_space<hbm>>) target(%arg7 : memref<20x128xi32, #tpu.memory_space<vmem>>) target_semaphore(%run_scoped3A : memref<!tpu.dma_semaphore, #tpu.memory_space<semaphore_mem>>)
      %dma_wait3A = arith.constant 0 : i32
      %dma_wait3A_21 = arith.constant 0 : i32
      %dma_wait3A_22 = tpu.memref_slice %arg3[%add3A, %dma_wait3A, %dma_wait3A_21] : memref<32x20x128xi32, #tpu.memory_space<hbm>> -> memref<1x20x128xi32, #tpu.memory_space<hbm>>
      %dma_wait3A_23 = tpu.memref_squeeze %dma_wait3A_22 : memref<1x20x128xi32, #tpu.memory_space<hbm>> -> memref<20x128xi32, #tpu.memory_space<hbm>>
      %dma_wait3A_24 = arith.constant 0 : i32
      %dma_wait3A_25 = arith.constant 0 : i32
      %dma_wait3A_26 = tpu.memref_slice %arg3[%add3A, %dma_wait3A_24, %dma_wait3A_25] : memref<32x20x128xi32, #tpu.memory_space<hbm>> -> memref<1x20x128xi32, #tpu.memory_space<hbm>>
      %dma_wait3A_27 = tpu.memref_squeeze %dma_wait3A_26 : memref<1x20x128xi32, #tpu.memory_space<hbm>> -> memref<20x128xi32, #tpu.memory_space<hbm>>
      tpu.wait_dma2 semaphore(%run_scoped3A : memref<!tpu.dma_semaphore, #tpu.memory_space<semaphore_mem>>) src(%dma_wait3A_27 : memref<20x128xi32, #tpu.memory_space<hbm>>) dst(%arg7 : memref<20x128xi32, #tpu.memory_space<vmem>>)
      tpu.yield
    }) : () -> ()
    %scan3A = arith.constant 0 : i32
    %scan3A_3 = arith.constant 0 : i32
    %scan3A_4 = arith.constant 5 : i32
    %scan3A_5 = arith.addi %scan3A_3, %scan3A_4 : i32
    %scan3A_6 = arith.constant 1 : i32
    scf.for %scan3A_14 = %scan3A_3 to %scan3A_5 step %scan3A_6  : i32 {
      %mul3A_15 = arith.constant 4 : i32
      %mul3A_16 = arith.muli %scan3A_14, %mul3A_15 : i32
      %add3A_17 = arith.constant 0 : i32
      %add3A_18 = arith.addi %mul3A_16, %add3A_17 : i32
      %mul3A_19 = arith.constant 128 : i32
      %mul3A_20 = arith.muli %add3A_18, %mul3A_19 : i32
      %dma_start3A = arith.constant 0 : i32
      %dma_start3A_21 = tpu.memref_slice %arg8[%mul3A_20, %dma_start3A] : memref<2560x16xf32, #tpu.memory_space<vmem>> -> memref<128x16xf32, #tpu.memory_space<vmem>>
      %dma_start3A_22 = arith.constant 0 : i32
      %dma_start3A_23 = tpu.memref_slice %arg7[%add3A_18, %dma_start3A_22] : memref<20x128xi32, #tpu.memory_space<vmem>> -> memref<1x128xi32, #tpu.memory_space<vmem>>
      %dma_start3A_24 = tpu.memref_squeeze %dma_start3A_23 : memref<1x128xi32, #tpu.memory_space<vmem>> -> memref<128xi32, #tpu.memory_space<vmem>>
      %dma_start3A_25 = arith.constant 0 : i32
      %dma_start3A_26 = arith.constant 0 : i32
      %dma_start3A_27 = tpu.memref_slice %arg2[%dma_start3A_25, %dma_start3A_26] : memref<10000x16xf32, #tpu.memory_space<hbm>> -> memref<10000x16xf32, #tpu.memory_space<hbm>>
      tpu.enqueue_indirect_dma source(%dma_start3A_27 : memref<10000x16xf32, #tpu.memory_space<hbm>>) target(%dma_start3A_21 : memref<128x16xf32, #tpu.memory_space<vmem>>) offsets(%dma_start3A_24 : memref<128xi32, #tpu.memory_space<vmem>>) semaphore(%arg9 : memref<!tpu.dma_semaphore, #tpu.memory_space<semaphore_mem>>)
      %mul3A_28 = arith.constant 4 : i32
      %mul3A_29 = arith.muli %scan3A_14, %mul3A_28 : i32
      %add3A_30 = arith.constant 1 : i32
      %add3A_31 = arith.addi %mul3A_29, %add3A_30 : i32
      %mul3A_32 = arith.constant 128 : i32
      %mul3A_33 = arith.muli %add3A_31, %mul3A_32 : i32
      %dma_start3A_34 = arith.constant 0 : i32
      %dma_start3A_35 = tpu.memref_slice %arg8[%mul3A_33, %dma_start3A_34] : memref<2560x16xf32, #tpu.memory_space<vmem>> -> memref<128x16xf32, #tpu.memory_space<vmem>>
      %dma_start3A_36 = arith.constant 0 : i32
      %dma_start3A_37 = tpu.memref_slice %arg7[%add3A_31, %dma_start3A_36] : memref<20x128xi32, #tpu.memory_space<vmem>> -> memref<1x128xi32, #tpu.memory_space<vmem>>
      %dma_start3A_38 = tpu.memref_squeeze %dma_start3A_37 : memref<1x128xi32, #tpu.memory_space<vmem>> -> memref<128xi32, #tpu.memory_space<vmem>>
      %dma_start3A_39 = arith.constant 0 : i32
      %dma_start3A_40 = arith.constant 0 : i32
      %dma_start3A_41 = tpu.memref_slice %arg2[%dma_start3A_39, %dma_start3A_40] : memref<10000x16xf32, #tpu.memory_space<hbm>> -> memref<10000x16xf32, #tpu.memory_space<hbm>>
      tpu.enqueue_indirect_dma source(%dma_start3A_41 : memref<10000x16xf32, #tpu.memory_space<hbm>>) target(%dma_start3A_35 : memref<128x16xf32, #tpu.memory_space<vmem>>) offsets(%dma_start3A_38 : memref<128xi32, #tpu.memory_space<vmem>>) semaphore(%arg9 : memref<!tpu.dma_semaphore, #tpu.memory_space<semaphore_mem>>)
      %mul3A_42 = arith.constant 4 : i32
      %mul3A_43 = arith.muli %scan3A_14, %mul3A_42 : i32
      %add3A_44 = arith.constant 2 : i32
      %add3A_45 = arith.addi %mul3A_43, %add3A_44 : i32
      %mul3A_46 = arith.constant 128 : i32
      %mul3A_47 = arith.muli %add3A_45, %mul3A_46 : i32
      %dma_start3A_48 = arith.constant 0 : i32
      %dma_start3A_49 = tpu.memref_slice %arg8[%mul3A_47, %dma_start3A_48] : memref<2560x16xf32, #tpu.memory_space<vmem>> -> memref<128x16xf32, #tpu.memory_space<vmem>>
      %dma_start3A_50 = arith.constant 0 : i32
      %dma_start3A_51 = tpu.memref_slice %arg7[%add3A_45, %dma_start3A_50] : memref<20x128xi32, #tpu.memory_space<vmem>> -> memref<1x128xi32, #tpu.memory_space<vmem>>
      %dma_start3A_52 = tpu.memref_squeeze %dma_start3A_51 : memref<1x128xi32, #tpu.memory_space<vmem>> -> memref<128xi32, #tpu.memory_space<vmem>>
      %dma_start3A_53 = arith.constant 0 : i32
      %dma_start3A_54 = arith.constant 0 : i32
      %dma_start3A_55 = tpu.memref_slice %arg2[%dma_start3A_53, %dma_start3A_54] : memref<10000x16xf32, #tpu.memory_space<hbm>> -> memref<10000x16xf32, #tpu.memory_space<hbm>>
      tpu.enqueue_indirect_dma source(%dma_start3A_55 : memref<10000x16xf32, #tpu.memory_space<hbm>>) target(%dma_start3A_49 : memref<128x16xf32, #tpu.memory_space<vmem>>) offsets(%dma_start3A_52 : memref<128xi32, #tpu.memory_space<vmem>>) semaphore(%arg9 : memref<!tpu.dma_semaphore, #tpu.memory_space<semaphore_mem>>)
      %mul3A_56 = arith.constant 4 : i32
      %mul3A_57 = arith.muli %scan3A_14, %mul3A_56 : i32
      %add3A_58 = arith.constant 3 : i32
      %add3A_59 = arith.addi %mul3A_57, %add3A_58 : i32
      %mul3A_60 = arith.constant 128 : i32
      %mul3A_61 = arith.muli %add3A_59, %mul3A_60 : i32
      %dma_start3A_62 = arith.constant 0 : i32
      %dma_start3A_63 = tpu.memref_slice %arg8[%mul3A_61, %dma_start3A_62] : memref<2560x16xf32, #tpu.memory_space<vmem>> -> memref<128x16xf32, #tpu.memory_space<vmem>>
      %dma_start3A_64 = arith.constant 0 : i32
      %dma_start3A_65 = tpu.memref_slice %arg7[%add3A_59, %dma_start3A_64] : memref<20x128xi32, #tpu.memory_space<vmem>> -> memref<1x128xi32, #tpu.memory_space<vmem>>
      %dma_start3A_66 = tpu.memref_squeeze %dma_start3A_65 : memref<1x128xi32, #tpu.memory_space<vmem>> -> memref<128xi32, #tpu.memory_space<vmem>>
      %dma_start3A_67 = arith.constant 0 : i32
      %dma_start3A_68 = arith.constant 0 : i32
      %dma_start3A_69 = tpu.memref_slice %arg2[%dma_start3A_67, %dma_start3A_68] : memref<10000x16xf32, #tpu.memory_space<hbm>> -> memref<10000x16xf32, #tpu.memory_space<hbm>>
      tpu.enqueue_indirect_dma source(%dma_start3A_69 : memref<10000x16xf32, #tpu.memory_space<hbm>>) target(%dma_start3A_63 : memref<128x16xf32, #tpu.memory_space<vmem>>) offsets(%dma_start3A_66 : memref<128xi32, #tpu.memory_space<vmem>>) semaphore(%arg9 : memref<!tpu.dma_semaphore, #tpu.memory_space<semaphore_mem>>)
      %dma_wait3A = arith.constant 0 : i32
      %dma_wait3A_70 = tpu.memref_slice %arg8[%mul3A_20, %dma_wait3A] : memref<2560x16xf32, #tpu.memory_space<vmem>> -> memref<128x16xf32, #tpu.memory_space<vmem>>
      %dma_wait3A_71 = arith.constant 0 : i32
      %dma_wait3A_72 = tpu.memref_slice %arg7[%add3A_18, %dma_wait3A_71] : memref<20x128xi32, #tpu.memory_space<vmem>> -> memref<1x128xi32, #tpu.memory_space<vmem>>
      %dma_wait3A_73 = tpu.memref_squeeze %dma_wait3A_72 : memref<1x128xi32, #tpu.memory_space<vmem>> -> memref<128xi32, #tpu.memory_space<vmem>>
      %dma_wait3A_74 = arith.constant 0 : i32
      %dma_wait3A_75 = arith.constant 0 : i32
      %dma_wait3A_76 = tpu.memref_slice %arg2[%dma_wait3A_74, %dma_wait3A_75] : memref<10000x16xf32, #tpu.memory_space<hbm>> -> memref<10000x16xf32, #tpu.memory_space<hbm>>
      tpu.wait_indirect_dma semaphore(%arg9 : memref<!tpu.dma_semaphore, #tpu.memory_space<semaphore_mem>>) src(%dma_wait3A_76 : memref<10000x16xf32, #tpu.memory_space<hbm>>) dst(%dma_wait3A_70 : memref<128x16xf32, #tpu.memory_space<vmem>>)
      %dma_wait3A_77 = arith.constant 0 : i32
      %dma_wait3A_78 = tpu.memref_slice %arg8[%mul3A_33, %dma_wait3A_77] : memref<2560x16xf32, #tpu.memory_space<vmem>> -> memref<128x16xf32, #tpu.memory_space<vmem>>
      %dma_wait3A_79 = arith.constant 0 : i32
      %dma_wait3A_80 = tpu.memref_slice %arg7[%add3A_31, %dma_wait3A_79] : memref<20x128xi32, #tpu.memory_space<vmem>> -> memref<1x128xi32, #tpu.memory_space<vmem>>
      %dma_wait3A_81 = tpu.memref_squeeze %dma_wait3A_80 : memref<1x128xi32, #tpu.memory_space<vmem>> -> memref<128xi32, #tpu.memory_space<vmem>>
      %dma_wait3A_82 = arith.constant 0 : i32
      %dma_wait3A_83 = arith.constant 0 : i32
      %dma_wait3A_84 = tpu.memref_slice %arg2[%dma_wait3A_82, %dma_wait3A_83] : memref<10000x16xf32, #tpu.memory_space<hbm>> -> memref<10000x16xf32, #tpu.memory_space<hbm>>
      tpu.wait_indirect_dma semaphore(%arg9 : memref<!tpu.dma_semaphore, #tpu.memory_space<semaphore_mem>>) src(%dma_wait3A_84 : memref<10000x16xf32, #tpu.memory_space<hbm>>) dst(%dma_wait3A_78 : memref<128x16xf32, #tpu.memory_space<vmem>>)
      %dma_wait3A_85 = arith.constant 0 : i32
      %dma_wait3A_86 = tpu.memref_slice %arg8[%mul3A_47, %dma_wait3A_85] : memref<2560x16xf32, #tpu.memory_space<vmem>> -> memref<128x16xf32, #tpu.memory_space<vmem>>
      %dma_wait3A_87 = arith.constant 0 : i32
      %dma_wait3A_88 = tpu.memref_slice %arg7[%add3A_45, %dma_wait3A_87] : memref<20x128xi32, #tpu.memory_space<vmem>> -> memref<1x128xi32, #tpu.memory_space<vmem>>
      %dma_wait3A_89 = tpu.memref_squeeze %dma_wait3A_88 : memref<1x128xi32, #tpu.memory_space<vmem>> -> memref<128xi32, #tpu.memory_space<vmem>>
      %dma_wait3A_90 = arith.constant 0 : i32
      %dma_wait3A_91 = arith.constant 0 : i32
      %dma_wait3A_92 = tpu.memref_slice %arg2[%dma_wait3A_90, %dma_wait3A_91] : memref<10000x16xf32, #tpu.memory_space<hbm>> -> memref<10000x16xf32, #tpu.memory_space<hbm>>
      tpu.wait_indirect_dma semaphore(%arg9 : memref<!tpu.dma_semaphore, #tpu.memory_space<semaphore_mem>>) src(%dma_wait3A_92 : memref<10000x16xf32, #tpu.memory_space<hbm>>) dst(%dma_wait3A_86 : memref<128x16xf32, #tpu.memory_space<vmem>>)
      %dma_wait3A_93 = arith.constant 0 : i32
      %dma_wait3A_94 = tpu.memref_slice %arg8[%mul3A_61, %dma_wait3A_93] : memref<2560x16xf32, #tpu.memory_space<vmem>> -> memref<128x16xf32, #tpu.memory_space<vmem>>
      %dma_wait3A_95 = arith.constant 0 : i32
      %dma_wait3A_96 = tpu.memref_slice %arg7[%add3A_59, %dma_wait3A_95] : memref<20x128xi32, #tpu.memory_space<vmem>> -> memref<1x128xi32, #tpu.memory_space<vmem>>
      %dma_wait3A_97 = tpu.memref_squeeze %dma_wait3A_96 : memref<1x128xi32, #tpu.memory_space<vmem>> -> memref<128xi32, #tpu.memory_space<vmem>>
      %dma_wait3A_98 = arith.constant 0 : i32
      %dma_wait3A_99 = arith.constant 0 : i32
      %dma_wait3A_100 = tpu.memref_slice %arg2[%dma_wait3A_98, %dma_wait3A_99] : memref<10000x16xf32, #tpu.memory_space<hbm>> -> memref<10000x16xf32, #tpu.memory_space<hbm>>
      tpu.wait_indirect_dma semaphore(%arg9 : memref<!tpu.dma_semaphore, #tpu.memory_space<semaphore_mem>>) src(%dma_wait3A_100 : memref<10000x16xf32, #tpu.memory_space<hbm>>) dst(%dma_wait3A_94 : memref<128x16xf32, #tpu.memory_space<vmem>>)
    }
    %scan3A_7 = arith.constant 5 : i32
    "tpu.region"() ({
      %run_scoped3A = tpu.sem_alloc : memref<!tpu.dma_semaphore, #tpu.memory_space<semaphore_mem>>
      %dma_start3A = arith.constant 0 : i32
      %dma_start3A_14 = tpu.memref_slice %arg5[%mul3A_2, %dma_start3A] : memref<81920x16xf32, #tpu.memory_space<hbm>> -> memref<2560x16xf32, #tpu.memory_space<hbm>>
      %dma_start3A_15 = arith.constant 0 : i32
      %dma_start3A_16 = tpu.memref_slice %arg5[%mul3A_2, %dma_start3A_15] : memref<81920x16xf32, #tpu.memory_space<hbm>> -> memref<2560x16xf32, #tpu.memory_space<hbm>>
      tpu.enqueue_dma source(%arg8 : memref<2560x16xf32, #tpu.memory_space<vmem>>) target(%dma_start3A_16 : memref<2560x16xf32, #tpu.memory_space<hbm>>) target_semaphore(%run_scoped3A : memref<!tpu.dma_semaphore, #tpu.memory_space<semaphore_mem>>)
      %dma_wait3A = arith.constant 0 : i32
      %dma_wait3A_17 = tpu.memref_slice %arg5[%mul3A_2, %dma_wait3A] : memref<81920x16xf32, #tpu.memory_space<hbm>> -> memref<2560x16xf32, #tpu.memory_space<hbm>>
      %dma_wait3A_18 = arith.constant 0 : i32
      %dma_wait3A_19 = tpu.memref_slice %arg5[%mul3A_2, %dma_wait3A_18] : memref<81920x16xf32, #tpu.memory_space<hbm>> -> memref<2560x16xf32, #tpu.memory_space<hbm>>
      tpu.wait_dma2 semaphore(%run_scoped3A : memref<!tpu.dma_semaphore, #tpu.memory_space<semaphore_mem>>) src(%arg8 : memref<2560x16xf32, #tpu.memory_space<vmem>>) dst(%dma_wait3A_19 : memref<2560x16xf32, #tpu.memory_space<hbm>>)
      tpu.yield
    }) : () -> ()
    "tpu.region"() ({
      %run_scoped3A = tpu.sem_alloc : memref<!tpu.dma_semaphore, #tpu.memory_space<semaphore_mem>>
      %dma_start3A = arith.constant 0 : i32
      %dma_start3A_14 = arith.constant 0 : i32
      %dma_start3A_15 = tpu.memref_slice %arg4[%add3A, %dma_start3A, %dma_start3A_14] : memref<32x20x128xi32, #tpu.memory_space<hbm>> -> memref<1x20x128xi32, #tpu.memory_space<hbm>>
      %dma_start3A_16 = tpu.memref_squeeze %dma_start3A_15 : memref<1x20x128xi32, #tpu.memory_space<hbm>> -> memref<20x128xi32, #tpu.memory_space<hbm>>
      %dma_start3A_17 = arith.constant 0 : i32
      %dma_start3A_18 = arith.constant 0 : i32
      %dma_start3A_19 = tpu.memref_slice %arg4[%add3A, %dma_start3A_17, %dma_start3A_18] : memref<32x20x128xi32, #tpu.memory_space<hbm>> -> memref<1x20x128xi32, #tpu.memory_space<hbm>>
      %dma_start3A_20 = tpu.memref_squeeze %dma_start3A_19 : memref<1x20x128xi32, #tpu.memory_space<hbm>> -> memref<20x128xi32, #tpu.memory_space<hbm>>
      tpu.enqueue_dma source(%dma_start3A_20 : memref<20x128xi32, #tpu.memory_space<hbm>>) target(%arg7 : memref<20x128xi32, #tpu.memory_space<vmem>>) target_semaphore(%run_scoped3A : memref<!tpu.dma_semaphore, #tpu.memory_space<semaphore_mem>>)
      %dma_wait3A = arith.constant 0 : i32
      %dma_wait3A_21 = arith.constant 0 : i32
      %dma_wait3A_22 = tpu.memref_slice %arg4[%add3A, %dma_wait3A, %dma_wait3A_21] : memref<32x20x128xi32, #tpu.memory_space<hbm>> -> memref<1x20x128xi32, #tpu.memory_space<hbm>>
      %dma_wait3A_23 = tpu.memref_squeeze %dma_wait3A_22 : memref<1x20x128xi32, #tpu.memory_space<hbm>> -> memref<20x128xi32, #tpu.memory_space<hbm>>
      %dma_wait3A_24 = arith.constant 0 : i32
      %dma_wait3A_25 = arith.constant 0 : i32
      %dma_wait3A_26 = tpu.memref_slice %arg4[%add3A, %dma_wait3A_24, %dma_wait3A_25] : memref<32x20x128xi32, #tpu.memory_space<hbm>> -> memref<1x20x128xi32, #tpu.memory_space<hbm>>
      %dma_wait3A_27 = tpu.memref_squeeze %dma_wait3A_26 : memref<1x20x128xi32, #tpu.memory_space<hbm>> -> memref<20x128xi32, #tpu.memory_space<hbm>>
      tpu.wait_dma2 semaphore(%run_scoped3A : memref<!tpu.dma_semaphore, #tpu.memory_space<semaphore_mem>>) src(%dma_wait3A_27 : memref<20x128xi32, #tpu.memory_space<hbm>>) dst(%arg7 : memref<20x128xi32, #tpu.memory_space<vmem>>)
      tpu.yield
    }) : () -> ()
    %scan3A_8 = arith.constant 0 : i32
    %scan3A_9 = arith.constant 0 : i32
    %scan3A_10 = arith.constant 5 : i32
    %scan3A_11 = arith.addi %scan3A_9, %scan3A_10 : i32
    %scan3A_12 = arith.constant 1 : i32
    scf.for %scan3A_14 = %scan3A_9 to %scan3A_11 step %scan3A_12  : i32 {
      %mul3A_15 = arith.constant 4 : i32
      %mul3A_16 = arith.muli %scan3A_14, %mul3A_15 : i32
      %add3A_17 = arith.constant 0 : i32
      %add3A_18 = arith.addi %mul3A_16, %add3A_17 : i32
      %mul3A_19 = arith.constant 128 : i32
      %mul3A_20 = arith.muli %add3A_18, %mul3A_19 : i32
      %dma_start3A = arith.constant 0 : i32
      %dma_start3A_21 = tpu.memref_slice %arg8[%mul3A_20, %dma_start3A] : memref<2560x16xf32, #tpu.memory_space<vmem>> -> memref<128x16xf32, #tpu.memory_space<vmem>>
      %dma_start3A_22 = arith.constant 0 : i32
      %dma_start3A_23 = tpu.memref_slice %arg7[%add3A_18, %dma_start3A_22] : memref<20x128xi32, #tpu.memory_space<vmem>> -> memref<1x128xi32, #tpu.memory_space<vmem>>
      %dma_start3A_24 = tpu.memref_squeeze %dma_start3A_23 : memref<1x128xi32, #tpu.memory_space<vmem>> -> memref<128xi32, #tpu.memory_space<vmem>>
      %dma_start3A_25 = arith.constant 0 : i32
      %dma_start3A_26 = arith.constant 0 : i32
      %dma_start3A_27 = tpu.memref_slice %arg2[%dma_start3A_25, %dma_start3A_26] : memref<10000x16xf32, #tpu.memory_space<hbm>> -> memref<10000x16xf32, #tpu.memory_space<hbm>>
      tpu.enqueue_indirect_dma source(%dma_start3A_27 : memref<10000x16xf32, #tpu.memory_space<hbm>>) target(%dma_start3A_21 : memref<128x16xf32, #tpu.memory_space<vmem>>) offsets(%dma_start3A_24 : memref<128xi32, #tpu.memory_space<vmem>>) semaphore(%arg9 : memref<!tpu.dma_semaphore, #tpu.memory_space<semaphore_mem>>)
      %mul3A_28 = arith.constant 4 : i32
      %mul3A_29 = arith.muli %scan3A_14, %mul3A_28 : i32
      %add3A_30 = arith.constant 1 : i32
      %add3A_31 = arith.addi %mul3A_29, %add3A_30 : i32
      %mul3A_32 = arith.constant 128 : i32
      %mul3A_33 = arith.muli %add3A_31, %mul3A_32 : i32
      %dma_start3A_34 = arith.constant 0 : i32
      %dma_start3A_35 = tpu.memref_slice %arg8[%mul3A_33, %dma_start3A_34] : memref<2560x16xf32, #tpu.memory_space<vmem>> -> memref<128x16xf32, #tpu.memory_space<vmem>>
      %dma_start3A_36 = arith.constant 0 : i32
      %dma_start3A_37 = tpu.memref_slice %arg7[%add3A_31, %dma_start3A_36] : memref<20x128xi32, #tpu.memory_space<vmem>> -> memref<1x128xi32, #tpu.memory_space<vmem>>
      %dma_start3A_38 = tpu.memref_squeeze %dma_start3A_37 : memref<1x128xi32, #tpu.memory_space<vmem>> -> memref<128xi32, #tpu.memory_space<vmem>>
      %dma_start3A_39 = arith.constant 0 : i32
      %dma_start3A_40 = arith.constant 0 : i32
      %dma_start3A_41 = tpu.memref_slice %arg2[%dma_start3A_39, %dma_start3A_40] : memref<10000x16xf32, #tpu.memory_space<hbm>> -> memref<10000x16xf32, #tpu.memory_space<hbm>>
      tpu.enqueue_indirect_dma source(%dma_start3A_41 : memref<10000x16xf32, #tpu.memory_space<hbm>>) target(%dma_start3A_35 : memref<128x16xf32, #tpu.memory_space<vmem>>) offsets(%dma_start3A_38 : memref<128xi32, #tpu.memory_space<vmem>>) semaphore(%arg9 : memref<!tpu.dma_semaphore, #tpu.memory_space<semaphore_mem>>)
      %mul3A_42 = arith.constant 4 : i32
      %mul3A_43 = arith.muli %scan3A_14, %mul3A_42 : i32
      %add3A_44 = arith.constant 2 : i32
      %add3A_45 = arith.addi %mul3A_43, %add3A_44 : i32
      %mul3A_46 = arith.constant 128 : i32
      %mul3A_47 = arith.muli %add3A_45, %mul3A_46 : i32
      %dma_start3A_48 = arith.constant 0 : i32
      %dma_start3A_49 = tpu.memref_slice %arg8[%mul3A_47, %dma_start3A_48] : memref<2560x16xf32, #tpu.memory_space<vmem>> -> memref<128x16xf32, #tpu.memory_space<vmem>>
      %dma_start3A_50 = arith.constant 0 : i32
      %dma_start3A_51 = tpu.memref_slice %arg7[%add3A_45, %dma_start3A_50] : memref<20x128xi32, #tpu.memory_space<vmem>> -> memref<1x128xi32, #tpu.memory_space<vmem>>
      %dma_start3A_52 = tpu.memref_squeeze %dma_start3A_51 : memref<1x128xi32, #tpu.memory_space<vmem>> -> memref<128xi32, #tpu.memory_space<vmem>>
      %dma_start3A_53 = arith.constant 0 : i32
      %dma_start3A_54 = arith.constant 0 : i32
      %dma_start3A_55 = tpu.memref_slice %arg2[%dma_start3A_53, %dma_start3A_54] : memref<10000x16xf32, #tpu.memory_space<hbm>> -> memref<10000x16xf32, #tpu.memory_space<hbm>>
      tpu.enqueue_indirect_dma source(%dma_start3A_55 : memref<10000x16xf32, #tpu.memory_space<hbm>>) target(%dma_start3A_49 : memref<128x16xf32, #tpu.memory_space<vmem>>) offsets(%dma_start3A_52 : memref<128xi32, #tpu.memory_space<vmem>>) semaphore(%arg9 : memref<!tpu.dma_semaphore, #tpu.memory_space<semaphore_mem>>)
      %mul3A_56 = arith.constant 4 : i32
      %mul3A_57 = arith.muli %scan3A_14, %mul3A_56 : i32
      %add3A_58 = arith.constant 3 : i32
      %add3A_59 = arith.addi %mul3A_57, %add3A_58 : i32
      %mul3A_60 = arith.constant 128 : i32
      %mul3A_61 = arith.muli %add3A_59, %mul3A_60 : i32
      %dma_start3A_62 = arith.constant 0 : i32
      %dma_start3A_63 = tpu.memref_slice %arg8[%mul3A_61, %dma_start3A_62] : memref<2560x16xf32, #tpu.memory_space<vmem>> -> memref<128x16xf32, #tpu.memory_space<vmem>>
      %dma_start3A_64 = arith.constant 0 : i32
      %dma_start3A_65 = tpu.memref_slice %arg7[%add3A_59, %dma_start3A_64] : memref<20x128xi32, #tpu.memory_space<vmem>> -> memref<1x128xi32, #tpu.memory_space<vmem>>
      %dma_start3A_66 = tpu.memref_squeeze %dma_start3A_65 : memref<1x128xi32, #tpu.memory_space<vmem>> -> memref<128xi32, #tpu.memory_space<vmem>>
      %dma_start3A_67 = arith.constant 0 : i32
      %dma_start3A_68 = arith.constant 0 : i32
      %dma_start3A_69 = tpu.memref_slice %arg2[%dma_start3A_67, %dma_start3A_68] : memref<10000x16xf32, #tpu.memory_space<hbm>> -> memref<10000x16xf32, #tpu.memory_space<hbm>>
      tpu.enqueue_indirect_dma source(%dma_start3A_69 : memref<10000x16xf32, #tpu.memory_space<hbm>>) target(%dma_start3A_63 : memref<128x16xf32, #tpu.memory_space<vmem>>) offsets(%dma_start3A_66 : memref<128xi32, #tpu.memory_space<vmem>>) semaphore(%arg9 : memref<!tpu.dma_semaphore, #tpu.memory_space<semaphore_mem>>)
      %dma_wait3A = arith.constant 0 : i32
      %dma_wait3A_70 = tpu.memref_slice %arg8[%mul3A_20, %dma_wait3A] : memref<2560x16xf32, #tpu.memory_space<vmem>> -> memref<128x16xf32, #tpu.memory_space<vmem>>
      %dma_wait3A_71 = arith.constant 0 : i32
      %dma_wait3A_72 = tpu.memref_slice %arg7[%add3A_18, %dma_wait3A_71] : memref<20x128xi32, #tpu.memory_space<vmem>> -> memref<1x128xi32, #tpu.memory_space<vmem>>
      %dma_wait3A_73 = tpu.memref_squeeze %dma_wait3A_72 : memref<1x128xi32, #tpu.memory_space<vmem>> -> memref<128xi32, #tpu.memory_space<vmem>>
      %dma_wait3A_74 = arith.constant 0 : i32
      %dma_wait3A_75 = arith.constant 0 : i32
      %dma_wait3A_76 = tpu.memref_slice %arg2[%dma_wait3A_74, %dma_wait3A_75] : memref<10000x16xf32, #tpu.memory_space<hbm>> -> memref<10000x16xf32, #tpu.memory_space<hbm>>
      tpu.wait_indirect_dma semaphore(%arg9 : memref<!tpu.dma_semaphore, #tpu.memory_space<semaphore_mem>>) src(%dma_wait3A_76 : memref<10000x16xf32, #tpu.memory_space<hbm>>) dst(%dma_wait3A_70 : memref<128x16xf32, #tpu.memory_space<vmem>>)
      %dma_wait3A_77 = arith.constant 0 : i32
      %dma_wait3A_78 = tpu.memref_slice %arg8[%mul3A_33, %dma_wait3A_77] : memref<2560x16xf32, #tpu.memory_space<vmem>> -> memref<128x16xf32, #tpu.memory_space<vmem>>
      %dma_wait3A_79 = arith.constant 0 : i32
      %dma_wait3A_80 = tpu.memref_slice %arg7[%add3A_31, %dma_wait3A_79] : memref<20x128xi32, #tpu.memory_space<vmem>> -> memref<1x128xi32, #tpu.memory_space<vmem>>
      %dma_wait3A_81 = tpu.memref_squeeze %dma_wait3A_80 : memref<1x128xi32, #tpu.memory_space<vmem>> -> memref<128xi32, #tpu.memory_space<vmem>>
      %dma_wait3A_82 = arith.constant 0 : i32
      %dma_wait3A_83 = arith.constant 0 : i32
      %dma_wait3A_84 = tpu.memref_slice %arg2[%dma_wait3A_82, %dma_wait3A_83] : memref<10000x16xf32, #tpu.memory_space<hbm>> -> memref<10000x16xf32, #tpu.memory_space<hbm>>
      tpu.wait_indirect_dma semaphore(%arg9 : memref<!tpu.dma_semaphore, #tpu.memory_space<semaphore_mem>>) src(%dma_wait3A_84 : memref<10000x16xf32, #tpu.memory_space<hbm>>) dst(%dma_wait3A_78 : memref<128x16xf32, #tpu.memory_space<vmem>>)
      %dma_wait3A_85 = arith.constant 0 : i32
      %dma_wait3A_86 = tpu.memref_slice %arg8[%mul3A_47, %dma_wait3A_85] : memref<2560x16xf32, #tpu.memory_space<vmem>> -> memref<128x16xf32, #tpu.memory_space<vmem>>
      %dma_wait3A_87 = arith.constant 0 : i32
      %dma_wait3A_88 = tpu.memref_slice %arg7[%add3A_45, %dma_wait3A_87] : memref<20x128xi32, #tpu.memory_space<vmem>> -> memref<1x128xi32, #tpu.memory_space<vmem>>
      %dma_wait3A_89 = tpu.memref_squeeze %dma_wait3A_88 : memref<1x128xi32, #tpu.memory_space<vmem>> -> memref<128xi32, #tpu.memory_space<vmem>>
      %dma_wait3A_90 = arith.constant 0 : i32
      %dma_wait3A_91 = arith.constant 0 : i32
      %dma_wait3A_92 = tpu.memref_slice %arg2[%dma_wait3A_90, %dma_wait3A_91] : memref<10000x16xf32, #tpu.memory_space<hbm>> -> memref<10000x16xf32, #tpu.memory_space<hbm>>
      tpu.wait_indirect_dma semaphore(%arg9 : memref<!tpu.dma_semaphore, #tpu.memory_space<semaphore_mem>>) src(%dma_wait3A_92 : memref<10000x16xf32, #tpu.memory_space<hbm>>) dst(%dma_wait3A_86 : memref<128x16xf32, #tpu.memory_space<vmem>>)
      %dma_wait3A_93 = arith.constant 0 : i32
      %dma_wait3A_94 = tpu.memref_slice %arg8[%mul3A_61, %dma_wait3A_93] : memref<2560x16xf32, #tpu.memory_space<vmem>> -> memref<128x16xf32, #tpu.memory_space<vmem>>
      %dma_wait3A_95 = arith.constant 0 : i32
      %dma_wait3A_96 = tpu.memref_slice %arg7[%add3A_59, %dma_wait3A_95] : memref<20x128xi32, #tpu.memory_space<vmem>> -> memref<1x128xi32, #tpu.memory_space<vmem>>
      %dma_wait3A_97 = tpu.memref_squeeze %dma_wait3A_96 : memref<1x128xi32, #tpu.memory_space<vmem>> -> memref<128xi32, #tpu.memory_space<vmem>>
      %dma_wait3A_98 = arith.constant 0 : i32
      %dma_wait3A_99 = arith.constant 0 : i32
      %dma_wait3A_100 = tpu.memref_slice %arg2[%dma_wait3A_98, %dma_wait3A_99] : memref<10000x16xf32, #tpu.memory_space<hbm>> -> memref<10000x16xf32, #tpu.memory_space<hbm>>
      tpu.wait_indirect_dma semaphore(%arg9 : memref<!tpu.dma_semaphore, #tpu.memory_space<semaphore_mem>>) src(%dma_wait3A_100 : memref<10000x16xf32, #tpu.memory_space<hbm>>) dst(%dma_wait3A_94 : memref<128x16xf32, #tpu.memory_space<vmem>>)
    }
    %scan3A_13 = arith.constant 5 : i32
    "tpu.region"() ({
      %run_scoped3A = tpu.sem_alloc : memref<!tpu.dma_semaphore, #tpu.memory_space<semaphore_mem>>
      %dma_start3A = arith.constant 0 : i32
      %dma_start3A_14 = tpu.memref_slice %arg6[%mul3A_2, %dma_start3A] : memref<81920x16xf32, #tpu.memory_space<hbm>> -> memref<2560x16xf32, #tpu.memory_space<hbm>>
      %dma_start3A_15 = arith.constant 0 : i32
      %dma_start3A_16 = tpu.memref_slice %arg6[%mul3A_2, %dma_start3A_15] : memref<81920x16xf32, #tpu.memory_space<hbm>> -> memref<2560x16xf32, #tpu.memory_space<hbm>>
      tpu.enqueue_dma source(%arg8 : memref<2560x16xf32, #tpu.memory_space<vmem>>) target(%dma_start3A_16 : memref<2560x16xf32, #tpu.memory_space<hbm>>) target_semaphore(%run_scoped3A : memref<!tpu.dma_semaphore, #tpu.memory_space<semaphore_mem>>)
      %dma_wait3A = arith.constant 0 : i32
      %dma_wait3A_17 = tpu.memref_slice %arg6[%mul3A_2, %dma_wait3A] : memref<81920x16xf32, #tpu.memory_space<hbm>> -> memref<2560x16xf32, #tpu.memory_space<hbm>>
      %dma_wait3A_18 = arith.constant 0 : i32
      %dma_wait3A_19 = tpu.memref_slice %arg6[%mul3A_2, %dma_wait3A_18] : memref<81920x16xf32, #tpu.memory_space<hbm>> -> memref<2560x16xf32, #tpu.memory_space<hbm>>
      tpu.wait_dma2 semaphore(%run_scoped3A : memref<!tpu.dma_semaphore, #tpu.memory_space<semaphore_mem>>) src(%arg8 : memref<2560x16xf32, #tpu.memory_space<vmem>>) dst(%dma_wait3A_19 : memref<2560x16xf32, #tpu.memory_space<hbm>>)
      tpu.yield
    }) : () -> ()
    return
  }
}

#map = affine_map<(d0, d1) -> (0, 0)>
#map1 = affine_map<(d0, d1) -> (0, 0, 0)>
module attributes {stable_mosaic.version = 14 : i64} {
  func.func @_gather_body(%arg0: i32, %arg1: i32, %arg2: memref<10000x16xf32, #tpu.memory_space<hbm>>, %arg3: memref<32x20x128xi32, #tpu.memory_space<hbm>>, %arg4: memref<32x20x128xi32, #tpu.memory_space<hbm>>, %arg5: memref<81920x16xf32, #tpu.memory_space<hbm>>, %arg6: memref<81920x16xf32, #tpu.memory_space<hbm>>, %arg7: memref<20x128xi32, #tpu.memory_space<vmem>>, %arg8: memref<2560x16xf32, #tpu.memory_space<vmem>>, %arg9: memref<!tpu.dma_semaphore, #tpu.memory_space<semaphore_mem>>) attributes {dimension_semantics = [#tpu.dimension_semantics<core_parallel>, #tpu.dimension_semantics<subcore_parallel>], iteration_bounds = array<i64: 2, 16>, scalar_prefetch = 0 : i64, scratch_operands = 3 : i64, tpu.core_type = #tpu.core_type<sc_vector_subcore>, window_params = [{transform_indices = #map}, {transform_indices = #map1}, {transform_indices = #map1}, {transform_indices = #map}, {transform_indices = #map}]} {
    %mul3A = arith.constant 2 : i32
    %mul3A_0 = arith.muli %arg1, %mul3A : i32
    %add3A = arith.addi %mul3A_0, %arg0 : i32
    %mul3A_1 = arith.constant 2560 : i32
    %mul3A_2 = arith.muli %add3A, %mul3A_1 : i32
    "tpu.region"() ({
      %run_scoped3A = tpu.sem_alloc : memref<!tpu.dma_semaphore, #tpu.memory_space<semaphore_mem>>
      %dma_start3A = arith.constant 0 : i32
      %dma_start3A_14 = arith.constant 0 : i32
      %dma_start3A_15 = tpu.memref_slice %arg3[%add3A, %dma_start3A, %dma_start3A_14] : memref<32x20x128xi32, #tpu.memory_space<hbm>> -> memref<1x20x128xi32, #tpu.memory_space<hbm>>
      %dma_start3A_16 = tpu.memref_squeeze %dma_start3A_15 : memref<1x20x128xi32, #tpu.memory_space<hbm>> -> memref<20x128xi32, #tpu.memory_space<hbm>>
      %dma_start3A_17 = arith.constant 0 : i32
      %dma_start3A_18 = arith.constant 0 : i32
      %dma_start3A_19 = tpu.memref_slice %arg3[%add3A, %dma_start3A_17, %dma_start3A_18] : memref<32x20x128xi32, #tpu.memory_space<hbm>> -> memref<1x20x128xi32, #tpu.memory_space<hbm>>
      %dma_start3A_20 = tpu.memref_squeeze %dma_start3A_19 : memref<1x20x128xi32, #tpu.memory_space<hbm>> -> memref<20x128xi32, #tpu.memory_space<hbm>>
      tpu.enqueue_dma source(%dma_start3A_20 : memref<20x128xi32, #tpu.memory_space<hbm>>) target(%arg7 : memref<20x128xi32, #tpu.memory_space<vmem>>) target_semaphore(%run_scoped3A : memref<!tpu.dma_semaphore, #tpu.memory_space<semaphore_mem>>)
      %dma_wait3A = arith.constant 0 : i32
      %dma_wait3A_21 = arith.constant 0 : i32
      %dma_wait3A_22 = tpu.memref_slice %arg3[%add3A, %dma_wait3A, %dma_wait3A_21] : memref<32x20x128xi32, #tpu.memory_space<hbm>> -> memref<1x20x128xi32, #tpu.memory_space<hbm>>
      %dma_wait3A_23 = tpu.memref_squeeze %dma_wait3A_22 : memref<1x20x128xi32, #tpu.memory_space<hbm>> -> memref<20x128xi32, #tpu.memory_space<hbm>>
      %dma_wait3A_24 = arith.constant 0 : i32
      %dma_wait3A_25 = arith.constant 0 : i32
      %dma_wait3A_26 = tpu.memref_slice %arg3[%add3A, %dma_wait3A_24, %dma_wait3A_25] : memref<32x20x128xi32, #tpu.memory_space<hbm>> -> memref<1x20x128xi32, #tpu.memory_space<hbm>>
      %dma_wait3A_27 = tpu.memref_squeeze %dma_wait3A_26 : memref<1x20x128xi32, #tpu.memory_space<hbm>> -> memref<20x128xi32, #tpu.memory_space<hbm>>
      tpu.wait_dma2 semaphore(%run_scoped3A : memref<!tpu.dma_semaphore, #tpu.memory_space<semaphore_mem>>) src(%dma_wait3A_27 : memref<20x128xi32, #tpu.memory_space<hbm>>) dst(%arg7 : memref<20x128xi32, #tpu.memory_space<vmem>>)
      tpu.yield
    }) : () -> ()
    %scan3A = arith.constant 0 : i32
    %scan3A_3 = arith.constant 0 : i32
    %scan3A_4 = arith.constant 5 : i32
    %scan3A_5 = arith.addi %scan3A_3, %scan3A_4 : i32
    %scan3A_6 = arith.constant 1 : i32
    scf.for %scan3A_14 = %scan3A_3 to %scan3A_5 step %scan3A_6  : i32 {
      %mul3A_15 = arith.constant 4 : i32
      %mul3A_16 = arith.muli %scan3A_14, %mul3A_15 : i32
      %add3A_17 = arith.constant 0 : i32
      %add3A_18 = arith.addi %mul3A_16, %add3A_17 : i32
      %mul3A_19 = arith.constant 128 : i32
      %mul3A_20 = arith.muli %add3A_18, %mul3A_19 : i32
      %dma_start3A = arith.constant 0 : i32
      %dma_start3A_21 = tpu.memref_slice %arg8[%mul3A_20, %dma_start3A] : memref<2560x16xf32, #tpu.memory_space<vmem>> -> memref<128x16xf32, #tpu.memory_space<vmem>>
      %dma_start3A_22 = arith.constant 0 : i32
      %dma_start3A_23 = tpu.memref_slice %arg7[%add3A_18, %dma_start3A_22] : memref<20x128xi32, #tpu.memory_space<vmem>> -> memref<1x128xi32, #tpu.memory_space<vmem>>
      %dma_start3A_24 = tpu.memref_squeeze %dma_start3A_23 : memref<1x128xi32, #tpu.memory_space<vmem>> -> memref<128xi32, #tpu.memory_space<vmem>>
      %dma_start3A_25 = arith.constant 0 : i32
      %dma_start3A_26 = arith.constant 0 : i32
      %dma_start3A_27 = tpu.memref_slice %arg2[%dma_start3A_25, %dma_start3A_26] : memref<10000x16xf32, #tpu.memory_space<hbm>> -> memref<10000x16xf32, #tpu.memory_space<hbm>>
      tpu.enqueue_indirect_dma source(%dma_start3A_27 : memref<10000x16xf32, #tpu.memory_space<hbm>>) target(%dma_start3A_21 : memref<128x16xf32, #tpu.memory_space<vmem>>) offsets(%dma_start3A_24 : memref<128xi32, #tpu.memory_space<vmem>>) semaphore(%arg9 : memref<!tpu.dma_semaphore, #tpu.memory_space<semaphore_mem>>)
      %mul3A_28 = arith.constant 4 : i32
      %mul3A_29 = arith.muli %scan3A_14, %mul3A_28 : i32
      %add3A_30 = arith.constant 1 : i32
      %add3A_31 = arith.addi %mul3A_29, %add3A_30 : i32
      %mul3A_32 = arith.constant 128 : i32
      %mul3A_33 = arith.muli %add3A_31, %mul3A_32 : i32
      %dma_start3A_34 = arith.constant 0 : i32
      %dma_start3A_35 = tpu.memref_slice %arg8[%mul3A_33, %dma_start3A_34] : memref<2560x16xf32, #tpu.memory_space<vmem>> -> memref<128x16xf32, #tpu.memory_space<vmem>>
      %dma_start3A_36 = arith.constant 0 : i32
      %dma_start3A_37 = tpu.memref_slice %arg7[%add3A_31, %dma_start3A_36] : memref<20x128xi32, #tpu.memory_space<vmem>> -> memref<1x128xi32, #tpu.memory_space<vmem>>
      %dma_start3A_38 = tpu.memref_squeeze %dma_start3A_37 : memref<1x128xi32, #tpu.memory_space<vmem>> -> memref<128xi32, #tpu.memory_space<vmem>>
      %dma_start3A_39 = arith.constant 0 : i32
      %dma_start3A_40 = arith.constant 0 : i32
      %dma_start3A_41 = tpu.memref_slice %arg2[%dma_start3A_39, %dma_start3A_40] : memref<10000x16xf32, #tpu.memory_space<hbm>> -> memref<10000x16xf32, #tpu.memory_space<hbm>>
      tpu.enqueue_indirect_dma source(%dma_start3A_41 : memref<10000x16xf32, #tpu.memory_space<hbm>>) target(%dma_start3A_35 : memref<128x16xf32, #tpu.memory_space<vmem>>) offsets(%dma_start3A_38 : memref<128xi32, #tpu.memory_space<vmem>>) semaphore(%arg9 : memref<!tpu.dma_semaphore, #tpu.memory_space<semaphore_mem>>)
      %mul3A_42 = arith.constant 4 : i32
      %mul3A_43 = arith.muli %scan3A_14, %mul3A_42 : i32
      %add3A_44 = arith.constant 2 : i32
      %add3A_45 = arith.addi %mul3A_43, %add3A_44 : i32
      %mul3A_46 = arith.constant 128 : i32
      %mul3A_47 = arith.muli %add3A_45, %mul3A_46 : i32
      %dma_start3A_48 = arith.constant 0 : i32
      %dma_start3A_49 = tpu.memref_slice %arg8[%mul3A_47, %dma_start3A_48] : memref<2560x16xf32, #tpu.memory_space<vmem>> -> memref<128x16xf32, #tpu.memory_space<vmem>>
      %dma_start3A_50 = arith.constant 0 : i32
      %dma_start3A_51 = tpu.memref_slice %arg7[%add3A_45, %dma_start3A_50] : memref<20x128xi32, #tpu.memory_space<vmem>> -> memref<1x128xi32, #tpu.memory_space<vmem>>
      %dma_start3A_52 = tpu.memref_squeeze %dma_start3A_51 : memref<1x128xi32, #tpu.memory_space<vmem>> -> memref<128xi32, #tpu.memory_space<vmem>>
      %dma_start3A_53 = arith.constant 0 : i32
      %dma_start3A_54 = arith.constant 0 : i32
      %dma_start3A_55 = tpu.memref_slice %arg2[%dma_start3A_53, %dma_start3A_54] : memref<10000x16xf32, #tpu.memory_space<hbm>> -> memref<10000x16xf32, #tpu.memory_space<hbm>>
      tpu.enqueue_indirect_dma source(%dma_start3A_55 : memref<10000x16xf32, #tpu.memory_space<hbm>>) target(%dma_start3A_49 : memref<128x16xf32, #tpu.memory_space<vmem>>) offsets(%dma_start3A_52 : memref<128xi32, #tpu.memory_space<vmem>>) semaphore(%arg9 : memref<!tpu.dma_semaphore, #tpu.memory_space<semaphore_mem>>)
      %mul3A_56 = arith.constant 4 : i32
      %mul3A_57 = arith.muli %scan3A_14, %mul3A_56 : i32
      %add3A_58 = arith.constant 3 : i32
      %add3A_59 = arith.addi %mul3A_57, %add3A_58 : i32
      %mul3A_60 = arith.constant 128 : i32
      %mul3A_61 = arith.muli %add3A_59, %mul3A_60 : i32
      %dma_start3A_62 = arith.constant 0 : i32
      %dma_start3A_63 = tpu.memref_slice %arg8[%mul3A_61, %dma_start3A_62] : memref<2560x16xf32, #tpu.memory_space<vmem>> -> memref<128x16xf32, #tpu.memory_space<vmem>>
      %dma_start3A_64 = arith.constant 0 : i32
      %dma_start3A_65 = tpu.memref_slice %arg7[%add3A_59, %dma_start3A_64] : memref<20x128xi32, #tpu.memory_space<vmem>> -> memref<1x128xi32, #tpu.memory_space<vmem>>
      %dma_start3A_66 = tpu.memref_squeeze %dma_start3A_65 : memref<1x128xi32, #tpu.memory_space<vmem>> -> memref<128xi32, #tpu.memory_space<vmem>>
      %dma_start3A_67 = arith.constant 0 : i32
      %dma_start3A_68 = arith.constant 0 : i32
      %dma_start3A_69 = tpu.memref_slice %arg2[%dma_start3A_67, %dma_start3A_68] : memref<10000x16xf32, #tpu.memory_space<hbm>> -> memref<10000x16xf32, #tpu.memory_space<hbm>>
      tpu.enqueue_indirect_dma source(%dma_start3A_69 : memref<10000x16xf32, #tpu.memory_space<hbm>>) target(%dma_start3A_63 : memref<128x16xf32, #tpu.memory_space<vmem>>) offsets(%dma_start3A_66 : memref<128xi32, #tpu.memory_space<vmem>>) semaphore(%arg9 : memref<!tpu.dma_semaphore, #tpu.memory_space<semaphore_mem>>)
      %dma_wait3A = arith.constant 0 : i32
      %dma_wait3A_70 = tpu.memref_slice %arg8[%mul3A_20, %dma_wait3A] : memref<2560x16xf32, #tpu.memory_space<vmem>> -> memref<128x16xf32, #tpu.memory_space<vmem>>
      %dma_wait3A_71 = arith.constant 0 : i32
      %dma_wait3A_72 = tpu.memref_slice %arg7[%add3A_18, %dma_wait3A_71] : memref<20x128xi32, #tpu.memory_space<vmem>> -> memref<1x128xi32, #tpu.memory_space<vmem>>
      %dma_wait3A_73 = tpu.memref_squeeze %dma_wait3A_72 : memref<1x128xi32, #tpu.memory_space<vmem>> -> memref<128xi32, #tpu.memory_space<vmem>>
      %dma_wait3A_74 = arith.constant 0 : i32
      %dma_wait3A_75 = arith.constant 0 : i32
      %dma_wait3A_76 = tpu.memref_slice %arg2[%dma_wait3A_74, %dma_wait3A_75] : memref<10000x16xf32, #tpu.memory_space<hbm>> -> memref<10000x16xf32, #tpu.memory_space<hbm>>
      tpu.wait_indirect_dma semaphore(%arg9 : memref<!tpu.dma_semaphore, #tpu.memory_space<semaphore_mem>>) src(%dma_wait3A_76 : memref<10000x16xf32, #tpu.memory_space<hbm>>) dst(%dma_wait3A_70 : memref<128x16xf32, #tpu.memory_space<vmem>>)
      %dma_wait3A_77 = arith.constant 0 : i32
      %dma_wait3A_78 = tpu.memref_slice %arg8[%mul3A_33, %dma_wait3A_77] : memref<2560x16xf32, #tpu.memory_space<vmem>> -> memref<128x16xf32, #tpu.memory_space<vmem>>
      %dma_wait3A_79 = arith.constant 0 : i32
      %dma_wait3A_80 = tpu.memref_slice %arg7[%add3A_31, %dma_wait3A_79] : memref<20x128xi32, #tpu.memory_space<vmem>> -> memref<1x128xi32, #tpu.memory_space<vmem>>
      %dma_wait3A_81 = tpu.memref_squeeze %dma_wait3A_80 : memref<1x128xi32, #tpu.memory_space<vmem>> -> memref<128xi32, #tpu.memory_space<vmem>>
      %dma_wait3A_82 = arith.constant 0 : i32
      %dma_wait3A_83 = arith.constant 0 : i32
      %dma_wait3A_84 = tpu.memref_slice %arg2[%dma_wait3A_82, %dma_wait3A_83] : memref<10000x16xf32, #tpu.memory_space<hbm>> -> memref<10000x16xf32, #tpu.memory_space<hbm>>
      tpu.wait_indirect_dma semaphore(%arg9 : memref<!tpu.dma_semaphore, #tpu.memory_space<semaphore_mem>>) src(%dma_wait3A_84 : memref<10000x16xf32, #tpu.memory_space<hbm>>) dst(%dma_wait3A_78 : memref<128x16xf32, #tpu.memory_space<vmem>>)
      %dma_wait3A_85 = arith.constant 0 : i32
      %dma_wait3A_86 = tpu.memref_slice %arg8[%mul3A_47, %dma_wait3A_85] : memref<2560x16xf32, #tpu.memory_space<vmem>> -> memref<128x16xf32, #tpu.memory_space<vmem>>
      %dma_wait3A_87 = arith.constant 0 : i32
      %dma_wait3A_88 = tpu.memref_slice %arg7[%add3A_45, %dma_wait3A_87] : memref<20x128xi32, #tpu.memory_space<vmem>> -> memref<1x128xi32, #tpu.memory_space<vmem>>
      %dma_wait3A_89 = tpu.memref_squeeze %dma_wait3A_88 : memref<1x128xi32, #tpu.memory_space<vmem>> -> memref<128xi32, #tpu.memory_space<vmem>>
      %dma_wait3A_90 = arith.constant 0 : i32
      %dma_wait3A_91 = arith.constant 0 : i32
      %dma_wait3A_92 = tpu.memref_slice %arg2[%dma_wait3A_90, %dma_wait3A_91] : memref<10000x16xf32, #tpu.memory_space<hbm>> -> memref<10000x16xf32, #tpu.memory_space<hbm>>
      tpu.wait_indirect_dma semaphore(%arg9 : memref<!tpu.dma_semaphore, #tpu.memory_space<semaphore_mem>>) src(%dma_wait3A_92 : memref<10000x16xf32, #tpu.memory_space<hbm>>) dst(%dma_wait3A_86 : memref<128x16xf32, #tpu.memory_space<vmem>>)
      %dma_wait3A_93 = arith.constant 0 : i32
      %dma_wait3A_94 = tpu.memref_slice %arg8[%mul3A_61, %dma_wait3A_93] : memref<2560x16xf32, #tpu.memory_space<vmem>> -> memref<128x16xf32, #tpu.memory_space<vmem>>
      %dma_wait3A_95 = arith.constant 0 : i32
      %dma_wait3A_96 = tpu.memref_slice %arg7[%add3A_59, %dma_wait3A_95] : memref<20x128xi32, #tpu.memory_space<vmem>> -> memref<1x128xi32, #tpu.memory_space<vmem>>
      %dma_wait3A_97 = tpu.memref_squeeze %dma_wait3A_96 : memref<1x128xi32, #tpu.memory_space<vmem>> -> memref<128xi32, #tpu.memory_space<vmem>>
      %dma_wait3A_98 = arith.constant 0 : i32
      %dma_wait3A_99 = arith.constant 0 : i32
      %dma_wait3A_100 = tpu.memref_slice %arg2[%dma_wait3A_98, %dma_wait3A_99] : memref<10000x16xf32, #tpu.memory_space<hbm>> -> memref<10000x16xf32, #tpu.memory_space<hbm>>
      tpu.wait_indirect_dma semaphore(%arg9 : memref<!tpu.dma_semaphore, #tpu.memory_space<semaphore_mem>>) src(%dma_wait3A_100 : memref<10000x16xf32, #tpu.memory_space<hbm>>) dst(%dma_wait3A_94 : memref<128x16xf32, #tpu.memory_space<vmem>>)
    }
    %scan3A_7 = arith.constant 5 : i32
    "tpu.region"() ({
      %run_scoped3A = tpu.sem_alloc : memref<!tpu.dma_semaphore, #tpu.memory_space<semaphore_mem>>
      %dma_start3A = arith.constant 0 : i32
      %dma_start3A_14 = tpu.memref_slice %arg5[%mul3A_2, %dma_start3A] : memref<81920x16xf32, #tpu.memory_space<hbm>> -> memref<2560x16xf32, #tpu.memory_space<hbm>>
      %dma_start3A_15 = arith.constant 0 : i32
      %dma_start3A_16 = tpu.memref_slice %arg5[%mul3A_2, %dma_start3A_15] : memref<81920x16xf32, #tpu.memory_space<hbm>> -> memref<2560x16xf32, #tpu.memory_space<hbm>>
      tpu.enqueue_dma source(%arg8 : memref<2560x16xf32, #tpu.memory_space<vmem>>) target(%dma_start3A_16 : memref<2560x16xf32, #tpu.memory_space<hbm>>) target_semaphore(%run_scoped3A : memref<!tpu.dma_semaphore, #tpu.memory_space<semaphore_mem>>)
      %dma_wait3A = arith.constant 0 : i32
      %dma_wait3A_17 = tpu.memref_slice %arg5[%mul3A_2, %dma_wait3A] : memref<81920x16xf32, #tpu.memory_space<hbm>> -> memref<2560x16xf32, #tpu.memory_space<hbm>>
      %dma_wait3A_18 = arith.constant 0 : i32
      %dma_wait3A_19 = tpu.memref_slice %arg5[%mul3A_2, %dma_wait3A_18] : memref<81920x16xf32, #tpu.memory_space<hbm>> -> memref<2560x16xf32, #tpu.memory_space<hbm>>
      tpu.wait_dma2 semaphore(%run_scoped3A : memref<!tpu.dma_semaphore, #tpu.memory_space<semaphore_mem>>) src(%arg8 : memref<2560x16xf32, #tpu.memory_space<vmem>>) dst(%dma_wait3A_19 : memref<2560x16xf32, #tpu.memory_space<hbm>>)
      tpu.yield
    }) : () -> ()
    "tpu.region"() ({
      %run_scoped3A = tpu.sem_alloc : memref<!tpu.dma_semaphore, #tpu.memory_space<semaphore_mem>>
      %dma_start3A = arith.constant 0 : i32
      %dma_start3A_14 = arith.constant 0 : i32
      %dma_start3A_15 = tpu.memref_slice %arg4[%add3A, %dma_start3A, %dma_start3A_14] : memref<32x20x128xi32, #tpu.memory_space<hbm>> -> memref<1x20x128xi32, #tpu.memory_space<hbm>>
      %dma_start3A_16 = tpu.memref_squeeze %dma_start3A_15 : memref<1x20x128xi32, #tpu.memory_space<hbm>> -> memref<20x128xi32, #tpu.memory_space<hbm>>
      %dma_start3A_17 = arith.constant 0 : i32
      %dma_start3A_18 = arith.constant 0 : i32
      %dma_start3A_19 = tpu.memref_slice %arg4[%add3A, %dma_start3A_17, %dma_start3A_18] : memref<32x20x128xi32, #tpu.memory_space<hbm>> -> memref<1x20x128xi32, #tpu.memory_space<hbm>>
      %dma_start3A_20 = tpu.memref_squeeze %dma_start3A_19 : memref<1x20x128xi32, #tpu.memory_space<hbm>> -> memref<20x128xi32, #tpu.memory_space<hbm>>
      tpu.enqueue_dma source(%dma_start3A_20 : memref<20x128xi32, #tpu.memory_space<hbm>>) target(%arg7 : memref<20x128xi32, #tpu.memory_space<vmem>>) target_semaphore(%run_scoped3A : memref<!tpu.dma_semaphore, #tpu.memory_space<semaphore_mem>>)
      %dma_wait3A = arith.constant 0 : i32
      %dma_wait3A_21 = arith.constant 0 : i32
      %dma_wait3A_22 = tpu.memref_slice %arg4[%add3A, %dma_wait3A, %dma_wait3A_21] : memref<32x20x128xi32, #tpu.memory_space<hbm>> -> memref<1x20x128xi32, #tpu.memory_space<hbm>>
      %dma_wait3A_23 = tpu.memref_squeeze %dma_wait3A_22 : memref<1x20x128xi32, #tpu.memory_space<hbm>> -> memref<20x128xi32, #tpu.memory_space<hbm>>
      %dma_wait3A_24 = arith.constant 0 : i32
      %dma_wait3A_25 = arith.constant 0 : i32
      %dma_wait3A_26 = tpu.memref_slice %arg4[%add3A, %dma_wait3A_24, %dma_wait3A_25] : memref<32x20x128xi32, #tpu.memory_space<hbm>> -> memref<1x20x128xi32, #tpu.memory_space<hbm>>
      %dma_wait3A_27 = tpu.memref_squeeze %dma_wait3A_26 : memref<1x20x128xi32, #tpu.memory_space<hbm>> -> memref<20x128xi32, #tpu.memory_space<hbm>>
      tpu.wait_dma2 semaphore(%run_scoped3A : memref<!tpu.dma_semaphore, #tpu.memory_space<semaphore_mem>>) src(%dma_wait3A_27 : memref<20x128xi32, #tpu.memory_space<hbm>>) dst(%arg7 : memref<20x128xi32, #tpu.memory_space<vmem>>)
      tpu.yield
    }) : () -> ()
    %scan3A_8 = arith.constant 0 : i32
    %scan3A_9 = arith.constant 0 : i32
    %scan3A_10 = arith.constant 5 : i32
    %scan3A_11 = arith.addi %scan3A_9, %scan3A_10 : i32
    %scan3A_12 = arith.constant 1 : i32
    scf.for %scan3A_14 = %scan3A_9 to %scan3A_11 step %scan3A_12  : i32 {
      %mul3A_15 = arith.constant 4 : i32
      %mul3A_16 = arith.muli %scan3A_14, %mul3A_15 : i32
      %add3A_17 = arith.constant 0 : i32
      %add3A_18 = arith.addi %mul3A_16, %add3A_17 : i32
      %mul3A_19 = arith.constant 128 : i32
      %mul3A_20 = arith.muli %add3A_18, %mul3A_19 : i32
      %dma_start3A = arith.constant 0 : i32
      %dma_start3A_21 = tpu.memref_slice %arg8[%mul3A_20, %dma_start3A] : memref<2560x16xf32, #tpu.memory_space<vmem>> -> memref<128x16xf32, #tpu.memory_space<vmem>>
      %dma_start3A_22 = arith.constant 0 : i32
      %dma_start3A_23 = tpu.memref_slice %arg7[%add3A_18, %dma_start3A_22] : memref<20x128xi32, #tpu.memory_space<vmem>> -> memref<1x128xi32, #tpu.memory_space<vmem>>
      %dma_start3A_24 = tpu.memref_squeeze %dma_start3A_23 : memref<1x128xi32, #tpu.memory_space<vmem>> -> memref<128xi32, #tpu.memory_space<vmem>>
      %dma_start3A_25 = arith.constant 0 : i32
      %dma_start3A_26 = arith.constant 0 : i32
      %dma_start3A_27 = tpu.memref_slice %arg2[%dma_start3A_25, %dma_start3A_26] : memref<10000x16xf32, #tpu.memory_space<hbm>> -> memref<10000x16xf32, #tpu.memory_space<hbm>>
      tpu.enqueue_indirect_dma source(%dma_start3A_27 : memref<10000x16xf32, #tpu.memory_space<hbm>>) target(%dma_start3A_21 : memref<128x16xf32, #tpu.memory_space<vmem>>) offsets(%dma_start3A_24 : memref<128xi32, #tpu.memory_space<vmem>>) semaphore(%arg9 : memref<!tpu.dma_semaphore, #tpu.memory_space<semaphore_mem>>)
      %mul3A_28 = arith.constant 4 : i32
      %mul3A_29 = arith.muli %scan3A_14, %mul3A_28 : i32
      %add3A_30 = arith.constant 1 : i32
      %add3A_31 = arith.addi %mul3A_29, %add3A_30 : i32
      %mul3A_32 = arith.constant 128 : i32
      %mul3A_33 = arith.muli %add3A_31, %mul3A_32 : i32
      %dma_start3A_34 = arith.constant 0 : i32
      %dma_start3A_35 = tpu.memref_slice %arg8[%mul3A_33, %dma_start3A_34] : memref<2560x16xf32, #tpu.memory_space<vmem>> -> memref<128x16xf32, #tpu.memory_space<vmem>>
      %dma_start3A_36 = arith.constant 0 : i32
      %dma_start3A_37 = tpu.memref_slice %arg7[%add3A_31, %dma_start3A_36] : memref<20x128xi32, #tpu.memory_space<vmem>> -> memref<1x128xi32, #tpu.memory_space<vmem>>
      %dma_start3A_38 = tpu.memref_squeeze %dma_start3A_37 : memref<1x128xi32, #tpu.memory_space<vmem>> -> memref<128xi32, #tpu.memory_space<vmem>>
      %dma_start3A_39 = arith.constant 0 : i32
      %dma_start3A_40 = arith.constant 0 : i32
      %dma_start3A_41 = tpu.memref_slice %arg2[%dma_start3A_39, %dma_start3A_40] : memref<10000x16xf32, #tpu.memory_space<hbm>> -> memref<10000x16xf32, #tpu.memory_space<hbm>>
      tpu.enqueue_indirect_dma source(%dma_start3A_41 : memref<10000x16xf32, #tpu.memory_space<hbm>>) target(%dma_start3A_35 : memref<128x16xf32, #tpu.memory_space<vmem>>) offsets(%dma_start3A_38 : memref<128xi32, #tpu.memory_space<vmem>>) semaphore(%arg9 : memref<!tpu.dma_semaphore, #tpu.memory_space<semaphore_mem>>)
      %mul3A_42 = arith.constant 4 : i32
      %mul3A_43 = arith.muli %scan3A_14, %mul3A_42 : i32
      %add3A_44 = arith.constant 2 : i32
      %add3A_45 = arith.addi %mul3A_43, %add3A_44 : i32
      %mul3A_46 = arith.constant 128 : i32
      %mul3A_47 = arith.muli %add3A_45, %mul3A_46 : i32
      %dma_start3A_48 = arith.constant 0 : i32
      %dma_start3A_49 = tpu.memref_slice %arg8[%mul3A_47, %dma_start3A_48] : memref<2560x16xf32, #tpu.memory_space<vmem>> -> memref<128x16xf32, #tpu.memory_space<vmem>>
      %dma_start3A_50 = arith.constant 0 : i32
      %dma_start3A_51 = tpu.memref_slice %arg7[%add3A_45, %dma_start3A_50] : memref<20x128xi32, #tpu.memory_space<vmem>> -> memref<1x128xi32, #tpu.memory_space<vmem>>
      %dma_start3A_52 = tpu.memref_squeeze %dma_start3A_51 : memref<1x128xi32, #tpu.memory_space<vmem>> -> memref<128xi32, #tpu.memory_space<vmem>>
      %dma_start3A_53 = arith.constant 0 : i32
      %dma_start3A_54 = arith.constant 0 : i32
      %dma_start3A_55 = tpu.memref_slice %arg2[%dma_start3A_53, %dma_start3A_54] : memref<10000x16xf32, #tpu.memory_space<hbm>> -> memref<10000x16xf32, #tpu.memory_space<hbm>>
      tpu.enqueue_indirect_dma source(%dma_start3A_55 : memref<10000x16xf32, #tpu.memory_space<hbm>>) target(%dma_start3A_49 : memref<128x16xf32, #tpu.memory_space<vmem>>) offsets(%dma_start3A_52 : memref<128xi32, #tpu.memory_space<vmem>>) semaphore(%arg9 : memref<!tpu.dma_semaphore, #tpu.memory_space<semaphore_mem>>)
      %mul3A_56 = arith.constant 4 : i32
      %mul3A_57 = arith.muli %scan3A_14, %mul3A_56 : i32
      %add3A_58 = arith.constant 3 : i32
      %add3A_59 = arith.addi %mul3A_57, %add3A_58 : i32
      %mul3A_60 = arith.constant 128 : i32
      %mul3A_61 = arith.muli %add3A_59, %mul3A_60 : i32
      %dma_start3A_62 = arith.constant 0 : i32
      %dma_start3A_63 = tpu.memref_slice %arg8[%mul3A_61, %dma_start3A_62] : memref<2560x16xf32, #tpu.memory_space<vmem>> -> memref<128x16xf32, #tpu.memory_space<vmem>>
      %dma_start3A_64 = arith.constant 0 : i32
      %dma_start3A_65 = tpu.memref_slice %arg7[%add3A_59, %dma_start3A_64] : memref<20x128xi32, #tpu.memory_space<vmem>> -> memref<1x128xi32, #tpu.memory_space<vmem>>
      %dma_start3A_66 = tpu.memref_squeeze %dma_start3A_65 : memref<1x128xi32, #tpu.memory_space<vmem>> -> memref<128xi32, #tpu.memory_space<vmem>>
      %dma_start3A_67 = arith.constant 0 : i32
      %dma_start3A_68 = arith.constant 0 : i32
      %dma_start3A_69 = tpu.memref_slice %arg2[%dma_start3A_67, %dma_start3A_68] : memref<10000x16xf32, #tpu.memory_space<hbm>> -> memref<10000x16xf32, #tpu.memory_space<hbm>>
      tpu.enqueue_indirect_dma source(%dma_start3A_69 : memref<10000x16xf32, #tpu.memory_space<hbm>>) target(%dma_start3A_63 : memref<128x16xf32, #tpu.memory_space<vmem>>) offsets(%dma_start3A_66 : memref<128xi32, #tpu.memory_space<vmem>>) semaphore(%arg9 : memref<!tpu.dma_semaphore, #tpu.memory_space<semaphore_mem>>)
      %dma_wait3A = arith.constant 0 : i32
      %dma_wait3A_70 = tpu.memref_slice %arg8[%mul3A_20, %dma_wait3A] : memref<2560x16xf32, #tpu.memory_space<vmem>> -> memref<128x16xf32, #tpu.memory_space<vmem>>
      %dma_wait3A_71 = arith.constant 0 : i32
      %dma_wait3A_72 = tpu.memref_slice %arg7[%add3A_18, %dma_wait3A_71] : memref<20x128xi32, #tpu.memory_space<vmem>> -> memref<1x128xi32, #tpu.memory_space<vmem>>
      %dma_wait3A_73 = tpu.memref_squeeze %dma_wait3A_72 : memref<1x128xi32, #tpu.memory_space<vmem>> -> memref<128xi32, #tpu.memory_space<vmem>>
      %dma_wait3A_74 = arith.constant 0 : i32
      %dma_wait3A_75 = arith.constant 0 : i32
      %dma_wait3A_76 = tpu.memref_slice %arg2[%dma_wait3A_74, %dma_wait3A_75] : memref<10000x16xf32, #tpu.memory_space<hbm>> -> memref<10000x16xf32, #tpu.memory_space<hbm>>
      tpu.wait_indirect_dma semaphore(%arg9 : memref<!tpu.dma_semaphore, #tpu.memory_space<semaphore_mem>>) src(%dma_wait3A_76 : memref<10000x16xf32, #tpu.memory_space<hbm>>) dst(%dma_wait3A_70 : memref<128x16xf32, #tpu.memory_space<vmem>>)
      %dma_wait3A_77 = arith.constant 0 : i32
      %dma_wait3A_78 = tpu.memref_slice %arg8[%mul3A_33, %dma_wait3A_77] : memref<2560x16xf32, #tpu.memory_space<vmem>> -> memref<128x16xf32, #tpu.memory_space<vmem>>
      %dma_wait3A_79 = arith.constant 0 : i32
      %dma_wait3A_80 = tpu.memref_slice %arg7[%add3A_31, %dma_wait3A_79] : memref<20x128xi32, #tpu.memory_space<vmem>> -> memref<1x128xi32, #tpu.memory_space<vmem>>
      %dma_wait3A_81 = tpu.memref_squeeze %dma_wait3A_80 : memref<1x128xi32, #tpu.memory_space<vmem>> -> memref<128xi32, #tpu.memory_space<vmem>>
      %dma_wait3A_82 = arith.constant 0 : i32
      %dma_wait3A_83 = arith.constant 0 : i32
      %dma_wait3A_84 = tpu.memref_slice %arg2[%dma_wait3A_82, %dma_wait3A_83] : memref<10000x16xf32, #tpu.memory_space<hbm>> -> memref<10000x16xf32, #tpu.memory_space<hbm>>
      tpu.wait_indirect_dma semaphore(%arg9 : memref<!tpu.dma_semaphore, #tpu.memory_space<semaphore_mem>>) src(%dma_wait3A_84 : memref<10000x16xf32, #tpu.memory_space<hbm>>) dst(%dma_wait3A_78 : memref<128x16xf32, #tpu.memory_space<vmem>>)
      %dma_wait3A_85 = arith.constant 0 : i32
      %dma_wait3A_86 = tpu.memref_slice %arg8[%mul3A_47, %dma_wait3A_85] : memref<2560x16xf32, #tpu.memory_space<vmem>> -> memref<128x16xf32, #tpu.memory_space<vmem>>
      %dma_wait3A_87 = arith.constant 0 : i32
      %dma_wait3A_88 = tpu.memref_slice %arg7[%add3A_45, %dma_wait3A_87] : memref<20x128xi32, #tpu.memory_space<vmem>> -> memref<1x128xi32, #tpu.memory_space<vmem>>
      %dma_wait3A_89 = tpu.memref_squeeze %dma_wait3A_88 : memref<1x128xi32, #tpu.memory_space<vmem>> -> memref<128xi32, #tpu.memory_space<vmem>>
      %dma_wait3A_90 = arith.constant 0 : i32
      %dma_wait3A_91 = arith.constant 0 : i32
      %dma_wait3A_92 = tpu.memref_slice %arg2[%dma_wait3A_90, %dma_wait3A_91] : memref<10000x16xf32, #tpu.memory_space<hbm>> -> memref<10000x16xf32, #tpu.memory_space<hbm>>
      tpu.wait_indirect_dma semaphore(%arg9 : memref<!tpu.dma_semaphore, #tpu.memory_space<semaphore_mem>>) src(%dma_wait3A_92 : memref<10000x16xf32, #tpu.memory_space<hbm>>) dst(%dma_wait3A_86 : memref<128x16xf32, #tpu.memory_space<vmem>>)
      %dma_wait3A_93 = arith.constant 0 : i32
      %dma_wait3A_94 = tpu.memref_slice %arg8[%mul3A_61, %dma_wait3A_93] : memref<2560x16xf32, #tpu.memory_space<vmem>> -> memref<128x16xf32, #tpu.memory_space<vmem>>
      %dma_wait3A_95 = arith.constant 0 : i32
      %dma_wait3A_96 = tpu.memref_slice %arg7[%add3A_59, %dma_wait3A_95] : memref<20x128xi32, #tpu.memory_space<vmem>> -> memref<1x128xi32, #tpu.memory_space<vmem>>
      %dma_wait3A_97 = tpu.memref_squeeze %dma_wait3A_96 : memref<1x128xi32, #tpu.memory_space<vmem>> -> memref<128xi32, #tpu.memory_space<vmem>>
      %dma_wait3A_98 = arith.constant 0 : i32
      %dma_wait3A_99 = arith.constant 0 : i32
      %dma_wait3A_100 = tpu.memref_slice %arg2[%dma_wait3A_98, %dma_wait3A_99] : memref<10000x16xf32, #tpu.memory_space<hbm>> -> memref<10000x16xf32, #tpu.memory_space<hbm>>
      tpu.wait_indirect_dma semaphore(%arg9 : memref<!tpu.dma_semaphore, #tpu.memory_space<semaphore_mem>>) src(%dma_wait3A_100 : memref<10000x16xf32, #tpu.memory_space<hbm>>) dst(%dma_wait3A_94 : memref<128x16xf32, #tpu.memory_space<vmem>>)
    }
    %scan3A_13 = arith.constant 5 : i32
    "tpu.region"() ({
      %run_scoped3A = tpu.sem_alloc : memref<!tpu.dma_semaphore, #tpu.memory_space<semaphore_mem>>
      %dma_start3A = arith.constant 0 : i32
      %dma_start3A_14 = tpu.memref_slice %arg6[%mul3A_2, %dma_start3A] : memref<81920x16xf32, #tpu.memory_space<hbm>> -> memref<2560x16xf32, #tpu.memory_space<hbm>>
      %dma_start3A_15 = arith.constant 0 : i32
      %dma_start3A_16 = tpu.memref_slice %arg6[%mul3A_2, %dma_start3A_15] : memref<81920x16xf32, #tpu.memory_space<hbm>> -> memref<2560x16xf32, #tpu.memory_space<hbm>>
      tpu.enqueue_dma source(%arg8 : memref<2560x16xf32, #tpu.memory_space<vmem>>) target(%dma_start3A_16 : memref<2560x16xf32, #tpu.memory_space<hbm>>) target_semaphore(%run_scoped3A : memref<!tpu.dma_semaphore, #tpu.memory_space<semaphore_mem>>)
      %dma_wait3A = arith.constant 0 : i32
      %dma_wait3A_17 = tpu.memref_slice %arg6[%mul3A_2, %dma_wait3A] : memref<81920x16xf32, #tpu.memory_space<hbm>> -> memref<2560x16xf32, #tpu.memory_space<hbm>>
      %dma_wait3A_18 = arith.constant 0 : i32
      %dma_wait3A_19 = tpu.memref_slice %arg6[%mul3A_2, %dma_wait3A_18] : memref<81920x16xf32, #tpu.memory_space<hbm>> -> memref<2560x16xf32, #tpu.memory_space<hbm>>
      tpu.wait_dma2 semaphore(%run_scoped3A : memref<!tpu.dma_semaphore, #tpu.memory_space<semaphore_mem>>) src(%arg8 : memref<2560x16xf32, #tpu.memory_space<vmem>>) dst(%dma_wait3A_19 : memref<2560x16xf32, #tpu.memory_space<hbm>>)
      tpu.yield
    }) : () -> ()
    return
  }
}

#map = affine_map<(d0, d1) -> (0, 0, 0)>
#map1 = affine_map<(d0, d1) -> (0, 0)>
module attributes {stable_mosaic.version = 14 : i64} {
  func.func @_scatter_body(%arg0: i32, %arg1: i32, %arg2: memref<32x20x128xi32, #tpu.memory_space<hbm>>, %arg3: memref<81920x32xf32, #tpu.memory_space<hbm>>, %arg4: memref<2x10240x32xf32, #tpu.memory_space<hbm>>, %arg5: memref<2x10240x32xf32, #tpu.memory_space<hbm>>, %arg6: memref<10240x32xf32, #tpu.memory_space<vmem_shared>>, %arg7: memref<20x128xi32, #tpu.memory_space<vmem>>, %arg8: memref<2560x32xf32, #tpu.memory_space<vmem>>, %arg9: memref<!tpu.dma_semaphore, #tpu.memory_space<semaphore_mem>>) attributes {dimension_semantics = [#tpu.dimension_semantics<core_parallel>, #tpu.dimension_semantics<subcore_parallel>], iteration_bounds = array<i64: 2, 16>, scalar_prefetch = 0 : i64, scratch_operands = 4 : i64, tpu.core_type = #tpu.core_type<sc_vector_subcore>, window_params = [{transform_indices = #map}, {transform_indices = #map1}, {transform_indices = #map}, {transform_indices = #map}]} {
    %mul3A = arith.constant 2 : i32
    %mul3A_0 = arith.muli %arg1, %mul3A : i32
    %add3A = arith.addi %mul3A_0, %arg0 : i32
    %mul3A_1 = arith.constant 640 : i32
    %mul3A_2 = arith.muli %arg1, %mul3A_1 : i32
    %mul3A_3 = arith.constant 640 : i32
    %mul3A_4 = arith.muli %arg1, %mul3A_3 : i32
    "tpu.region"() ({
      %run_scoped3A_31 = tpu.sem_alloc : memref<!tpu.dma_semaphore, #tpu.memory_space<semaphore_mem>>
      %dma_start3A = arith.constant 0 : i32
      %dma_start3A_32 = tpu.memref_slice %arg6[%mul3A_4, %dma_start3A] : memref<10240x32xf32, #tpu.memory_space<vmem_shared>> -> memref<640x32xf32, #tpu.memory_space<vmem_shared>>
      %dma_start3A_33 = arith.constant 0 : i32
      %dma_start3A_34 = tpu.memref_slice %arg4[%arg0, %mul3A_2, %dma_start3A_33] : memref<2x10240x32xf32, #tpu.memory_space<hbm>> -> memref<1x640x32xf32, #tpu.memory_space<hbm>>
      %dma_start3A_35 = tpu.memref_squeeze %dma_start3A_34 : memref<1x640x32xf32, #tpu.memory_space<hbm>> -> memref<640x32xf32, #tpu.memory_space<hbm>>
      tpu.enqueue_dma source(%dma_start3A_35 : memref<640x32xf32, #tpu.memory_space<hbm>>) target(%dma_start3A_32 : memref<640x32xf32, #tpu.memory_space<vmem_shared>>) target_semaphore(%run_scoped3A_31 : memref<!tpu.dma_semaphore, #tpu.memory_space<semaphore_mem>>)
      %dma_wait3A = arith.constant 0 : i32
      %dma_wait3A_36 = tpu.memref_slice %arg6[%mul3A_4, %dma_wait3A] : memref<10240x32xf32, #tpu.memory_space<vmem_shared>> -> memref<640x32xf32, #tpu.memory_space<vmem_shared>>
      %dma_wait3A_37 = arith.constant 0 : i32
      %dma_wait3A_38 = tpu.memref_slice %arg4[%arg0, %mul3A_2, %dma_wait3A_37] : memref<2x10240x32xf32, #tpu.memory_space<hbm>> -> memref<1x640x32xf32, #tpu.memory_space<hbm>>
      %dma_wait3A_39 = tpu.memref_squeeze %dma_wait3A_38 : memref<1x640x32xf32, #tpu.memory_space<hbm>> -> memref<640x32xf32, #tpu.memory_space<hbm>>
      tpu.wait_dma2 semaphore(%run_scoped3A_31 : memref<!tpu.dma_semaphore, #tpu.memory_space<semaphore_mem>>) src(%dma_wait3A_39 : memref<640x32xf32, #tpu.memory_space<hbm>>) dst(%dma_wait3A_36 : memref<640x32xf32, #tpu.memory_space<vmem_shared>>)
      tpu.yield
    }) : () -> ()
    %barrier3A = arith.constant 0 : index
    tpu.barrier barrier_id(%barrier3A)
    "tpu.region"() ({
      %run_scoped3A_31 = tpu.sem_alloc : memref<!tpu.dma_semaphore, #tpu.memory_space<semaphore_mem>>
      %dma_start3A = arith.constant 0 : i32
      %dma_start3A_32 = arith.constant 0 : i32
      %dma_start3A_33 = tpu.memref_slice %arg2[%add3A, %dma_start3A, %dma_start3A_32] : memref<32x20x128xi32, #tpu.memory_space<hbm>> -> memref<1x20x128xi32, #tpu.memory_space<hbm>>
      %dma_start3A_34 = tpu.memref_squeeze %dma_start3A_33 : memref<1x20x128xi32, #tpu.memory_space<hbm>> -> memref<20x128xi32, #tpu.memory_space<hbm>>
      %dma_start3A_35 = arith.constant 0 : i32
      %dma_start3A_36 = arith.constant 0 : i32
      %dma_start3A_37 = tpu.memref_slice %arg2[%add3A, %dma_start3A_35, %dma_start3A_36] : memref<32x20x128xi32, #tpu.memory_space<hbm>> -> memref<1x20x128xi32, #tpu.memory_space<hbm>>
      %dma_start3A_38 = tpu.memref_squeeze %dma_start3A_37 : memref<1x20x128xi32, #tpu.memory_space<hbm>> -> memref<20x128xi32, #tpu.memory_space<hbm>>
      tpu.enqueue_dma source(%dma_start3A_38 : memref<20x128xi32, #tpu.memory_space<hbm>>) target(%arg7 : memref<20x128xi32, #tpu.memory_space<vmem>>) target_semaphore(%run_scoped3A_31 : memref<!tpu.dma_semaphore, #tpu.memory_space<semaphore_mem>>)
      %dma_wait3A = arith.constant 0 : i32
      %dma_wait3A_39 = arith.constant 0 : i32
      %dma_wait3A_40 = tpu.memref_slice %arg2[%add3A, %dma_wait3A, %dma_wait3A_39] : memref<32x20x128xi32, #tpu.memory_space<hbm>> -> memref<1x20x128xi32, #tpu.memory_space<hbm>>
      %dma_wait3A_41 = tpu.memref_squeeze %dma_wait3A_40 : memref<1x20x128xi32, #tpu.memory_space<hbm>> -> memref<20x128xi32, #tpu.memory_space<hbm>>
      %dma_wait3A_42 = arith.constant 0 : i32
      %dma_wait3A_43 = arith.constant 0 : i32
      %dma_wait3A_44 = tpu.memref_slice %arg2[%add3A, %dma_wait3A_42, %dma_wait3A_43] : memref<32x20x128xi32, #tpu.memory_space<hbm>> -> memref<1x20x128xi32, #tpu.memory_space<hbm>>
      %dma_wait3A_45 = tpu.memref_squeeze %dma_wait3A_44 : memref<1x20x128xi32, #tpu.memory_space<hbm>> -> memref<20x128xi32, #tpu.memory_space<hbm>>
      tpu.wait_dma2 semaphore(%run_scoped3A_31 : memref<!tpu.dma_semaphore, #tpu.memory_space<semaphore_mem>>) src(%dma_wait3A_45 : memref<20x128xi32, #tpu.memory_space<hbm>>) dst(%arg7 : memref<20x128xi32, #tpu.memory_space<vmem>>)
      tpu.yield
    }) : () -> ()
    %mul3A_5 = arith.constant 2560 : i32
    %mul3A_6 = arith.muli %add3A, %mul3A_5 : i32
    "tpu.region"() ({
      %run_scoped3A_31 = tpu.sem_alloc : memref<!tpu.dma_semaphore, #tpu.memory_space<semaphore_mem>>
      %dma_start3A = arith.constant 0 : i32
      %dma_start3A_32 = tpu.memref_slice %arg3[%mul3A_6, %dma_start3A] : memref<81920x32xf32, #tpu.memory_space<hbm>> -> memref<2560x32xf32, #tpu.memory_space<hbm>>
      %dma_start3A_33 = arith.constant 0 : i32
      %dma_start3A_34 = tpu.memref_slice %arg3[%mul3A_6, %dma_start3A_33] : memref<81920x32xf32, #tpu.memory_space<hbm>> -> memref<2560x32xf32, #tpu.memory_space<hbm>>
      tpu.enqueue_dma source(%dma_start3A_34 : memref<2560x32xf32, #tpu.memory_space<hbm>>) target(%arg8 : memref<2560x32xf32, #tpu.memory_space<vmem>>) target_semaphore(%run_scoped3A_31 : memref<!tpu.dma_semaphore, #tpu.memory_space<semaphore_mem>>)
      %dma_wait3A = arith.constant 0 : i32
      %dma_wait3A_35 = tpu.memref_slice %arg3[%mul3A_6, %dma_wait3A] : memref<81920x32xf32, #tpu.memory_space<hbm>> -> memref<2560x32xf32, #tpu.memory_space<hbm>>
      %dma_wait3A_36 = arith.constant 0 : i32
      %dma_wait3A_37 = tpu.memref_slice %arg3[%mul3A_6, %dma_wait3A_36] : memref<81920x32xf32, #tpu.memory_space<hbm>> -> memref<2560x32xf32, #tpu.memory_space<hbm>>
      tpu.wait_dma2 semaphore(%run_scoped3A_31 : memref<!tpu.dma_semaphore, #tpu.memory_space<semaphore_mem>>) src(%dma_wait3A_37 : memref<2560x32xf32, #tpu.memory_space<hbm>>) dst(%arg8 : memref<2560x32xf32, #tpu.memory_space<vmem>>)
      tpu.yield
    }) : () -> ()
    %run_scoped3A = arith.constant 0 : i32
    "tpu.region"() ({
      %run_scoped3A_31 = tpu.sem_alloc : memref<!tpu.dma_semaphore, #tpu.memory_space<semaphore_mem>>
      %dma_start3A = arith.constant 0 : i32
      %dma_start3A_32 = arith.constant 0 : i32
      %dma_start3A_33 = tpu.memref_slice %arg8[%dma_start3A, %dma_start3A_32] : memref<2560x32xf32, #tpu.memory_space<vmem>> -> memref<128x32xf32, #tpu.memory_space<vmem>>
      %dma_start3A_34 = arith.constant 0 : i32
      %dma_start3A_35 = tpu.memref_slice %arg7[%run_scoped3A, %dma_start3A_34] : memref<20x128xi32, #tpu.memory_space<vmem>> -> memref<1x128xi32, #tpu.memory_space<vmem>>
      %dma_start3A_36 = tpu.memref_squeeze %dma_start3A_35 : memref<1x128xi32, #tpu.memory_space<vmem>> -> memref<128xi32, #tpu.memory_space<vmem>>
      %dma_start3A_37 = arith.constant 0 : i32
      %dma_start3A_38 = arith.constant 0 : i32
      %dma_start3A_39 = tpu.memref_slice %arg6[%dma_start3A_37, %dma_start3A_38] : memref<10240x32xf32, #tpu.memory_space<vmem_shared>> -> memref<10240x32xf32, #tpu.memory_space<vmem_shared>>
      tpu.enqueue_indirect_dma source(%dma_start3A_33 : memref<128x32xf32, #tpu.memory_space<vmem>>) target(%dma_start3A_39 : memref<10240x32xf32, #tpu.memory_space<vmem_shared>>) offsets(%dma_start3A_36 : memref<128xi32, #tpu.memory_space<vmem>>) semaphore(%run_scoped3A_31 : memref<!tpu.dma_semaphore, #tpu.memory_space<semaphore_mem>>) {add = true}
      %dma_wait3A = arith.constant 0 : i32
      %dma_wait3A_40 = arith.constant 0 : i32
      %dma_wait3A_41 = tpu.memref_slice %arg8[%dma_wait3A, %dma_wait3A_40] : memref<2560x32xf32, #tpu.memory_space<vmem>> -> memref<128x32xf32, #tpu.memory_space<vmem>>
      %dma_wait3A_42 = arith.constant 0 : i32
      %dma_wait3A_43 = tpu.memref_slice %arg7[%run_scoped3A, %dma_wait3A_42] : memref<20x128xi32, #tpu.memory_space<vmem>> -> memref<1x128xi32, #tpu.memory_space<vmem>>
      %dma_wait3A_44 = tpu.memref_squeeze %dma_wait3A_43 : memref<1x128xi32, #tpu.memory_space<vmem>> -> memref<128xi32, #tpu.memory_space<vmem>>
      %dma_wait3A_45 = arith.constant 0 : i32
      %dma_wait3A_46 = arith.constant 0 : i32
      %dma_wait3A_47 = tpu.memref_slice %arg6[%dma_wait3A_45, %dma_wait3A_46] : memref<10240x32xf32, #tpu.memory_space<vmem_shared>> -> memref<10240x32xf32, #tpu.memory_space<vmem_shared>>
      tpu.wait_indirect_dma semaphore(%run_scoped3A_31 : memref<!tpu.dma_semaphore, #tpu.memory_space<semaphore_mem>>) src(%dma_wait3A_41 : memref<128x32xf32, #tpu.memory_space<vmem>>) dst(%dma_wait3A_47 : memref<10240x32xf32, #tpu.memory_space<vmem_shared>>)
      tpu.yield
    }) : () -> ()
    %run_scoped3A_7 = arith.constant 1 : i32
    "tpu.region"() ({
      %run_scoped3A_31 = tpu.sem_alloc : memref<!tpu.dma_semaphore, #tpu.memory_space<semaphore_mem>>
      %dma_start3A = arith.constant 128 : i32
      %dma_start3A_32 = arith.constant 0 : i32
      %dma_start3A_33 = tpu.memref_slice %arg8[%dma_start3A, %dma_start3A_32] : memref<2560x32xf32, #tpu.memory_space<vmem>> -> memref<128x32xf32, #tpu.memory_space<vmem>>
      %dma_start3A_34 = arith.constant 0 : i32
      %dma_start3A_35 = tpu.memref_slice %arg7[%run_scoped3A_7, %dma_start3A_34] : memref<20x128xi32, #tpu.memory_space<vmem>> -> memref<1x128xi32, #tpu.memory_space<vmem>>
      %dma_start3A_36 = tpu.memref_squeeze %dma_start3A_35 : memref<1x128xi32, #tpu.memory_space<vmem>> -> memref<128xi32, #tpu.memory_space<vmem>>
      %dma_start3A_37 = arith.constant 0 : i32
      %dma_start3A_38 = arith.constant 0 : i32
      %dma_start3A_39 = tpu.memref_slice %arg6[%dma_start3A_37, %dma_start3A_38] : memref<10240x32xf32, #tpu.memory_space<vmem_shared>> -> memref<10240x32xf32, #tpu.memory_space<vmem_shared>>
      tpu.enqueue_indirect_dma source(%dma_start3A_33 : memref<128x32xf32, #tpu.memory_space<vmem>>) target(%dma_start3A_39 : memref<10240x32xf32, #tpu.memory_space<vmem_shared>>) offsets(%dma_start3A_36 : memref<128xi32, #tpu.memory_space<vmem>>) semaphore(%run_scoped3A_31 : memref<!tpu.dma_semaphore, #tpu.memory_space<semaphore_mem>>) {add = true}
      %dma_wait3A = arith.constant 128 : i32
      %dma_wait3A_40 = arith.constant 0 : i32
      %dma_wait3A_41 = tpu.memref_slice %arg8[%dma_wait3A, %dma_wait3A_40] : memref<2560x32xf32, #tpu.memory_space<vmem>> -> memref<128x32xf32, #tpu.memory_space<vmem>>
      %dma_wait3A_42 = arith.constant 0 : i32
      %dma_wait3A_43 = tpu.memref_slice %arg7[%run_scoped3A_7, %dma_wait3A_42] : memref<20x128xi32, #tpu.memory_space<vmem>> -> memref<1x128xi32, #tpu.memory_space<vmem>>
      %dma_wait3A_44 = tpu.memref_squeeze %dma_wait3A_43 : memref<1x128xi32, #tpu.memory_space<vmem>> -> memref<128xi32, #tpu.memory_space<vmem>>
      %dma_wait3A_45 = arith.constant 0 : i32
      %dma_wait3A_46 = arith.constant 0 : i32
      %dma_wait3A_47 = tpu.memref_slice %arg6[%dma_wait3A_45, %dma_wait3A_46] : memref<10240x32xf32, #tpu.memory_space<vmem_shared>> -> memref<10240x32xf32, #tpu.memory_space<vmem_shared>>
      tpu.wait_indirect_dma semaphore(%run_scoped3A_31 : memref<!tpu.dma_semaphore, #tpu.memory_space<semaphore_mem>>) src(%dma_wait3A_41 : memref<128x32xf32, #tpu.memory_space<vmem>>) dst(%dma_wait3A_47 : memref<10240x32xf32, #tpu.memory_space<vmem_shared>>)
      tpu.yield
    }) : () -> ()
    %run_scoped3A_8 = arith.constant 2 : i32
    "tpu.region"() ({
      %run_scoped3A_31 = tpu.sem_alloc : memref<!tpu.dma_semaphore, #tpu.memory_space<semaphore_mem>>
      %dma_start3A = arith.constant 256 : i32
      %dma_start3A_32 = arith.constant 0 : i32
      %dma_start3A_33 = tpu.memref_slice %arg8[%dma_start3A, %dma_start3A_32] : memref<2560x32xf32, #tpu.memory_space<vmem>> -> memref<128x32xf32, #tpu.memory_space<vmem>>
      %dma_start3A_34 = arith.constant 0 : i32
      %dma_start3A_35 = tpu.memref_slice %arg7[%run_scoped3A_8, %dma_start3A_34] : memref<20x128xi32, #tpu.memory_space<vmem>> -> memref<1x128xi32, #tpu.memory_space<vmem>>
      %dma_start3A_36 = tpu.memref_squeeze %dma_start3A_35 : memref<1x128xi32, #tpu.memory_space<vmem>> -> memref<128xi32, #tpu.memory_space<vmem>>
      %dma_start3A_37 = arith.constant 0 : i32
      %dma_start3A_38 = arith.constant 0 : i32
      %dma_start3A_39 = tpu.memref_slice %arg6[%dma_start3A_37, %dma_start3A_38] : memref<10240x32xf32, #tpu.memory_space<vmem_shared>> -> memref<10240x32xf32, #tpu.memory_space<vmem_shared>>
      tpu.enqueue_indirect_dma source(%dma_start3A_33 : memref<128x32xf32, #tpu.memory_space<vmem>>) target(%dma_start3A_39 : memref<10240x32xf32, #tpu.memory_space<vmem_shared>>) offsets(%dma_start3A_36 : memref<128xi32, #tpu.memory_space<vmem>>) semaphore(%run_scoped3A_31 : memref<!tpu.dma_semaphore, #tpu.memory_space<semaphore_mem>>) {add = true}
      %dma_wait3A = arith.constant 256 : i32
      %dma_wait3A_40 = arith.constant 0 : i32
      %dma_wait3A_41 = tpu.memref_slice %arg8[%dma_wait3A, %dma_wait3A_40] : memref<2560x32xf32, #tpu.memory_space<vmem>> -> memref<128x32xf32, #tpu.memory_space<vmem>>
      %dma_wait3A_42 = arith.constant 0 : i32
      %dma_wait3A_43 = tpu.memref_slice %arg7[%run_scoped3A_8, %dma_wait3A_42] : memref<20x128xi32, #tpu.memory_space<vmem>> -> memref<1x128xi32, #tpu.memory_space<vmem>>
      %dma_wait3A_44 = tpu.memref_squeeze %dma_wait3A_43 : memref<1x128xi32, #tpu.memory_space<vmem>> -> memref<128xi32, #tpu.memory_space<vmem>>
      %dma_wait3A_45 = arith.constant 0 : i32
      %dma_wait3A_46 = arith.constant 0 : i32
      %dma_wait3A_47 = tpu.memref_slice %arg6[%dma_wait3A_45, %dma_wait3A_46] : memref<10240x32xf32, #tpu.memory_space<vmem_shared>> -> memref<10240x32xf32, #tpu.memory_space<vmem_shared>>
      tpu.wait_indirect_dma semaphore(%run_scoped3A_31 : memref<!tpu.dma_semaphore, #tpu.memory_space<semaphore_mem>>) src(%dma_wait3A_41 : memref<128x32xf32, #tpu.memory_space<vmem>>) dst(%dma_wait3A_47 : memref<10240x32xf32, #tpu.memory_space<vmem_shared>>)
      tpu.yield
    }) : () -> ()
    %run_scoped3A_9 = arith.constant 3 : i32
    "tpu.region"() ({
      %run_scoped3A_31 = tpu.sem_alloc : memref<!tpu.dma_semaphore, #tpu.memory_space<semaphore_mem>>
      %dma_start3A = arith.constant 384 : i32
      %dma_start3A_32 = arith.constant 0 : i32
      %dma_start3A_33 = tpu.memref_slice %arg8[%dma_start3A, %dma_start3A_32] : memref<2560x32xf32, #tpu.memory_space<vmem>> -> memref<128x32xf32, #tpu.memory_space<vmem>>
      %dma_start3A_34 = arith.constant 0 : i32
      %dma_start3A_35 = tpu.memref_slice %arg7[%run_scoped3A_9, %dma_start3A_34] : memref<20x128xi32, #tpu.memory_space<vmem>> -> memref<1x128xi32, #tpu.memory_space<vmem>>
      %dma_start3A_36 = tpu.memref_squeeze %dma_start3A_35 : memref<1x128xi32, #tpu.memory_space<vmem>> -> memref<128xi32, #tpu.memory_space<vmem>>
      %dma_start3A_37 = arith.constant 0 : i32
      %dma_start3A_38 = arith.constant 0 : i32
      %dma_start3A_39 = tpu.memref_slice %arg6[%dma_start3A_37, %dma_start3A_38] : memref<10240x32xf32, #tpu.memory_space<vmem_shared>> -> memref<10240x32xf32, #tpu.memory_space<vmem_shared>>
      tpu.enqueue_indirect_dma source(%dma_start3A_33 : memref<128x32xf32, #tpu.memory_space<vmem>>) target(%dma_start3A_39 : memref<10240x32xf32, #tpu.memory_space<vmem_shared>>) offsets(%dma_start3A_36 : memref<128xi32, #tpu.memory_space<vmem>>) semaphore(%run_scoped3A_31 : memref<!tpu.dma_semaphore, #tpu.memory_space<semaphore_mem>>) {add = true}
      %dma_wait3A = arith.constant 384 : i32
      %dma_wait3A_40 = arith.constant 0 : i32
      %dma_wait3A_41 = tpu.memref_slice %arg8[%dma_wait3A, %dma_wait3A_40] : memref<2560x32xf32, #tpu.memory_space<vmem>> -> memref<128x32xf32, #tpu.memory_space<vmem>>
      %dma_wait3A_42 = arith.constant 0 : i32
      %dma_wait3A_43 = tpu.memref_slice %arg7[%run_scoped3A_9, %dma_wait3A_42] : memref<20x128xi32, #tpu.memory_space<vmem>> -> memref<1x128xi32, #tpu.memory_space<vmem>>
      %dma_wait3A_44 = tpu.memref_squeeze %dma_wait3A_43 : memref<1x128xi32, #tpu.memory_space<vmem>> -> memref<128xi32, #tpu.memory_space<vmem>>
      %dma_wait3A_45 = arith.constant 0 : i32
      %dma_wait3A_46 = arith.constant 0 : i32
      %dma_wait3A_47 = tpu.memref_slice %arg6[%dma_wait3A_45, %dma_wait3A_46] : memref<10240x32xf32, #tpu.memory_space<vmem_shared>> -> memref<10240x32xf32, #tpu.memory_space<vmem_shared>>
      tpu.wait_indirect_dma semaphore(%run_scoped3A_31 : memref<!tpu.dma_semaphore, #tpu.memory_space<semaphore_mem>>) src(%dma_wait3A_41 : memref<128x32xf32, #tpu.memory_space<vmem>>) dst(%dma_wait3A_47 : memref<10240x32xf32, #tpu.memory_space<vmem_shared>>)
      tpu.yield
    }) : () -> ()
    %run_scoped3A_10 = arith.constant 4 : i32
    "tpu.region"() ({
      %run_scoped3A_31 = tpu.sem_alloc : memref<!tpu.dma_semaphore, #tpu.memory_space<semaphore_mem>>
      %dma_start3A = arith.constant 512 : i32
      %dma_start3A_32 = arith.constant 0 : i32
      %dma_start3A_33 = tpu.memref_slice %arg8[%dma_start3A, %dma_start3A_32] : memref<2560x32xf32, #tpu.memory_space<vmem>> -> memref<128x32xf32, #tpu.memory_space<vmem>>
      %dma_start3A_34 = arith.constant 0 : i32
      %dma_start3A_35 = tpu.memref_slice %arg7[%run_scoped3A_10, %dma_start3A_34] : memref<20x128xi32, #tpu.memory_space<vmem>> -> memref<1x128xi32, #tpu.memory_space<vmem>>
      %dma_start3A_36 = tpu.memref_squeeze %dma_start3A_35 : memref<1x128xi32, #tpu.memory_space<vmem>> -> memref<128xi32, #tpu.memory_space<vmem>>
      %dma_start3A_37 = arith.constant 0 : i32
      %dma_start3A_38 = arith.constant 0 : i32
      %dma_start3A_39 = tpu.memref_slice %arg6[%dma_start3A_37, %dma_start3A_38] : memref<10240x32xf32, #tpu.memory_space<vmem_shared>> -> memref<10240x32xf32, #tpu.memory_space<vmem_shared>>
      tpu.enqueue_indirect_dma source(%dma_start3A_33 : memref<128x32xf32, #tpu.memory_space<vmem>>) target(%dma_start3A_39 : memref<10240x32xf32, #tpu.memory_space<vmem_shared>>) offsets(%dma_start3A_36 : memref<128xi32, #tpu.memory_space<vmem>>) semaphore(%run_scoped3A_31 : memref<!tpu.dma_semaphore, #tpu.memory_space<semaphore_mem>>) {add = true}
      %dma_wait3A = arith.constant 512 : i32
      %dma_wait3A_40 = arith.constant 0 : i32
      %dma_wait3A_41 = tpu.memref_slice %arg8[%dma_wait3A, %dma_wait3A_40] : memref<2560x32xf32, #tpu.memory_space<vmem>> -> memref<128x32xf32, #tpu.memory_space<vmem>>
      %dma_wait3A_42 = arith.constant 0 : i32
      %dma_wait3A_43 = tpu.memref_slice %arg7[%run_scoped3A_10, %dma_wait3A_42] : memref<20x128xi32, #tpu.memory_space<vmem>> -> memref<1x128xi32, #tpu.memory_space<vmem>>
      %dma_wait3A_44 = tpu.memref_squeeze %dma_wait3A_43 : memref<1x128xi32, #tpu.memory_space<vmem>> -> memref<128xi32, #tpu.memory_space<vmem>>
      %dma_wait3A_45 = arith.constant 0 : i32
      %dma_wait3A_46 = arith.constant 0 : i32
      %dma_wait3A_47 = tpu.memref_slice %arg6[%dma_wait3A_45, %dma_wait3A_46] : memref<10240x32xf32, #tpu.memory_space<vmem_shared>> -> memref<10240x32xf32, #tpu.memory_space<vmem_shared>>
      tpu.wait_indirect_dma semaphore(%run_scoped3A_31 : memref<!tpu.dma_semaphore, #tpu.memory_space<semaphore_mem>>) src(%dma_wait3A_41 : memref<128x32xf32, #tpu.memory_space<vmem>>) dst(%dma_wait3A_47 : memref<10240x32xf32, #tpu.memory_space<vmem_shared>>)
      tpu.yield
    }) : () -> ()
    %run_scoped3A_11 = arith.constant 5 : i32
    "tpu.region"() ({
      %run_scoped3A_31 = tpu.sem_alloc : memref<!tpu.dma_semaphore, #tpu.memory_space<semaphore_mem>>
      %dma_start3A = arith.constant 640 : i32
      %dma_start3A_32 = arith.constant 0 : i32
      %dma_start3A_33 = tpu.memref_slice %arg8[%dma_start3A, %dma_start3A_32] : memref<2560x32xf32, #tpu.memory_space<vmem>> -> memref<128x32xf32, #tpu.memory_space<vmem>>
      %dma_start3A_34 = arith.constant 0 : i32
      %dma_start3A_35 = tpu.memref_slice %arg7[%run_scoped3A_11, %dma_start3A_34] : memref<20x128xi32, #tpu.memory_space<vmem>> -> memref<1x128xi32, #tpu.memory_space<vmem>>
      %dma_start3A_36 = tpu.memref_squeeze %dma_start3A_35 : memref<1x128xi32, #tpu.memory_space<vmem>> -> memref<128xi32, #tpu.memory_space<vmem>>
      %dma_start3A_37 = arith.constant 0 : i32
      %dma_start3A_38 = arith.constant 0 : i32
      %dma_start3A_39 = tpu.memref_slice %arg6[%dma_start3A_37, %dma_start3A_38] : memref<10240x32xf32, #tpu.memory_space<vmem_shared>> -> memref<10240x32xf32, #tpu.memory_space<vmem_shared>>
      tpu.enqueue_indirect_dma source(%dma_start3A_33 : memref<128x32xf32, #tpu.memory_space<vmem>>) target(%dma_start3A_39 : memref<10240x32xf32, #tpu.memory_space<vmem_shared>>) offsets(%dma_start3A_36 : memref<128xi32, #tpu.memory_space<vmem>>) semaphore(%run_scoped3A_31 : memref<!tpu.dma_semaphore, #tpu.memory_space<semaphore_mem>>) {add = true}
      %dma_wait3A = arith.constant 640 : i32
      %dma_wait3A_40 = arith.constant 0 : i32
      %dma_wait3A_41 = tpu.memref_slice %arg8[%dma_wait3A, %dma_wait3A_40] : memref<2560x32xf32, #tpu.memory_space<vmem>> -> memref<128x32xf32, #tpu.memory_space<vmem>>
      %dma_wait3A_42 = arith.constant 0 : i32
      %dma_wait3A_43 = tpu.memref_slice %arg7[%run_scoped3A_11, %dma_wait3A_42] : memref<20x128xi32, #tpu.memory_space<vmem>> -> memref<1x128xi32, #tpu.memory_space<vmem>>
      %dma_wait3A_44 = tpu.memref_squeeze %dma_wait3A_43 : memref<1x128xi32, #tpu.memory_space<vmem>> -> memref<128xi32, #tpu.memory_space<vmem>>
      %dma_wait3A_45 = arith.constant 0 : i32
      %dma_wait3A_46 = arith.constant 0 : i32
      %dma_wait3A_47 = tpu.memref_slice %arg6[%dma_wait3A_45, %dma_wait3A_46] : memref<10240x32xf32, #tpu.memory_space<vmem_shared>> -> memref<10240x32xf32, #tpu.memory_space<vmem_shared>>
      tpu.wait_indirect_dma semaphore(%run_scoped3A_31 : memref<!tpu.dma_semaphore, #tpu.memory_space<semaphore_mem>>) src(%dma_wait3A_41 : memref<128x32xf32, #tpu.memory_space<vmem>>) dst(%dma_wait3A_47 : memref<10240x32xf32, #tpu.memory_space<vmem_shared>>)
      tpu.yield
    }) : () -> ()
    %run_scoped3A_12 = arith.constant 6 : i32
    "tpu.region"() ({
      %run_scoped3A_31 = tpu.sem_alloc : memref<!tpu.dma_semaphore, #tpu.memory_space<semaphore_mem>>
      %dma_start3A = arith.constant 768 : i32
      %dma_start3A_32 = arith.constant 0 : i32
      %dma_start3A_33 = tpu.memref_slice %arg8[%dma_start3A, %dma_start3A_32] : memref<2560x32xf32, #tpu.memory_space<vmem>> -> memref<128x32xf32, #tpu.memory_space<vmem>>
      %dma_start3A_34 = arith.constant 0 : i32
      %dma_start3A_35 = tpu.memref_slice %arg7[%run_scoped3A_12, %dma_start3A_34] : memref<20x128xi32, #tpu.memory_space<vmem>> -> memref<1x128xi32, #tpu.memory_space<vmem>>
      %dma_start3A_36 = tpu.memref_squeeze %dma_start3A_35 : memref<1x128xi32, #tpu.memory_space<vmem>> -> memref<128xi32, #tpu.memory_space<vmem>>
      %dma_start3A_37 = arith.constant 0 : i32
      %dma_start3A_38 = arith.constant 0 : i32
      %dma_start3A_39 = tpu.memref_slice %arg6[%dma_start3A_37, %dma_start3A_38] : memref<10240x32xf32, #tpu.memory_space<vmem_shared>> -> memref<10240x32xf32, #tpu.memory_space<vmem_shared>>
      tpu.enqueue_indirect_dma source(%dma_start3A_33 : memref<128x32xf32, #tpu.memory_space<vmem>>) target(%dma_start3A_39 : memref<10240x32xf32, #tpu.memory_space<vmem_shared>>) offsets(%dma_start3A_36 : memref<128xi32, #tpu.memory_space<vmem>>) semaphore(%run_scoped3A_31 : memref<!tpu.dma_semaphore, #tpu.memory_space<semaphore_mem>>) {add = true}
      %dma_wait3A = arith.constant 768 : i32
      %dma_wait3A_40 = arith.constant 0 : i32
      %dma_wait3A_41 = tpu.memref_slice %arg8[%dma_wait3A, %dma_wait3A_40] : memref<2560x32xf32, #tpu.memory_space<vmem>> -> memref<128x32xf32, #tpu.memory_space<vmem>>
      %dma_wait3A_42 = arith.constant 0 : i32
      %dma_wait3A_43 = tpu.memref_slice %arg7[%run_scoped3A_12, %dma_wait3A_42] : memref<20x128xi32, #tpu.memory_space<vmem>> -> memref<1x128xi32, #tpu.memory_space<vmem>>
      %dma_wait3A_44 = tpu.memref_squeeze %dma_wait3A_43 : memref<1x128xi32, #tpu.memory_space<vmem>> -> memref<128xi32, #tpu.memory_space<vmem>>
      %dma_wait3A_45 = arith.constant 0 : i32
      %dma_wait3A_46 = arith.constant 0 : i32
      %dma_wait3A_47 = tpu.memref_slice %arg6[%dma_wait3A_45, %dma_wait3A_46] : memref<10240x32xf32, #tpu.memory_space<vmem_shared>> -> memref<10240x32xf32, #tpu.memory_space<vmem_shared>>
      tpu.wait_indirect_dma semaphore(%run_scoped3A_31 : memref<!tpu.dma_semaphore, #tpu.memory_space<semaphore_mem>>) src(%dma_wait3A_41 : memref<128x32xf32, #tpu.memory_space<vmem>>) dst(%dma_wait3A_47 : memref<10240x32xf32, #tpu.memory_space<vmem_shared>>)
      tpu.yield
    }) : () -> ()
    %run_scoped3A_13 = arith.constant 7 : i32
    "tpu.region"() ({
      %run_scoped3A_31 = tpu.sem_alloc : memref<!tpu.dma_semaphore, #tpu.memory_space<semaphore_mem>>
      %dma_start3A = arith.constant 896 : i32
      %dma_start3A_32 = arith.constant 0 : i32
      %dma_start3A_33 = tpu.memref_slice %arg8[%dma_start3A, %dma_start3A_32] : memref<2560x32xf32, #tpu.memory_space<vmem>> -> memref<128x32xf32, #tpu.memory_space<vmem>>
      %dma_start3A_34 = arith.constant 0 : i32
      %dma_start3A_35 = tpu.memref_slice %arg7[%run_scoped3A_13, %dma_start3A_34] : memref<20x128xi32, #tpu.memory_space<vmem>> -> memref<1x128xi32, #tpu.memory_space<vmem>>
      %dma_start3A_36 = tpu.memref_squeeze %dma_start3A_35 : memref<1x128xi32, #tpu.memory_space<vmem>> -> memref<128xi32, #tpu.memory_space<vmem>>
      %dma_start3A_37 = arith.constant 0 : i32
      %dma_start3A_38 = arith.constant 0 : i32
      %dma_start3A_39 = tpu.memref_slice %arg6[%dma_start3A_37, %dma_start3A_38] : memref<10240x32xf32, #tpu.memory_space<vmem_shared>> -> memref<10240x32xf32, #tpu.memory_space<vmem_shared>>
      tpu.enqueue_indirect_dma source(%dma_start3A_33 : memref<128x32xf32, #tpu.memory_space<vmem>>) target(%dma_start3A_39 : memref<10240x32xf32, #tpu.memory_space<vmem_shared>>) offsets(%dma_start3A_36 : memref<128xi32, #tpu.memory_space<vmem>>) semaphore(%run_scoped3A_31 : memref<!tpu.dma_semaphore, #tpu.memory_space<semaphore_mem>>) {add = true}
      %dma_wait3A = arith.constant 896 : i32
      %dma_wait3A_40 = arith.constant 0 : i32
      %dma_wait3A_41 = tpu.memref_slice %arg8[%dma_wait3A, %dma_wait3A_40] : memref<2560x32xf32, #tpu.memory_space<vmem>> -> memref<128x32xf32, #tpu.memory_space<vmem>>
      %dma_wait3A_42 = arith.constant 0 : i32
      %dma_wait3A_43 = tpu.memref_slice %arg7[%run_scoped3A_13, %dma_wait3A_42] : memref<20x128xi32, #tpu.memory_space<vmem>> -> memref<1x128xi32, #tpu.memory_space<vmem>>
      %dma_wait3A_44 = tpu.memref_squeeze %dma_wait3A_43 : memref<1x128xi32, #tpu.memory_space<vmem>> -> memref<128xi32, #tpu.memory_space<vmem>>
      %dma_wait3A_45 = arith.constant 0 : i32
      %dma_wait3A_46 = arith.constant 0 : i32
      %dma_wait3A_47 = tpu.memref_slice %arg6[%dma_wait3A_45, %dma_wait3A_46] : memref<10240x32xf32, #tpu.memory_space<vmem_shared>> -> memref<10240x32xf32, #tpu.memory_space<vmem_shared>>
      tpu.wait_indirect_dma semaphore(%run_scoped3A_31 : memref<!tpu.dma_semaphore, #tpu.memory_space<semaphore_mem>>) src(%dma_wait3A_41 : memref<128x32xf32, #tpu.memory_space<vmem>>) dst(%dma_wait3A_47 : memref<10240x32xf32, #tpu.memory_space<vmem_shared>>)
      tpu.yield
    }) : () -> ()
    %run_scoped3A_14 = arith.constant 8 : i32
    "tpu.region"() ({
      %run_scoped3A_31 = tpu.sem_alloc : memref<!tpu.dma_semaphore, #tpu.memory_space<semaphore_mem>>
      %dma_start3A = arith.constant 1024 : i32
      %dma_start3A_32 = arith.constant 0 : i32
      %dma_start3A_33 = tpu.memref_slice %arg8[%dma_start3A, %dma_start3A_32] : memref<2560x32xf32, #tpu.memory_space<vmem>> -> memref<128x32xf32, #tpu.memory_space<vmem>>
      %dma_start3A_34 = arith.constant 0 : i32
      %dma_start3A_35 = tpu.memref_slice %arg7[%run_scoped3A_14, %dma_start3A_34] : memref<20x128xi32, #tpu.memory_space<vmem>> -> memref<1x128xi32, #tpu.memory_space<vmem>>
      %dma_start3A_36 = tpu.memref_squeeze %dma_start3A_35 : memref<1x128xi32, #tpu.memory_space<vmem>> -> memref<128xi32, #tpu.memory_space<vmem>>
      %dma_start3A_37 = arith.constant 0 : i32
      %dma_start3A_38 = arith.constant 0 : i32
      %dma_start3A_39 = tpu.memref_slice %arg6[%dma_start3A_37, %dma_start3A_38] : memref<10240x32xf32, #tpu.memory_space<vmem_shared>> -> memref<10240x32xf32, #tpu.memory_space<vmem_shared>>
      tpu.enqueue_indirect_dma source(%dma_start3A_33 : memref<128x32xf32, #tpu.memory_space<vmem>>) target(%dma_start3A_39 : memref<10240x32xf32, #tpu.memory_space<vmem_shared>>) offsets(%dma_start3A_36 : memref<128xi32, #tpu.memory_space<vmem>>) semaphore(%run_scoped3A_31 : memref<!tpu.dma_semaphore, #tpu.memory_space<semaphore_mem>>) {add = true}
      %dma_wait3A = arith.constant 1024 : i32
      %dma_wait3A_40 = arith.constant 0 : i32
      %dma_wait3A_41 = tpu.memref_slice %arg8[%dma_wait3A, %dma_wait3A_40] : memref<2560x32xf32, #tpu.memory_space<vmem>> -> memref<128x32xf32, #tpu.memory_space<vmem>>
      %dma_wait3A_42 = arith.constant 0 : i32
      %dma_wait3A_43 = tpu.memref_slice %arg7[%run_scoped3A_14, %dma_wait3A_42] : memref<20x128xi32, #tpu.memory_space<vmem>> -> memref<1x128xi32, #tpu.memory_space<vmem>>
      %dma_wait3A_44 = tpu.memref_squeeze %dma_wait3A_43 : memref<1x128xi32, #tpu.memory_space<vmem>> -> memref<128xi32, #tpu.memory_space<vmem>>
      %dma_wait3A_45 = arith.constant 0 : i32
      %dma_wait3A_46 = arith.constant 0 : i32
      %dma_wait3A_47 = tpu.memref_slice %arg6[%dma_wait3A_45, %dma_wait3A_46] : memref<10240x32xf32, #tpu.memory_space<vmem_shared>> -> memref<10240x32xf32, #tpu.memory_space<vmem_shared>>
      tpu.wait_indirect_dma semaphore(%run_scoped3A_31 : memref<!tpu.dma_semaphore, #tpu.memory_space<semaphore_mem>>) src(%dma_wait3A_41 : memref<128x32xf32, #tpu.memory_space<vmem>>) dst(%dma_wait3A_47 : memref<10240x32xf32, #tpu.memory_space<vmem_shared>>)
      tpu.yield
    }) : () -> ()
    %run_scoped3A_15 = arith.constant 9 : i32
    "tpu.region"() ({
      %run_scoped3A_31 = tpu.sem_alloc : memref<!tpu.dma_semaphore, #tpu.memory_space<semaphore_mem>>
      %dma_start3A = arith.constant 1152 : i32
      %dma_start3A_32 = arith.constant 0 : i32
      %dma_start3A_33 = tpu.memref_slice %arg8[%dma_start3A, %dma_start3A_32] : memref<2560x32xf32, #tpu.memory_space<vmem>> -> memref<128x32xf32, #tpu.memory_space<vmem>>
      %dma_start3A_34 = arith.constant 0 : i32
      %dma_start3A_35 = tpu.memref_slice %arg7[%run_scoped3A_15, %dma_start3A_34] : memref<20x128xi32, #tpu.memory_space<vmem>> -> memref<1x128xi32, #tpu.memory_space<vmem>>
      %dma_start3A_36 = tpu.memref_squeeze %dma_start3A_35 : memref<1x128xi32, #tpu.memory_space<vmem>> -> memref<128xi32, #tpu.memory_space<vmem>>
      %dma_start3A_37 = arith.constant 0 : i32
      %dma_start3A_38 = arith.constant 0 : i32
      %dma_start3A_39 = tpu.memref_slice %arg6[%dma_start3A_37, %dma_start3A_38] : memref<10240x32xf32, #tpu.memory_space<vmem_shared>> -> memref<10240x32xf32, #tpu.memory_space<vmem_shared>>
      tpu.enqueue_indirect_dma source(%dma_start3A_33 : memref<128x32xf32, #tpu.memory_space<vmem>>) target(%dma_start3A_39 : memref<10240x32xf32, #tpu.memory_space<vmem_shared>>) offsets(%dma_start3A_36 : memref<128xi32, #tpu.memory_space<vmem>>) semaphore(%run_scoped3A_31 : memref<!tpu.dma_semaphore, #tpu.memory_space<semaphore_mem>>) {add = true}
      %dma_wait3A = arith.constant 1152 : i32
      %dma_wait3A_40 = arith.constant 0 : i32
      %dma_wait3A_41 = tpu.memref_slice %arg8[%dma_wait3A, %dma_wait3A_40] : memref<2560x32xf32, #tpu.memory_space<vmem>> -> memref<128x32xf32, #tpu.memory_space<vmem>>
      %dma_wait3A_42 = arith.constant 0 : i32
      %dma_wait3A_43 = tpu.memref_slice %arg7[%run_scoped3A_15, %dma_wait3A_42] : memref<20x128xi32, #tpu.memory_space<vmem>> -> memref<1x128xi32, #tpu.memory_space<vmem>>
      %dma_wait3A_44 = tpu.memref_squeeze %dma_wait3A_43 : memref<1x128xi32, #tpu.memory_space<vmem>> -> memref<128xi32, #tpu.memory_space<vmem>>
      %dma_wait3A_45 = arith.constant 0 : i32
      %dma_wait3A_46 = arith.constant 0 : i32
      %dma_wait3A_47 = tpu.memref_slice %arg6[%dma_wait3A_45, %dma_wait3A_46] : memref<10240x32xf32, #tpu.memory_space<vmem_shared>> -> memref<10240x32xf32, #tpu.memory_space<vmem_shared>>
      tpu.wait_indirect_dma semaphore(%run_scoped3A_31 : memref<!tpu.dma_semaphore, #tpu.memory_space<semaphore_mem>>) src(%dma_wait3A_41 : memref<128x32xf32, #tpu.memory_space<vmem>>) dst(%dma_wait3A_47 : memref<10240x32xf32, #tpu.memory_space<vmem_shared>>)
      tpu.yield
    }) : () -> ()
    %run_scoped3A_16 = arith.constant 10 : i32
    "tpu.region"() ({
      %run_scoped3A_31 = tpu.sem_alloc : memref<!tpu.dma_semaphore, #tpu.memory_space<semaphore_mem>>
      %dma_start3A = arith.constant 1280 : i32
      %dma_start3A_32 = arith.constant 0 : i32
      %dma_start3A_33 = tpu.memref_slice %arg8[%dma_start3A, %dma_start3A_32] : memref<2560x32xf32, #tpu.memory_space<vmem>> -> memref<128x32xf32, #tpu.memory_space<vmem>>
      %dma_start3A_34 = arith.constant 0 : i32
      %dma_start3A_35 = tpu.memref_slice %arg7[%run_scoped3A_16, %dma_start3A_34] : memref<20x128xi32, #tpu.memory_space<vmem>> -> memref<1x128xi32, #tpu.memory_space<vmem>>
      %dma_start3A_36 = tpu.memref_squeeze %dma_start3A_35 : memref<1x128xi32, #tpu.memory_space<vmem>> -> memref<128xi32, #tpu.memory_space<vmem>>
      %dma_start3A_37 = arith.constant 0 : i32
      %dma_start3A_38 = arith.constant 0 : i32
      %dma_start3A_39 = tpu.memref_slice %arg6[%dma_start3A_37, %dma_start3A_38] : memref<10240x32xf32, #tpu.memory_space<vmem_shared>> -> memref<10240x32xf32, #tpu.memory_space<vmem_shared>>
      tpu.enqueue_indirect_dma source(%dma_start3A_33 : memref<128x32xf32, #tpu.memory_space<vmem>>) target(%dma_start3A_39 : memref<10240x32xf32, #tpu.memory_space<vmem_shared>>) offsets(%dma_start3A_36 : memref<128xi32, #tpu.memory_space<vmem>>) semaphore(%run_scoped3A_31 : memref<!tpu.dma_semaphore, #tpu.memory_space<semaphore_mem>>) {add = true}
      %dma_wait3A = arith.constant 1280 : i32
      %dma_wait3A_40 = arith.constant 0 : i32
      %dma_wait3A_41 = tpu.memref_slice %arg8[%dma_wait3A, %dma_wait3A_40] : memref<2560x32xf32, #tpu.memory_space<vmem>> -> memref<128x32xf32, #tpu.memory_space<vmem>>
      %dma_wait3A_42 = arith.constant 0 : i32
      %dma_wait3A_43 = tpu.memref_slice %arg7[%run_scoped3A_16, %dma_wait3A_42] : memref<20x128xi32, #tpu.memory_space<vmem>> -> memref<1x128xi32, #tpu.memory_space<vmem>>
      %dma_wait3A_44 = tpu.memref_squeeze %dma_wait3A_43 : memref<1x128xi32, #tpu.memory_space<vmem>> -> memref<128xi32, #tpu.memory_space<vmem>>
      %dma_wait3A_45 = arith.constant 0 : i32
      %dma_wait3A_46 = arith.constant 0 : i32
      %dma_wait3A_47 = tpu.memref_slice %arg6[%dma_wait3A_45, %dma_wait3A_46] : memref<10240x32xf32, #tpu.memory_space<vmem_shared>> -> memref<10240x32xf32, #tpu.memory_space<vmem_shared>>
      tpu.wait_indirect_dma semaphore(%run_scoped3A_31 : memref<!tpu.dma_semaphore, #tpu.memory_space<semaphore_mem>>) src(%dma_wait3A_41 : memref<128x32xf32, #tpu.memory_space<vmem>>) dst(%dma_wait3A_47 : memref<10240x32xf32, #tpu.memory_space<vmem_shared>>)
      tpu.yield
    }) : () -> ()
    %run_scoped3A_17 = arith.constant 11 : i32
    "tpu.region"() ({
      %run_scoped3A_31 = tpu.sem_alloc : memref<!tpu.dma_semaphore, #tpu.memory_space<semaphore_mem>>
      %dma_start3A = arith.constant 1408 : i32
      %dma_start3A_32 = arith.constant 0 : i32
      %dma_start3A_33 = tpu.memref_slice %arg8[%dma_start3A, %dma_start3A_32] : memref<2560x32xf32, #tpu.memory_space<vmem>> -> memref<128x32xf32, #tpu.memory_space<vmem>>
      %dma_start3A_34 = arith.constant 0 : i32
      %dma_start3A_35 = tpu.memref_slice %arg7[%run_scoped3A_17, %dma_start3A_34] : memref<20x128xi32, #tpu.memory_space<vmem>> -> memref<1x128xi32, #tpu.memory_space<vmem>>
      %dma_start3A_36 = tpu.memref_squeeze %dma_start3A_35 : memref<1x128xi32, #tpu.memory_space<vmem>> -> memref<128xi32, #tpu.memory_space<vmem>>
      %dma_start3A_37 = arith.constant 0 : i32
      %dma_start3A_38 = arith.constant 0 : i32
      %dma_start3A_39 = tpu.memref_slice %arg6[%dma_start3A_37, %dma_start3A_38] : memref<10240x32xf32, #tpu.memory_space<vmem_shared>> -> memref<10240x32xf32, #tpu.memory_space<vmem_shared>>
      tpu.enqueue_indirect_dma source(%dma_start3A_33 : memref<128x32xf32, #tpu.memory_space<vmem>>) target(%dma_start3A_39 : memref<10240x32xf32, #tpu.memory_space<vmem_shared>>) offsets(%dma_start3A_36 : memref<128xi32, #tpu.memory_space<vmem>>) semaphore(%run_scoped3A_31 : memref<!tpu.dma_semaphore, #tpu.memory_space<semaphore_mem>>) {add = true}
      %dma_wait3A = arith.constant 1408 : i32
      %dma_wait3A_40 = arith.constant 0 : i32
      %dma_wait3A_41 = tpu.memref_slice %arg8[%dma_wait3A, %dma_wait3A_40] : memref<2560x32xf32, #tpu.memory_space<vmem>> -> memref<128x32xf32, #tpu.memory_space<vmem>>
      %dma_wait3A_42 = arith.constant 0 : i32
      %dma_wait3A_43 = tpu.memref_slice %arg7[%run_scoped3A_17, %dma_wait3A_42] : memref<20x128xi32, #tpu.memory_space<vmem>> -> memref<1x128xi32, #tpu.memory_space<vmem>>
      %dma_wait3A_44 = tpu.memref_squeeze %dma_wait3A_43 : memref<1x128xi32, #tpu.memory_space<vmem>> -> memref<128xi32, #tpu.memory_space<vmem>>
      %dma_wait3A_45 = arith.constant 0 : i32
      %dma_wait3A_46 = arith.constant 0 : i32
      %dma_wait3A_47 = tpu.memref_slice %arg6[%dma_wait3A_45, %dma_wait3A_46] : memref<10240x32xf32, #tpu.memory_space<vmem_shared>> -> memref<10240x32xf32, #tpu.memory_space<vmem_shared>>
      tpu.wait_indirect_dma semaphore(%run_scoped3A_31 : memref<!tpu.dma_semaphore, #tpu.memory_space<semaphore_mem>>) src(%dma_wait3A_41 : memref<128x32xf32, #tpu.memory_space<vmem>>) dst(%dma_wait3A_47 : memref<10240x32xf32, #tpu.memory_space<vmem_shared>>)
      tpu.yield
    }) : () -> ()
    %run_scoped3A_18 = arith.constant 12 : i32
    "tpu.region"() ({
      %run_scoped3A_31 = tpu.sem_alloc : memref<!tpu.dma_semaphore, #tpu.memory_space<semaphore_mem>>
      %dma_start3A = arith.constant 1536 : i32
      %dma_start3A_32 = arith.constant 0 : i32
      %dma_start3A_33 = tpu.memref_slice %arg8[%dma_start3A, %dma_start3A_32] : memref<2560x32xf32, #tpu.memory_space<vmem>> -> memref<128x32xf32, #tpu.memory_space<vmem>>
      %dma_start3A_34 = arith.constant 0 : i32
      %dma_start3A_35 = tpu.memref_slice %arg7[%run_scoped3A_18, %dma_start3A_34] : memref<20x128xi32, #tpu.memory_space<vmem>> -> memref<1x128xi32, #tpu.memory_space<vmem>>
      %dma_start3A_36 = tpu.memref_squeeze %dma_start3A_35 : memref<1x128xi32, #tpu.memory_space<vmem>> -> memref<128xi32, #tpu.memory_space<vmem>>
      %dma_start3A_37 = arith.constant 0 : i32
      %dma_start3A_38 = arith.constant 0 : i32
      %dma_start3A_39 = tpu.memref_slice %arg6[%dma_start3A_37, %dma_start3A_38] : memref<10240x32xf32, #tpu.memory_space<vmem_shared>> -> memref<10240x32xf32, #tpu.memory_space<vmem_shared>>
      tpu.enqueue_indirect_dma source(%dma_start3A_33 : memref<128x32xf32, #tpu.memory_space<vmem>>) target(%dma_start3A_39 : memref<10240x32xf32, #tpu.memory_space<vmem_shared>>) offsets(%dma_start3A_36 : memref<128xi32, #tpu.memory_space<vmem>>) semaphore(%run_scoped3A_31 : memref<!tpu.dma_semaphore, #tpu.memory_space<semaphore_mem>>) {add = true}
      %dma_wait3A = arith.constant 1536 : i32
      %dma_wait3A_40 = arith.constant 0 : i32
      %dma_wait3A_41 = tpu.memref_slice %arg8[%dma_wait3A, %dma_wait3A_40] : memref<2560x32xf32, #tpu.memory_space<vmem>> -> memref<128x32xf32, #tpu.memory_space<vmem>>
      %dma_wait3A_42 = arith.constant 0 : i32
      %dma_wait3A_43 = tpu.memref_slice %arg7[%run_scoped3A_18, %dma_wait3A_42] : memref<20x128xi32, #tpu.memory_space<vmem>> -> memref<1x128xi32, #tpu.memory_space<vmem>>
      %dma_wait3A_44 = tpu.memref_squeeze %dma_wait3A_43 : memref<1x128xi32, #tpu.memory_space<vmem>> -> memref<128xi32, #tpu.memory_space<vmem>>
      %dma_wait3A_45 = arith.constant 0 : i32
      %dma_wait3A_46 = arith.constant 0 : i32
      %dma_wait3A_47 = tpu.memref_slice %arg6[%dma_wait3A_45, %dma_wait3A_46] : memref<10240x32xf32, #tpu.memory_space<vmem_shared>> -> memref<10240x32xf32, #tpu.memory_space<vmem_shared>>
      tpu.wait_indirect_dma semaphore(%run_scoped3A_31 : memref<!tpu.dma_semaphore, #tpu.memory_space<semaphore_mem>>) src(%dma_wait3A_41 : memref<128x32xf32, #tpu.memory_space<vmem>>) dst(%dma_wait3A_47 : memref<10240x32xf32, #tpu.memory_space<vmem_shared>>)
      tpu.yield
    }) : () -> ()
    %run_scoped3A_19 = arith.constant 13 : i32
    "tpu.region"() ({
      %run_scoped3A_31 = tpu.sem_alloc : memref<!tpu.dma_semaphore, #tpu.memory_space<semaphore_mem>>
      %dma_start3A = arith.constant 1664 : i32
      %dma_start3A_32 = arith.constant 0 : i32
      %dma_start3A_33 = tpu.memref_slice %arg8[%dma_start3A, %dma_start3A_32] : memref<2560x32xf32, #tpu.memory_space<vmem>> -> memref<128x32xf32, #tpu.memory_space<vmem>>
      %dma_start3A_34 = arith.constant 0 : i32
      %dma_start3A_35 = tpu.memref_slice %arg7[%run_scoped3A_19, %dma_start3A_34] : memref<20x128xi32, #tpu.memory_space<vmem>> -> memref<1x128xi32, #tpu.memory_space<vmem>>
      %dma_start3A_36 = tpu.memref_squeeze %dma_start3A_35 : memref<1x128xi32, #tpu.memory_space<vmem>> -> memref<128xi32, #tpu.memory_space<vmem>>
      %dma_start3A_37 = arith.constant 0 : i32
      %dma_start3A_38 = arith.constant 0 : i32
      %dma_start3A_39 = tpu.memref_slice %arg6[%dma_start3A_37, %dma_start3A_38] : memref<10240x32xf32, #tpu.memory_space<vmem_shared>> -> memref<10240x32xf32, #tpu.memory_space<vmem_shared>>
      tpu.enqueue_indirect_dma source(%dma_start3A_33 : memref<128x32xf32, #tpu.memory_space<vmem>>) target(%dma_start3A_39 : memref<10240x32xf32, #tpu.memory_space<vmem_shared>>) offsets(%dma_start3A_36 : memref<128xi32, #tpu.memory_space<vmem>>) semaphore(%run_scoped3A_31 : memref<!tpu.dma_semaphore, #tpu.memory_space<semaphore_mem>>) {add = true}
      %dma_wait3A = arith.constant 1664 : i32
      %dma_wait3A_40 = arith.constant 0 : i32
      %dma_wait3A_41 = tpu.memref_slice %arg8[%dma_wait3A, %dma_wait3A_40] : memref<2560x32xf32, #tpu.memory_space<vmem>> -> memref<128x32xf32, #tpu.memory_space<vmem>>
      %dma_wait3A_42 = arith.constant 0 : i32
      %dma_wait3A_43 = tpu.memref_slice %arg7[%run_scoped3A_19, %dma_wait3A_42] : memref<20x128xi32, #tpu.memory_space<vmem>> -> memref<1x128xi32, #tpu.memory_space<vmem>>
      %dma_wait3A_44 = tpu.memref_squeeze %dma_wait3A_43 : memref<1x128xi32, #tpu.memory_space<vmem>> -> memref<128xi32, #tpu.memory_space<vmem>>
      %dma_wait3A_45 = arith.constant 0 : i32
      %dma_wait3A_46 = arith.constant 0 : i32
      %dma_wait3A_47 = tpu.memref_slice %arg6[%dma_wait3A_45, %dma_wait3A_46] : memref<10240x32xf32, #tpu.memory_space<vmem_shared>> -> memref<10240x32xf32, #tpu.memory_space<vmem_shared>>
      tpu.wait_indirect_dma semaphore(%run_scoped3A_31 : memref<!tpu.dma_semaphore, #tpu.memory_space<semaphore_mem>>) src(%dma_wait3A_41 : memref<128x32xf32, #tpu.memory_space<vmem>>) dst(%dma_wait3A_47 : memref<10240x32xf32, #tpu.memory_space<vmem_shared>>)
      tpu.yield
    }) : () -> ()
    %run_scoped3A_20 = arith.constant 14 : i32
    "tpu.region"() ({
      %run_scoped3A_31 = tpu.sem_alloc : memref<!tpu.dma_semaphore, #tpu.memory_space<semaphore_mem>>
      %dma_start3A = arith.constant 1792 : i32
      %dma_start3A_32 = arith.constant 0 : i32
      %dma_start3A_33 = tpu.memref_slice %arg8[%dma_start3A, %dma_start3A_32] : memref<2560x32xf32, #tpu.memory_space<vmem>> -> memref<128x32xf32, #tpu.memory_space<vmem>>
      %dma_start3A_34 = arith.constant 0 : i32
      %dma_start3A_35 = tpu.memref_slice %arg7[%run_scoped3A_20, %dma_start3A_34] : memref<20x128xi32, #tpu.memory_space<vmem>> -> memref<1x128xi32, #tpu.memory_space<vmem>>
      %dma_start3A_36 = tpu.memref_squeeze %dma_start3A_35 : memref<1x128xi32, #tpu.memory_space<vmem>> -> memref<128xi32, #tpu.memory_space<vmem>>
      %dma_start3A_37 = arith.constant 0 : i32
      %dma_start3A_38 = arith.constant 0 : i32
      %dma_start3A_39 = tpu.memref_slice %arg6[%dma_start3A_37, %dma_start3A_38] : memref<10240x32xf32, #tpu.memory_space<vmem_shared>> -> memref<10240x32xf32, #tpu.memory_space<vmem_shared>>
      tpu.enqueue_indirect_dma source(%dma_start3A_33 : memref<128x32xf32, #tpu.memory_space<vmem>>) target(%dma_start3A_39 : memref<10240x32xf32, #tpu.memory_space<vmem_shared>>) offsets(%dma_start3A_36 : memref<128xi32, #tpu.memory_space<vmem>>) semaphore(%run_scoped3A_31 : memref<!tpu.dma_semaphore, #tpu.memory_space<semaphore_mem>>) {add = true}
      %dma_wait3A = arith.constant 1792 : i32
      %dma_wait3A_40 = arith.constant 0 : i32
      %dma_wait3A_41 = tpu.memref_slice %arg8[%dma_wait3A, %dma_wait3A_40] : memref<2560x32xf32, #tpu.memory_space<vmem>> -> memref<128x32xf32, #tpu.memory_space<vmem>>
      %dma_wait3A_42 = arith.constant 0 : i32
      %dma_wait3A_43 = tpu.memref_slice %arg7[%run_scoped3A_20, %dma_wait3A_42] : memref<20x128xi32, #tpu.memory_space<vmem>> -> memref<1x128xi32, #tpu.memory_space<vmem>>
      %dma_wait3A_44 = tpu.memref_squeeze %dma_wait3A_43 : memref<1x128xi32, #tpu.memory_space<vmem>> -> memref<128xi32, #tpu.memory_space<vmem>>
      %dma_wait3A_45 = arith.constant 0 : i32
      %dma_wait3A_46 = arith.constant 0 : i32
      %dma_wait3A_47 = tpu.memref_slice %arg6[%dma_wait3A_45, %dma_wait3A_46] : memref<10240x32xf32, #tpu.memory_space<vmem_shared>> -> memref<10240x32xf32, #tpu.memory_space<vmem_shared>>
      tpu.wait_indirect_dma semaphore(%run_scoped3A_31 : memref<!tpu.dma_semaphore, #tpu.memory_space<semaphore_mem>>) src(%dma_wait3A_41 : memref<128x32xf32, #tpu.memory_space<vmem>>) dst(%dma_wait3A_47 : memref<10240x32xf32, #tpu.memory_space<vmem_shared>>)
      tpu.yield
    }) : () -> ()
    %run_scoped3A_21 = arith.constant 15 : i32
    "tpu.region"() ({
      %run_scoped3A_31 = tpu.sem_alloc : memref<!tpu.dma_semaphore, #tpu.memory_space<semaphore_mem>>
      %dma_start3A = arith.constant 1920 : i32
      %dma_start3A_32 = arith.constant 0 : i32
      %dma_start3A_33 = tpu.memref_slice %arg8[%dma_start3A, %dma_start3A_32] : memref<2560x32xf32, #tpu.memory_space<vmem>> -> memref<128x32xf32, #tpu.memory_space<vmem>>
      %dma_start3A_34 = arith.constant 0 : i32
      %dma_start3A_35 = tpu.memref_slice %arg7[%run_scoped3A_21, %dma_start3A_34] : memref<20x128xi32, #tpu.memory_space<vmem>> -> memref<1x128xi32, #tpu.memory_space<vmem>>
      %dma_start3A_36 = tpu.memref_squeeze %dma_start3A_35 : memref<1x128xi32, #tpu.memory_space<vmem>> -> memref<128xi32, #tpu.memory_space<vmem>>
      %dma_start3A_37 = arith.constant 0 : i32
      %dma_start3A_38 = arith.constant 0 : i32
      %dma_start3A_39 = tpu.memref_slice %arg6[%dma_start3A_37, %dma_start3A_38] : memref<10240x32xf32, #tpu.memory_space<vmem_shared>> -> memref<10240x32xf32, #tpu.memory_space<vmem_shared>>
      tpu.enqueue_indirect_dma source(%dma_start3A_33 : memref<128x32xf32, #tpu.memory_space<vmem>>) target(%dma_start3A_39 : memref<10240x32xf32, #tpu.memory_space<vmem_shared>>) offsets(%dma_start3A_36 : memref<128xi32, #tpu.memory_space<vmem>>) semaphore(%run_scoped3A_31 : memref<!tpu.dma_semaphore, #tpu.memory_space<semaphore_mem>>) {add = true}
      %dma_wait3A = arith.constant 1920 : i32
      %dma_wait3A_40 = arith.constant 0 : i32
      %dma_wait3A_41 = tpu.memref_slice %arg8[%dma_wait3A, %dma_wait3A_40] : memref<2560x32xf32, #tpu.memory_space<vmem>> -> memref<128x32xf32, #tpu.memory_space<vmem>>
      %dma_wait3A_42 = arith.constant 0 : i32
      %dma_wait3A_43 = tpu.memref_slice %arg7[%run_scoped3A_21, %dma_wait3A_42] : memref<20x128xi32, #tpu.memory_space<vmem>> -> memref<1x128xi32, #tpu.memory_space<vmem>>
      %dma_wait3A_44 = tpu.memref_squeeze %dma_wait3A_43 : memref<1x128xi32, #tpu.memory_space<vmem>> -> memref<128xi32, #tpu.memory_space<vmem>>
      %dma_wait3A_45 = arith.constant 0 : i32
      %dma_wait3A_46 = arith.constant 0 : i32
      %dma_wait3A_47 = tpu.memref_slice %arg6[%dma_wait3A_45, %dma_wait3A_46] : memref<10240x32xf32, #tpu.memory_space<vmem_shared>> -> memref<10240x32xf32, #tpu.memory_space<vmem_shared>>
      tpu.wait_indirect_dma semaphore(%run_scoped3A_31 : memref<!tpu.dma_semaphore, #tpu.memory_space<semaphore_mem>>) src(%dma_wait3A_41 : memref<128x32xf32, #tpu.memory_space<vmem>>) dst(%dma_wait3A_47 : memref<10240x32xf32, #tpu.memory_space<vmem_shared>>)
      tpu.yield
    }) : () -> ()
    %run_scoped3A_22 = arith.constant 16 : i32
    "tpu.region"() ({
      %run_scoped3A_31 = tpu.sem_alloc : memref<!tpu.dma_semaphore, #tpu.memory_space<semaphore_mem>>
      %dma_start3A = arith.constant 2048 : i32
      %dma_start3A_32 = arith.constant 0 : i32
      %dma_start3A_33 = tpu.memref_slice %arg8[%dma_start3A, %dma_start3A_32] : memref<2560x32xf32, #tpu.memory_space<vmem>> -> memref<128x32xf32, #tpu.memory_space<vmem>>
      %dma_start3A_34 = arith.constant 0 : i32
      %dma_start3A_35 = tpu.memref_slice %arg7[%run_scoped3A_22, %dma_start3A_34] : memref<20x128xi32, #tpu.memory_space<vmem>> -> memref<1x128xi32, #tpu.memory_space<vmem>>
      %dma_start3A_36 = tpu.memref_squeeze %dma_start3A_35 : memref<1x128xi32, #tpu.memory_space<vmem>> -> memref<128xi32, #tpu.memory_space<vmem>>
      %dma_start3A_37 = arith.constant 0 : i32
      %dma_start3A_38 = arith.constant 0 : i32
      %dma_start3A_39 = tpu.memref_slice %arg6[%dma_start3A_37, %dma_start3A_38] : memref<10240x32xf32, #tpu.memory_space<vmem_shared>> -> memref<10240x32xf32, #tpu.memory_space<vmem_shared>>
      tpu.enqueue_indirect_dma source(%dma_start3A_33 : memref<128x32xf32, #tpu.memory_space<vmem>>) target(%dma_start3A_39 : memref<10240x32xf32, #tpu.memory_space<vmem_shared>>) offsets(%dma_start3A_36 : memref<128xi32, #tpu.memory_space<vmem>>) semaphore(%run_scoped3A_31 : memref<!tpu.dma_semaphore, #tpu.memory_space<semaphore_mem>>) {add = true}
      %dma_wait3A = arith.constant 2048 : i32
      %dma_wait3A_40 = arith.constant 0 : i32
      %dma_wait3A_41 = tpu.memref_slice %arg8[%dma_wait3A, %dma_wait3A_40] : memref<2560x32xf32, #tpu.memory_space<vmem>> -> memref<128x32xf32, #tpu.memory_space<vmem>>
      %dma_wait3A_42 = arith.constant 0 : i32
      %dma_wait3A_43 = tpu.memref_slice %arg7[%run_scoped3A_22, %dma_wait3A_42] : memref<20x128xi32, #tpu.memory_space<vmem>> -> memref<1x128xi32, #tpu.memory_space<vmem>>
      %dma_wait3A_44 = tpu.memref_squeeze %dma_wait3A_43 : memref<1x128xi32, #tpu.memory_space<vmem>> -> memref<128xi32, #tpu.memory_space<vmem>>
      %dma_wait3A_45 = arith.constant 0 : i32
      %dma_wait3A_46 = arith.constant 0 : i32
      %dma_wait3A_47 = tpu.memref_slice %arg6[%dma_wait3A_45, %dma_wait3A_46] : memref<10240x32xf32, #tpu.memory_space<vmem_shared>> -> memref<10240x32xf32, #tpu.memory_space<vmem_shared>>
      tpu.wait_indirect_dma semaphore(%run_scoped3A_31 : memref<!tpu.dma_semaphore, #tpu.memory_space<semaphore_mem>>) src(%dma_wait3A_41 : memref<128x32xf32, #tpu.memory_space<vmem>>) dst(%dma_wait3A_47 : memref<10240x32xf32, #tpu.memory_space<vmem_shared>>)
      tpu.yield
    }) : () -> ()
    %run_scoped3A_23 = arith.constant 17 : i32
    "tpu.region"() ({
      %run_scoped3A_31 = tpu.sem_alloc : memref<!tpu.dma_semaphore, #tpu.memory_space<semaphore_mem>>
      %dma_start3A = arith.constant 2176 : i32
      %dma_start3A_32 = arith.constant 0 : i32
      %dma_start3A_33 = tpu.memref_slice %arg8[%dma_start3A, %dma_start3A_32] : memref<2560x32xf32, #tpu.memory_space<vmem>> -> memref<128x32xf32, #tpu.memory_space<vmem>>
      %dma_start3A_34 = arith.constant 0 : i32
      %dma_start3A_35 = tpu.memref_slice %arg7[%run_scoped3A_23, %dma_start3A_34] : memref<20x128xi32, #tpu.memory_space<vmem>> -> memref<1x128xi32, #tpu.memory_space<vmem>>
      %dma_start3A_36 = tpu.memref_squeeze %dma_start3A_35 : memref<1x128xi32, #tpu.memory_space<vmem>> -> memref<128xi32, #tpu.memory_space<vmem>>
      %dma_start3A_37 = arith.constant 0 : i32
      %dma_start3A_38 = arith.constant 0 : i32
      %dma_start3A_39 = tpu.memref_slice %arg6[%dma_start3A_37, %dma_start3A_38] : memref<10240x32xf32, #tpu.memory_space<vmem_shared>> -> memref<10240x32xf32, #tpu.memory_space<vmem_shared>>
      tpu.enqueue_indirect_dma source(%dma_start3A_33 : memref<128x32xf32, #tpu.memory_space<vmem>>) target(%dma_start3A_39 : memref<10240x32xf32, #tpu.memory_space<vmem_shared>>) offsets(%dma_start3A_36 : memref<128xi32, #tpu.memory_space<vmem>>) semaphore(%run_scoped3A_31 : memref<!tpu.dma_semaphore, #tpu.memory_space<semaphore_mem>>) {add = true}
      %dma_wait3A = arith.constant 2176 : i32
      %dma_wait3A_40 = arith.constant 0 : i32
      %dma_wait3A_41 = tpu.memref_slice %arg8[%dma_wait3A, %dma_wait3A_40] : memref<2560x32xf32, #tpu.memory_space<vmem>> -> memref<128x32xf32, #tpu.memory_space<vmem>>
      %dma_wait3A_42 = arith.constant 0 : i32
      %dma_wait3A_43 = tpu.memref_slice %arg7[%run_scoped3A_23, %dma_wait3A_42] : memref<20x128xi32, #tpu.memory_space<vmem>> -> memref<1x128xi32, #tpu.memory_space<vmem>>
      %dma_wait3A_44 = tpu.memref_squeeze %dma_wait3A_43 : memref<1x128xi32, #tpu.memory_space<vmem>> -> memref<128xi32, #tpu.memory_space<vmem>>
      %dma_wait3A_45 = arith.constant 0 : i32
      %dma_wait3A_46 = arith.constant 0 : i32
      %dma_wait3A_47 = tpu.memref_slice %arg6[%dma_wait3A_45, %dma_wait3A_46] : memref<10240x32xf32, #tpu.memory_space<vmem_shared>> -> memref<10240x32xf32, #tpu.memory_space<vmem_shared>>
      tpu.wait_indirect_dma semaphore(%run_scoped3A_31 : memref<!tpu.dma_semaphore, #tpu.memory_space<semaphore_mem>>) src(%dma_wait3A_41 : memref<128x32xf32, #tpu.memory_space<vmem>>) dst(%dma_wait3A_47 : memref<10240x32xf32, #tpu.memory_space<vmem_shared>>)
      tpu.yield
    }) : () -> ()
    %run_scoped3A_24 = arith.constant 18 : i32
    "tpu.region"() ({
      %run_scoped3A_31 = tpu.sem_alloc : memref<!tpu.dma_semaphore, #tpu.memory_space<semaphore_mem>>
      %dma_start3A = arith.constant 2304 : i32
      %dma_start3A_32 = arith.constant 0 : i32
      %dma_start3A_33 = tpu.memref_slice %arg8[%dma_start3A, %dma_start3A_32] : memref<2560x32xf32, #tpu.memory_space<vmem>> -> memref<128x32xf32, #tpu.memory_space<vmem>>
      %dma_start3A_34 = arith.constant 0 : i32
      %dma_start3A_35 = tpu.memref_slice %arg7[%run_scoped3A_24, %dma_start3A_34] : memref<20x128xi32, #tpu.memory_space<vmem>> -> memref<1x128xi32, #tpu.memory_space<vmem>>
      %dma_start3A_36 = tpu.memref_squeeze %dma_start3A_35 : memref<1x128xi32, #tpu.memory_space<vmem>> -> memref<128xi32, #tpu.memory_space<vmem>>
      %dma_start3A_37 = arith.constant 0 : i32
      %dma_start3A_38 = arith.constant 0 : i32
      %dma_start3A_39 = tpu.memref_slice %arg6[%dma_start3A_37, %dma_start3A_38] : memref<10240x32xf32, #tpu.memory_space<vmem_shared>> -> memref<10240x32xf32, #tpu.memory_space<vmem_shared>>
      tpu.enqueue_indirect_dma source(%dma_start3A_33 : memref<128x32xf32, #tpu.memory_space<vmem>>) target(%dma_start3A_39 : memref<10240x32xf32, #tpu.memory_space<vmem_shared>>) offsets(%dma_start3A_36 : memref<128xi32, #tpu.memory_space<vmem>>) semaphore(%run_scoped3A_31 : memref<!tpu.dma_semaphore, #tpu.memory_space<semaphore_mem>>) {add = true}
      %dma_wait3A = arith.constant 2304 : i32
      %dma_wait3A_40 = arith.constant 0 : i32
      %dma_wait3A_41 = tpu.memref_slice %arg8[%dma_wait3A, %dma_wait3A_40] : memref<2560x32xf32, #tpu.memory_space<vmem>> -> memref<128x32xf32, #tpu.memory_space<vmem>>
      %dma_wait3A_42 = arith.constant 0 : i32
      %dma_wait3A_43 = tpu.memref_slice %arg7[%run_scoped3A_24, %dma_wait3A_42] : memref<20x128xi32, #tpu.memory_space<vmem>> -> memref<1x128xi32, #tpu.memory_space<vmem>>
      %dma_wait3A_44 = tpu.memref_squeeze %dma_wait3A_43 : memref<1x128xi32, #tpu.memory_space<vmem>> -> memref<128xi32, #tpu.memory_space<vmem>>
      %dma_wait3A_45 = arith.constant 0 : i32
      %dma_wait3A_46 = arith.constant 0 : i32
      %dma_wait3A_47 = tpu.memref_slice %arg6[%dma_wait3A_45, %dma_wait3A_46] : memref<10240x32xf32, #tpu.memory_space<vmem_shared>> -> memref<10240x32xf32, #tpu.memory_space<vmem_shared>>
      tpu.wait_indirect_dma semaphore(%run_scoped3A_31 : memref<!tpu.dma_semaphore, #tpu.memory_space<semaphore_mem>>) src(%dma_wait3A_41 : memref<128x32xf32, #tpu.memory_space<vmem>>) dst(%dma_wait3A_47 : memref<10240x32xf32, #tpu.memory_space<vmem_shared>>)
      tpu.yield
    }) : () -> ()
    %run_scoped3A_25 = arith.constant 19 : i32
    "tpu.region"() ({
      %run_scoped3A_31 = tpu.sem_alloc : memref<!tpu.dma_semaphore, #tpu.memory_space<semaphore_mem>>
      %dma_start3A = arith.constant 2432 : i32
      %dma_start3A_32 = arith.constant 0 : i32
      %dma_start3A_33 = tpu.memref_slice %arg8[%dma_start3A, %dma_start3A_32] : memref<2560x32xf32, #tpu.memory_space<vmem>> -> memref<128x32xf32, #tpu.memory_space<vmem>>
      %dma_start3A_34 = arith.constant 0 : i32
      %dma_start3A_35 = tpu.memref_slice %arg7[%run_scoped3A_25, %dma_start3A_34] : memref<20x128xi32, #tpu.memory_space<vmem>> -> memref<1x128xi32, #tpu.memory_space<vmem>>
      %dma_start3A_36 = tpu.memref_squeeze %dma_start3A_35 : memref<1x128xi32, #tpu.memory_space<vmem>> -> memref<128xi32, #tpu.memory_space<vmem>>
      %dma_start3A_37 = arith.constant 0 : i32
      %dma_start3A_38 = arith.constant 0 : i32
      %dma_start3A_39 = tpu.memref_slice %arg6[%dma_start3A_37, %dma_start3A_38] : memref<10240x32xf32, #tpu.memory_space<vmem_shared>> -> memref<10240x32xf32, #tpu.memory_space<vmem_shared>>
      tpu.enqueue_indirect_dma source(%dma_start3A_33 : memref<128x32xf32, #tpu.memory_space<vmem>>) target(%dma_start3A_39 : memref<10240x32xf32, #tpu.memory_space<vmem_shared>>) offsets(%dma_start3A_36 : memref<128xi32, #tpu.memory_space<vmem>>) semaphore(%run_scoped3A_31 : memref<!tpu.dma_semaphore, #tpu.memory_space<semaphore_mem>>) {add = true}
      %dma_wait3A = arith.constant 2432 : i32
      %dma_wait3A_40 = arith.constant 0 : i32
      %dma_wait3A_41 = tpu.memref_slice %arg8[%dma_wait3A, %dma_wait3A_40] : memref<2560x32xf32, #tpu.memory_space<vmem>> -> memref<128x32xf32, #tpu.memory_space<vmem>>
      %dma_wait3A_42 = arith.constant 0 : i32
      %dma_wait3A_43 = tpu.memref_slice %arg7[%run_scoped3A_25, %dma_wait3A_42] : memref<20x128xi32, #tpu.memory_space<vmem>> -> memref<1x128xi32, #tpu.memory_space<vmem>>
      %dma_wait3A_44 = tpu.memref_squeeze %dma_wait3A_43 : memref<1x128xi32, #tpu.memory_space<vmem>> -> memref<128xi32, #tpu.memory_space<vmem>>
      %dma_wait3A_45 = arith.constant 0 : i32
      %dma_wait3A_46 = arith.constant 0 : i32
      %dma_wait3A_47 = tpu.memref_slice %arg6[%dma_wait3A_45, %dma_wait3A_46] : memref<10240x32xf32, #tpu.memory_space<vmem_shared>> -> memref<10240x32xf32, #tpu.memory_space<vmem_shared>>
      tpu.wait_indirect_dma semaphore(%run_scoped3A_31 : memref<!tpu.dma_semaphore, #tpu.memory_space<semaphore_mem>>) src(%dma_wait3A_41 : memref<128x32xf32, #tpu.memory_space<vmem>>) dst(%dma_wait3A_47 : memref<10240x32xf32, #tpu.memory_space<vmem_shared>>)
      tpu.yield
    }) : () -> ()
    %barrier3A_26 = arith.constant 0 : index
    tpu.barrier barrier_id(%barrier3A_26)
    %mul3A_27 = arith.constant 640 : i32
    %mul3A_28 = arith.muli %arg1, %mul3A_27 : i32
    %mul3A_29 = arith.constant 640 : i32
    %mul3A_30 = arith.muli %arg1, %mul3A_29 : i32
    "tpu.region"() ({
      %run_scoped3A_31 = tpu.sem_alloc : memref<!tpu.dma_semaphore, #tpu.memory_space<semaphore_mem>>
      %dma_start3A = arith.constant 0 : i32
      %dma_start3A_32 = tpu.memref_slice %arg5[%arg0, %mul3A_30, %dma_start3A] : memref<2x10240x32xf32, #tpu.memory_space<hbm>> -> memref<1x640x32xf32, #tpu.memory_space<hbm>>
      %dma_start3A_33 = tpu.memref_squeeze %dma_start3A_32 : memref<1x640x32xf32, #tpu.memory_space<hbm>> -> memref<640x32xf32, #tpu.memory_space<hbm>>
      %dma_start3A_34 = arith.constant 0 : i32
      %dma_start3A_35 = tpu.memref_slice %arg6[%mul3A_28, %dma_start3A_34] : memref<10240x32xf32, #tpu.memory_space<vmem_shared>> -> memref<640x32xf32, #tpu.memory_space<vmem_shared>>
      tpu.enqueue_dma source(%dma_start3A_35 : memref<640x32xf32, #tpu.memory_space<vmem_shared>>) target(%dma_start3A_33 : memref<640x32xf32, #tpu.memory_space<hbm>>) target_semaphore(%run_scoped3A_31 : memref<!tpu.dma_semaphore, #tpu.memory_space<semaphore_mem>>)
      %dma_wait3A = arith.constant 0 : i32
      %dma_wait3A_36 = tpu.memref_slice %arg5[%arg0, %mul3A_30, %dma_wait3A] : memref<2x10240x32xf32, #tpu.memory_space<hbm>> -> memref<1x640x32xf32, #tpu.memory_space<hbm>>
      %dma_wait3A_37 = tpu.memref_squeeze %dma_wait3A_36 : memref<1x640x32xf32, #tpu.memory_space<hbm>> -> memref<640x32xf32, #tpu.memory_space<hbm>>
      %dma_wait3A_38 = arith.constant 0 : i32
      %dma_wait3A_39 = tpu.memref_slice %arg6[%mul3A_28, %dma_wait3A_38] : memref<10240x32xf32, #tpu.memory_space<vmem_shared>> -> memref<640x32xf32, #tpu.memory_space<vmem_shared>>
      tpu.wait_dma2 semaphore(%run_scoped3A_31 : memref<!tpu.dma_semaphore, #tpu.memory_space<semaphore_mem>>) src(%dma_wait3A_39 : memref<640x32xf32, #tpu.memory_space<vmem_shared>>) dst(%dma_wait3A_37 : memref<640x32xf32, #tpu.memory_space<hbm>>)
      tpu.yield
    }) : () -> ()
    return
  }
}

#map = affine_map<(d0, d1) -> (0, 0, 0)>
#map1 = affine_map<(d0, d1) -> (0, 0)>
module attributes {stable_mosaic.version = 14 : i64} {
  func.func @_scatter_body(%arg0: i32, %arg1: i32, %arg2: memref<32x20x128xi32, #tpu.memory_space<hbm>>, %arg3: memref<81920x32xf32, #tpu.memory_space<hbm>>, %arg4: memref<2x10240x32xf32, #tpu.memory_space<hbm>>, %arg5: memref<2x10240x32xf32, #tpu.memory_space<hbm>>, %arg6: memref<10240x32xf32, #tpu.memory_space<vmem_shared>>, %arg7: memref<20x128xi32, #tpu.memory_space<vmem>>, %arg8: memref<2560x32xf32, #tpu.memory_space<vmem>>, %arg9: memref<!tpu.dma_semaphore, #tpu.memory_space<semaphore_mem>>) attributes {dimension_semantics = [#tpu.dimension_semantics<core_parallel>, #tpu.dimension_semantics<subcore_parallel>], iteration_bounds = array<i64: 2, 16>, scalar_prefetch = 0 : i64, scratch_operands = 4 : i64, tpu.core_type = #tpu.core_type<sc_vector_subcore>, window_params = [{transform_indices = #map}, {transform_indices = #map1}, {transform_indices = #map}, {transform_indices = #map}]} {
    %mul3A = arith.constant 2 : i32
    %mul3A_0 = arith.muli %arg1, %mul3A : i32
    %add3A = arith.addi %mul3A_0, %arg0 : i32
    %mul3A_1 = arith.constant 640 : i32
    %mul3A_2 = arith.muli %arg1, %mul3A_1 : i32
    %mul3A_3 = arith.constant 640 : i32
    %mul3A_4 = arith.muli %arg1, %mul3A_3 : i32
    "tpu.region"() ({
      %run_scoped3A_31 = tpu.sem_alloc : memref<!tpu.dma_semaphore, #tpu.memory_space<semaphore_mem>>
      %dma_start3A = arith.constant 0 : i32
      %dma_start3A_32 = tpu.memref_slice %arg6[%mul3A_4, %dma_start3A] : memref<10240x32xf32, #tpu.memory_space<vmem_shared>> -> memref<640x32xf32, #tpu.memory_space<vmem_shared>>
      %dma_start3A_33 = arith.constant 0 : i32
      %dma_start3A_34 = tpu.memref_slice %arg4[%arg0, %mul3A_2, %dma_start3A_33] : memref<2x10240x32xf32, #tpu.memory_space<hbm>> -> memref<1x640x32xf32, #tpu.memory_space<hbm>>
      %dma_start3A_35 = tpu.memref_squeeze %dma_start3A_34 : memref<1x640x32xf32, #tpu.memory_space<hbm>> -> memref<640x32xf32, #tpu.memory_space<hbm>>
      tpu.enqueue_dma source(%dma_start3A_35 : memref<640x32xf32, #tpu.memory_space<hbm>>) target(%dma_start3A_32 : memref<640x32xf32, #tpu.memory_space<vmem_shared>>) target_semaphore(%run_scoped3A_31 : memref<!tpu.dma_semaphore, #tpu.memory_space<semaphore_mem>>)
      %dma_wait3A = arith.constant 0 : i32
      %dma_wait3A_36 = tpu.memref_slice %arg6[%mul3A_4, %dma_wait3A] : memref<10240x32xf32, #tpu.memory_space<vmem_shared>> -> memref<640x32xf32, #tpu.memory_space<vmem_shared>>
      %dma_wait3A_37 = arith.constant 0 : i32
      %dma_wait3A_38 = tpu.memref_slice %arg4[%arg0, %mul3A_2, %dma_wait3A_37] : memref<2x10240x32xf32, #tpu.memory_space<hbm>> -> memref<1x640x32xf32, #tpu.memory_space<hbm>>
      %dma_wait3A_39 = tpu.memref_squeeze %dma_wait3A_38 : memref<1x640x32xf32, #tpu.memory_space<hbm>> -> memref<640x32xf32, #tpu.memory_space<hbm>>
      tpu.wait_dma2 semaphore(%run_scoped3A_31 : memref<!tpu.dma_semaphore, #tpu.memory_space<semaphore_mem>>) src(%dma_wait3A_39 : memref<640x32xf32, #tpu.memory_space<hbm>>) dst(%dma_wait3A_36 : memref<640x32xf32, #tpu.memory_space<vmem_shared>>)
      tpu.yield
    }) : () -> ()
    %barrier3A = arith.constant 0 : index
    tpu.barrier barrier_id(%barrier3A)
    "tpu.region"() ({
      %run_scoped3A_31 = tpu.sem_alloc : memref<!tpu.dma_semaphore, #tpu.memory_space<semaphore_mem>>
      %dma_start3A = arith.constant 0 : i32
      %dma_start3A_32 = arith.constant 0 : i32
      %dma_start3A_33 = tpu.memref_slice %arg2[%add3A, %dma_start3A, %dma_start3A_32] : memref<32x20x128xi32, #tpu.memory_space<hbm>> -> memref<1x20x128xi32, #tpu.memory_space<hbm>>
      %dma_start3A_34 = tpu.memref_squeeze %dma_start3A_33 : memref<1x20x128xi32, #tpu.memory_space<hbm>> -> memref<20x128xi32, #tpu.memory_space<hbm>>
      %dma_start3A_35 = arith.constant 0 : i32
      %dma_start3A_36 = arith.constant 0 : i32
      %dma_start3A_37 = tpu.memref_slice %arg2[%add3A, %dma_start3A_35, %dma_start3A_36] : memref<32x20x128xi32, #tpu.memory_space<hbm>> -> memref<1x20x128xi32, #tpu.memory_space<hbm>>
      %dma_start3A_38 = tpu.memref_squeeze %dma_start3A_37 : memref<1x20x128xi32, #tpu.memory_space<hbm>> -> memref<20x128xi32, #tpu.memory_space<hbm>>
      tpu.enqueue_dma source(%dma_start3A_38 : memref<20x128xi32, #tpu.memory_space<hbm>>) target(%arg7 : memref<20x128xi32, #tpu.memory_space<vmem>>) target_semaphore(%run_scoped3A_31 : memref<!tpu.dma_semaphore, #tpu.memory_space<semaphore_mem>>)
      %dma_wait3A = arith.constant 0 : i32
      %dma_wait3A_39 = arith.constant 0 : i32
      %dma_wait3A_40 = tpu.memref_slice %arg2[%add3A, %dma_wait3A, %dma_wait3A_39] : memref<32x20x128xi32, #tpu.memory_space<hbm>> -> memref<1x20x128xi32, #tpu.memory_space<hbm>>
      %dma_wait3A_41 = tpu.memref_squeeze %dma_wait3A_40 : memref<1x20x128xi32, #tpu.memory_space<hbm>> -> memref<20x128xi32, #tpu.memory_space<hbm>>
      %dma_wait3A_42 = arith.constant 0 : i32
      %dma_wait3A_43 = arith.constant 0 : i32
      %dma_wait3A_44 = tpu.memref_slice %arg2[%add3A, %dma_wait3A_42, %dma_wait3A_43] : memref<32x20x128xi32, #tpu.memory_space<hbm>> -> memref<1x20x128xi32, #tpu.memory_space<hbm>>
      %dma_wait3A_45 = tpu.memref_squeeze %dma_wait3A_44 : memref<1x20x128xi32, #tpu.memory_space<hbm>> -> memref<20x128xi32, #tpu.memory_space<hbm>>
      tpu.wait_dma2 semaphore(%run_scoped3A_31 : memref<!tpu.dma_semaphore, #tpu.memory_space<semaphore_mem>>) src(%dma_wait3A_45 : memref<20x128xi32, #tpu.memory_space<hbm>>) dst(%arg7 : memref<20x128xi32, #tpu.memory_space<vmem>>)
      tpu.yield
    }) : () -> ()
    %mul3A_5 = arith.constant 2560 : i32
    %mul3A_6 = arith.muli %add3A, %mul3A_5 : i32
    "tpu.region"() ({
      %run_scoped3A_31 = tpu.sem_alloc : memref<!tpu.dma_semaphore, #tpu.memory_space<semaphore_mem>>
      %dma_start3A = arith.constant 0 : i32
      %dma_start3A_32 = tpu.memref_slice %arg3[%mul3A_6, %dma_start3A] : memref<81920x32xf32, #tpu.memory_space<hbm>> -> memref<2560x32xf32, #tpu.memory_space<hbm>>
      %dma_start3A_33 = arith.constant 0 : i32
      %dma_start3A_34 = tpu.memref_slice %arg3[%mul3A_6, %dma_start3A_33] : memref<81920x32xf32, #tpu.memory_space<hbm>> -> memref<2560x32xf32, #tpu.memory_space<hbm>>
      tpu.enqueue_dma source(%dma_start3A_34 : memref<2560x32xf32, #tpu.memory_space<hbm>>) target(%arg8 : memref<2560x32xf32, #tpu.memory_space<vmem>>) target_semaphore(%run_scoped3A_31 : memref<!tpu.dma_semaphore, #tpu.memory_space<semaphore_mem>>)
      %dma_wait3A = arith.constant 0 : i32
      %dma_wait3A_35 = tpu.memref_slice %arg3[%mul3A_6, %dma_wait3A] : memref<81920x32xf32, #tpu.memory_space<hbm>> -> memref<2560x32xf32, #tpu.memory_space<hbm>>
      %dma_wait3A_36 = arith.constant 0 : i32
      %dma_wait3A_37 = tpu.memref_slice %arg3[%mul3A_6, %dma_wait3A_36] : memref<81920x32xf32, #tpu.memory_space<hbm>> -> memref<2560x32xf32, #tpu.memory_space<hbm>>
      tpu.wait_dma2 semaphore(%run_scoped3A_31 : memref<!tpu.dma_semaphore, #tpu.memory_space<semaphore_mem>>) src(%dma_wait3A_37 : memref<2560x32xf32, #tpu.memory_space<hbm>>) dst(%arg8 : memref<2560x32xf32, #tpu.memory_space<vmem>>)
      tpu.yield
    }) : () -> ()
    %run_scoped3A = arith.constant 0 : i32
    "tpu.region"() ({
      %run_scoped3A_31 = tpu.sem_alloc : memref<!tpu.dma_semaphore, #tpu.memory_space<semaphore_mem>>
      %dma_start3A = arith.constant 0 : i32
      %dma_start3A_32 = arith.constant 0 : i32
      %dma_start3A_33 = tpu.memref_slice %arg8[%dma_start3A, %dma_start3A_32] : memref<2560x32xf32, #tpu.memory_space<vmem>> -> memref<128x32xf32, #tpu.memory_space<vmem>>
      %dma_start3A_34 = arith.constant 0 : i32
      %dma_start3A_35 = tpu.memref_slice %arg7[%run_scoped3A, %dma_start3A_34] : memref<20x128xi32, #tpu.memory_space<vmem>> -> memref<1x128xi32, #tpu.memory_space<vmem>>
      %dma_start3A_36 = tpu.memref_squeeze %dma_start3A_35 : memref<1x128xi32, #tpu.memory_space<vmem>> -> memref<128xi32, #tpu.memory_space<vmem>>
      %dma_start3A_37 = arith.constant 0 : i32
      %dma_start3A_38 = arith.constant 0 : i32
      %dma_start3A_39 = tpu.memref_slice %arg6[%dma_start3A_37, %dma_start3A_38] : memref<10240x32xf32, #tpu.memory_space<vmem_shared>> -> memref<10240x32xf32, #tpu.memory_space<vmem_shared>>
      tpu.enqueue_indirect_dma source(%dma_start3A_33 : memref<128x32xf32, #tpu.memory_space<vmem>>) target(%dma_start3A_39 : memref<10240x32xf32, #tpu.memory_space<vmem_shared>>) offsets(%dma_start3A_36 : memref<128xi32, #tpu.memory_space<vmem>>) semaphore(%run_scoped3A_31 : memref<!tpu.dma_semaphore, #tpu.memory_space<semaphore_mem>>) {add = true}
      %dma_wait3A = arith.constant 0 : i32
      %dma_wait3A_40 = arith.constant 0 : i32
      %dma_wait3A_41 = tpu.memref_slice %arg8[%dma_wait3A, %dma_wait3A_40] : memref<2560x32xf32, #tpu.memory_space<vmem>> -> memref<128x32xf32, #tpu.memory_space<vmem>>
      %dma_wait3A_42 = arith.constant 0 : i32
      %dma_wait3A_43 = tpu.memref_slice %arg7[%run_scoped3A, %dma_wait3A_42] : memref<20x128xi32, #tpu.memory_space<vmem>> -> memref<1x128xi32, #tpu.memory_space<vmem>>
      %dma_wait3A_44 = tpu.memref_squeeze %dma_wait3A_43 : memref<1x128xi32, #tpu.memory_space<vmem>> -> memref<128xi32, #tpu.memory_space<vmem>>
      %dma_wait3A_45 = arith.constant 0 : i32
      %dma_wait3A_46 = arith.constant 0 : i32
      %dma_wait3A_47 = tpu.memref_slice %arg6[%dma_wait3A_45, %dma_wait3A_46] : memref<10240x32xf32, #tpu.memory_space<vmem_shared>> -> memref<10240x32xf32, #tpu.memory_space<vmem_shared>>
      tpu.wait_indirect_dma semaphore(%run_scoped3A_31 : memref<!tpu.dma_semaphore, #tpu.memory_space<semaphore_mem>>) src(%dma_wait3A_41 : memref<128x32xf32, #tpu.memory_space<vmem>>) dst(%dma_wait3A_47 : memref<10240x32xf32, #tpu.memory_space<vmem_shared>>)
      tpu.yield
    }) : () -> ()
    %run_scoped3A_7 = arith.constant 1 : i32
    "tpu.region"() ({
      %run_scoped3A_31 = tpu.sem_alloc : memref<!tpu.dma_semaphore, #tpu.memory_space<semaphore_mem>>
      %dma_start3A = arith.constant 128 : i32
      %dma_start3A_32 = arith.constant 0 : i32
      %dma_start3A_33 = tpu.memref_slice %arg8[%dma_start3A, %dma_start3A_32] : memref<2560x32xf32, #tpu.memory_space<vmem>> -> memref<128x32xf32, #tpu.memory_space<vmem>>
      %dma_start3A_34 = arith.constant 0 : i32
      %dma_start3A_35 = tpu.memref_slice %arg7[%run_scoped3A_7, %dma_start3A_34] : memref<20x128xi32, #tpu.memory_space<vmem>> -> memref<1x128xi32, #tpu.memory_space<vmem>>
      %dma_start3A_36 = tpu.memref_squeeze %dma_start3A_35 : memref<1x128xi32, #tpu.memory_space<vmem>> -> memref<128xi32, #tpu.memory_space<vmem>>
      %dma_start3A_37 = arith.constant 0 : i32
      %dma_start3A_38 = arith.constant 0 : i32
      %dma_start3A_39 = tpu.memref_slice %arg6[%dma_start3A_37, %dma_start3A_38] : memref<10240x32xf32, #tpu.memory_space<vmem_shared>> -> memref<10240x32xf32, #tpu.memory_space<vmem_shared>>
      tpu.enqueue_indirect_dma source(%dma_start3A_33 : memref<128x32xf32, #tpu.memory_space<vmem>>) target(%dma_start3A_39 : memref<10240x32xf32, #tpu.memory_space<vmem_shared>>) offsets(%dma_start3A_36 : memref<128xi32, #tpu.memory_space<vmem>>) semaphore(%run_scoped3A_31 : memref<!tpu.dma_semaphore, #tpu.memory_space<semaphore_mem>>) {add = true}
      %dma_wait3A = arith.constant 128 : i32
      %dma_wait3A_40 = arith.constant 0 : i32
      %dma_wait3A_41 = tpu.memref_slice %arg8[%dma_wait3A, %dma_wait3A_40] : memref<2560x32xf32, #tpu.memory_space<vmem>> -> memref<128x32xf32, #tpu.memory_space<vmem>>
      %dma_wait3A_42 = arith.constant 0 : i32
      %dma_wait3A_43 = tpu.memref_slice %arg7[%run_scoped3A_7, %dma_wait3A_42] : memref<20x128xi32, #tpu.memory_space<vmem>> -> memref<1x128xi32, #tpu.memory_space<vmem>>
      %dma_wait3A_44 = tpu.memref_squeeze %dma_wait3A_43 : memref<1x128xi32, #tpu.memory_space<vmem>> -> memref<128xi32, #tpu.memory_space<vmem>>
      %dma_wait3A_45 = arith.constant 0 : i32
      %dma_wait3A_46 = arith.constant 0 : i32
      %dma_wait3A_47 = tpu.memref_slice %arg6[%dma_wait3A_45, %dma_wait3A_46] : memref<10240x32xf32, #tpu.memory_space<vmem_shared>> -> memref<10240x32xf32, #tpu.memory_space<vmem_shared>>
      tpu.wait_indirect_dma semaphore(%run_scoped3A_31 : memref<!tpu.dma_semaphore, #tpu.memory_space<semaphore_mem>>) src(%dma_wait3A_41 : memref<128x32xf32, #tpu.memory_space<vmem>>) dst(%dma_wait3A_47 : memref<10240x32xf32, #tpu.memory_space<vmem_shared>>)
      tpu.yield
    }) : () -> ()
    %run_scoped3A_8 = arith.constant 2 : i32
    "tpu.region"() ({
      %run_scoped3A_31 = tpu.sem_alloc : memref<!tpu.dma_semaphore, #tpu.memory_space<semaphore_mem>>
      %dma_start3A = arith.constant 256 : i32
      %dma_start3A_32 = arith.constant 0 : i32
      %dma_start3A_33 = tpu.memref_slice %arg8[%dma_start3A, %dma_start3A_32] : memref<2560x32xf32, #tpu.memory_space<vmem>> -> memref<128x32xf32, #tpu.memory_space<vmem>>
      %dma_start3A_34 = arith.constant 0 : i32
      %dma_start3A_35 = tpu.memref_slice %arg7[%run_scoped3A_8, %dma_start3A_34] : memref<20x128xi32, #tpu.memory_space<vmem>> -> memref<1x128xi32, #tpu.memory_space<vmem>>
      %dma_start3A_36 = tpu.memref_squeeze %dma_start3A_35 : memref<1x128xi32, #tpu.memory_space<vmem>> -> memref<128xi32, #tpu.memory_space<vmem>>
      %dma_start3A_37 = arith.constant 0 : i32
      %dma_start3A_38 = arith.constant 0 : i32
      %dma_start3A_39 = tpu.memref_slice %arg6[%dma_start3A_37, %dma_start3A_38] : memref<10240x32xf32, #tpu.memory_space<vmem_shared>> -> memref<10240x32xf32, #tpu.memory_space<vmem_shared>>
      tpu.enqueue_indirect_dma source(%dma_start3A_33 : memref<128x32xf32, #tpu.memory_space<vmem>>) target(%dma_start3A_39 : memref<10240x32xf32, #tpu.memory_space<vmem_shared>>) offsets(%dma_start3A_36 : memref<128xi32, #tpu.memory_space<vmem>>) semaphore(%run_scoped3A_31 : memref<!tpu.dma_semaphore, #tpu.memory_space<semaphore_mem>>) {add = true}
      %dma_wait3A = arith.constant 256 : i32
      %dma_wait3A_40 = arith.constant 0 : i32
      %dma_wait3A_41 = tpu.memref_slice %arg8[%dma_wait3A, %dma_wait3A_40] : memref<2560x32xf32, #tpu.memory_space<vmem>> -> memref<128x32xf32, #tpu.memory_space<vmem>>
      %dma_wait3A_42 = arith.constant 0 : i32
      %dma_wait3A_43 = tpu.memref_slice %arg7[%run_scoped3A_8, %dma_wait3A_42] : memref<20x128xi32, #tpu.memory_space<vmem>> -> memref<1x128xi32, #tpu.memory_space<vmem>>
      %dma_wait3A_44 = tpu.memref_squeeze %dma_wait3A_43 : memref<1x128xi32, #tpu.memory_space<vmem>> -> memref<128xi32, #tpu.memory_space<vmem>>
      %dma_wait3A_45 = arith.constant 0 : i32
      %dma_wait3A_46 = arith.constant 0 : i32
      %dma_wait3A_47 = tpu.memref_slice %arg6[%dma_wait3A_45, %dma_wait3A_46] : memref<10240x32xf32, #tpu.memory_space<vmem_shared>> -> memref<10240x32xf32, #tpu.memory_space<vmem_shared>>
      tpu.wait_indirect_dma semaphore(%run_scoped3A_31 : memref<!tpu.dma_semaphore, #tpu.memory_space<semaphore_mem>>) src(%dma_wait3A_41 : memref<128x32xf32, #tpu.memory_space<vmem>>) dst(%dma_wait3A_47 : memref<10240x32xf32, #tpu.memory_space<vmem_shared>>)
      tpu.yield
    }) : () -> ()
    %run_scoped3A_9 = arith.constant 3 : i32
    "tpu.region"() ({
      %run_scoped3A_31 = tpu.sem_alloc : memref<!tpu.dma_semaphore, #tpu.memory_space<semaphore_mem>>
      %dma_start3A = arith.constant 384 : i32
      %dma_start3A_32 = arith.constant 0 : i32
      %dma_start3A_33 = tpu.memref_slice %arg8[%dma_start3A, %dma_start3A_32] : memref<2560x32xf32, #tpu.memory_space<vmem>> -> memref<128x32xf32, #tpu.memory_space<vmem>>
      %dma_start3A_34 = arith.constant 0 : i32
      %dma_start3A_35 = tpu.memref_slice %arg7[%run_scoped3A_9, %dma_start3A_34] : memref<20x128xi32, #tpu.memory_space<vmem>> -> memref<1x128xi32, #tpu.memory_space<vmem>>
      %dma_start3A_36 = tpu.memref_squeeze %dma_start3A_35 : memref<1x128xi32, #tpu.memory_space<vmem>> -> memref<128xi32, #tpu.memory_space<vmem>>
      %dma_start3A_37 = arith.constant 0 : i32
      %dma_start3A_38 = arith.constant 0 : i32
      %dma_start3A_39 = tpu.memref_slice %arg6[%dma_start3A_37, %dma_start3A_38] : memref<10240x32xf32, #tpu.memory_space<vmem_shared>> -> memref<10240x32xf32, #tpu.memory_space<vmem_shared>>
      tpu.enqueue_indirect_dma source(%dma_start3A_33 : memref<128x32xf32, #tpu.memory_space<vmem>>) target(%dma_start3A_39 : memref<10240x32xf32, #tpu.memory_space<vmem_shared>>) offsets(%dma_start3A_36 : memref<128xi32, #tpu.memory_space<vmem>>) semaphore(%run_scoped3A_31 : memref<!tpu.dma_semaphore, #tpu.memory_space<semaphore_mem>>) {add = true}
      %dma_wait3A = arith.constant 384 : i32
      %dma_wait3A_40 = arith.constant 0 : i32
      %dma_wait3A_41 = tpu.memref_slice %arg8[%dma_wait3A, %dma_wait3A_40] : memref<2560x32xf32, #tpu.memory_space<vmem>> -> memref<128x32xf32, #tpu.memory_space<vmem>>
      %dma_wait3A_42 = arith.constant 0 : i32
      %dma_wait3A_43 = tpu.memref_slice %arg7[%run_scoped3A_9, %dma_wait3A_42] : memref<20x128xi32, #tpu.memory_space<vmem>> -> memref<1x128xi32, #tpu.memory_space<vmem>>
      %dma_wait3A_44 = tpu.memref_squeeze %dma_wait3A_43 : memref<1x128xi32, #tpu.memory_space<vmem>> -> memref<128xi32, #tpu.memory_space<vmem>>
      %dma_wait3A_45 = arith.constant 0 : i32
      %dma_wait3A_46 = arith.constant 0 : i32
      %dma_wait3A_47 = tpu.memref_slice %arg6[%dma_wait3A_45, %dma_wait3A_46] : memref<10240x32xf32, #tpu.memory_space<vmem_shared>> -> memref<10240x32xf32, #tpu.memory_space<vmem_shared>>
      tpu.wait_indirect_dma semaphore(%run_scoped3A_31 : memref<!tpu.dma_semaphore, #tpu.memory_space<semaphore_mem>>) src(%dma_wait3A_41 : memref<128x32xf32, #tpu.memory_space<vmem>>) dst(%dma_wait3A_47 : memref<10240x32xf32, #tpu.memory_space<vmem_shared>>)
      tpu.yield
    }) : () -> ()
    %run_scoped3A_10 = arith.constant 4 : i32
    "tpu.region"() ({
      %run_scoped3A_31 = tpu.sem_alloc : memref<!tpu.dma_semaphore, #tpu.memory_space<semaphore_mem>>
      %dma_start3A = arith.constant 512 : i32
      %dma_start3A_32 = arith.constant 0 : i32
      %dma_start3A_33 = tpu.memref_slice %arg8[%dma_start3A, %dma_start3A_32] : memref<2560x32xf32, #tpu.memory_space<vmem>> -> memref<128x32xf32, #tpu.memory_space<vmem>>
      %dma_start3A_34 = arith.constant 0 : i32
      %dma_start3A_35 = tpu.memref_slice %arg7[%run_scoped3A_10, %dma_start3A_34] : memref<20x128xi32, #tpu.memory_space<vmem>> -> memref<1x128xi32, #tpu.memory_space<vmem>>
      %dma_start3A_36 = tpu.memref_squeeze %dma_start3A_35 : memref<1x128xi32, #tpu.memory_space<vmem>> -> memref<128xi32, #tpu.memory_space<vmem>>
      %dma_start3A_37 = arith.constant 0 : i32
      %dma_start3A_38 = arith.constant 0 : i32
      %dma_start3A_39 = tpu.memref_slice %arg6[%dma_start3A_37, %dma_start3A_38] : memref<10240x32xf32, #tpu.memory_space<vmem_shared>> -> memref<10240x32xf32, #tpu.memory_space<vmem_shared>>
      tpu.enqueue_indirect_dma source(%dma_start3A_33 : memref<128x32xf32, #tpu.memory_space<vmem>>) target(%dma_start3A_39 : memref<10240x32xf32, #tpu.memory_space<vmem_shared>>) offsets(%dma_start3A_36 : memref<128xi32, #tpu.memory_space<vmem>>) semaphore(%run_scoped3A_31 : memref<!tpu.dma_semaphore, #tpu.memory_space<semaphore_mem>>) {add = true}
      %dma_wait3A = arith.constant 512 : i32
      %dma_wait3A_40 = arith.constant 0 : i32
      %dma_wait3A_41 = tpu.memref_slice %arg8[%dma_wait3A, %dma_wait3A_40] : memref<2560x32xf32, #tpu.memory_space<vmem>> -> memref<128x32xf32, #tpu.memory_space<vmem>>
      %dma_wait3A_42 = arith.constant 0 : i32
      %dma_wait3A_43 = tpu.memref_slice %arg7[%run_scoped3A_10, %dma_wait3A_42] : memref<20x128xi32, #tpu.memory_space<vmem>> -> memref<1x128xi32, #tpu.memory_space<vmem>>
      %dma_wait3A_44 = tpu.memref_squeeze %dma_wait3A_43 : memref<1x128xi32, #tpu.memory_space<vmem>> -> memref<128xi32, #tpu.memory_space<vmem>>
      %dma_wait3A_45 = arith.constant 0 : i32
      %dma_wait3A_46 = arith.constant 0 : i32
      %dma_wait3A_47 = tpu.memref_slice %arg6[%dma_wait3A_45, %dma_wait3A_46] : memref<10240x32xf32, #tpu.memory_space<vmem_shared>> -> memref<10240x32xf32, #tpu.memory_space<vmem_shared>>
      tpu.wait_indirect_dma semaphore(%run_scoped3A_31 : memref<!tpu.dma_semaphore, #tpu.memory_space<semaphore_mem>>) src(%dma_wait3A_41 : memref<128x32xf32, #tpu.memory_space<vmem>>) dst(%dma_wait3A_47 : memref<10240x32xf32, #tpu.memory_space<vmem_shared>>)
      tpu.yield
    }) : () -> ()
    %run_scoped3A_11 = arith.constant 5 : i32
    "tpu.region"() ({
      %run_scoped3A_31 = tpu.sem_alloc : memref<!tpu.dma_semaphore, #tpu.memory_space<semaphore_mem>>
      %dma_start3A = arith.constant 640 : i32
      %dma_start3A_32 = arith.constant 0 : i32
      %dma_start3A_33 = tpu.memref_slice %arg8[%dma_start3A, %dma_start3A_32] : memref<2560x32xf32, #tpu.memory_space<vmem>> -> memref<128x32xf32, #tpu.memory_space<vmem>>
      %dma_start3A_34 = arith.constant 0 : i32
      %dma_start3A_35 = tpu.memref_slice %arg7[%run_scoped3A_11, %dma_start3A_34] : memref<20x128xi32, #tpu.memory_space<vmem>> -> memref<1x128xi32, #tpu.memory_space<vmem>>
      %dma_start3A_36 = tpu.memref_squeeze %dma_start3A_35 : memref<1x128xi32, #tpu.memory_space<vmem>> -> memref<128xi32, #tpu.memory_space<vmem>>
      %dma_start3A_37 = arith.constant 0 : i32
      %dma_start3A_38 = arith.constant 0 : i32
      %dma_start3A_39 = tpu.memref_slice %arg6[%dma_start3A_37, %dma_start3A_38] : memref<10240x32xf32, #tpu.memory_space<vmem_shared>> -> memref<10240x32xf32, #tpu.memory_space<vmem_shared>>
      tpu.enqueue_indirect_dma source(%dma_start3A_33 : memref<128x32xf32, #tpu.memory_space<vmem>>) target(%dma_start3A_39 : memref<10240x32xf32, #tpu.memory_space<vmem_shared>>) offsets(%dma_start3A_36 : memref<128xi32, #tpu.memory_space<vmem>>) semaphore(%run_scoped3A_31 : memref<!tpu.dma_semaphore, #tpu.memory_space<semaphore_mem>>) {add = true}
      %dma_wait3A = arith.constant 640 : i32
      %dma_wait3A_40 = arith.constant 0 : i32
      %dma_wait3A_41 = tpu.memref_slice %arg8[%dma_wait3A, %dma_wait3A_40] : memref<2560x32xf32, #tpu.memory_space<vmem>> -> memref<128x32xf32, #tpu.memory_space<vmem>>
      %dma_wait3A_42 = arith.constant 0 : i32
      %dma_wait3A_43 = tpu.memref_slice %arg7[%run_scoped3A_11, %dma_wait3A_42] : memref<20x128xi32, #tpu.memory_space<vmem>> -> memref<1x128xi32, #tpu.memory_space<vmem>>
      %dma_wait3A_44 = tpu.memref_squeeze %dma_wait3A_43 : memref<1x128xi32, #tpu.memory_space<vmem>> -> memref<128xi32, #tpu.memory_space<vmem>>
      %dma_wait3A_45 = arith.constant 0 : i32
      %dma_wait3A_46 = arith.constant 0 : i32
      %dma_wait3A_47 = tpu.memref_slice %arg6[%dma_wait3A_45, %dma_wait3A_46] : memref<10240x32xf32, #tpu.memory_space<vmem_shared>> -> memref<10240x32xf32, #tpu.memory_space<vmem_shared>>
      tpu.wait_indirect_dma semaphore(%run_scoped3A_31 : memref<!tpu.dma_semaphore, #tpu.memory_space<semaphore_mem>>) src(%dma_wait3A_41 : memref<128x32xf32, #tpu.memory_space<vmem>>) dst(%dma_wait3A_47 : memref<10240x32xf32, #tpu.memory_space<vmem_shared>>)
      tpu.yield
    }) : () -> ()
    %run_scoped3A_12 = arith.constant 6 : i32
    "tpu.region"() ({
      %run_scoped3A_31 = tpu.sem_alloc : memref<!tpu.dma_semaphore, #tpu.memory_space<semaphore_mem>>
      %dma_start3A = arith.constant 768 : i32
      %dma_start3A_32 = arith.constant 0 : i32
      %dma_start3A_33 = tpu.memref_slice %arg8[%dma_start3A, %dma_start3A_32] : memref<2560x32xf32, #tpu.memory_space<vmem>> -> memref<128x32xf32, #tpu.memory_space<vmem>>
      %dma_start3A_34 = arith.constant 0 : i32
      %dma_start3A_35 = tpu.memref_slice %arg7[%run_scoped3A_12, %dma_start3A_34] : memref<20x128xi32, #tpu.memory_space<vmem>> -> memref<1x128xi32, #tpu.memory_space<vmem>>
      %dma_start3A_36 = tpu.memref_squeeze %dma_start3A_35 : memref<1x128xi32, #tpu.memory_space<vmem>> -> memref<128xi32, #tpu.memory_space<vmem>>
      %dma_start3A_37 = arith.constant 0 : i32
      %dma_start3A_38 = arith.constant 0 : i32
      %dma_start3A_39 = tpu.memref_slice %arg6[%dma_start3A_37, %dma_start3A_38] : memref<10240x32xf32, #tpu.memory_space<vmem_shared>> -> memref<10240x32xf32, #tpu.memory_space<vmem_shared>>
      tpu.enqueue_indirect_dma source(%dma_start3A_33 : memref<128x32xf32, #tpu.memory_space<vmem>>) target(%dma_start3A_39 : memref<10240x32xf32, #tpu.memory_space<vmem_shared>>) offsets(%dma_start3A_36 : memref<128xi32, #tpu.memory_space<vmem>>) semaphore(%run_scoped3A_31 : memref<!tpu.dma_semaphore, #tpu.memory_space<semaphore_mem>>) {add = true}
      %dma_wait3A = arith.constant 768 : i32
      %dma_wait3A_40 = arith.constant 0 : i32
      %dma_wait3A_41 = tpu.memref_slice %arg8[%dma_wait3A, %dma_wait3A_40] : memref<2560x32xf32, #tpu.memory_space<vmem>> -> memref<128x32xf32, #tpu.memory_space<vmem>>
      %dma_wait3A_42 = arith.constant 0 : i32
      %dma_wait3A_43 = tpu.memref_slice %arg7[%run_scoped3A_12, %dma_wait3A_42] : memref<20x128xi32, #tpu.memory_space<vmem>> -> memref<1x128xi32, #tpu.memory_space<vmem>>
      %dma_wait3A_44 = tpu.memref_squeeze %dma_wait3A_43 : memref<1x128xi32, #tpu.memory_space<vmem>> -> memref<128xi32, #tpu.memory_space<vmem>>
      %dma_wait3A_45 = arith.constant 0 : i32
      %dma_wait3A_46 = arith.constant 0 : i32
      %dma_wait3A_47 = tpu.memref_slice %arg6[%dma_wait3A_45, %dma_wait3A_46] : memref<10240x32xf32, #tpu.memory_space<vmem_shared>> -> memref<10240x32xf32, #tpu.memory_space<vmem_shared>>
      tpu.wait_indirect_dma semaphore(%run_scoped3A_31 : memref<!tpu.dma_semaphore, #tpu.memory_space<semaphore_mem>>) src(%dma_wait3A_41 : memref<128x32xf32, #tpu.memory_space<vmem>>) dst(%dma_wait3A_47 : memref<10240x32xf32, #tpu.memory_space<vmem_shared>>)
      tpu.yield
    }) : () -> ()
    %run_scoped3A_13 = arith.constant 7 : i32
    "tpu.region"() ({
      %run_scoped3A_31 = tpu.sem_alloc : memref<!tpu.dma_semaphore, #tpu.memory_space<semaphore_mem>>
      %dma_start3A = arith.constant 896 : i32
      %dma_start3A_32 = arith.constant 0 : i32
      %dma_start3A_33 = tpu.memref_slice %arg8[%dma_start3A, %dma_start3A_32] : memref<2560x32xf32, #tpu.memory_space<vmem>> -> memref<128x32xf32, #tpu.memory_space<vmem>>
      %dma_start3A_34 = arith.constant 0 : i32
      %dma_start3A_35 = tpu.memref_slice %arg7[%run_scoped3A_13, %dma_start3A_34] : memref<20x128xi32, #tpu.memory_space<vmem>> -> memref<1x128xi32, #tpu.memory_space<vmem>>
      %dma_start3A_36 = tpu.memref_squeeze %dma_start3A_35 : memref<1x128xi32, #tpu.memory_space<vmem>> -> memref<128xi32, #tpu.memory_space<vmem>>
      %dma_start3A_37 = arith.constant 0 : i32
      %dma_start3A_38 = arith.constant 0 : i32
      %dma_start3A_39 = tpu.memref_slice %arg6[%dma_start3A_37, %dma_start3A_38] : memref<10240x32xf32, #tpu.memory_space<vmem_shared>> -> memref<10240x32xf32, #tpu.memory_space<vmem_shared>>
      tpu.enqueue_indirect_dma source(%dma_start3A_33 : memref<128x32xf32, #tpu.memory_space<vmem>>) target(%dma_start3A_39 : memref<10240x32xf32, #tpu.memory_space<vmem_shared>>) offsets(%dma_start3A_36 : memref<128xi32, #tpu.memory_space<vmem>>) semaphore(%run_scoped3A_31 : memref<!tpu.dma_semaphore, #tpu.memory_space<semaphore_mem>>) {add = true}
      %dma_wait3A = arith.constant 896 : i32
      %dma_wait3A_40 = arith.constant 0 : i32
      %dma_wait3A_41 = tpu.memref_slice %arg8[%dma_wait3A, %dma_wait3A_40] : memref<2560x32xf32, #tpu.memory_space<vmem>> -> memref<128x32xf32, #tpu.memory_space<vmem>>
      %dma_wait3A_42 = arith.constant 0 : i32
      %dma_wait3A_43 = tpu.memref_slice %arg7[%run_scoped3A_13, %dma_wait3A_42] : memref<20x128xi32, #tpu.memory_space<vmem>> -> memref<1x128xi32, #tpu.memory_space<vmem>>
      %dma_wait3A_44 = tpu.memref_squeeze %dma_wait3A_43 : memref<1x128xi32, #tpu.memory_space<vmem>> -> memref<128xi32, #tpu.memory_space<vmem>>
      %dma_wait3A_45 = arith.constant 0 : i32
      %dma_wait3A_46 = arith.constant 0 : i32
      %dma_wait3A_47 = tpu.memref_slice %arg6[%dma_wait3A_45, %dma_wait3A_46] : memref<10240x32xf32, #tpu.memory_space<vmem_shared>> -> memref<10240x32xf32, #tpu.memory_space<vmem_shared>>
      tpu.wait_indirect_dma semaphore(%run_scoped3A_31 : memref<!tpu.dma_semaphore, #tpu.memory_space<semaphore_mem>>) src(%dma_wait3A_41 : memref<128x32xf32, #tpu.memory_space<vmem>>) dst(%dma_wait3A_47 : memref<10240x32xf32, #tpu.memory_space<vmem_shared>>)
      tpu.yield
    }) : () -> ()
    %run_scoped3A_14 = arith.constant 8 : i32
    "tpu.region"() ({
      %run_scoped3A_31 = tpu.sem_alloc : memref<!tpu.dma_semaphore, #tpu.memory_space<semaphore_mem>>
      %dma_start3A = arith.constant 1024 : i32
      %dma_start3A_32 = arith.constant 0 : i32
      %dma_start3A_33 = tpu.memref_slice %arg8[%dma_start3A, %dma_start3A_32] : memref<2560x32xf32, #tpu.memory_space<vmem>> -> memref<128x32xf32, #tpu.memory_space<vmem>>
      %dma_start3A_34 = arith.constant 0 : i32
      %dma_start3A_35 = tpu.memref_slice %arg7[%run_scoped3A_14, %dma_start3A_34] : memref<20x128xi32, #tpu.memory_space<vmem>> -> memref<1x128xi32, #tpu.memory_space<vmem>>
      %dma_start3A_36 = tpu.memref_squeeze %dma_start3A_35 : memref<1x128xi32, #tpu.memory_space<vmem>> -> memref<128xi32, #tpu.memory_space<vmem>>
      %dma_start3A_37 = arith.constant 0 : i32
      %dma_start3A_38 = arith.constant 0 : i32
      %dma_start3A_39 = tpu.memref_slice %arg6[%dma_start3A_37, %dma_start3A_38] : memref<10240x32xf32, #tpu.memory_space<vmem_shared>> -> memref<10240x32xf32, #tpu.memory_space<vmem_shared>>
      tpu.enqueue_indirect_dma source(%dma_start3A_33 : memref<128x32xf32, #tpu.memory_space<vmem>>) target(%dma_start3A_39 : memref<10240x32xf32, #tpu.memory_space<vmem_shared>>) offsets(%dma_start3A_36 : memref<128xi32, #tpu.memory_space<vmem>>) semaphore(%run_scoped3A_31 : memref<!tpu.dma_semaphore, #tpu.memory_space<semaphore_mem>>) {add = true}
      %dma_wait3A = arith.constant 1024 : i32
      %dma_wait3A_40 = arith.constant 0 : i32
      %dma_wait3A_41 = tpu.memref_slice %arg8[%dma_wait3A, %dma_wait3A_40] : memref<2560x32xf32, #tpu.memory_space<vmem>> -> memref<128x32xf32, #tpu.memory_space<vmem>>
      %dma_wait3A_42 = arith.constant 0 : i32
      %dma_wait3A_43 = tpu.memref_slice %arg7[%run_scoped3A_14, %dma_wait3A_42] : memref<20x128xi32, #tpu.memory_space<vmem>> -> memref<1x128xi32, #tpu.memory_space<vmem>>
      %dma_wait3A_44 = tpu.memref_squeeze %dma_wait3A_43 : memref<1x128xi32, #tpu.memory_space<vmem>> -> memref<128xi32, #tpu.memory_space<vmem>>
      %dma_wait3A_45 = arith.constant 0 : i32
      %dma_wait3A_46 = arith.constant 0 : i32
      %dma_wait3A_47 = tpu.memref_slice %arg6[%dma_wait3A_45, %dma_wait3A_46] : memref<10240x32xf32, #tpu.memory_space<vmem_shared>> -> memref<10240x32xf32, #tpu.memory_space<vmem_shared>>
      tpu.wait_indirect_dma semaphore(%run_scoped3A_31 : memref<!tpu.dma_semaphore, #tpu.memory_space<semaphore_mem>>) src(%dma_wait3A_41 : memref<128x32xf32, #tpu.memory_space<vmem>>) dst(%dma_wait3A_47 : memref<10240x32xf32, #tpu.memory_space<vmem_shared>>)
      tpu.yield
    }) : () -> ()
    %run_scoped3A_15 = arith.constant 9 : i32
    "tpu.region"() ({
      %run_scoped3A_31 = tpu.sem_alloc : memref<!tpu.dma_semaphore, #tpu.memory_space<semaphore_mem>>
      %dma_start3A = arith.constant 1152 : i32
      %dma_start3A_32 = arith.constant 0 : i32
      %dma_start3A_33 = tpu.memref_slice %arg8[%dma_start3A, %dma_start3A_32] : memref<2560x32xf32, #tpu.memory_space<vmem>> -> memref<128x32xf32, #tpu.memory_space<vmem>>
      %dma_start3A_34 = arith.constant 0 : i32
      %dma_start3A_35 = tpu.memref_slice %arg7[%run_scoped3A_15, %dma_start3A_34] : memref<20x128xi32, #tpu.memory_space<vmem>> -> memref<1x128xi32, #tpu.memory_space<vmem>>
      %dma_start3A_36 = tpu.memref_squeeze %dma_start3A_35 : memref<1x128xi32, #tpu.memory_space<vmem>> -> memref<128xi32, #tpu.memory_space<vmem>>
      %dma_start3A_37 = arith.constant 0 : i32
      %dma_start3A_38 = arith.constant 0 : i32
      %dma_start3A_39 = tpu.memref_slice %arg6[%dma_start3A_37, %dma_start3A_38] : memref<10240x32xf32, #tpu.memory_space<vmem_shared>> -> memref<10240x32xf32, #tpu.memory_space<vmem_shared>>
      tpu.enqueue_indirect_dma source(%dma_start3A_33 : memref<128x32xf32, #tpu.memory_space<vmem>>) target(%dma_start3A_39 : memref<10240x32xf32, #tpu.memory_space<vmem_shared>>) offsets(%dma_start3A_36 : memref<128xi32, #tpu.memory_space<vmem>>) semaphore(%run_scoped3A_31 : memref<!tpu.dma_semaphore, #tpu.memory_space<semaphore_mem>>) {add = true}
      %dma_wait3A = arith.constant 1152 : i32
      %dma_wait3A_40 = arith.constant 0 : i32
      %dma_wait3A_41 = tpu.memref_slice %arg8[%dma_wait3A, %dma_wait3A_40] : memref<2560x32xf32, #tpu.memory_space<vmem>> -> memref<128x32xf32, #tpu.memory_space<vmem>>
      %dma_wait3A_42 = arith.constant 0 : i32
      %dma_wait3A_43 = tpu.memref_slice %arg7[%run_scoped3A_15, %dma_wait3A_42] : memref<20x128xi32, #tpu.memory_space<vmem>> -> memref<1x128xi32, #tpu.memory_space<vmem>>
      %dma_wait3A_44 = tpu.memref_squeeze %dma_wait3A_43 : memref<1x128xi32, #tpu.memory_space<vmem>> -> memref<128xi32, #tpu.memory_space<vmem>>
      %dma_wait3A_45 = arith.constant 0 : i32
      %dma_wait3A_46 = arith.constant 0 : i32
      %dma_wait3A_47 = tpu.memref_slice %arg6[%dma_wait3A_45, %dma_wait3A_46] : memref<10240x32xf32, #tpu.memory_space<vmem_shared>> -> memref<10240x32xf32, #tpu.memory_space<vmem_shared>>
      tpu.wait_indirect_dma semaphore(%run_scoped3A_31 : memref<!tpu.dma_semaphore, #tpu.memory_space<semaphore_mem>>) src(%dma_wait3A_41 : memref<128x32xf32, #tpu.memory_space<vmem>>) dst(%dma_wait3A_47 : memref<10240x32xf32, #tpu.memory_space<vmem_shared>>)
      tpu.yield
    }) : () -> ()
    %run_scoped3A_16 = arith.constant 10 : i32
    "tpu.region"() ({
      %run_scoped3A_31 = tpu.sem_alloc : memref<!tpu.dma_semaphore, #tpu.memory_space<semaphore_mem>>
      %dma_start3A = arith.constant 1280 : i32
      %dma_start3A_32 = arith.constant 0 : i32
      %dma_start3A_33 = tpu.memref_slice %arg8[%dma_start3A, %dma_start3A_32] : memref<2560x32xf32, #tpu.memory_space<vmem>> -> memref<128x32xf32, #tpu.memory_space<vmem>>
      %dma_start3A_34 = arith.constant 0 : i32
      %dma_start3A_35 = tpu.memref_slice %arg7[%run_scoped3A_16, %dma_start3A_34] : memref<20x128xi32, #tpu.memory_space<vmem>> -> memref<1x128xi32, #tpu.memory_space<vmem>>
      %dma_start3A_36 = tpu.memref_squeeze %dma_start3A_35 : memref<1x128xi32, #tpu.memory_space<vmem>> -> memref<128xi32, #tpu.memory_space<vmem>>
      %dma_start3A_37 = arith.constant 0 : i32
      %dma_start3A_38 = arith.constant 0 : i32
      %dma_start3A_39 = tpu.memref_slice %arg6[%dma_start3A_37, %dma_start3A_38] : memref<10240x32xf32, #tpu.memory_space<vmem_shared>> -> memref<10240x32xf32, #tpu.memory_space<vmem_shared>>
      tpu.enqueue_indirect_dma source(%dma_start3A_33 : memref<128x32xf32, #tpu.memory_space<vmem>>) target(%dma_start3A_39 : memref<10240x32xf32, #tpu.memory_space<vmem_shared>>) offsets(%dma_start3A_36 : memref<128xi32, #tpu.memory_space<vmem>>) semaphore(%run_scoped3A_31 : memref<!tpu.dma_semaphore, #tpu.memory_space<semaphore_mem>>) {add = true}
      %dma_wait3A = arith.constant 1280 : i32
      %dma_wait3A_40 = arith.constant 0 : i32
      %dma_wait3A_41 = tpu.memref_slice %arg8[%dma_wait3A, %dma_wait3A_40] : memref<2560x32xf32, #tpu.memory_space<vmem>> -> memref<128x32xf32, #tpu.memory_space<vmem>>
      %dma_wait3A_42 = arith.constant 0 : i32
      %dma_wait3A_43 = tpu.memref_slice %arg7[%run_scoped3A_16, %dma_wait3A_42] : memref<20x128xi32, #tpu.memory_space<vmem>> -> memref<1x128xi32, #tpu.memory_space<vmem>>
      %dma_wait3A_44 = tpu.memref_squeeze %dma_wait3A_43 : memref<1x128xi32, #tpu.memory_space<vmem>> -> memref<128xi32, #tpu.memory_space<vmem>>
      %dma_wait3A_45 = arith.constant 0 : i32
      %dma_wait3A_46 = arith.constant 0 : i32
      %dma_wait3A_47 = tpu.memref_slice %arg6[%dma_wait3A_45, %dma_wait3A_46] : memref<10240x32xf32, #tpu.memory_space<vmem_shared>> -> memref<10240x32xf32, #tpu.memory_space<vmem_shared>>
      tpu.wait_indirect_dma semaphore(%run_scoped3A_31 : memref<!tpu.dma_semaphore, #tpu.memory_space<semaphore_mem>>) src(%dma_wait3A_41 : memref<128x32xf32, #tpu.memory_space<vmem>>) dst(%dma_wait3A_47 : memref<10240x32xf32, #tpu.memory_space<vmem_shared>>)
      tpu.yield
    }) : () -> ()
    %run_scoped3A_17 = arith.constant 11 : i32
    "tpu.region"() ({
      %run_scoped3A_31 = tpu.sem_alloc : memref<!tpu.dma_semaphore, #tpu.memory_space<semaphore_mem>>
      %dma_start3A = arith.constant 1408 : i32
      %dma_start3A_32 = arith.constant 0 : i32
      %dma_start3A_33 = tpu.memref_slice %arg8[%dma_start3A, %dma_start3A_32] : memref<2560x32xf32, #tpu.memory_space<vmem>> -> memref<128x32xf32, #tpu.memory_space<vmem>>
      %dma_start3A_34 = arith.constant 0 : i32
      %dma_start3A_35 = tpu.memref_slice %arg7[%run_scoped3A_17, %dma_start3A_34] : memref<20x128xi32, #tpu.memory_space<vmem>> -> memref<1x128xi32, #tpu.memory_space<vmem>>
      %dma_start3A_36 = tpu.memref_squeeze %dma_start3A_35 : memref<1x128xi32, #tpu.memory_space<vmem>> -> memref<128xi32, #tpu.memory_space<vmem>>
      %dma_start3A_37 = arith.constant 0 : i32
      %dma_start3A_38 = arith.constant 0 : i32
      %dma_start3A_39 = tpu.memref_slice %arg6[%dma_start3A_37, %dma_start3A_38] : memref<10240x32xf32, #tpu.memory_space<vmem_shared>> -> memref<10240x32xf32, #tpu.memory_space<vmem_shared>>
      tpu.enqueue_indirect_dma source(%dma_start3A_33 : memref<128x32xf32, #tpu.memory_space<vmem>>) target(%dma_start3A_39 : memref<10240x32xf32, #tpu.memory_space<vmem_shared>>) offsets(%dma_start3A_36 : memref<128xi32, #tpu.memory_space<vmem>>) semaphore(%run_scoped3A_31 : memref<!tpu.dma_semaphore, #tpu.memory_space<semaphore_mem>>) {add = true}
      %dma_wait3A = arith.constant 1408 : i32
      %dma_wait3A_40 = arith.constant 0 : i32
      %dma_wait3A_41 = tpu.memref_slice %arg8[%dma_wait3A, %dma_wait3A_40] : memref<2560x32xf32, #tpu.memory_space<vmem>> -> memref<128x32xf32, #tpu.memory_space<vmem>>
      %dma_wait3A_42 = arith.constant 0 : i32
      %dma_wait3A_43 = tpu.memref_slice %arg7[%run_scoped3A_17, %dma_wait3A_42] : memref<20x128xi32, #tpu.memory_space<vmem>> -> memref<1x128xi32, #tpu.memory_space<vmem>>
      %dma_wait3A_44 = tpu.memref_squeeze %dma_wait3A_43 : memref<1x128xi32, #tpu.memory_space<vmem>> -> memref<128xi32, #tpu.memory_space<vmem>>
      %dma_wait3A_45 = arith.constant 0 : i32
      %dma_wait3A_46 = arith.constant 0 : i32
      %dma_wait3A_47 = tpu.memref_slice %arg6[%dma_wait3A_45, %dma_wait3A_46] : memref<10240x32xf32, #tpu.memory_space<vmem_shared>> -> memref<10240x32xf32, #tpu.memory_space<vmem_shared>>
      tpu.wait_indirect_dma semaphore(%run_scoped3A_31 : memref<!tpu.dma_semaphore, #tpu.memory_space<semaphore_mem>>) src(%dma_wait3A_41 : memref<128x32xf32, #tpu.memory_space<vmem>>) dst(%dma_wait3A_47 : memref<10240x32xf32, #tpu.memory_space<vmem_shared>>)
      tpu.yield
    }) : () -> ()
    %run_scoped3A_18 = arith.constant 12 : i32
    "tpu.region"() ({
      %run_scoped3A_31 = tpu.sem_alloc : memref<!tpu.dma_semaphore, #tpu.memory_space<semaphore_mem>>
      %dma_start3A = arith.constant 1536 : i32
      %dma_start3A_32 = arith.constant 0 : i32
      %dma_start3A_33 = tpu.memref_slice %arg8[%dma_start3A, %dma_start3A_32] : memref<2560x32xf32, #tpu.memory_space<vmem>> -> memref<128x32xf32, #tpu.memory_space<vmem>>
      %dma_start3A_34 = arith.constant 0 : i32
      %dma_start3A_35 = tpu.memref_slice %arg7[%run_scoped3A_18, %dma_start3A_34] : memref<20x128xi32, #tpu.memory_space<vmem>> -> memref<1x128xi32, #tpu.memory_space<vmem>>
      %dma_start3A_36 = tpu.memref_squeeze %dma_start3A_35 : memref<1x128xi32, #tpu.memory_space<vmem>> -> memref<128xi32, #tpu.memory_space<vmem>>
      %dma_start3A_37 = arith.constant 0 : i32
      %dma_start3A_38 = arith.constant 0 : i32
      %dma_start3A_39 = tpu.memref_slice %arg6[%dma_start3A_37, %dma_start3A_38] : memref<10240x32xf32, #tpu.memory_space<vmem_shared>> -> memref<10240x32xf32, #tpu.memory_space<vmem_shared>>
      tpu.enqueue_indirect_dma source(%dma_start3A_33 : memref<128x32xf32, #tpu.memory_space<vmem>>) target(%dma_start3A_39 : memref<10240x32xf32, #tpu.memory_space<vmem_shared>>) offsets(%dma_start3A_36 : memref<128xi32, #tpu.memory_space<vmem>>) semaphore(%run_scoped3A_31 : memref<!tpu.dma_semaphore, #tpu.memory_space<semaphore_mem>>) {add = true}
      %dma_wait3A = arith.constant 1536 : i32
      %dma_wait3A_40 = arith.constant 0 : i32
      %dma_wait3A_41 = tpu.memref_slice %arg8[%dma_wait3A, %dma_wait3A_40] : memref<2560x32xf32, #tpu.memory_space<vmem>> -> memref<128x32xf32, #tpu.memory_space<vmem>>
      %dma_wait3A_42 = arith.constant 0 : i32
      %dma_wait3A_43 = tpu.memref_slice %arg7[%run_scoped3A_18, %dma_wait3A_42] : memref<20x128xi32, #tpu.memory_space<vmem>> -> memref<1x128xi32, #tpu.memory_space<vmem>>
      %dma_wait3A_44 = tpu.memref_squeeze %dma_wait3A_43 : memref<1x128xi32, #tpu.memory_space<vmem>> -> memref<128xi32, #tpu.memory_space<vmem>>
      %dma_wait3A_45 = arith.constant 0 : i32
      %dma_wait3A_46 = arith.constant 0 : i32
      %dma_wait3A_47 = tpu.memref_slice %arg6[%dma_wait3A_45, %dma_wait3A_46] : memref<10240x32xf32, #tpu.memory_space<vmem_shared>> -> memref<10240x32xf32, #tpu.memory_space<vmem_shared>>
      tpu.wait_indirect_dma semaphore(%run_scoped3A_31 : memref<!tpu.dma_semaphore, #tpu.memory_space<semaphore_mem>>) src(%dma_wait3A_41 : memref<128x32xf32, #tpu.memory_space<vmem>>) dst(%dma_wait3A_47 : memref<10240x32xf32, #tpu.memory_space<vmem_shared>>)
      tpu.yield
    }) : () -> ()
    %run_scoped3A_19 = arith.constant 13 : i32
    "tpu.region"() ({
      %run_scoped3A_31 = tpu.sem_alloc : memref<!tpu.dma_semaphore, #tpu.memory_space<semaphore_mem>>
      %dma_start3A = arith.constant 1664 : i32
      %dma_start3A_32 = arith.constant 0 : i32
      %dma_start3A_33 = tpu.memref_slice %arg8[%dma_start3A, %dma_start3A_32] : memref<2560x32xf32, #tpu.memory_space<vmem>> -> memref<128x32xf32, #tpu.memory_space<vmem>>
      %dma_start3A_34 = arith.constant 0 : i32
      %dma_start3A_35 = tpu.memref_slice %arg7[%run_scoped3A_19, %dma_start3A_34] : memref<20x128xi32, #tpu.memory_space<vmem>> -> memref<1x128xi32, #tpu.memory_space<vmem>>
      %dma_start3A_36 = tpu.memref_squeeze %dma_start3A_35 : memref<1x128xi32, #tpu.memory_space<vmem>> -> memref<128xi32, #tpu.memory_space<vmem>>
      %dma_start3A_37 = arith.constant 0 : i32
      %dma_start3A_38 = arith.constant 0 : i32
      %dma_start3A_39 = tpu.memref_slice %arg6[%dma_start3A_37, %dma_start3A_38] : memref<10240x32xf32, #tpu.memory_space<vmem_shared>> -> memref<10240x32xf32, #tpu.memory_space<vmem_shared>>
      tpu.enqueue_indirect_dma source(%dma_start3A_33 : memref<128x32xf32, #tpu.memory_space<vmem>>) target(%dma_start3A_39 : memref<10240x32xf32, #tpu.memory_space<vmem_shared>>) offsets(%dma_start3A_36 : memref<128xi32, #tpu.memory_space<vmem>>) semaphore(%run_scoped3A_31 : memref<!tpu.dma_semaphore, #tpu.memory_space<semaphore_mem>>) {add = true}
      %dma_wait3A = arith.constant 1664 : i32
      %dma_wait3A_40 = arith.constant 0 : i32
      %dma_wait3A_41 = tpu.memref_slice %arg8[%dma_wait3A, %dma_wait3A_40] : memref<2560x32xf32, #tpu.memory_space<vmem>> -> memref<128x32xf32, #tpu.memory_space<vmem>>
      %dma_wait3A_42 = arith.constant 0 : i32
      %dma_wait3A_43 = tpu.memref_slice %arg7[%run_scoped3A_19, %dma_wait3A_42] : memref<20x128xi32, #tpu.memory_space<vmem>> -> memref<1x128xi32, #tpu.memory_space<vmem>>
      %dma_wait3A_44 = tpu.memref_squeeze %dma_wait3A_43 : memref<1x128xi32, #tpu.memory_space<vmem>> -> memref<128xi32, #tpu.memory_space<vmem>>
      %dma_wait3A_45 = arith.constant 0 : i32
      %dma_wait3A_46 = arith.constant 0 : i32
      %dma_wait3A_47 = tpu.memref_slice %arg6[%dma_wait3A_45, %dma_wait3A_46] : memref<10240x32xf32, #tpu.memory_space<vmem_shared>> -> memref<10240x32xf32, #tpu.memory_space<vmem_shared>>
      tpu.wait_indirect_dma semaphore(%run_scoped3A_31 : memref<!tpu.dma_semaphore, #tpu.memory_space<semaphore_mem>>) src(%dma_wait3A_41 : memref<128x32xf32, #tpu.memory_space<vmem>>) dst(%dma_wait3A_47 : memref<10240x32xf32, #tpu.memory_space<vmem_shared>>)
      tpu.yield
    }) : () -> ()
    %run_scoped3A_20 = arith.constant 14 : i32
    "tpu.region"() ({
      %run_scoped3A_31 = tpu.sem_alloc : memref<!tpu.dma_semaphore, #tpu.memory_space<semaphore_mem>>
      %dma_start3A = arith.constant 1792 : i32
      %dma_start3A_32 = arith.constant 0 : i32
      %dma_start3A_33 = tpu.memref_slice %arg8[%dma_start3A, %dma_start3A_32] : memref<2560x32xf32, #tpu.memory_space<vmem>> -> memref<128x32xf32, #tpu.memory_space<vmem>>
      %dma_start3A_34 = arith.constant 0 : i32
      %dma_start3A_35 = tpu.memref_slice %arg7[%run_scoped3A_20, %dma_start3A_34] : memref<20x128xi32, #tpu.memory_space<vmem>> -> memref<1x128xi32, #tpu.memory_space<vmem>>
      %dma_start3A_36 = tpu.memref_squeeze %dma_start3A_35 : memref<1x128xi32, #tpu.memory_space<vmem>> -> memref<128xi32, #tpu.memory_space<vmem>>
      %dma_start3A_37 = arith.constant 0 : i32
      %dma_start3A_38 = arith.constant 0 : i32
      %dma_start3A_39 = tpu.memref_slice %arg6[%dma_start3A_37, %dma_start3A_38] : memref<10240x32xf32, #tpu.memory_space<vmem_shared>> -> memref<10240x32xf32, #tpu.memory_space<vmem_shared>>
      tpu.enqueue_indirect_dma source(%dma_start3A_33 : memref<128x32xf32, #tpu.memory_space<vmem>>) target(%dma_start3A_39 : memref<10240x32xf32, #tpu.memory_space<vmem_shared>>) offsets(%dma_start3A_36 : memref<128xi32, #tpu.memory_space<vmem>>) semaphore(%run_scoped3A_31 : memref<!tpu.dma_semaphore, #tpu.memory_space<semaphore_mem>>) {add = true}
      %dma_wait3A = arith.constant 1792 : i32
      %dma_wait3A_40 = arith.constant 0 : i32
      %dma_wait3A_41 = tpu.memref_slice %arg8[%dma_wait3A, %dma_wait3A_40] : memref<2560x32xf32, #tpu.memory_space<vmem>> -> memref<128x32xf32, #tpu.memory_space<vmem>>
      %dma_wait3A_42 = arith.constant 0 : i32
      %dma_wait3A_43 = tpu.memref_slice %arg7[%run_scoped3A_20, %dma_wait3A_42] : memref<20x128xi32, #tpu.memory_space<vmem>> -> memref<1x128xi32, #tpu.memory_space<vmem>>
      %dma_wait3A_44 = tpu.memref_squeeze %dma_wait3A_43 : memref<1x128xi32, #tpu.memory_space<vmem>> -> memref<128xi32, #tpu.memory_space<vmem>>
      %dma_wait3A_45 = arith.constant 0 : i32
      %dma_wait3A_46 = arith.constant 0 : i32
      %dma_wait3A_47 = tpu.memref_slice %arg6[%dma_wait3A_45, %dma_wait3A_46] : memref<10240x32xf32, #tpu.memory_space<vmem_shared>> -> memref<10240x32xf32, #tpu.memory_space<vmem_shared>>
      tpu.wait_indirect_dma semaphore(%run_scoped3A_31 : memref<!tpu.dma_semaphore, #tpu.memory_space<semaphore_mem>>) src(%dma_wait3A_41 : memref<128x32xf32, #tpu.memory_space<vmem>>) dst(%dma_wait3A_47 : memref<10240x32xf32, #tpu.memory_space<vmem_shared>>)
      tpu.yield
    }) : () -> ()
    %run_scoped3A_21 = arith.constant 15 : i32
    "tpu.region"() ({
      %run_scoped3A_31 = tpu.sem_alloc : memref<!tpu.dma_semaphore, #tpu.memory_space<semaphore_mem>>
      %dma_start3A = arith.constant 1920 : i32
      %dma_start3A_32 = arith.constant 0 : i32
      %dma_start3A_33 = tpu.memref_slice %arg8[%dma_start3A, %dma_start3A_32] : memref<2560x32xf32, #tpu.memory_space<vmem>> -> memref<128x32xf32, #tpu.memory_space<vmem>>
      %dma_start3A_34 = arith.constant 0 : i32
      %dma_start3A_35 = tpu.memref_slice %arg7[%run_scoped3A_21, %dma_start3A_34] : memref<20x128xi32, #tpu.memory_space<vmem>> -> memref<1x128xi32, #tpu.memory_space<vmem>>
      %dma_start3A_36 = tpu.memref_squeeze %dma_start3A_35 : memref<1x128xi32, #tpu.memory_space<vmem>> -> memref<128xi32, #tpu.memory_space<vmem>>
      %dma_start3A_37 = arith.constant 0 : i32
      %dma_start3A_38 = arith.constant 0 : i32
      %dma_start3A_39 = tpu.memref_slice %arg6[%dma_start3A_37, %dma_start3A_38] : memref<10240x32xf32, #tpu.memory_space<vmem_shared>> -> memref<10240x32xf32, #tpu.memory_space<vmem_shared>>
      tpu.enqueue_indirect_dma source(%dma_start3A_33 : memref<128x32xf32, #tpu.memory_space<vmem>>) target(%dma_start3A_39 : memref<10240x32xf32, #tpu.memory_space<vmem_shared>>) offsets(%dma_start3A_36 : memref<128xi32, #tpu.memory_space<vmem>>) semaphore(%run_scoped3A_31 : memref<!tpu.dma_semaphore, #tpu.memory_space<semaphore_mem>>) {add = true}
      %dma_wait3A = arith.constant 1920 : i32
      %dma_wait3A_40 = arith.constant 0 : i32
      %dma_wait3A_41 = tpu.memref_slice %arg8[%dma_wait3A, %dma_wait3A_40] : memref<2560x32xf32, #tpu.memory_space<vmem>> -> memref<128x32xf32, #tpu.memory_space<vmem>>
      %dma_wait3A_42 = arith.constant 0 : i32
      %dma_wait3A_43 = tpu.memref_slice %arg7[%run_scoped3A_21, %dma_wait3A_42] : memref<20x128xi32, #tpu.memory_space<vmem>> -> memref<1x128xi32, #tpu.memory_space<vmem>>
      %dma_wait3A_44 = tpu.memref_squeeze %dma_wait3A_43 : memref<1x128xi32, #tpu.memory_space<vmem>> -> memref<128xi32, #tpu.memory_space<vmem>>
      %dma_wait3A_45 = arith.constant 0 : i32
      %dma_wait3A_46 = arith.constant 0 : i32
      %dma_wait3A_47 = tpu.memref_slice %arg6[%dma_wait3A_45, %dma_wait3A_46] : memref<10240x32xf32, #tpu.memory_space<vmem_shared>> -> memref<10240x32xf32, #tpu.memory_space<vmem_shared>>
      tpu.wait_indirect_dma semaphore(%run_scoped3A_31 : memref<!tpu.dma_semaphore, #tpu.memory_space<semaphore_mem>>) src(%dma_wait3A_41 : memref<128x32xf32, #tpu.memory_space<vmem>>) dst(%dma_wait3A_47 : memref<10240x32xf32, #tpu.memory_space<vmem_shared>>)
      tpu.yield
    }) : () -> ()
    %run_scoped3A_22 = arith.constant 16 : i32
    "tpu.region"() ({
      %run_scoped3A_31 = tpu.sem_alloc : memref<!tpu.dma_semaphore, #tpu.memory_space<semaphore_mem>>
      %dma_start3A = arith.constant 2048 : i32
      %dma_start3A_32 = arith.constant 0 : i32
      %dma_start3A_33 = tpu.memref_slice %arg8[%dma_start3A, %dma_start3A_32] : memref<2560x32xf32, #tpu.memory_space<vmem>> -> memref<128x32xf32, #tpu.memory_space<vmem>>
      %dma_start3A_34 = arith.constant 0 : i32
      %dma_start3A_35 = tpu.memref_slice %arg7[%run_scoped3A_22, %dma_start3A_34] : memref<20x128xi32, #tpu.memory_space<vmem>> -> memref<1x128xi32, #tpu.memory_space<vmem>>
      %dma_start3A_36 = tpu.memref_squeeze %dma_start3A_35 : memref<1x128xi32, #tpu.memory_space<vmem>> -> memref<128xi32, #tpu.memory_space<vmem>>
      %dma_start3A_37 = arith.constant 0 : i32
      %dma_start3A_38 = arith.constant 0 : i32
      %dma_start3A_39 = tpu.memref_slice %arg6[%dma_start3A_37, %dma_start3A_38] : memref<10240x32xf32, #tpu.memory_space<vmem_shared>> -> memref<10240x32xf32, #tpu.memory_space<vmem_shared>>
      tpu.enqueue_indirect_dma source(%dma_start3A_33 : memref<128x32xf32, #tpu.memory_space<vmem>>) target(%dma_start3A_39 : memref<10240x32xf32, #tpu.memory_space<vmem_shared>>) offsets(%dma_start3A_36 : memref<128xi32, #tpu.memory_space<vmem>>) semaphore(%run_scoped3A_31 : memref<!tpu.dma_semaphore, #tpu.memory_space<semaphore_mem>>) {add = true}
      %dma_wait3A = arith.constant 2048 : i32
      %dma_wait3A_40 = arith.constant 0 : i32
      %dma_wait3A_41 = tpu.memref_slice %arg8[%dma_wait3A, %dma_wait3A_40] : memref<2560x32xf32, #tpu.memory_space<vmem>> -> memref<128x32xf32, #tpu.memory_space<vmem>>
      %dma_wait3A_42 = arith.constant 0 : i32
      %dma_wait3A_43 = tpu.memref_slice %arg7[%run_scoped3A_22, %dma_wait3A_42] : memref<20x128xi32, #tpu.memory_space<vmem>> -> memref<1x128xi32, #tpu.memory_space<vmem>>
      %dma_wait3A_44 = tpu.memref_squeeze %dma_wait3A_43 : memref<1x128xi32, #tpu.memory_space<vmem>> -> memref<128xi32, #tpu.memory_space<vmem>>
      %dma_wait3A_45 = arith.constant 0 : i32
      %dma_wait3A_46 = arith.constant 0 : i32
      %dma_wait3A_47 = tpu.memref_slice %arg6[%dma_wait3A_45, %dma_wait3A_46] : memref<10240x32xf32, #tpu.memory_space<vmem_shared>> -> memref<10240x32xf32, #tpu.memory_space<vmem_shared>>
      tpu.wait_indirect_dma semaphore(%run_scoped3A_31 : memref<!tpu.dma_semaphore, #tpu.memory_space<semaphore_mem>>) src(%dma_wait3A_41 : memref<128x32xf32, #tpu.memory_space<vmem>>) dst(%dma_wait3A_47 : memref<10240x32xf32, #tpu.memory_space<vmem_shared>>)
      tpu.yield
    }) : () -> ()
    %run_scoped3A_23 = arith.constant 17 : i32
    "tpu.region"() ({
      %run_scoped3A_31 = tpu.sem_alloc : memref<!tpu.dma_semaphore, #tpu.memory_space<semaphore_mem>>
      %dma_start3A = arith.constant 2176 : i32
      %dma_start3A_32 = arith.constant 0 : i32
      %dma_start3A_33 = tpu.memref_slice %arg8[%dma_start3A, %dma_start3A_32] : memref<2560x32xf32, #tpu.memory_space<vmem>> -> memref<128x32xf32, #tpu.memory_space<vmem>>
      %dma_start3A_34 = arith.constant 0 : i32
      %dma_start3A_35 = tpu.memref_slice %arg7[%run_scoped3A_23, %dma_start3A_34] : memref<20x128xi32, #tpu.memory_space<vmem>> -> memref<1x128xi32, #tpu.memory_space<vmem>>
      %dma_start3A_36 = tpu.memref_squeeze %dma_start3A_35 : memref<1x128xi32, #tpu.memory_space<vmem>> -> memref<128xi32, #tpu.memory_space<vmem>>
      %dma_start3A_37 = arith.constant 0 : i32
      %dma_start3A_38 = arith.constant 0 : i32
      %dma_start3A_39 = tpu.memref_slice %arg6[%dma_start3A_37, %dma_start3A_38] : memref<10240x32xf32, #tpu.memory_space<vmem_shared>> -> memref<10240x32xf32, #tpu.memory_space<vmem_shared>>
      tpu.enqueue_indirect_dma source(%dma_start3A_33 : memref<128x32xf32, #tpu.memory_space<vmem>>) target(%dma_start3A_39 : memref<10240x32xf32, #tpu.memory_space<vmem_shared>>) offsets(%dma_start3A_36 : memref<128xi32, #tpu.memory_space<vmem>>) semaphore(%run_scoped3A_31 : memref<!tpu.dma_semaphore, #tpu.memory_space<semaphore_mem>>) {add = true}
      %dma_wait3A = arith.constant 2176 : i32
      %dma_wait3A_40 = arith.constant 0 : i32
      %dma_wait3A_41 = tpu.memref_slice %arg8[%dma_wait3A, %dma_wait3A_40] : memref<2560x32xf32, #tpu.memory_space<vmem>> -> memref<128x32xf32, #tpu.memory_space<vmem>>
      %dma_wait3A_42 = arith.constant 0 : i32
      %dma_wait3A_43 = tpu.memref_slice %arg7[%run_scoped3A_23, %dma_wait3A_42] : memref<20x128xi32, #tpu.memory_space<vmem>> -> memref<1x128xi32, #tpu.memory_space<vmem>>
      %dma_wait3A_44 = tpu.memref_squeeze %dma_wait3A_43 : memref<1x128xi32, #tpu.memory_space<vmem>> -> memref<128xi32, #tpu.memory_space<vmem>>
      %dma_wait3A_45 = arith.constant 0 : i32
      %dma_wait3A_46 = arith.constant 0 : i32
      %dma_wait3A_47 = tpu.memref_slice %arg6[%dma_wait3A_45, %dma_wait3A_46] : memref<10240x32xf32, #tpu.memory_space<vmem_shared>> -> memref<10240x32xf32, #tpu.memory_space<vmem_shared>>
      tpu.wait_indirect_dma semaphore(%run_scoped3A_31 : memref<!tpu.dma_semaphore, #tpu.memory_space<semaphore_mem>>) src(%dma_wait3A_41 : memref<128x32xf32, #tpu.memory_space<vmem>>) dst(%dma_wait3A_47 : memref<10240x32xf32, #tpu.memory_space<vmem_shared>>)
      tpu.yield
    }) : () -> ()
    %run_scoped3A_24 = arith.constant 18 : i32
    "tpu.region"() ({
      %run_scoped3A_31 = tpu.sem_alloc : memref<!tpu.dma_semaphore, #tpu.memory_space<semaphore_mem>>
      %dma_start3A = arith.constant 2304 : i32
      %dma_start3A_32 = arith.constant 0 : i32
      %dma_start3A_33 = tpu.memref_slice %arg8[%dma_start3A, %dma_start3A_32] : memref<2560x32xf32, #tpu.memory_space<vmem>> -> memref<128x32xf32, #tpu.memory_space<vmem>>
      %dma_start3A_34 = arith.constant 0 : i32
      %dma_start3A_35 = tpu.memref_slice %arg7[%run_scoped3A_24, %dma_start3A_34] : memref<20x128xi32, #tpu.memory_space<vmem>> -> memref<1x128xi32, #tpu.memory_space<vmem>>
      %dma_start3A_36 = tpu.memref_squeeze %dma_start3A_35 : memref<1x128xi32, #tpu.memory_space<vmem>> -> memref<128xi32, #tpu.memory_space<vmem>>
      %dma_start3A_37 = arith.constant 0 : i32
      %dma_start3A_38 = arith.constant 0 : i32
      %dma_start3A_39 = tpu.memref_slice %arg6[%dma_start3A_37, %dma_start3A_38] : memref<10240x32xf32, #tpu.memory_space<vmem_shared>> -> memref<10240x32xf32, #tpu.memory_space<vmem_shared>>
      tpu.enqueue_indirect_dma source(%dma_start3A_33 : memref<128x32xf32, #tpu.memory_space<vmem>>) target(%dma_start3A_39 : memref<10240x32xf32, #tpu.memory_space<vmem_shared>>) offsets(%dma_start3A_36 : memref<128xi32, #tpu.memory_space<vmem>>) semaphore(%run_scoped3A_31 : memref<!tpu.dma_semaphore, #tpu.memory_space<semaphore_mem>>) {add = true}
      %dma_wait3A = arith.constant 2304 : i32
      %dma_wait3A_40 = arith.constant 0 : i32
      %dma_wait3A_41 = tpu.memref_slice %arg8[%dma_wait3A, %dma_wait3A_40] : memref<2560x32xf32, #tpu.memory_space<vmem>> -> memref<128x32xf32, #tpu.memory_space<vmem>>
      %dma_wait3A_42 = arith.constant 0 : i32
      %dma_wait3A_43 = tpu.memref_slice %arg7[%run_scoped3A_24, %dma_wait3A_42] : memref<20x128xi32, #tpu.memory_space<vmem>> -> memref<1x128xi32, #tpu.memory_space<vmem>>
      %dma_wait3A_44 = tpu.memref_squeeze %dma_wait3A_43 : memref<1x128xi32, #tpu.memory_space<vmem>> -> memref<128xi32, #tpu.memory_space<vmem>>
      %dma_wait3A_45 = arith.constant 0 : i32
      %dma_wait3A_46 = arith.constant 0 : i32
      %dma_wait3A_47 = tpu.memref_slice %arg6[%dma_wait3A_45, %dma_wait3A_46] : memref<10240x32xf32, #tpu.memory_space<vmem_shared>> -> memref<10240x32xf32, #tpu.memory_space<vmem_shared>>
      tpu.wait_indirect_dma semaphore(%run_scoped3A_31 : memref<!tpu.dma_semaphore, #tpu.memory_space<semaphore_mem>>) src(%dma_wait3A_41 : memref<128x32xf32, #tpu.memory_space<vmem>>) dst(%dma_wait3A_47 : memref<10240x32xf32, #tpu.memory_space<vmem_shared>>)
      tpu.yield
    }) : () -> ()
    %run_scoped3A_25 = arith.constant 19 : i32
    "tpu.region"() ({
      %run_scoped3A_31 = tpu.sem_alloc : memref<!tpu.dma_semaphore, #tpu.memory_space<semaphore_mem>>
      %dma_start3A = arith.constant 2432 : i32
      %dma_start3A_32 = arith.constant 0 : i32
      %dma_start3A_33 = tpu.memref_slice %arg8[%dma_start3A, %dma_start3A_32] : memref<2560x32xf32, #tpu.memory_space<vmem>> -> memref<128x32xf32, #tpu.memory_space<vmem>>
      %dma_start3A_34 = arith.constant 0 : i32
      %dma_start3A_35 = tpu.memref_slice %arg7[%run_scoped3A_25, %dma_start3A_34] : memref<20x128xi32, #tpu.memory_space<vmem>> -> memref<1x128xi32, #tpu.memory_space<vmem>>
      %dma_start3A_36 = tpu.memref_squeeze %dma_start3A_35 : memref<1x128xi32, #tpu.memory_space<vmem>> -> memref<128xi32, #tpu.memory_space<vmem>>
      %dma_start3A_37 = arith.constant 0 : i32
      %dma_start3A_38 = arith.constant 0 : i32
      %dma_start3A_39 = tpu.memref_slice %arg6[%dma_start3A_37, %dma_start3A_38] : memref<10240x32xf32, #tpu.memory_space<vmem_shared>> -> memref<10240x32xf32, #tpu.memory_space<vmem_shared>>
      tpu.enqueue_indirect_dma source(%dma_start3A_33 : memref<128x32xf32, #tpu.memory_space<vmem>>) target(%dma_start3A_39 : memref<10240x32xf32, #tpu.memory_space<vmem_shared>>) offsets(%dma_start3A_36 : memref<128xi32, #tpu.memory_space<vmem>>) semaphore(%run_scoped3A_31 : memref<!tpu.dma_semaphore, #tpu.memory_space<semaphore_mem>>) {add = true}
      %dma_wait3A = arith.constant 2432 : i32
      %dma_wait3A_40 = arith.constant 0 : i32
      %dma_wait3A_41 = tpu.memref_slice %arg8[%dma_wait3A, %dma_wait3A_40] : memref<2560x32xf32, #tpu.memory_space<vmem>> -> memref<128x32xf32, #tpu.memory_space<vmem>>
      %dma_wait3A_42 = arith.constant 0 : i32
      %dma_wait3A_43 = tpu.memref_slice %arg7[%run_scoped3A_25, %dma_wait3A_42] : memref<20x128xi32, #tpu.memory_space<vmem>> -> memref<1x128xi32, #tpu.memory_space<vmem>>
      %dma_wait3A_44 = tpu.memref_squeeze %dma_wait3A_43 : memref<1x128xi32, #tpu.memory_space<vmem>> -> memref<128xi32, #tpu.memory_space<vmem>>
      %dma_wait3A_45 = arith.constant 0 : i32
      %dma_wait3A_46 = arith.constant 0 : i32
      %dma_wait3A_47 = tpu.memref_slice %arg6[%dma_wait3A_45, %dma_wait3A_46] : memref<10240x32xf32, #tpu.memory_space<vmem_shared>> -> memref<10240x32xf32, #tpu.memory_space<vmem_shared>>
      tpu.wait_indirect_dma semaphore(%run_scoped3A_31 : memref<!tpu.dma_semaphore, #tpu.memory_space<semaphore_mem>>) src(%dma_wait3A_41 : memref<128x32xf32, #tpu.memory_space<vmem>>) dst(%dma_wait3A_47 : memref<10240x32xf32, #tpu.memory_space<vmem_shared>>)
      tpu.yield
    }) : () -> ()
    %barrier3A_26 = arith.constant 0 : index
    tpu.barrier barrier_id(%barrier3A_26)
    %mul3A_27 = arith.constant 640 : i32
    %mul3A_28 = arith.muli %arg1, %mul3A_27 : i32
    %mul3A_29 = arith.constant 640 : i32
    %mul3A_30 = arith.muli %arg1, %mul3A_29 : i32
    "tpu.region"() ({
      %run_scoped3A_31 = tpu.sem_alloc : memref<!tpu.dma_semaphore, #tpu.memory_space<semaphore_mem>>
      %dma_start3A = arith.constant 0 : i32
      %dma_start3A_32 = tpu.memref_slice %arg5[%arg0, %mul3A_30, %dma_start3A] : memref<2x10240x32xf32, #tpu.memory_space<hbm>> -> memref<1x640x32xf32, #tpu.memory_space<hbm>>
      %dma_start3A_33 = tpu.memref_squeeze %dma_start3A_32 : memref<1x640x32xf32, #tpu.memory_space<hbm>> -> memref<640x32xf32, #tpu.memory_space<hbm>>
      %dma_start3A_34 = arith.constant 0 : i32
      %dma_start3A_35 = tpu.memref_slice %arg6[%mul3A_28, %dma_start3A_34] : memref<10240x32xf32, #tpu.memory_space<vmem_shared>> -> memref<640x32xf32, #tpu.memory_space<vmem_shared>>
      tpu.enqueue_dma source(%dma_start3A_35 : memref<640x32xf32, #tpu.memory_space<vmem_shared>>) target(%dma_start3A_33 : memref<640x32xf32, #tpu.memory_space<hbm>>) target_semaphore(%run_scoped3A_31 : memref<!tpu.dma_semaphore, #tpu.memory_space<semaphore_mem>>)
      %dma_wait3A = arith.constant 0 : i32
      %dma_wait3A_36 = tpu.memref_slice %arg5[%arg0, %mul3A_30, %dma_wait3A] : memref<2x10240x32xf32, #tpu.memory_space<hbm>> -> memref<1x640x32xf32, #tpu.memory_space<hbm>>
      %dma_wait3A_37 = tpu.memref_squeeze %dma_wait3A_36 : memref<1x640x32xf32, #tpu.memory_space<hbm>> -> memref<640x32xf32, #tpu.memory_space<hbm>>
      %dma_wait3A_38 = arith.constant 0 : i32
      %dma_wait3A_39 = tpu.memref_slice %arg6[%mul3A_28, %dma_wait3A_38] : memref<10240x32xf32, #tpu.memory_space<vmem_shared>> -> memref<640x32xf32, #tpu.memory_space<vmem_shared>>
      tpu.wait_dma2 semaphore(%run_scoped3A_31 : memref<!tpu.dma_semaphore, #tpu.memory_space<semaphore_mem>>) src(%dma_wait3A_39 : memref<640x32xf32, #tpu.memory_space<vmem_shared>>) dst(%dma_wait3A_37 : memref<640x32xf32, #tpu.memory_space<hbm>>)
      tpu.yield
    }) : () -> ()
    return
  }
}

module attributes {stable_mosaic.version = 14 : i64} {
  func.func @_dense_body(%arg0: i32, %arg1: memref<1x8192xf32, #tpu.memory_space<vmem>>, %arg2: memref<1x8192xf32, #tpu.memory_space<vmem>>, %arg3: memref<1024x128xf32, #tpu.memory_space<vmem>>, %arg4: memref<1024x128xf32, #tpu.memory_space<vmem>>, %arg5: memref<16x16xf32, #tpu.memory_space<vmem>>, %arg6: memref<16x16xf32, #tpu.memory_space<vmem>>, %arg7: memref<16x16xf32, #tpu.memory_space<vmem>>, %arg8: memref<16x16xf32, #tpu.memory_space<vmem>>, %arg9: memref<256x16xf32, #tpu.memory_space<vmem>>, %arg10: memref<256x16xf32, #tpu.memory_space<vmem>>, %arg11: memref<16x256xf32, #tpu.memory_space<vmem>>, %arg12: memref<16x256xf32, #tpu.memory_space<vmem>>, %arg13: memref<2048x128xf32, #tpu.memory_space<vmem>>) attributes {dimension_semantics = [#tpu.dimension_semantics<arbitrary>], iteration_bounds = array<i64: 10>, scalar_prefetch = 0 : i64, scratch_operands = 0 : i64, tpu.core_type = #tpu.core_type<tc>, window_params = [{transform_indices = @transform_0, window_bounds = array<i64: 1, 8192>}, {transform_indices = @transform_1, window_bounds = array<i64: 1, 8192>}, {transform_indices = @transform_2, window_bounds = array<i64: 1024, 128>}, {transform_indices = @transform_3, window_bounds = array<i64: 1024, 128>}, {pipeline_mode = #tpu.pipeline_mode<synchronous>, transform_indices = @transform_4, window_bounds = array<i64: 16, 16>}, {pipeline_mode = #tpu.pipeline_mode<synchronous>, transform_indices = @transform_5, window_bounds = array<i64: 16, 16>}, {pipeline_mode = #tpu.pipeline_mode<synchronous>, transform_indices = @transform_6, window_bounds = array<i64: 16, 16>}, {pipeline_mode = #tpu.pipeline_mode<synchronous>, transform_indices = @transform_7, window_bounds = array<i64: 16, 16>}, {pipeline_mode = #tpu.pipeline_mode<synchronous>, transform_indices = @transform_8, window_bounds = array<i64: 256, 16>}, {pipeline_mode = #tpu.pipeline_mode<synchronous>, transform_indices = @transform_9, window_bounds = array<i64: 256, 16>}, {pipeline_mode = #tpu.pipeline_mode<synchronous>, transform_indices = @transform_10, window_bounds = array<i64: 16, 256>}, {pipeline_mode = #tpu.pipeline_mode<synchronous>, transform_indices = @transform_11, window_bounds = array<i64: 16, 256>}, {transform_indices = @transform_12, window_bounds = array<i64: 2048, 128>}]} {
    %get3A = arith.constant 0 : index
    %get3A_0 = arith.constant 0 : index
    %get3A_1 = vector.load %arg1[%get3A, %get3A_0] : memref<1x8192xf32, #tpu.memory_space<vmem>>, vector<1x8192xf32>
    %get3A_2 = arith.constant 0 : index
    %get3A_3 = arith.constant 0 : index
    %get3A_4 = vector.load %arg2[%get3A_2, %get3A_3] : memref<1x8192xf32, #tpu.memory_space<vmem>>, vector<1x8192xf32>
    %get3A_5 = arith.constant 0 : index
    %get3A_6 = arith.constant 0 : index
    %get3A_7 = vector.load %arg3[%get3A_5, %get3A_6] : memref<1024x128xf32, #tpu.memory_space<vmem>>, vector<1024x128xf32>
    %get3A_8 = arith.constant 0 : index
    %get3A_9 = arith.constant 0 : index
    %get3A_10 = vector.load %arg4[%get3A_8, %get3A_9] : memref<1024x128xf32, #tpu.memory_space<vmem>>, vector<1024x128xf32>
    %slice3A = vector.extract_strided_slice %get3A_7 {offsets = [0, 0], sizes = [1024, 16], strides = [1, 1]} : vector<1024x128xf32> to vector<1024x16xf32>
    %slice3A_11 = vector.extract_strided_slice %get3A_7 {offsets = [0, 16], sizes = [1024, 16], strides = [1, 1]} : vector<1024x128xf32> to vector<1024x16xf32>
    %slice3A_12 = vector.extract_strided_slice %get3A_7 {offsets = [0, 32], sizes = [1024, 16], strides = [1, 1]} : vector<1024x128xf32> to vector<1024x16xf32>
    %slice3A_13 = vector.extract_strided_slice %get3A_7 {offsets = [0, 48], sizes = [1024, 16], strides = [1, 1]} : vector<1024x128xf32> to vector<1024x16xf32>
    %slice3A_14 = vector.extract_strided_slice %get3A_7 {offsets = [0, 64], sizes = [1024, 16], strides = [1, 1]} : vector<1024x128xf32> to vector<1024x16xf32>
    %slice3A_15 = vector.extract_strided_slice %get3A_7 {offsets = [0, 80], sizes = [1024, 16], strides = [1, 1]} : vector<1024x128xf32> to vector<1024x16xf32>
    %slice3A_16 = vector.extract_strided_slice %get3A_7 {offsets = [0, 96], sizes = [1024, 16], strides = [1, 1]} : vector<1024x128xf32> to vector<1024x16xf32>
    %slice3A_17 = vector.extract_strided_slice %get3A_7 {offsets = [0, 112], sizes = [1024, 16], strides = [1, 1]} : vector<1024x128xf32> to vector<1024x16xf32>
    %concatenate3A = tpu.concatenate %slice3A, %slice3A_11, %slice3A_12, %slice3A_13, %slice3A_14, %slice3A_15, %slice3A_16, %slice3A_17 in 0 : vector<1024x16xf32>, vector<1024x16xf32>, vector<1024x16xf32>, vector<1024x16xf32>, vector<1024x16xf32>, vector<1024x16xf32>, vector<1024x16xf32>, vector<1024x16xf32> -> vector<8192x16xf32>
    %slice3A_18 = vector.extract_strided_slice %get3A_10 {offsets = [0, 0], sizes = [1024, 16], strides = [1, 1]} : vector<1024x128xf32> to vector<1024x16xf32>
    %slice3A_19 = vector.extract_strided_slice %get3A_10 {offsets = [0, 16], sizes = [1024, 16], strides = [1, 1]} : vector<1024x128xf32> to vector<1024x16xf32>
    %slice3A_20 = vector.extract_strided_slice %get3A_10 {offsets = [0, 32], sizes = [1024, 16], strides = [1, 1]} : vector<1024x128xf32> to vector<1024x16xf32>
    %slice3A_21 = vector.extract_strided_slice %get3A_10 {offsets = [0, 48], sizes = [1024, 16], strides = [1, 1]} : vector<1024x128xf32> to vector<1024x16xf32>
    %slice3A_22 = vector.extract_strided_slice %get3A_10 {offsets = [0, 64], sizes = [1024, 16], strides = [1, 1]} : vector<1024x128xf32> to vector<1024x16xf32>
    %slice3A_23 = vector.extract_strided_slice %get3A_10 {offsets = [0, 80], sizes = [1024, 16], strides = [1, 1]} : vector<1024x128xf32> to vector<1024x16xf32>
    %slice3A_24 = vector.extract_strided_slice %get3A_10 {offsets = [0, 96], sizes = [1024, 16], strides = [1, 1]} : vector<1024x128xf32> to vector<1024x16xf32>
    %slice3A_25 = vector.extract_strided_slice %get3A_10 {offsets = [0, 112], sizes = [1024, 16], strides = [1, 1]} : vector<1024x128xf32> to vector<1024x16xf32>
    %concatenate3A_26 = tpu.concatenate %slice3A_18, %slice3A_19, %slice3A_20, %slice3A_21, %slice3A_22, %slice3A_23, %slice3A_24, %slice3A_25 in 0 : vector<1024x16xf32>, vector<1024x16xf32>, vector<1024x16xf32>, vector<1024x16xf32>, vector<1024x16xf32>, vector<1024x16xf32>, vector<1024x16xf32>, vector<1024x16xf32> -> vector<8192x16xf32>
    %iota3A = tpu.iota {dimensions = array<i32: 0>} : vector<16x1xi32>
    %convert_element_type3A = arith.sitofp %iota3A : vector<16x1xi32> to vector<16x1xf32>
    %mul3A = arith.constant 2.125000e+00 : f32
    %mul3A_27 = vector.broadcast %mul3A : f32 to vector<1x8192xf32>
    %mul3A_28 = arith.mulf %get3A_1, %mul3A_27 : vector<1x8192xf32>
    %add3A = arith.constant 1.000000e+00 : f32
    %add3A_29 = vector.broadcast %add3A : f32 to vector<16x1xf32>
    %add3A_30 = arith.addf %convert_element_type3A, %add3A_29 : vector<16x1xf32>
    %sub3A = vector.broadcast %mul3A_28 : vector<1x8192xf32> to vector<16x8192xf32>
    %sub3A_31 = vector.broadcast %add3A_30 : vector<16x1xf32> to vector<16x8192xf32>
    %sub3A_32 = arith.subf %sub3A, %sub3A_31 : vector<16x8192xf32>
    %add3A_33 = arith.constant 1.000000e+00 : f32
    %add3A_34 = vector.broadcast %add3A_33 : f32 to vector<16x8192xf32>
    %add3A_35 = arith.addf %sub3A_32, %add3A_34 : vector<16x8192xf32>
    %gt3A = arith.constant 0.000000e+00 : f32
    %gt3A_36 = vector.broadcast %gt3A : f32 to vector<16x8192xf32>
    %gt3A_37 = arith.cmpf ogt, %add3A_35, %gt3A_36 : vector<16x8192xf32>
    %jit3A = arith.constant 1.000000e+00 : f32
    %broadcast_in_dim3A = vector.broadcast %jit3A : f32 to vector<16x8192xf32>
    %select_n3A = arith.select %gt3A_37, %add3A_35, %broadcast_in_dim3A : vector<16x8192xi1>, vector<16x8192xf32>
    %gt3A_38 = arith.constant 0.000000e+00 : f32
    %gt3A_39 = vector.broadcast %gt3A_38 : f32 to vector<16x8192xf32>
    %gt3A_40 = arith.cmpf ogt, %add3A_35, %gt3A_39 : vector<16x8192xf32>
    %div3A = arith.constant -1.000000e+00 : f32
    %div3A_41 = vector.broadcast %div3A : f32 to vector<16x8192xf32>
    %div3A_42 = arith.divf %div3A_41, %select_n3A : vector<16x8192xf32>
    %exp3A = math.exp %div3A_42 : vector<16x8192xf32>
    %jit3A_43 = arith.constant 0.000000e+00 : f32
    %broadcast_in_dim3A_44 = vector.broadcast %jit3A_43 : f32 to vector<16x8192xf32>
    %select_n3A_45 = arith.select %gt3A_40, %exp3A, %broadcast_in_dim3A_44 : vector<16x8192xi1>, vector<16x8192xf32>
    %mul3A_46 = arith.constant 33.7342911 : f32
    %mul3A_47 = vector.broadcast %mul3A_46 : f32 to vector<16x8192xf32>
    %mul3A_48 = arith.mulf %mul3A_47, %select_n3A_45 : vector<16x8192xf32>
    %sub3A_49 = arith.constant 1.000000e+00 : f32
    %sub3A_50 = vector.broadcast %sub3A_49 : f32 to vector<16x8192xf32>
    %sub3A_51 = arith.subf %sub3A_50, %sub3A_32 : vector<16x8192xf32>
    %gt3A_52 = arith.constant 0.000000e+00 : f32
    %gt3A_53 = vector.broadcast %gt3A_52 : f32 to vector<16x8192xf32>
    %gt3A_54 = arith.cmpf ogt, %sub3A_51, %gt3A_53 : vector<16x8192xf32>
    %jit3A_55 = arith.constant 1.000000e+00 : f32
    %broadcast_in_dim3A_56 = vector.broadcast %jit3A_55 : f32 to vector<16x8192xf32>
    %select_n3A_57 = arith.select %gt3A_54, %sub3A_51, %broadcast_in_dim3A_56 : vector<16x8192xi1>, vector<16x8192xf32>
    %gt3A_58 = arith.constant 0.000000e+00 : f32
    %gt3A_59 = vector.broadcast %gt3A_58 : f32 to vector<16x8192xf32>
    %gt3A_60 = arith.cmpf ogt, %sub3A_51, %gt3A_59 : vector<16x8192xf32>
    %div3A_61 = arith.constant -1.000000e+00 : f32
    %div3A_62 = vector.broadcast %div3A_61 : f32 to vector<16x8192xf32>
    %div3A_63 = arith.divf %div3A_62, %select_n3A_57 : vector<16x8192xf32>
    %exp3A_64 = math.exp %div3A_63 : vector<16x8192xf32>
    %jit3A_65 = arith.constant 0.000000e+00 : f32
    %broadcast_in_dim3A_66 = vector.broadcast %jit3A_65 : f32 to vector<16x8192xf32>
    %select_n3A_67 = arith.select %gt3A_60, %exp3A_64, %broadcast_in_dim3A_66 : vector<16x8192xi1>, vector<16x8192xf32>
    %mul3A_68 = arith.mulf %mul3A_48, %select_n3A_67 : vector<16x8192xf32>
    %mul3A_69 = arith.constant 1.250000e+00 : f32
    %mul3A_70 = vector.broadcast %mul3A_69 : f32 to vector<1x8192xf32>
    %mul3A_71 = arith.mulf %mul3A_70, %get3A_1 : vector<1x8192xf32>
    %sub3A_72 = arith.constant 1.000000e+01 : f32
    %sub3A_73 = vector.broadcast %sub3A_72 : f32 to vector<1x8192xf32>
    %sub3A_74 = arith.subf %sub3A_73, %mul3A_71 : vector<1x8192xf32>
    %gt3A_75 = arith.constant 0.000000e+00 : f32
    %gt3A_76 = vector.broadcast %gt3A_75 : f32 to vector<1x8192xf32>
    %gt3A_77 = arith.cmpf ogt, %sub3A_74, %gt3A_76 : vector<1x8192xf32>
    %jit3A_78 = arith.constant 1.000000e+00 : f32
    %broadcast_in_dim3A_79 = vector.broadcast %jit3A_78 : f32 to vector<1x8192xf32>
    %select_n3A_80 = arith.select %gt3A_77, %sub3A_74, %broadcast_in_dim3A_79 : vector<1x8192xi1>, vector<1x8192xf32>
    %gt3A_81 = arith.constant 0.000000e+00 : f32
    %gt3A_82 = vector.broadcast %gt3A_81 : f32 to vector<1x8192xf32>
    %gt3A_83 = arith.cmpf ogt, %sub3A_74, %gt3A_82 : vector<1x8192xf32>
    %div3A_84 = arith.constant -1.000000e+00 : f32
    %div3A_85 = vector.broadcast %div3A_84 : f32 to vector<1x8192xf32>
    %div3A_86 = arith.divf %div3A_85, %select_n3A_80 : vector<1x8192xf32>
    %exp3A_87 = math.exp %div3A_86 : vector<1x8192xf32>
    %jit3A_88 = arith.constant 0.000000e+00 : f32
    %broadcast_in_dim3A_89 = vector.broadcast %jit3A_88 : f32 to vector<1x8192xf32>
    %select_n3A_90 = arith.select %gt3A_83, %exp3A_87, %broadcast_in_dim3A_89 : vector<1x8192xi1>, vector<1x8192xf32>
    %get3A_91 = arith.constant 0 : index
    %get3A_92 = arith.constant 0 : index
    %get3A_93 = vector.load %arg5[%get3A_91, %get3A_92] : memref<16x16xf32, #tpu.memory_space<vmem>>, vector<16x16xf32>
    %dot_general3A = arith.constant dense<0.000000e+00> : vector<16x8192xf32>
    %dot_general3A_94 = tpu.matmul %get3A_93, %mul3A_68, %dot_general3A {dimension_numbers = #tpu.dot_dimension_numbers<[0], [0], [1], [1], [0, 1, 1, 1], [], []>, transpose_lhs_hint = false} : vector<16x16xf32>, vector<16x8192xf32>, vector<16x8192xf32> -> vector<16x8192xf32>
    %mul3A_95 = arith.constant 2.500000e-01 : f32
    %mul3A_96 = vector.broadcast %mul3A_95 : f32 to vector<16x8192xf32>
    %mul3A_97 = arith.mulf %dot_general3A_94, %mul3A_96 : vector<16x8192xf32>
    %neg3A = arith.constant 0.000000e+00 : f32
    %neg3A_98 = vector.broadcast %neg3A : f32 to vector<16x8192xf32>
    %neg3A_99 = arith.subf %neg3A_98, %mul3A_97 : vector<16x8192xf32>
    %exp3A_100 = math.exp %neg3A_99 : vector<16x8192xf32>
    %add3A_101 = arith.constant 1.000000e+00 : f32
    %add3A_102 = vector.broadcast %add3A_101 : f32 to vector<16x8192xf32>
    %add3A_103 = arith.addf %add3A_102, %exp3A_100 : vector<16x8192xf32>
    %div3A_104 = arith.divf %mul3A_97, %add3A_103 : vector<16x8192xf32>
    %get3A_105 = arith.constant 0 : index
    %get3A_106 = arith.constant 0 : index
    %get3A_107 = vector.load %arg6[%get3A_105, %get3A_106] : memref<16x16xf32, #tpu.memory_space<vmem>>, vector<16x16xf32>
    %dot_general3A_108 = arith.constant dense<0.000000e+00> : vector<16x8192xf32>
    %dot_general3A_109 = tpu.matmul %get3A_107, %mul3A_68, %dot_general3A_108 {dimension_numbers = #tpu.dot_dimension_numbers<[0], [0], [1], [1], [0, 1, 1, 1], [], []>, transpose_lhs_hint = false} : vector<16x16xf32>, vector<16x8192xf32>, vector<16x8192xf32> -> vector<16x8192xf32>
    %mul3A_110 = arith.constant 2.500000e-01 : f32
    %mul3A_111 = vector.broadcast %mul3A_110 : f32 to vector<16x8192xf32>
    %mul3A_112 = arith.mulf %dot_general3A_109, %mul3A_111 : vector<16x8192xf32>
    %neg3A_113 = arith.constant 0.000000e+00 : f32
    %neg3A_114 = vector.broadcast %neg3A_113 : f32 to vector<16x8192xf32>
    %neg3A_115 = arith.subf %neg3A_114, %mul3A_112 : vector<16x8192xf32>
    %exp3A_116 = math.exp %neg3A_115 : vector<16x8192xf32>
    %add3A_117 = arith.constant 1.000000e+00 : f32
    %add3A_118 = vector.broadcast %add3A_117 : f32 to vector<16x8192xf32>
    %add3A_119 = arith.addf %add3A_118, %exp3A_116 : vector<16x8192xf32>
    %div3A_120 = arith.divf %mul3A_112, %add3A_119 : vector<16x8192xf32>
    %get3A_121 = arith.constant 0 : index
    %get3A_122 = arith.constant 0 : index
    %get3A_123 = vector.load %arg12[%get3A_121, %get3A_122] : memref<16x256xf32, #tpu.memory_space<vmem>>, vector<16x256xf32>
    %dot_general3A_124 = arith.constant dense<0.000000e+00> : vector<256x8192xf32>
    %dot_general3A_125 = tpu.matmul %get3A_123, %concatenate3A, %dot_general3A_124 {dimension_numbers = #tpu.dot_dimension_numbers<[0], [1], [1], [0], [0, 1, 1, 0], [], []>, transpose_lhs_hint = false} : vector<16x256xf32>, vector<8192x16xf32>, vector<256x8192xf32> -> vector<256x8192xf32>
    %get3A_126 = arith.constant 0 : index
    %get3A_127 = arith.constant 0 : index
    %get3A_128 = vector.load %arg11[%get3A_126, %get3A_127] : memref<16x256xf32, #tpu.memory_space<vmem>>, vector<16x256xf32>
    %dot_general3A_129 = arith.constant dense<0.000000e+00> : vector<256x8192xf32>
    %dot_general3A_130 = tpu.matmul %get3A_128, %div3A_104, %dot_general3A_129 {dimension_numbers = #tpu.dot_dimension_numbers<[0], [0], [1], [1], [0, 1, 1, 1], [], []>, transpose_lhs_hint = false} : vector<16x256xf32>, vector<16x8192xf32>, vector<256x8192xf32> -> vector<256x8192xf32>
    %mul3A_131 = arith.mulf %dot_general3A_130, %dot_general3A_125 : vector<256x8192xf32>
    %get3A_132 = arith.constant 0 : index
    %get3A_133 = arith.constant 0 : index
    %get3A_134 = vector.load %arg11[%get3A_132, %get3A_133] : memref<16x256xf32, #tpu.memory_space<vmem>>, vector<16x256xf32>
    %dot_general3A_135 = arith.constant dense<0.000000e+00> : vector<256x8192xf32>
    %dot_general3A_136 = tpu.matmul %get3A_134, %div3A_120, %dot_general3A_135 {dimension_numbers = #tpu.dot_dimension_numbers<[0], [0], [1], [1], [0, 1, 1, 1], [], []>, transpose_lhs_hint = false} : vector<16x256xf32>, vector<16x8192xf32>, vector<256x8192xf32> -> vector<256x8192xf32>
    %mul3A_137 = arith.mulf %dot_general3A_136, %dot_general3A_125 : vector<256x8192xf32>
    %mul3A_138 = arith.constant 6.250000e-02 : f32
    %mul3A_139 = vector.broadcast %mul3A_138 : f32 to vector<1x8192xf32>
    %mul3A_140 = arith.mulf %get3A_4, %mul3A_139 : vector<1x8192xf32>
    %get3A_141 = arith.constant 0 : index
    %get3A_142 = arith.constant 0 : index
    %get3A_143 = vector.load %arg9[%get3A_141, %get3A_142] : memref<256x16xf32, #tpu.memory_space<vmem>>, vector<256x16xf32>
    %dot_general3A_144 = arith.constant dense<0.000000e+00> : vector<16x8192xf32>
    %dot_general3A_145 = tpu.matmul %get3A_143, %mul3A_131, %dot_general3A_144 {dimension_numbers = #tpu.dot_dimension_numbers<[0], [0], [1], [1], [0, 1, 1, 1], [], []>, transpose_lhs_hint = false} : vector<256x16xf32>, vector<256x8192xf32>, vector<16x8192xf32> -> vector<16x8192xf32>
    %mul3A_146 = vector.broadcast %mul3A_140 : vector<1x8192xf32> to vector<16x8192xf32>
    %mul3A_147 = arith.mulf %dot_general3A_145, %mul3A_146 : vector<16x8192xf32>
    %get3A_148 = arith.constant 0 : index
    %get3A_149 = arith.constant 0 : index
    %get3A_150 = vector.load %arg10[%get3A_148, %get3A_149] : memref<256x16xf32, #tpu.memory_space<vmem>>, vector<256x16xf32>
    %dot_general3A_151 = arith.constant dense<0.000000e+00> : vector<16x8192xf32>
    %dot_general3A_152 = tpu.matmul %get3A_150, %mul3A_137, %dot_general3A_151 {dimension_numbers = #tpu.dot_dimension_numbers<[0], [0], [1], [1], [0, 1, 1, 1], [], []>, transpose_lhs_hint = false} : vector<256x16xf32>, vector<256x8192xf32>, vector<16x8192xf32> -> vector<16x8192xf32>
    %mul3A_153 = vector.broadcast %mul3A_140 : vector<1x8192xf32> to vector<16x8192xf32>
    %mul3A_154 = arith.mulf %dot_general3A_152, %mul3A_153 : vector<16x8192xf32>
    %get3A_155 = arith.constant 0 : index
    %get3A_156 = arith.constant 0 : index
    %get3A_157 = vector.load %arg8[%get3A_155, %get3A_156] : memref<16x16xf32, #tpu.memory_space<vmem>>, vector<16x16xf32>
    %get3A_158 = arith.constant 0 : index
    %get3A_159 = arith.constant 0 : index
    %get3A_160 = vector.load %arg7[%get3A_158, %get3A_159] : memref<16x16xf32, #tpu.memory_space<vmem>>, vector<16x16xf32>
    %dot_general3A_161 = arith.constant dense<0.000000e+00> : vector<16x8192xf32>
    %dot_general3A_162 = tpu.matmul %get3A_160, %concatenate3A_26, %dot_general3A_161 {dimension_numbers = #tpu.dot_dimension_numbers<[0], [1], [1], [0], [0, 1, 1, 0], [], []>, transpose_lhs_hint = false} : vector<16x16xf32>, vector<8192x16xf32>, vector<16x8192xf32> -> vector<16x8192xf32>
    %dot_general3A_163 = arith.constant dense<0.000000e+00> : vector<16x8192xf32>
    %dot_general3A_164 = tpu.matmul %get3A_157, %dot_general3A_162, %dot_general3A_163 {dimension_numbers = #tpu.dot_dimension_numbers<[0], [0], [1], [1], [0, 1, 1, 1], [], []>, transpose_lhs_hint = false} : vector<16x16xf32>, vector<16x8192xf32>, vector<16x8192xf32> -> vector<16x8192xf32>
    %mul3A_165 = arith.mulf %dot_general3A_164, %mul3A_147 : vector<16x8192xf32>
    %reduce_sum3A = arith.constant dense<0.000000e+00> : vector<8192xf32>
    %reduce_sum3A_166 = vector.multi_reduction <add>, %mul3A_165, %reduce_sum3A [0] : vector<16x8192xf32> to vector<8192xf32>
    %broadcast_in_dim3A_167 = vector.shape_cast %reduce_sum3A_166 : vector<8192xf32> to vector<1x8192xf32>
    %mul3A_168 = arith.constant 1.562500e-02 : f32
    %mul3A_169 = vector.broadcast %mul3A_168 : f32 to vector<1x8192xf32>
    %mul3A_170 = arith.mulf %broadcast_in_dim3A_167, %mul3A_169 : vector<1x8192xf32>
    %exp3A_171 = math.exp %mul3A_170 : vector<1x8192xf32>
    %mul3A_172 = arith.mulf %select_n3A_90, %exp3A_171 : vector<1x8192xf32>
    %sqrt3A = math.sqrt %mul3A_172 : vector<1x8192xf32>
    %mul3A_173 = vector.broadcast %sqrt3A : vector<1x8192xf32> to vector<16x8192xf32>
    %mul3A_174 = arith.mulf %mul3A_173, %mul3A_154 : vector<16x8192xf32>
    %broadcast_in_dim3A_175 = vector.shape_cast %mul3A_172 : vector<1x8192xf32> to vector<1x8192xf32>
    %broadcast_in_dim3A_176 = vector.broadcast %broadcast_in_dim3A_175 : vector<1x8192xf32> to vector<16x8192xf32>
    %concatenate3A_177 = tpu.concatenate %mul3A_174, %broadcast_in_dim3A_176 in 0 : vector<16x8192xf32>, vector<16x8192xf32> -> vector<32x8192xf32>
    %iota3A_178 = tpu.iota {dimensions = array<i32: 0>} : vector<32x32xi32>
    %iota3A_179 = tpu.iota {dimensions = array<i32: 1>} : vector<32x32xi32>
    %eq3A = arith.cmpi eq, %iota3A_178, %iota3A_179 : vector<32x32xi32>
    %convert_element_type3A_180 = arith.extui %eq3A : vector<32x32xi1> to vector<32x32xi32>
    %convert_element_type3A_181 = arith.sitofp %convert_element_type3A_180 : vector<32x32xi32> to vector<32x32xf32>
    %dot_general3A_182 = arith.constant dense<0.000000e+00> : vector<8192x32xf32>
    %dot_general3A_183 = tpu.matmul %concatenate3A_177, %convert_element_type3A_181, %dot_general3A_182 {dimension_numbers = #tpu.dot_dimension_numbers<[0], [0], [1], [1], [0, 1, 1, 1], [], []>, transpose_lhs_hint = false} : vector<32x8192xf32>, vector<32x32xf32>, vector<8192x32xf32> -> vector<8192x32xf32>
    %slice3A_184 = vector.extract_strided_slice %dot_general3A_183 {offsets = [0, 0], sizes = [2048, 32], strides = [1, 1]} : vector<8192x32xf32> to vector<2048x32xf32>
    %slice3A_185 = vector.extract_strided_slice %dot_general3A_183 {offsets = [2048, 0], sizes = [2048, 32], strides = [1, 1]} : vector<8192x32xf32> to vector<2048x32xf32>
    %slice3A_186 = vector.extract_strided_slice %dot_general3A_183 {offsets = [4096, 0], sizes = [2048, 32], strides = [1, 1]} : vector<8192x32xf32> to vector<2048x32xf32>
    %slice3A_187 = vector.extract_strided_slice %dot_general3A_183 {offsets = [6144, 0], sizes = [2048, 32], strides = [1, 1]} : vector<8192x32xf32> to vector<2048x32xf32>
    %concatenate3A_188 = tpu.concatenate %slice3A_184, %slice3A_185, %slice3A_186, %slice3A_187 in 1 : vector<2048x32xf32>, vector<2048x32xf32>, vector<2048x32xf32>, vector<2048x32xf32> -> vector<2048x128xf32>
    %swap3A = arith.constant 0 : index
    %swap3A_189 = arith.constant 0 : index
    %swap3A_190 = vector.load %arg13[%swap3A, %swap3A_189] : memref<2048x128xf32, #tpu.memory_space<vmem>>, vector<2048x128xf32>
    tpu.vector_store %arg13[%swap3A, %swap3A_189], %concatenate3A_188 {strides = array<i32>} : memref<2048x128xf32, #tpu.memory_space<vmem>>, vector<2048x128xf32>,
    return
  }
  func.func @transform_0(%arg0: i32) -> (i32, i32) {
    %c0_i32 = arith.constant 0 : i32
    %c0_i32_0 = arith.constant 0 : i32
    return %c0_i32, %arg0 : i32, i32
  }
  func.func @transform_1(%arg0: i32) -> (i32, i32) {
    %c0_i32 = arith.constant 0 : i32
    %c0_i32_0 = arith.constant 0 : i32
    return %c0_i32, %arg0 : i32, i32
  }
  func.func @transform_2(%arg0: i32) -> (i32, i32) {
    %c0_i32 = arith.constant 0 : i32
    %c0_i32_0 = arith.constant 0 : i32
    return %arg0, %c0_i32 : i32, i32
  }
  func.func @transform_3(%arg0: i32) -> (i32, i32) {
    %c0_i32 = arith.constant 0 : i32
    %c0_i32_0 = arith.constant 0 : i32
    return %arg0, %c0_i32 : i32, i32
  }
  func.func @transform_4(%arg0: i32) -> (i32, i32) {
    %c0_i32 = arith.constant 0 : i32
    %c0_i32_0 = arith.constant 0 : i32
    %c0_i32_1 = arith.constant 0 : i32
    return %c0_i32, %c0_i32_0 : i32, i32
  }
  func.func @transform_5(%arg0: i32) -> (i32, i32) {
    %c0_i32 = arith.constant 0 : i32
    %c0_i32_0 = arith.constant 0 : i32
    %c0_i32_1 = arith.constant 0 : i32
    return %c0_i32, %c0_i32_0 : i32, i32
  }
  func.func @transform_6(%arg0: i32) -> (i32, i32) {
    %c0_i32 = arith.constant 0 : i32
    %c0_i32_0 = arith.constant 0 : i32
    %c0_i32_1 = arith.constant 0 : i32
    return %c0_i32, %c0_i32_0 : i32, i32
  }
  func.func @transform_7(%arg0: i32) -> (i32, i32) {
    %c0_i32 = arith.constant 0 : i32
    %c0_i32_0 = arith.constant 0 : i32
    %c0_i32_1 = arith.constant 0 : i32
    return %c0_i32, %c0_i32_0 : i32, i32
  }
  func.func @transform_8(%arg0: i32) -> (i32, i32) {
    %c0_i32 = arith.constant 0 : i32
    %c0_i32_0 = arith.constant 0 : i32
    %c0_i32_1 = arith.constant 0 : i32
    return %c0_i32, %c0_i32_0 : i32, i32
  }
  func.func @transform_9(%arg0: i32) -> (i32, i32) {
    %c0_i32 = arith.constant 0 : i32
    %c0_i32_0 = arith.constant 0 : i32
    %c0_i32_1 = arith.constant 0 : i32
    return %c0_i32, %c0_i32_0 : i32, i32
  }
  func.func @transform_10(%arg0: i32) -> (i32, i32) {
    %c0_i32 = arith.constant 0 : i32
    %c0_i32_0 = arith.constant 0 : i32
    %c0_i32_1 = arith.constant 0 : i32
    return %c0_i32, %c0_i32_0 : i32, i32
  }
  func.func @transform_11(%arg0: i32) -> (i32, i32) {
    %c0_i32 = arith.constant 0 : i32
    %c0_i32_0 = arith.constant 0 : i32
    %c0_i32_1 = arith.constant 0 : i32
    return %c0_i32, %c0_i32_0 : i32, i32
  }
  func.func @transform_12(%arg0: i32) -> (i32, i32) {
    %c0_i32 = arith.constant 0 : i32
    %c0_i32_0 = arith.constant 0 : i32
    return %arg0, %c0_i32 : i32, i32
  }
}

module attributes {stable_mosaic.version = 14 : i64} {
  func.func @_final_body(%arg0: i32, %arg1: memref<2x512x128xf32, #tpu.memory_space<vmem>>, %arg2: memref<512x64xf32, #tpu.memory_space<vmem>>) attributes {dimension_semantics = [#tpu.dimension_semantics<arbitrary>], iteration_bounds = array<i64: 5>, scalar_prefetch = 0 : i64, scratch_operands = 0 : i64, tpu.core_type = #tpu.core_type<tc>, window_params = [{transform_indices = @transform_0, window_bounds = array<i64: 2, 512, 128>}, {transform_indices = @transform_1, window_bounds = array<i64: 512, 64>}]} {
    %get3A = arith.constant 0 : index
    %get3A_0 = arith.constant 0 : index
    %get3A_1 = arith.constant 0 : index
    %get3A_2 = vector.load %arg1[%get3A, %get3A_0, %get3A_1] : memref<2x512x128xf32, #tpu.memory_space<vmem>>, vector<1x512x128xf32>
    %get3A_3 = vector.shape_cast %get3A_2 : vector<1x512x128xf32> to vector<512x128xf32>
    %get3A_4 = arith.constant 1 : index
    %get3A_5 = arith.constant 0 : index
    %get3A_6 = arith.constant 0 : index
    %get3A_7 = vector.load %arg1[%get3A_4, %get3A_5, %get3A_6] : memref<2x512x128xf32, #tpu.memory_space<vmem>>, vector<1x512x128xf32>
    %get3A_8 = vector.shape_cast %get3A_7 : vector<1x512x128xf32> to vector<512x128xf32>
    %add3A = arith.addf %get3A_3, %get3A_8 : vector<512x128xf32>
    %slice3A = vector.extract_strided_slice %add3A {offsets = [0, 0], sizes = [512, 32], strides = [1, 1]} : vector<512x128xf32> to vector<512x32xf32>
    %slice3A_9 = vector.extract_strided_slice %slice3A {offsets = [0, 0], sizes = [512, 16], strides = [1, 1]} : vector<512x32xf32> to vector<512x16xf32>
    %slice3A_10 = vector.extract_strided_slice %slice3A {offsets = [0, 16], sizes = [512, 1], strides = [1, 1]} : vector<512x32xf32> to vector<512x1xf32>
    %eq3A = arith.constant 0.000000e+00 : f32
    %eq3A_11 = vector.broadcast %eq3A : f32 to vector<512x1xf32>
    %eq3A_12 = arith.cmpf oeq, %slice3A_10, %eq3A_11 : vector<512x1xf32>
    %jit3A = arith.constant 1.000000e+00 : f32
    %broadcast_in_dim3A = vector.broadcast %jit3A : f32 to vector<512x1xf32>
    %select_n3A = arith.select %eq3A_12, %broadcast_in_dim3A, %slice3A_10 : vector<512x1xi1>, vector<512x1xf32>
    %sqrt3A = math.sqrt %select_n3A : vector<512x1xf32>
    %div3A = vector.broadcast %sqrt3A : vector<512x1xf32> to vector<512x16xf32>
    %div3A_13 = arith.divf %slice3A_9, %div3A : vector<512x16xf32>
    %slice3A_14 = vector.extract_strided_slice %add3A {offsets = [0, 32], sizes = [512, 32], strides = [1, 1]} : vector<512x128xf32> to vector<512x32xf32>
    %slice3A_15 = vector.extract_strided_slice %slice3A_14 {offsets = [0, 0], sizes = [512, 16], strides = [1, 1]} : vector<512x32xf32> to vector<512x16xf32>
    %slice3A_16 = vector.extract_strided_slice %slice3A_14 {offsets = [0, 16], sizes = [512, 1], strides = [1, 1]} : vector<512x32xf32> to vector<512x1xf32>
    %eq3A_17 = arith.constant 0.000000e+00 : f32
    %eq3A_18 = vector.broadcast %eq3A_17 : f32 to vector<512x1xf32>
    %eq3A_19 = arith.cmpf oeq, %slice3A_16, %eq3A_18 : vector<512x1xf32>
    %jit3A_20 = arith.constant 1.000000e+00 : f32
    %broadcast_in_dim3A_21 = vector.broadcast %jit3A_20 : f32 to vector<512x1xf32>
    %select_n3A_22 = arith.select %eq3A_19, %broadcast_in_dim3A_21, %slice3A_16 : vector<512x1xi1>, vector<512x1xf32>
    %sqrt3A_23 = math.sqrt %select_n3A_22 : vector<512x1xf32>
    %div3A_24 = vector.broadcast %sqrt3A_23 : vector<512x1xf32> to vector<512x16xf32>
    %div3A_25 = arith.divf %slice3A_15, %div3A_24 : vector<512x16xf32>
    %slice3A_26 = vector.extract_strided_slice %add3A {offsets = [0, 64], sizes = [512, 32], strides = [1, 1]} : vector<512x128xf32> to vector<512x32xf32>
    %slice3A_27 = vector.extract_strided_slice %slice3A_26 {offsets = [0, 0], sizes = [512, 16], strides = [1, 1]} : vector<512x32xf32> to vector<512x16xf32>
    %slice3A_28 = vector.extract_strided_slice %slice3A_26 {offsets = [0, 16], sizes = [512, 1], strides = [1, 1]} : vector<512x32xf32> to vector<512x1xf32>
    %eq3A_29 = arith.constant 0.000000e+00 : f32
    %eq3A_30 = vector.broadcast %eq3A_29 : f32 to vector<512x1xf32>
    %eq3A_31 = arith.cmpf oeq, %slice3A_28, %eq3A_30 : vector<512x1xf32>
    %jit3A_32 = arith.constant 1.000000e+00 : f32
    %broadcast_in_dim3A_33 = vector.broadcast %jit3A_32 : f32 to vector<512x1xf32>
    %select_n3A_34 = arith.select %eq3A_31, %broadcast_in_dim3A_33, %slice3A_28 : vector<512x1xi1>, vector<512x1xf32>
    %sqrt3A_35 = math.sqrt %select_n3A_34 : vector<512x1xf32>
    %div3A_36 = vector.broadcast %sqrt3A_35 : vector<512x1xf32> to vector<512x16xf32>
    %div3A_37 = arith.divf %slice3A_27, %div3A_36 : vector<512x16xf32>
    %slice3A_38 = vector.extract_strided_slice %add3A {offsets = [0, 96], sizes = [512, 32], strides = [1, 1]} : vector<512x128xf32> to vector<512x32xf32>
    %slice3A_39 = vector.extract_strided_slice %slice3A_38 {offsets = [0, 0], sizes = [512, 16], strides = [1, 1]} : vector<512x32xf32> to vector<512x16xf32>
    %slice3A_40 = vector.extract_strided_slice %slice3A_38 {offsets = [0, 16], sizes = [512, 1], strides = [1, 1]} : vector<512x32xf32> to vector<512x1xf32>
    %eq3A_41 = arith.constant 0.000000e+00 : f32
    %eq3A_42 = vector.broadcast %eq3A_41 : f32 to vector<512x1xf32>
    %eq3A_43 = arith.cmpf oeq, %slice3A_40, %eq3A_42 : vector<512x1xf32>
    %jit3A_44 = arith.constant 1.000000e+00 : f32
    %broadcast_in_dim3A_45 = vector.broadcast %jit3A_44 : f32 to vector<512x1xf32>
    %select_n3A_46 = arith.select %eq3A_43, %broadcast_in_dim3A_45, %slice3A_40 : vector<512x1xi1>, vector<512x1xf32>
    %sqrt3A_47 = math.sqrt %select_n3A_46 : vector<512x1xf32>
    %div3A_48 = vector.broadcast %sqrt3A_47 : vector<512x1xf32> to vector<512x16xf32>
    %div3A_49 = arith.divf %slice3A_39, %div3A_48 : vector<512x16xf32>
    %concatenate3A = tpu.concatenate %div3A_13, %div3A_25, %div3A_37, %div3A_49 in 1 : vector<512x16xf32>, vector<512x16xf32>, vector<512x16xf32>, vector<512x16xf32> -> vector<512x64xf32>
    %swap3A = arith.constant 0 : index
    %swap3A_50 = arith.constant 0 : index
    %swap3A_51 = vector.load %arg2[%swap3A, %swap3A_50] : memref<512x64xf32, #tpu.memory_space<vmem>>, vector<512x64xf32>
    tpu.vector_store %arg2[%swap3A, %swap3A_50], %concatenate3A {strides = array<i32>} : memref<512x64xf32, #tpu.memory_space<vmem>>, vector<512x64xf32>,
    return
  }
  func.func @transform_0(%arg0: i32) -> (i32, i32, i32) {
    %c0_i32 = arith.constant 0 : i32
    %c0_i32_0 = arith.constant 0 : i32
    %c0_i32_1 = arith.constant 0 : i32
    return %c0_i32, %arg0, %c0_i32_0 : i32, i32, i32
  }
  func.func @transform_1(%arg0: i32) -> (i32, i32) {
    %c0_i32 = arith.constant 0 : i32
    %c0_i32_0 = arith.constant 0 : i32
    return %arg0, %c0_i32 : i32, i32
  }
}

</mosaic_0001>

<sc_bundles>
// kernel: gather_offload_async_start.1
scs
__scs_entry_jumppad:
0x0: {  	(pc) =	sbr.rel $0x88, $3  }
0x1: {  	(tag) =	ssettag $0x0;
	lr =	simm.s32 $0x1  }
0x2: {  	[smem:$0x3F97] =	sst lr;
	_ =	strace $0xD0000000  }
0x3: {  	_ = 	snop  }
0x4: {  	_ = 	snop  }
0x5: {  	_ = 	snop  }
0x6: {  	_ = 	snop  }
0x7: {  	_ = 	snop  }
__scs_overlays_trampoline_lowered:
0x8: {  	[smem:$0x3FA6] =	sst s0  }
0x9: {  	[smem:$0x3FA7] =	sst s1  }
0xa: {  	[smem:$0x3FA8] =	sst s2  }
0xb: {  	[smem:$0x3FA9] =	sst s3  }
0xc: {  	[smem:$0x3FAA] =	sst s4  }
0xd: {  	[smem:$0x3FAB] =	sst s5  }
0xe: {  	[smem:$0x3FAC] =	sst s6  }
0xf: {  	[smem:$0x3FAD] =	sst s7  }
0x10: {  	[smem:$0x3FAE] =	sst s8  }
0x11: {  	[smem:$0x3FAF] =	sst s9;
	s0 =	simm.s32 @!p0 $0x0  }
0x12: {  	s1 =	sld [smem:$0x3F95];
	s0 =	simm.s32 @p0 $0x1  }
0x13: {  	[smem:$0x3FB0] =	sst s0;
	s0 =	simm.s32 @!p1 $0x0  }
0x14: {  	s2 =	sld [smem:$0x3F94];
	s0 =	simm.s32 @p1 $0x1  }
0x15: {  	[smem:$0x3FB1] =	sst s0;
	s0 =	simm.s32 @!p2 $0x0  }
0x16: {  	s3 =	sld [smem:$0x3FDB];
	s0 =	simm.s32 @p2 $0x1  }
0x17: {  	s4 =	simm.s32 $0x1BF5;
	[smem:$0x3FB3] =	sst s0  }
0x18: {  	s0 =	sld [smem:$0x3F96];
	_ =	swait.ge [sflag:s4], $0x0  }
0x19: {  	s7 =	sld [smem:$0x3F97]  }
0x1a: {  	s8 =	sadd.s32 $0xFFFFE003, lr  }
0x1b: {  	s9 =	sadd.s32 $0xFFFFFEF7, lr;
	s5 =	simm.s32 $0xFFFFFFFF;
	p2 =	slt.u32 s8, $0xFFFFF086  }
0x1c: {  	p1 =	slt.u32 s9, $0xF7A;
	s5 =	simm.s32 @!p2 $0x0  }
0x1d: {  	s5 =	simm.s32 @p1 $0x1;
	p0 =	seq.s32 s7, s2  }
0x1e: {  	s7 =	smul.u32 @!p0 $0xF7A, s2;
	p2 =	seq.s32 @!p0 s5, $0x0  }
0x1f: {  	s9 =	smul.u32 $0xF7A, s1;
	s8 =	simm.s32 @!p0 $0x1BF5;
	p2 =	por !p2, p0  }
0x20: {  	[sflag:s8] =	ssyncset.s32 @!p0 $0xFFFFF086;
	s6 =	sadd.s32 @!p0 s3, s7;
	s7 =	simm.s32 @!p0 $0x108  }
0x21: {  	s3 =	sadd.s32 s3, s9;
	s6 =	sadd.s32 @!p0 $0x88, s6;
	s7 =	simm.s32 @p2 $0x1082  }
0x22: {  	[simem:s7], [sflag:s8] =	dma.local @!p0 [hbm:s6], $0xF7A  }
0x23: {  	s9 =	sor.u32 $0xD0000000, s2;
	s6 =	simm.s32 $0x108;
	_ =	swait.ge @!p0 [sflag:s8], $0x0  }
0x24: {  	s3 =	sadd.s32 $0x88, s3;
	s6 =	simm.s32 @!p1 $0x1082;
	[sflag:s4] =	ssyncset.s32 $0xFFFFF086  }
0x25: {  	[simem:s6], [sflag:s4] =	dma.local [hbm:s3], $0xF7A  }
0x26: {  	[smem:$0x3F97] =	sst s1;
	(tag) =	ssettag s2;
	_ =	strace s9  }
0x27: {  	s1 =	sld [smem:$0x3FA7]  }
0x28: {  	s2 =	sld [smem:$0x3FA8]  }
0x29: {  	s4 =	sld [smem:$0x3FAA]  }
0x2a: {  	p0 =	seq.s32 s5, $0x0;
	s5 =	sld [smem:$0x3FAB]  }
0x2b: {  	s6 =	sld [smem:$0x3FAC]  }
0x2c: {  	s7 =	sld [smem:$0x3FAD]  }
0x2d: {  	s3 =	simm.s32 $0x108;
	s8 =	sld [smem:$0x3FAE]  }
0x2e: {  	s3 =	simm.s32 @!p0 $0x1082;
	s9 =	sld [smem:$0x3FAF]  }
0x2f: {  	lr =	sadd.s32 s0, s3;
	s0 =	sld [smem:$0x3FA6]  }
0x30: {  	s3 =	sld [smem:$0x3FA9]  }
0x31: {  	[smem:$0x3FB2] =	sst s10  }
0x32: {  	s10 =	sld [smem:$0x3FB0];
	_ =	sdelay $0x3  }
0x33: {  	p0 =	seq.s32 s10, $0x1;
	s10 =	sld [smem:$0x3FB2];
	_ =	sdelay $0x3  }
0x34: {  	[smem:$0x3FB2] =	sst s10  }
0x35: {  	s10 =	sld [smem:$0x3FB1];
	_ =	sdelay $0x3  }
0x36: {  	p1 =	seq.s32 s10, $0x1;
	s10 =	sld [smem:$0x3FB2];
	_ =	sdelay $0x3  }
0x37: {  	[smem:$0x3FB2] =	sst s10  }
0x38: {  	s10 =	sld [smem:$0x3FB3]  }
0x39: {  	_ = 	snop;
	(pc) =	sbr.ind lr, $3  }
0x3a: {  	_ = 	snop  }
0x3b: {  	_ = 	snop  }
0x3c: {  	p2 =	seq.s32 s10, $0x1;
	s10 =	sld [smem:$0x3FB2]  }
0x3d: {  	_ =	shalt  }
0x3e: {  	_ =	shalt  }
0x3f: {  	_ =	shalt  }
0x40: {  	_ =	shalt  }
0x41: {  	_ =	shalt  }
0x42: {  	_ =	shalt  }
0x43: {  	_ =	shalt  }
0x44: {  	_ =	shalt  }
0x45: {  	_ =	shalt  }
0x46: {  	_ =	shalt  }
0x47: {  	_ =	shalt  }
0x48: {  	_ =	shalt  }
0x49: {  	_ =	shalt  }
0x4a: {  	_ =	shalt  }
0x4b: {  	_ =	shalt  }
0x4c: {  	_ =	shalt  }
0x4d: {  	_ =	shalt  }
0x4e: {  	_ =	shalt  }
0x4f: {  	_ =	shalt  }
0x50: {  	_ =	shalt  }
0x51: {  	_ =	shalt  }
0x52: {  	_ =	shalt  }
0x53: {  	_ =	shalt  }
0x54: {  	_ =	shalt  }
0x55: {  	_ =	shalt  }
0x56: {  	_ =	shalt  }
0x57: {  	_ =	shalt  }
0x58: {  	_ =	shalt  }
0x59: {  	_ =	shalt  }
0x5a: {  	_ =	shalt  }
0x5b: {  	_ =	shalt  }
0x5c: {  	_ =	shalt  }
0x5d: {  	_ =	shalt  }
0x5e: {  	_ =	shalt  }
0x5f: {  	_ =	shalt  }
0x60: {  	_ =	shalt  }
0x61: {  	_ =	shalt  }
0x62: {  	_ =	shalt  }
0x63: {  	_ =	shalt  }
0x64: {  	_ =	shalt  }
0x65: {  	_ =	shalt  }
0x66: {  	_ =	shalt  }
0x67: {  	_ =	shalt  }
0x68: {  	_ =	shalt  }
0x69: {  	_ =	shalt  }
0x6a: {  	_ =	shalt  }
0x6b: {  	_ =	shalt  }
0x6c: {  	_ =	shalt  }
0x6d: {  	_ =	shalt  }
0x6e: {  	_ =	shalt  }
0x6f: {  	_ =	shalt  }
0x70: {  	_ =	shalt  }
0x71: {  	_ =	shalt  }
0x72: {  	_ =	shalt  }
0x73: {  	_ =	shalt  }
0x74: {  	_ =	shalt  }
0x75: {  	_ =	shalt  }
0x76: {  	_ =	shalt  }
0x77: {  	_ =	shalt  }
0x78: {  	_ =	shalt  }
0x79: {  	_ =	shalt  }
0x7a: {  	_ =	shalt  }
0x7b: {  	_ =	shalt  }
0x7c: {  	_ =	shalt  }
0x7d: {  	_ =	shalt  }
0x7e: {  	_ =	shalt  }
0x7f: {  	_ =	shalt  }
0x80: {  	_ =	shalt  }
0x81: {  	_ =	shalt  }
0x82: {  	_ =	shalt  }
0x83: {  	_ =	shalt  }
0x84: {  	_ =	shalt  }
0x85: {  	_ =	shalt  }
0x86: {  	_ =	shalt  }
0x87: {  	_ =	shalt  }
.Lfunc_end0:
.L_simem_size_0:
called_computation.1_lowered:
.L_overlay_start_0:
0x88: {  	s2 =	sld [smem:$0x3FD9]  }
0x89: {  	s3 =	sld [smem:$0x3FFE];
	_ =	sdelay $0x1  }
0x8a: {  	s1 =	srdreg.scid  }
0x8b: {  	s0 =	sand.u32 $0x1, s1  }
0x8c: {  	s17 =	sshll.u32 s0, $0xA;
	s2 =	sadd.s32 s3, s2  }
0x8d: {  	s2 =	sadd.s32 s2, s17  }
0x8e: {  	[smem:$0x3FBE] =	sst s2  }
0x8f: {  	_ = 	snop  }
0x90: {  	(tm) =	ssettm $0x1  }
0x91: {  	s18 =	sld [smem:$0x3FFB];
	_ =	sdelay $0x3  }
0x92: {  	_ =	strace s18  }
0x93: {  	s2 =	sld [smem:$0x3FFC];
	_ =	sdelay $0x3  }
0x94: {  	_ =	strace s2  }
0x95: {  	s2 =	sld [smem:$0x3FFD];
	_ =	sdelay $0x3  }
0x96: {  	_ =	strace s2  }
0x97: {  	_ =	strace $0x8FFFFFFF  }
0x98: {  	s19 =	sld [smem:$0x3FDB];
	_ =	sdelay $0x1  }
0x99: {  	s20 =	simm.s32 $_scs_section_size  }
0x9a: {  	s4 =	simm.s32 $_size__tile_overlayer_lowered;
	s5 =	simm.s32 $_tile_overlayer_lowered  }
0x9b: {  	s6 =	simm.s32 $0x1BFF;
	s21 =	sshll.u32 s5, $0x1;
	s3 =	sadd.s32 s20, s19  }
0x9c: {  	s22 =	simm.s32 $0x0;
	s4 =	sshll.u32 s4, $0x1;
	s5 =	sadd.s32 s21, s3  }
0x9d: {  	[timem:s22], [sflag:s6] =	dma.local [hbm:s5], s4  }
0x9e: {  	_ =	swait.ge [sflag:s6], s4  }
0x9f: {  	s4 =	ssub.s32 $0x0, s4;
	[sflag:s6] =	ssyncset.done $0x0  }
0xa0: {  	[sflag:s6] =	ssyncadd.s32 s4;
	_ =	sdelay $0x1  }
0xa1: {  	s23 =	simm.s32 $0x1B8B  }
0xa2: {  	_ =	swait.ge [sflag:s23], $0x1  }
0xa3: {  	[sflag:s23] =	ssyncset.done $0x0  }
0xa4: {  	[sflag:s23] =	ssyncadd.s32 $0xFFFFFFFF  }
0xa5: {  	s4 =	sld [smem:$0x0]  }
0xa6: {  	s5 =	sand.u32 $0xFFFFFFFE, s1  }
0xa7: {  	p0 =	sne.s32 s1, s5  }
0xa8: {  	s5 =	sshll.u32 @p0 s5, $0xE  }
0xa9: {  	s5 =	sadd.s32 @p0 $0x11B8D, s5;
	s6 =	sshll.u32 @p0 s4, $0x11  }
0xaa: {  	s5 =	sor.u32 @p0 s6, s5  }
0xab: {  	[sflag:s5] =	ssyncadd.remote.s32 @p0 $0x1;
	_ =	sdelay $0x1  }
0xac: {  	s5 =	simm.s32 @p0 $0x1B8D  }
0xad: {  	_ =	swait.eq @p0 [sflag:s5], $0x1  }
0xae: {  	[sflag:s5] =	ssyncadd.s32 @p0 $0xFFFFFFFF  }
0xaf: {  	s6 =	sshll.u32 @!p0 s1, $0xE  }
0xb0: {  	s6 =	sor.u32 @!p0 $0x4000, s6;
	s5 =	simm.s32 @!p0 $0x1B8D  }
0xb1: {  	s4 =	sshll.u32 @!p0 s4, $0x11;
	s6 =	sadd.s32 @!p0 $0x11B8D, s6;
	_ =	swait.eq @!p0 [sflag:s5], $0x1  }
0xb2: {  	s4 =	sor.u32 @!p0 s4, s6;
	[sflag:s5] =	ssyncadd.s32 @!p0 $0xFFFFFFFF  }
0xb3: {  	s25 =	simm.s32 $0x1B8E;
	s24 =	sld [smem:$0x3FFE];
	[sflag:s4] =	ssyncadd.remote.s32 @!p0 $0x1  }
0xb4: {  	s26 =	simm.s32 $execute0_lowered;
	[smem:$0x3FD2] =	sst s25  }
0xb5: {  	s5 =	sshll.u32 s26, $0x1;
	_ =	strace $0x80000049;
	[dreg:$0x1] =	wrdreg $0xFFFFFFFF  }
0xb6: {  	s28 =	simm.s32 $_size_execute0_lowered;
	s3 =	sadd.s32 s3, s5;
	[dreg:$0x0] =	wrdreg $0x0  }
0xb7: {  	s5 =	sshll.u32 s28, $0x1;
	[dreg:$0x2] =	wrdreg s3  }
0xb8: {  	[dreg:$0x3] =	wrdreg s5  }
0xb9: {  	[dreg:$0x4] =	wrdreg $0xC0  }
0xba: {  	_ =	task [dreg:s22], $0x5FFFF  }
0xbb: {  	[dreg:$0x1] =	wrdreg $0xFFFFFFFF  }
0xbc: {  	[dreg:$0x0] =	wrdreg $0x60  }
0xbd: {  	[dreg:$0x2] =	wrdreg s24  }
0xbe: {  	[dreg:$0x3] =	wrdreg $0xB  }
0xbf: {  	_ =	task.clear_ibuf [dreg:s22], $0x4FFFF;
	_ =	strace $0x90000049  }
0xc0: {  	s29 =	simm.s32 $0xB;
	_ =	strace $0x8000004B  }
0xc1: {  	_ =	swait.ge [sflag:s29], $0x1  }
0xc2: {  	[sflag:s29] =	ssyncadd.s32 $0xFFFFFFFF  }
0xc3: {  	_ =	strace $0x9000004B  }
0xc4: {  	_ =	sfence  }
0xc5: {  	s30 =	sld [smem:$0x0];
	_ =	sdelay $0x2  }
0xc6: {  	s31 =	sshll.u32 s1, $0xD;
	s1 =	sshrl.u32 s1, $0x2  }
0xc7: {  	s4 =	sand.u32 $0x4000, s31;
	s1 =	sadd.s32 s1, s30  }
0xc8: {  	s0 =	sor.u32 s4, s0;
	s1 =	sshll.u32 s1, $0x11  }
0xc9: {  	s0 =	sor.u32 s1, s0  }
0xca: {  	s0 =	sadd.s32 $0x8F2B, s0  }
0xcb: {  	[sflag:s0] =	ssyncadd.remote.s32 $0x1  }
0xcc: {  	_ =	sfence.sel $0xFFFF  }
0xcd: {  	[dreg:$0x0] =	wrdreg $0xFFFFFFFF;
	(pc) =	sbr.abs _section_cstart, $3  }
0xce: {  	[dreg:$0x1] =	wrdreg $0xFFFFFFFF  }
0xcf: {  	_ =	task.clear_ibuf [dreg:s22], $0x2FFFF;
	_ =	strace $0x9FFFFFFF  }
0xd0: {  	(tm) =	ssettm $0x7FFFFFFF  }
0xd1: {  	_ =	shalt  }
tec
execute0_lowered:
.L_overlay_start_1:
0x0: {  	(tag) =	ssettag $0x1  }
0x1: {  	s0 =	srdreg.scid;
	s5 =	rddreg [dreg:$0x0]  }
0x2: {  	s1 =	stileid.u32;
	s6 =	simm.s32 $0x1;
	s9 =	simm.s32 $0x1  }
0x3: {  	s10 =	simm.s32 $0x3;
	s13 =	simm.s32 $0x0;
	s2 =	sshll.u32 s0, $0xC  }
0x4: {  	s12 =	simm.s32 $0x0;
	s3 =	sshll.u32 s1, $0xD;
	s2 =	sand.u32 $0x1000, s2  }
0x5: {  	s0 =	rddreg [dreg:$0x1];
	_ =	strace $0x8000004A;
	s2 =	sor.u32 s3, s2  }
0x6: {  	s4 =	sadd.s32 $0x9400, s5;
	[sflag:s6] =	ssyncpa.u1 $0x0;
	s8 =	ssub.s32 $0x28000, s2  }
.Ltmp0:
0x7: {  	s3 =	sadd.s32 $0x2C400, s5;
	s7 =	sand.u32 $0x1F000, s8;
	(pc) =	sbr.rel .LBB2_1-.Ltmp0, $4  }
0x8: {  	s5 =	sadd.s32 $0x31400, s5;
	s11 =	smov.u32 s2;
	p0 =	sne.s32 s7, $0x0  }
0x9: {  	s8 =	sshrl.u32 s8, $0x11;
	s7 =	simm.s32 $0x2;
	s9 =	simm.s32 @!p0 $0x0  }
0xa: {  	[sflag:s7] =	ssyncpa.u1 $0x0;
	p0 =	por $0x0, $0x0;
	s8 =	sadd.s32 s9, s8  }
0xb: {  	vm0 =	vmmov $0xffff;
	[sflag:s10] =	ssyncpa.u1 $0x0;
	s10 =	simm.s32 $0x0;
	s9 =	sadd.s32 $0x1, s8  }
.LBB2_4:
0xc: {  	v2 =	vnsel vm1, $0x0, v2  }
0xd: {  	vm1 =	vgt.s32 v0, $0x0;
	v2 =	vmin.u32 v2, $0x27FFF  }
0xe: {  	v0 =	vnsel vm1, $0x0, v0  }
0xf: {  	v0 =	vmin.u32 v0, $0x27FFF  }
0x10: {  	[tilespmem:s15], [sflag:$0x1] =	stream.indirect_vreg.gather [hbm4b:s3+s10], $0x1, v1, vm0, $0x4038;
	[tilespmem:$0x4000] =	vst v63  }
0x11: {  	(ifvalue) =	ssetifvalue $0x7FFFFFFF  }
0x12: {  	[tilespmem:s16], [sflag:$0x1] =	stream.indirect_vreg.gather [hbm4b:s3+s10], $0x1, v2, vm0, $0x4038;
	[tilespmem:$0x4000] =	vst v63  }
0x13: {  	s29 =	sadd.s32 $0x10, s16;
	(ifvalue) =	ssetifvalue $0x7FFFFFFF  }
0x14: {  	[tilespmem:s29], [sflag:$0x1] =	stream.indirect_vreg.gather [hbm4b:s3+s10], $0x1, v0, vm0, $0x4038;
	[tilespmem:$0x4000] =	vst v63  }
0x15: {  	_ =	swait.ge [sflag:s6], $0x1000  }
0x16: {  	s30 =	sshrl.u32 s13, $0x3;
	[sflag:s6] =	ssyncset.done $0x0  }
0x17: {  	s31 =	sand.u32 $0x7, s13;
	s15 =	sadd.s32 s5, s30;
	[sflag:s6] =	ssyncadd.s32 $0xFFFFF000  }
0x18: {  	[hbm4b:s15+s31] =	stream.linear.scatter [tilespmem:s14], [sflag:$0x3], $0x1000, $0x38;
	[tilespmem:$0x4000] =	vst v63  }
.LBB2_5:
0x19: {  	s15 =	sadd.s32 $0x20000, s11  }
0x1a: {  	p2 =	sgt.s32 s15, $0x27FFF  }
0x1b: {  	s15 =	smov.u32 @p2 s2;
	p2 =	sne.s32 s12, s9  }
.Ltmp1:
0x1c: {  	p1 =	slt.u32 s12, $0x2;
	(pc) =	sbr.rel @!p2 .LBB2_6-.Ltmp1, $4  }
0x1d: {  	s14 =	simm.s32 @!p1 $0x3  }
0x1e: {  	s16 =	sadd.s32 $0x1, s12;
	_ =	swait.ge @!p1 [sflag:s14], $0x1000  }
0x1f: {  	s13 =	smov.u32 s11;
	p0 =	por !p0, !p0;
	[sflag:s14] =	ssyncset.done @!p1 $0x0  }
0x20: {  	s12 =	smov.u32 s16;
	s11 =	smov.u32 s15;
	[sflag:s14] =	ssyncadd.s32 @!p1 $0xFFFFF000  }
.LBB2_1:
0x21: {  	p1 =	sge.u32 s12, s8  }
0x22: {  	s14 =	sxor.u32 @!p1 $0xFFFFFFFF, s12  }
0x23: {  	s31 =	sadd.s32 $0xFFFFFFFF, s12;
	s15 =	sshrl.u32 @!p1 s11, $0x3;
	s14 =	sshll.u32 @!p1 s14, $0xC  }
0x24: {  	s16 =	sand.u32 @!p1 $0x7, s11;
	s15 =	sadd.s32 @!p1 s4, s15;
	s14 =	sand.u32 @!p1 $0x1000, s14  }
0x25: {  	[tilespmem:s14], [sflag:$0x2] =	stream.linear.gather @!p1 [hbm4b:s15+s16], $0x1000, $0x38;
	[tilespmem:$0x4000] =	vst v63  }
0x26: {  	p1 =	sge.u32 s31, s8  }
.Ltmp2:
0x27: {  	_ = 	snop;
	(pc) =	sbr.rel @p1 .LBB2_5-.Ltmp2, $1  }
0x28: {  	_ =	sdelay $0x3  }
0x29: {  	s14 =	simm.s32 $0x1  }
0x2a: {  	_ =	swait.ge [sflag:s7], $0x1000;
	s14 =	simm.s32 @!p0 $0x0  }
0x2b: {  	[sflag:s7] =	ssyncset.done $0x0;
	s14 =	sshll.u32 s14, $0xC  }
0x2c: {  	[sflag:s7] =	ssyncadd.s32 $0xFFFFF000;
	(ifvalue) =	ssetifvalue $0x7FFFFFFF;
	v0 =	vld.msk [tilespmem:s14+$0x0 ss:$0x1], $0xffff;
	_ =	sdelay $0x4  }
0x2d: {  	s15 =	sadd.s32 $0x10, s14;
	vm1 =	vgt.s32 v0, $0x0  }
0x2e: {  	v2 =	vld.msk [tilespmem:s15+$0x0 ss:$0x1], $0xffff;
	v1 =	vnsel vm1, $0x0, v0  }
0x2f: {  	v1 =	vmin.u32 v1, $0x27FFF;
	_ =	sdelay $0x1  }
0x30: {  	s16 =	sshll.u32 s12, $0xC;
	s18 =	simm.s32 $0x20  }
0x31: {  	s16 =	sand.u32 $0x1000, s16;
	s17 =	sadd.s32 $0x10, s15;
	s15 =	sor.u32 $0x2000, s14  }
0x32: {  	s14 =	sor.u32 $0x2000, s16;
	s16 =	sadd.s32 $0x10, s15;
	v0 =	vld.msk [tilespmem:s17+$0x0 ss:$0x1], $0xffff;
	vm1 =	vgt.s32 v2, $0x0;
	(ifvalue) =	ssetifvalue $0x7FFFFFFF  }
.LBB2_3:
0x33: {  	[tilespmem:s15], [sflag:$0x1] =	stream.indirect_vreg.gather [hbm4b:s3+s10], $0x1, v1, vm0, $0x4038;
	[tilespmem:$0x4000] =	vst v63  }
0x34: {  	s18 =	sadd.s32 $0x10, s18  }
0x35: {  	v2 =	vnsel vm1, $0x0, v2;
	p1 =	slt.u32 s18, $0xFF0  }
.Ltmp3:
0x36: {  	s15 =	smov.u32 s16;
	v1 =	vmin.u32 v2, $0x27FFF;
	(pc) =	sbr.rel @p1 .LBB2_3-.Ltmp3, $3  }
0x37: {  	_ =	sdelay $0x1  }
0x38: {  	s17 =	sadd.s32 $0x10, s17  }
0x39: {  	vm1 =	vgt.s32 v0, $0x0;
	s16 =	sadd.s32 $0x10, s16;
	v2 =	vmov v0;
	(ifvalue) =	ssetifvalue $0x7FFFFFFF;
	v0 =	vld.msk [tilespmem:s17+$0x0 ss:$0x1], $0xffff  }
.Ltmp4:
0x3a: {  	_ = 	snop;
	(pc) =	sbr.rel .LBB2_4-.Ltmp4, $1  }
0x3b: {  	_ =	sdelay $0x3  }
.LBB2_6:
0x3c: {  	_ =	sfence.sel $0x180000  }
0x3d: {  	s2 =	simm.s32 $0x2;
	[bflag:$0x0] =	sbarrier.arrive $0xFFFF  }
0x3e: {  	s30 =	simm.s32 $0x3;
	[sflag:s2] =	ssyncpa.u1 $0x1  }
0x3f: {  	s31 =	simm.s32 $0x1;
	[sflag:s30] =	ssyncpa.u1 $0x1  }
0x40: {  	[sflag:s31] =	ssyncpa.u1 $0x1  }
0x41: {  	p0 =	sne.s32 s1, $0x0;
	_ =	strace $0x9000004A  }
0x42: {  	s0 =	sadd.s32 @!p0 $0x100000, s0;
	[bflag:$0x2] =	sbarrier.arrive $0xFFFF  }
0x43: {  	[sflag:s0] =	ssyncadd.tile.s32 @!p0 $0x1;
	_ =	shalt  }
.Lfunc_end2:
_tile_overlayer_lowered:
.L_overlay_start_2:
0x44: {  	(tag) =	ssettag $0x2  }
0x45: {  	s0 =	rddreg [dreg:$0x0];
	s2 =	stileid.u32  }
0x46: {  	s1 =	rddreg [dreg:$0x1];
	p0 =	sne.s32 s2, $0x0  }
0x47: {  	s3 =	rddreg [dreg:$0x2];
	[bflag:$0x3] =	sbarrier.arrive $0xFFFF;
	s2 =	simm.s32 @!p0 $0x1C01  }
0x48: {  	[timem:s3], [sflag:s2] =	dma.local @!p0 [hbm:s0], s1  }
0x49: {  	s0 =	simm.s32 @!p0 $0x1  }
0x4a: {  	_ =	swait.ge @!p0 [sflag:s0], s1  }
0x4b: {  	s1 =	ssub.s32 @!p0 $0x0, s1;
	[sflag:s0] =	ssyncset.done @!p0 $0x0  }
0x4c: {  	[sflag:s0] =	ssyncadd.s32 @!p0 s1  }
0x4d: {  	[bflag:$0x3] =	sbarrier.arrive $0xFFFF  }
0x4e: {  	_ =	shalt  }

// kernel: gather_offload_async_start.2
scs
__scs_entry_jumppad:
0x0: {  	(pc) =	sbr.rel $0x88, $3  }
0x1: {  	(tag) =	ssettag $0x0;
	lr =	simm.s32 $0x1  }
0x2: {  	[smem:$0x3F97] =	sst lr;
	_ =	strace $0xD0000000  }
0x3: {  	_ = 	snop  }
0x4: {  	_ = 	snop  }
0x5: {  	_ = 	snop  }
0x6: {  	_ = 	snop  }
0x7: {  	_ = 	snop  }
__scs_overlays_trampoline_lowered:
0x8: {  	[smem:$0x3FA6] =	sst s0  }
0x9: {  	[smem:$0x3FA7] =	sst s1  }
0xa: {  	[smem:$0x3FA8] =	sst s2  }
0xb: {  	[smem:$0x3FA9] =	sst s3  }
0xc: {  	[smem:$0x3FAA] =	sst s4  }
0xd: {  	[smem:$0x3FAB] =	sst s5  }
0xe: {  	[smem:$0x3FAC] =	sst s6  }
0xf: {  	[smem:$0x3FAD] =	sst s7  }
0x10: {  	[smem:$0x3FAE] =	sst s8  }
0x11: {  	[smem:$0x3FAF] =	sst s9;
	s0 =	simm.s32 @!p0 $0x0  }
0x12: {  	s1 =	sld [smem:$0x3F95];
	s0 =	simm.s32 @p0 $0x1  }
0x13: {  	[smem:$0x3FB0] =	sst s0;
	s0 =	simm.s32 @!p1 $0x0  }
0x14: {  	s2 =	sld [smem:$0x3F94];
	s0 =	simm.s32 @p1 $0x1  }
0x15: {  	[smem:$0x3FB1] =	sst s0;
	s0 =	simm.s32 @!p2 $0x0  }
0x16: {  	s3 =	sld [smem:$0x3FDB];
	s0 =	simm.s32 @p2 $0x1  }
0x17: {  	s4 =	simm.s32 $0x1BF5;
	[smem:$0x3FB3] =	sst s0  }
0x18: {  	s0 =	sld [smem:$0x3F96];
	_ =	swait.ge [sflag:s4], $0x0  }
0x19: {  	s7 =	sld [smem:$0x3F97]  }
0x1a: {  	s8 =	sadd.s32 $0xFFFFE003, lr  }
0x1b: {  	s9 =	sadd.s32 $0xFFFFFEF7, lr;
	s5 =	simm.s32 $0xFFFFFFFF;
	p2 =	slt.u32 s8, $0xFFFFF086  }
0x1c: {  	p1 =	slt.u32 s9, $0xF7A;
	s5 =	simm.s32 @!p2 $0x0  }
0x1d: {  	s5 =	simm.s32 @p1 $0x1;
	p0 =	seq.s32 s7, s2  }
0x1e: {  	s7 =	smul.u32 @!p0 $0xF7A, s2;
	p2 =	seq.s32 @!p0 s5, $0x0  }
0x1f: {  	s9 =	smul.u32 $0xF7A, s1;
	s8 =	simm.s32 @!p0 $0x1BF5;
	p2 =	por !p2, p0  }
0x20: {  	[sflag:s8] =	ssyncset.s32 @!p0 $0xFFFFF086;
	s6 =	sadd.s32 @!p0 s3, s7;
	s7 =	simm.s32 @!p0 $0x108  }
0x21: {  	s3 =	sadd.s32 s3, s9;
	s6 =	sadd.s32 @!p0 $0x88, s6;
	s7 =	simm.s32 @p2 $0x1082  }
0x22: {  	[simem:s7], [sflag:s8] =	dma.local @!p0 [hbm:s6], $0xF7A  }
0x23: {  	s9 =	sor.u32 $0xD0000000, s2;
	s6 =	simm.s32 $0x108;
	_ =	swait.ge @!p0 [sflag:s8], $0x0  }
0x24: {  	s3 =	sadd.s32 $0x88, s3;
	s6 =	simm.s32 @!p1 $0x1082;
	[sflag:s4] =	ssyncset.s32 $0xFFFFF086  }
0x25: {  	[simem:s6], [sflag:s4] =	dma.local [hbm:s3], $0xF7A  }
0x26: {  	[smem:$0x3F97] =	sst s1;
	(tag) =	ssettag s2;
	_ =	strace s9  }
0x27: {  	s1 =	sld [smem:$0x3FA7]  }
0x28: {  	s2 =	sld [smem:$0x3FA8]  }
0x29: {  	s4 =	sld [smem:$0x3FAA]  }
0x2a: {  	p0 =	seq.s32 s5, $0x0;
	s5 =	sld [smem:$0x3FAB]  }
0x2b: {  	s6 =	sld [smem:$0x3FAC]  }
0x2c: {  	s7 =	sld [smem:$0x3FAD]  }
0x2d: {  	s3 =	simm.s32 $0x108;
	s8 =	sld [smem:$0x3FAE]  }
0x2e: {  	s3 =	simm.s32 @!p0 $0x1082;
	s9 =	sld [smem:$0x3FAF]  }
0x2f: {  	lr =	sadd.s32 s0, s3;
	s0 =	sld [smem:$0x3FA6]  }
0x30: {  	s3 =	sld [smem:$0x3FA9]  }
0x31: {  	[smem:$0x3FB2] =	sst s10  }
0x32: {  	s10 =	sld [smem:$0x3FB0];
	_ =	sdelay $0x3  }
0x33: {  	p0 =	seq.s32 s10, $0x1;
	s10 =	sld [smem:$0x3FB2];
	_ =	sdelay $0x3  }
0x34: {  	[smem:$0x3FB2] =	sst s10  }
0x35: {  	s10 =	sld [smem:$0x3FB1];
	_ =	sdelay $0x3  }
0x36: {  	p1 =	seq.s32 s10, $0x1;
	s10 =	sld [smem:$0x3FB2];
	_ =	sdelay $0x3  }
0x37: {  	[smem:$0x3FB2] =	sst s10  }
0x38: {  	s10 =	sld [smem:$0x3FB3]  }
0x39: {  	_ = 	snop;
	(pc) =	sbr.ind lr, $3  }
0x3a: {  	_ = 	snop  }
0x3b: {  	_ = 	snop  }
0x3c: {  	p2 =	seq.s32 s10, $0x1;
	s10 =	sld [smem:$0x3FB2]  }
0x3d: {  	_ =	shalt  }
0x3e: {  	_ =	shalt  }
0x3f: {  	_ =	shalt  }
0x40: {  	_ =	shalt  }
0x41: {  	_ =	shalt  }
0x42: {  	_ =	shalt  }
0x43: {  	_ =	shalt  }
0x44: {  	_ =	shalt  }
0x45: {  	_ =	shalt  }
0x46: {  	_ =	shalt  }
0x47: {  	_ =	shalt  }
0x48: {  	_ =	shalt  }
0x49: {  	_ =	shalt  }
0x4a: {  	_ =	shalt  }
0x4b: {  	_ =	shalt  }
0x4c: {  	_ =	shalt  }
0x4d: {  	_ =	shalt  }
0x4e: {  	_ =	shalt  }
0x4f: {  	_ =	shalt  }
0x50: {  	_ =	shalt  }
0x51: {  	_ =	shalt  }
0x52: {  	_ =	shalt  }
0x53: {  	_ =	shalt  }
0x54: {  	_ =	shalt  }
0x55: {  	_ =	shalt  }
0x56: {  	_ =	shalt  }
0x57: {  	_ =	shalt  }
0x58: {  	_ =	shalt  }
0x59: {  	_ =	shalt  }
0x5a: {  	_ =	shalt  }
0x5b: {  	_ =	shalt  }
0x5c: {  	_ =	shalt  }
0x5d: {  	_ =	shalt  }
0x5e: {  	_ =	shalt  }
0x5f: {  	_ =	shalt  }
0x60: {  	_ =	shalt  }
0x61: {  	_ =	shalt  }
0x62: {  	_ =	shalt  }
0x63: {  	_ =	shalt  }
0x64: {  	_ =	shalt  }
0x65: {  	_ =	shalt  }
0x66: {  	_ =	shalt  }
0x67: {  	_ =	shalt  }
0x68: {  	_ =	shalt  }
0x69: {  	_ =	shalt  }
0x6a: {  	_ =	shalt  }
0x6b: {  	_ =	shalt  }
0x6c: {  	_ =	shalt  }
0x6d: {  	_ =	shalt  }
0x6e: {  	_ =	shalt  }
0x6f: {  	_ =	shalt  }
0x70: {  	_ =	shalt  }
0x71: {  	_ =	shalt  }
0x72: {  	_ =	shalt  }
0x73: {  	_ =	shalt  }
0x74: {  	_ =	shalt  }
0x75: {  	_ =	shalt  }
0x76: {  	_ =	shalt  }
0x77: {  	_ =	shalt  }
0x78: {  	_ =	shalt  }
0x79: {  	_ =	shalt  }
0x7a: {  	_ =	shalt  }
0x7b: {  	_ =	shalt  }
0x7c: {  	_ =	shalt  }
0x7d: {  	_ =	shalt  }
0x7e: {  	_ =	shalt  }
0x7f: {  	_ =	shalt  }
0x80: {  	_ =	shalt  }
0x81: {  	_ =	shalt  }
0x82: {  	_ =	shalt  }
0x83: {  	_ =	shalt  }
0x84: {  	_ =	shalt  }
0x85: {  	_ =	shalt  }
0x86: {  	_ =	shalt  }
0x87: {  	_ =	shalt  }
.Lfunc_end0:
.L_simem_size_0:
called_computation.2_lowered:
.L_overlay_start_0:
0x88: {  	s2 =	sld [smem:$0x3FD9]  }
0x89: {  	s3 =	sld [smem:$0x3FFE];
	_ =	sdelay $0x1  }
0x8a: {  	s1 =	srdreg.scid  }
0x8b: {  	s0 =	sand.u32 $0x1, s1  }
0x8c: {  	s17 =	sshll.u32 s0, $0xA;
	s2 =	sadd.s32 s3, s2  }
0x8d: {  	s2 =	sadd.s32 s2, s17  }
0x8e: {  	[smem:$0x3FBE] =	sst s2  }
0x8f: {  	_ = 	snop  }
0x90: {  	(tm) =	ssettm $0x1  }
0x91: {  	s18 =	sld [smem:$0x3FFB];
	_ =	sdelay $0x3  }
0x92: {  	_ =	strace s18  }
0x93: {  	s2 =	sld [smem:$0x3FFC];
	_ =	sdelay $0x3  }
0x94: {  	_ =	strace s2  }
0x95: {  	s2 =	sld [smem:$0x3FFD];
	_ =	sdelay $0x3  }
0x96: {  	_ =	strace s2  }
0x97: {  	_ =	strace $0x8FFFFFFF  }
0x98: {  	s19 =	sld [smem:$0x3FDB];
	_ =	sdelay $0x1  }
0x99: {  	s20 =	simm.s32 $_scs_section_size  }
0x9a: {  	s4 =	simm.s32 $_size__tile_overlayer_lowered;
	s5 =	simm.s32 $_tile_overlayer_lowered  }
0x9b: {  	s6 =	simm.s32 $0x1BFF;
	s21 =	sshll.u32 s5, $0x1;
	s3 =	sadd.s32 s20, s19  }
0x9c: {  	s22 =	simm.s32 $0x0;
	s4 =	sshll.u32 s4, $0x1;
	s5 =	sadd.s32 s21, s3  }
0x9d: {  	[timem:s22], [sflag:s6] =	dma.local [hbm:s5], s4  }
0x9e: {  	_ =	swait.ge [sflag:s6], s4  }
0x9f: {  	s4 =	ssub.s32 $0x0, s4;
	[sflag:s6] =	ssyncset.done $0x0  }
0xa0: {  	[sflag:s6] =	ssyncadd.s32 s4;
	_ =	sdelay $0x1  }
0xa1: {  	s23 =	simm.s32 $0x1B8B  }
0xa2: {  	_ =	swait.ge [sflag:s23], $0x1  }
0xa3: {  	[sflag:s23] =	ssyncset.done $0x0  }
0xa4: {  	[sflag:s23] =	ssyncadd.s32 $0xFFFFFFFF  }
0xa5: {  	s4 =	sld [smem:$0x0]  }
0xa6: {  	s5 =	sand.u32 $0xFFFFFFFE, s1  }
0xa7: {  	p0 =	sne.s32 s1, s5  }
0xa8: {  	s5 =	sshll.u32 @p0 s5, $0xE  }
0xa9: {  	s5 =	sadd.s32 @p0 $0x11B8D, s5;
	s6 =	sshll.u32 @p0 s4, $0x11  }
0xaa: {  	s5 =	sor.u32 @p0 s6, s5  }
0xab: {  	[sflag:s5] =	ssyncadd.remote.s32 @p0 $0x1;
	_ =	sdelay $0x1  }
0xac: {  	s5 =	simm.s32 @p0 $0x1B8D  }
0xad: {  	_ =	swait.eq @p0 [sflag:s5], $0x1  }
0xae: {  	[sflag:s5] =	ssyncadd.s32 @p0 $0xFFFFFFFF  }
0xaf: {  	s6 =	sshll.u32 @!p0 s1, $0xE  }
0xb0: {  	s6 =	sor.u32 @!p0 $0x4000, s6;
	s5 =	simm.s32 @!p0 $0x1B8D  }
0xb1: {  	s4 =	sshll.u32 @!p0 s4, $0x11;
	s6 =	sadd.s32 @!p0 $0x11B8D, s6;
	_ =	swait.eq @!p0 [sflag:s5], $0x1  }
0xb2: {  	s4 =	sor.u32 @!p0 s4, s6;
	[sflag:s5] =	ssyncadd.s32 @!p0 $0xFFFFFFFF  }
0xb3: {  	s25 =	simm.s32 $0x1B8E;
	s24 =	sld [smem:$0x3FFE];
	[sflag:s4] =	ssyncadd.remote.s32 @!p0 $0x1  }
0xb4: {  	s26 =	simm.s32 $execute0_lowered;
	[smem:$0x3FD2] =	sst s25  }
0xb5: {  	s5 =	sshll.u32 s26, $0x1;
	_ =	strace $0x8000004C;
	[dreg:$0x1] =	wrdreg $0xFFFFFFFF  }
0xb6: {  	s28 =	simm.s32 $_size_execute0_lowered;
	s3 =	sadd.s32 s3, s5;
	[dreg:$0x0] =	wrdreg $0x0  }
0xb7: {  	s5 =	sshll.u32 s28, $0x1;
	[dreg:$0x2] =	wrdreg s3  }
0xb8: {  	[dreg:$0x3] =	wrdreg s5  }
0xb9: {  	[dreg:$0x4] =	wrdreg $0xC0  }
0xba: {  	_ =	task [dreg:s22], $0x5FFFF  }
0xbb: {  	[dreg:$0x1] =	wrdreg $0xFFFFFFFF  }
0xbc: {  	[dreg:$0x0] =	wrdreg $0x60  }
0xbd: {  	[dreg:$0x2] =	wrdreg s24  }
0xbe: {  	[dreg:$0x3] =	wrdreg $0xC  }
0xbf: {  	_ =	task.clear_ibuf [dreg:s22], $0x4FFFF;
	_ =	strace $0x9000004C  }
0xc0: {  	s29 =	simm.s32 $0xC;
	_ =	strace $0x8000004E  }
0xc1: {  	_ =	swait.ge [sflag:s29], $0x1  }
0xc2: {  	[sflag:s29] =	ssyncadd.s32 $0xFFFFFFFF  }
0xc3: {  	_ =	strace $0x9000004E  }
0xc4: {  	_ =	sfence  }
0xc5: {  	s30 =	sld [smem:$0x0];
	_ =	sdelay $0x2  }
0xc6: {  	s31 =	sshll.u32 s1, $0xD;
	s1 =	sshrl.u32 s1, $0x2  }
0xc7: {  	s4 =	sand.u32 $0x4000, s31;
	s1 =	sadd.s32 s1, s30  }
0xc8: {  	s0 =	sor.u32 s4, s0;
	s1 =	sshll.u32 s1, $0x11  }
0xc9: {  	s0 =	sor.u32 s1, s0  }
0xca: {  	s0 =	sadd.s32 $0x8F2B, s0  }
0xcb: {  	[sflag:s0] =	ssyncadd.remote.s32 $0x1  }
0xcc: {  	_ =	sfence.sel $0xFFFF  }
0xcd: {  	[dreg:$0x0] =	wrdreg $0xFFFFFFFF;
	(pc) =	sbr.abs _section_cstart, $3  }
0xce: {  	[dreg:$0x1] =	wrdreg $0xFFFFFFFF  }
0xcf: {  	_ =	task.clear_ibuf [dreg:s22], $0x2FFFF;
	_ =	strace $0x9FFFFFFF  }
0xd0: {  	(tm) =	ssettm $0x7FFFFFFF  }
0xd1: {  	_ =	shalt  }
tec
execute0_lowered:
.L_overlay_start_1:
0x0: {  	(tag) =	ssettag $0x1  }
0x1: {  	s0 =	srdreg.scid;
	s5 =	rddreg [dreg:$0x0]  }
0x2: {  	s1 =	stileid.u32;
	s6 =	simm.s32 $0x1;
	s9 =	simm.s32 $0x1  }
0x3: {  	s10 =	simm.s32 $0x3;
	s13 =	simm.s32 $0x0;
	s2 =	sshll.u32 s0, $0xC  }
0x4: {  	s12 =	simm.s32 $0x0;
	s3 =	sshll.u32 s1, $0xD;
	s2 =	sand.u32 $0x1000, s2  }
0x5: {  	s0 =	rddreg [dreg:$0x1];
	_ =	strace $0x8000004D;
	s2 =	sor.u32 s3, s2  }
0x6: {  	s4 =	sadd.s32 $0x9400, s5;
	[sflag:s6] =	ssyncpa.u1 $0x0;
	s8 =	ssub.s32 $0x28000, s2  }
.Ltmp0:
0x7: {  	s3 =	sadd.s32 $0xE400, s5;
	s7 =	sand.u32 $0x1F000, s8;
	(pc) =	sbr.rel .LBB2_1-.Ltmp0, $4  }
0x8: {  	s5 =	sadd.s32 $0x36400, s5;
	s11 =	smov.u32 s2;
	p0 =	sne.s32 s7, $0x0  }
0x9: {  	s8 =	sshrl.u32 s8, $0x11;
	s7 =	simm.s32 $0x2;
	s9 =	simm.s32 @!p0 $0x0  }
0xa: {  	[sflag:s7] =	ssyncpa.u1 $0x0;
	p0 =	por $0x0, $0x0;
	s8 =	sadd.s32 s9, s8  }
0xb: {  	vm0 =	vmmov $0xffff;
	[sflag:s10] =	ssyncpa.u1 $0x0;
	s10 =	simm.s32 $0x0;
	s9 =	sadd.s32 $0x1, s8  }
.LBB2_4:
0xc: {  	v2 =	vnsel vm1, $0x0, v2  }
0xd: {  	vm1 =	vgt.s32 v0, $0x0;
	v2 =	vmin.u32 v2, $0x27FFF  }
0xe: {  	v0 =	vnsel vm1, $0x0, v0  }
0xf: {  	v0 =	vmin.u32 v0, $0x27FFF  }
0x10: {  	[tilespmem:s15], [sflag:$0x1] =	stream.indirect_vreg.gather [hbm4b:s3+s10], $0x1, v1, vm0, $0x4038;
	[tilespmem:$0x4000] =	vst v63  }
0x11: {  	(ifvalue) =	ssetifvalue $0x7FFFFFFF  }
0x12: {  	[tilespmem:s16], [sflag:$0x1] =	stream.indirect_vreg.gather [hbm4b:s3+s10], $0x1, v2, vm0, $0x4038;
	[tilespmem:$0x4000] =	vst v63  }
0x13: {  	s29 =	sadd.s32 $0x10, s16;
	(ifvalue) =	ssetifvalue $0x7FFFFFFF  }
0x14: {  	[tilespmem:s29], [sflag:$0x1] =	stream.indirect_vreg.gather [hbm4b:s3+s10], $0x1, v0, vm0, $0x4038;
	[tilespmem:$0x4000] =	vst v63  }
0x15: {  	_ =	swait.ge [sflag:s6], $0x1000  }
0x16: {  	s30 =	sshrl.u32 s13, $0x3;
	[sflag:s6] =	ssyncset.done $0x0  }
0x17: {  	s31 =	sand.u32 $0x7, s13;
	s15 =	sadd.s32 s5, s30;
	[sflag:s6] =	ssyncadd.s32 $0xFFFFF000  }
0x18: {  	[hbm4b:s15+s31] =	stream.linear.scatter [tilespmem:s14], [sflag:$0x3], $0x1000, $0x38;
	[tilespmem:$0x4000] =	vst v63  }
.LBB2_5:
0x19: {  	s15 =	sadd.s32 $0x20000, s11  }
0x1a: {  	p2 =	sgt.s32 s15, $0x27FFF  }
0x1b: {  	s15 =	smov.u32 @p2 s2;
	p2 =	sne.s32 s12, s9  }
.Ltmp1:
0x1c: {  	p1 =	slt.u32 s12, $0x2;
	(pc) =	sbr.rel @!p2 .LBB2_6-.Ltmp1, $4  }
0x1d: {  	s14 =	simm.s32 @!p1 $0x3  }
0x1e: {  	s16 =	sadd.s32 $0x1, s12;
	_ =	swait.ge @!p1 [sflag:s14], $0x1000  }
0x1f: {  	s13 =	smov.u32 s11;
	p0 =	por !p0, !p0;
	[sflag:s14] =	ssyncset.done @!p1 $0x0  }
0x20: {  	s12 =	smov.u32 s16;
	s11 =	smov.u32 s15;
	[sflag:s14] =	ssyncadd.s32 @!p1 $0xFFFFF000  }
.LBB2_1:
0x21: {  	p1 =	sge.u32 s12, s8  }
0x22: {  	s14 =	sxor.u32 @!p1 $0xFFFFFFFF, s12  }
0x23: {  	s31 =	sadd.s32 $0xFFFFFFFF, s12;
	s15 =	sshrl.u32 @!p1 s11, $0x3;
	s14 =	sshll.u32 @!p1 s14, $0xC  }
0x24: {  	s16 =	sand.u32 @!p1 $0x7, s11;
	s15 =	sadd.s32 @!p1 s4, s15;
	s14 =	sand.u32 @!p1 $0x1000, s14  }
0x25: {  	[tilespmem:s14], [sflag:$0x2] =	stream.linear.gather @!p1 [hbm4b:s15+s16], $0x1000, $0x38;
	[tilespmem:$0x4000] =	vst v63  }
0x26: {  	p1 =	sge.u32 s31, s8  }
.Ltmp2:
0x27: {  	_ = 	snop;
	(pc) =	sbr.rel @p1 .LBB2_5-.Ltmp2, $1  }
0x28: {  	_ =	sdelay $0x3  }
0x29: {  	s14 =	simm.s32 $0x1  }
0x2a: {  	_ =	swait.ge [sflag:s7], $0x1000;
	s14 =	simm.s32 @!p0 $0x0  }
0x2b: {  	[sflag:s7] =	ssyncset.done $0x0;
	s14 =	sshll.u32 s14, $0xC  }
0x2c: {  	[sflag:s7] =	ssyncadd.s32 $0xFFFFF000;
	(ifvalue) =	ssetifvalue $0x7FFFFFFF;
	v0 =	vld.msk [tilespmem:s14+$0x0 ss:$0x1], $0xffff;
	_ =	sdelay $0x4  }
0x2d: {  	s15 =	sadd.s32 $0x10, s14;
	vm1 =	vgt.s32 v0, $0x0  }
0x2e: {  	v2 =	vld.msk [tilespmem:s15+$0x0 ss:$0x1], $0xffff;
	v1 =	vnsel vm1, $0x0, v0  }
0x2f: {  	v1 =	vmin.u32 v1, $0x27FFF;
	_ =	sdelay $0x1  }
0x30: {  	s16 =	sshll.u32 s12, $0xC;
	s18 =	simm.s32 $0x20  }
0x31: {  	s16 =	sand.u32 $0x1000, s16;
	s17 =	sadd.s32 $0x10, s15;
	s15 =	sor.u32 $0x2000, s14  }
0x32: {  	s14 =	sor.u32 $0x2000, s16;
	s16 =	sadd.s32 $0x10, s15;
	v0 =	vld.msk [tilespmem:s17+$0x0 ss:$0x1], $0xffff;
	vm1 =	vgt.s32 v2, $0x0;
	(ifvalue) =	ssetifvalue $0x7FFFFFFF  }
.LBB2_3:
0x33: {  	[tilespmem:s15], [sflag:$0x1] =	stream.indirect_vreg.gather [hbm4b:s3+s10], $0x1, v1, vm0, $0x4038;
	[tilespmem:$0x4000] =	vst v63  }
0x34: {  	s18 =	sadd.s32 $0x10, s18  }
0x35: {  	v2 =	vnsel vm1, $0x0, v2;
	p1 =	slt.u32 s18, $0xFF0  }
.Ltmp3:
0x36: {  	s15 =	smov.u32 s16;
	v1 =	vmin.u32 v2, $0x27FFF;
	(pc) =	sbr.rel @p1 .LBB2_3-.Ltmp3, $3  }
0x37: {  	_ =	sdelay $0x1  }
0x38: {  	s17 =	sadd.s32 $0x10, s17  }
0x39: {  	vm1 =	vgt.s32 v0, $0x0;
	s16 =	sadd.s32 $0x10, s16;
	v2 =	vmov v0;
	(ifvalue) =	ssetifvalue $0x7FFFFFFF;
	v0 =	vld.msk [tilespmem:s17+$0x0 ss:$0x1], $0xffff  }
.Ltmp4:
0x3a: {  	_ = 	snop;
	(pc) =	sbr.rel .LBB2_4-.Ltmp4, $1  }
0x3b: {  	_ =	sdelay $0x3  }
.LBB2_6:
0x3c: {  	_ =	sfence.sel $0x180000  }
0x3d: {  	s2 =	simm.s32 $0x2;
	[bflag:$0x0] =	sbarrier.arrive $0xFFFF  }
0x3e: {  	s30 =	simm.s32 $0x3;
	[sflag:s2] =	ssyncpa.u1 $0x1  }
0x3f: {  	s31 =	simm.s32 $0x1;
	[sflag:s30] =	ssyncpa.u1 $0x1  }
0x40: {  	[sflag:s31] =	ssyncpa.u1 $0x1  }
0x41: {  	p0 =	sne.s32 s1, $0x0;
	_ =	strace $0x9000004D  }
0x42: {  	s0 =	sadd.s32 @!p0 $0x100000, s0;
	[bflag:$0x2] =	sbarrier.arrive $0xFFFF  }
0x43: {  	[sflag:s0] =	ssyncadd.tile.s32 @!p0 $0x1;
	_ =	shalt  }
.Lfunc_end2:
_tile_overlayer_lowered:
.L_overlay_start_2:
0x44: {  	(tag) =	ssettag $0x2  }
0x45: {  	s0 =	rddreg [dreg:$0x0];
	s2 =	stileid.u32  }
0x46: {  	s1 =	rddreg [dreg:$0x1];
	p0 =	sne.s32 s2, $0x0  }
0x47: {  	s3 =	rddreg [dreg:$0x2];
	[bflag:$0x3] =	sbarrier.arrive $0xFFFF;
	s2 =	simm.s32 @!p0 $0x1C01  }
0x48: {  	[timem:s3], [sflag:s2] =	dma.local @!p0 [hbm:s0], s1  }
0x49: {  	s0 =	simm.s32 @!p0 $0x1  }
0x4a: {  	_ =	swait.ge @!p0 [sflag:s0], s1  }
0x4b: {  	s1 =	ssub.s32 @!p0 $0x0, s1;
	[sflag:s0] =	ssyncset.done @!p0 $0x0  }
0x4c: {  	[sflag:s0] =	ssyncadd.s32 @!p0 s1  }
0x4d: {  	[bflag:$0x3] =	sbarrier.arrive $0xFFFF  }
0x4e: {  	_ =	shalt  }

// kernel: gather_offload_async_start
scs
__scs_entry_jumppad:
0x0: {  	(pc) =	sbr.rel $0x88, $3  }
0x1: {  	(tag) =	ssettag $0x0;
	lr =	simm.s32 $0x1  }
0x2: {  	[smem:$0x3F97] =	sst lr;
	_ =	strace $0xD0000000  }
0x3: {  	_ = 	snop  }
0x4: {  	_ = 	snop  }
0x5: {  	_ = 	snop  }
0x6: {  	_ = 	snop  }
0x7: {  	_ = 	snop  }
__scs_overlays_trampoline_lowered:
0x8: {  	[smem:$0x3FA6] =	sst s0  }
0x9: {  	[smem:$0x3FA7] =	sst s1  }
0xa: {  	[smem:$0x3FA8] =	sst s2  }
0xb: {  	[smem:$0x3FA9] =	sst s3  }
0xc: {  	[smem:$0x3FAA] =	sst s4  }
0xd: {  	[smem:$0x3FAB] =	sst s5  }
0xe: {  	[smem:$0x3FAC] =	sst s6  }
0xf: {  	[smem:$0x3FAD] =	sst s7  }
0x10: {  	[smem:$0x3FAE] =	sst s8  }
0x11: {  	[smem:$0x3FAF] =	sst s9;
	s0 =	simm.s32 @!p0 $0x0  }
0x12: {  	s1 =	sld [smem:$0x3F95];
	s0 =	simm.s32 @p0 $0x1  }
0x13: {  	[smem:$0x3FB0] =	sst s0;
	s0 =	simm.s32 @!p1 $0x0  }
0x14: {  	s2 =	sld [smem:$0x3F94];
	s0 =	simm.s32 @p1 $0x1  }
0x15: {  	[smem:$0x3FB1] =	sst s0;
	s0 =	simm.s32 @!p2 $0x0  }
0x16: {  	s3 =	sld [smem:$0x3FDB];
	s0 =	simm.s32 @p2 $0x1  }
0x17: {  	s4 =	simm.s32 $0x1BF5;
	[smem:$0x3FB3] =	sst s0  }
0x18: {  	s0 =	sld [smem:$0x3F96];
	_ =	swait.ge [sflag:s4], $0x0  }
0x19: {  	s7 =	sld [smem:$0x3F97]  }
0x1a: {  	s8 =	sadd.s32 $0xFFFFE003, lr  }
0x1b: {  	s9 =	sadd.s32 $0xFFFFFEF7, lr;
	s5 =	simm.s32 $0xFFFFFFFF;
	p2 =	slt.u32 s8, $0xFFFFF086  }
0x1c: {  	p1 =	slt.u32 s9, $0xF7A;
	s5 =	simm.s32 @!p2 $0x0  }
0x1d: {  	s5 =	simm.s32 @p1 $0x1;
	p0 =	seq.s32 s7, s2  }
0x1e: {  	s7 =	smul.u32 @!p0 $0xF7A, s2;
	p2 =	seq.s32 @!p0 s5, $0x0  }
0x1f: {  	s9 =	smul.u32 $0xF7A, s1;
	s8 =	simm.s32 @!p0 $0x1BF5;
	p2 =	por !p2, p0  }
0x20: {  	[sflag:s8] =	ssyncset.s32 @!p0 $0xFFFFF086;
	s6 =	sadd.s32 @!p0 s3, s7;
	s7 =	simm.s32 @!p0 $0x108  }
0x21: {  	s3 =	sadd.s32 s3, s9;
	s6 =	sadd.s32 @!p0 $0x88, s6;
	s7 =	simm.s32 @p2 $0x1082  }
0x22: {  	[simem:s7], [sflag:s8] =	dma.local @!p0 [hbm:s6], $0xF7A  }
0x23: {  	s9 =	sor.u32 $0xD0000000, s2;
	s6 =	simm.s32 $0x108;
	_ =	swait.ge @!p0 [sflag:s8], $0x0  }
0x24: {  	s3 =	sadd.s32 $0x88, s3;
	s6 =	simm.s32 @!p1 $0x1082;
	[sflag:s4] =	ssyncset.s32 $0xFFFFF086  }
0x25: {  	[simem:s6], [sflag:s4] =	dma.local [hbm:s3], $0xF7A  }
0x26: {  	[smem:$0x3F97] =	sst s1;
	(tag) =	ssettag s2;
	_ =	strace s9  }
0x27: {  	s1 =	sld [smem:$0x3FA7]  }
0x28: {  	s2 =	sld [smem:$0x3FA8]  }
0x29: {  	s4 =	sld [smem:$0x3FAA]  }
0x2a: {  	p0 =	seq.s32 s5, $0x0;
	s5 =	sld [smem:$0x3FAB]  }
0x2b: {  	s6 =	sld [smem:$0x3FAC]  }
0x2c: {  	s7 =	sld [smem:$0x3FAD]  }
0x2d: {  	s3 =	simm.s32 $0x108;
	s8 =	sld [smem:$0x3FAE]  }
0x2e: {  	s3 =	simm.s32 @!p0 $0x1082;
	s9 =	sld [smem:$0x3FAF]  }
0x2f: {  	lr =	sadd.s32 s0, s3;
	s0 =	sld [smem:$0x3FA6]  }
0x30: {  	s3 =	sld [smem:$0x3FA9]  }
0x31: {  	[smem:$0x3FB2] =	sst s10  }
0x32: {  	s10 =	sld [smem:$0x3FB0];
	_ =	sdelay $0x3  }
0x33: {  	p0 =	seq.s32 s10, $0x1;
	s10 =	sld [smem:$0x3FB2];
	_ =	sdelay $0x3  }
0x34: {  	[smem:$0x3FB2] =	sst s10  }
0x35: {  	s10 =	sld [smem:$0x3FB1];
	_ =	sdelay $0x3  }
0x36: {  	p1 =	seq.s32 s10, $0x1;
	s10 =	sld [smem:$0x3FB2];
	_ =	sdelay $0x3  }
0x37: {  	[smem:$0x3FB2] =	sst s10  }
0x38: {  	s10 =	sld [smem:$0x3FB3]  }
0x39: {  	_ = 	snop;
	(pc) =	sbr.ind lr, $3  }
0x3a: {  	_ = 	snop  }
0x3b: {  	_ = 	snop  }
0x3c: {  	p2 =	seq.s32 s10, $0x1;
	s10 =	sld [smem:$0x3FB2]  }
0x3d: {  	_ =	shalt  }
0x3e: {  	_ =	shalt  }
0x3f: {  	_ =	shalt  }
0x40: {  	_ =	shalt  }
0x41: {  	_ =	shalt  }
0x42: {  	_ =	shalt  }
0x43: {  	_ =	shalt  }
0x44: {  	_ =	shalt  }
0x45: {  	_ =	shalt  }
0x46: {  	_ =	shalt  }
0x47: {  	_ =	shalt  }
0x48: {  	_ =	shalt  }
0x49: {  	_ =	shalt  }
0x4a: {  	_ =	shalt  }
0x4b: {  	_ =	shalt  }
0x4c: {  	_ =	shalt  }
0x4d: {  	_ =	shalt  }
0x4e: {  	_ =	shalt  }
0x4f: {  	_ =	shalt  }
0x50: {  	_ =	shalt  }
0x51: {  	_ =	shalt  }
0x52: {  	_ =	shalt  }
0x53: {  	_ =	shalt  }
0x54: {  	_ =	shalt  }
0x55: {  	_ =	shalt  }
0x56: {  	_ =	shalt  }
0x57: {  	_ =	shalt  }
0x58: {  	_ =	shalt  }
0x59: {  	_ =	shalt  }
0x5a: {  	_ =	shalt  }
0x5b: {  	_ =	shalt  }
0x5c: {  	_ =	shalt  }
0x5d: {  	_ =	shalt  }
0x5e: {  	_ =	shalt  }
0x5f: {  	_ =	shalt  }
0x60: {  	_ =	shalt  }
0x61: {  	_ =	shalt  }
0x62: {  	_ =	shalt  }
0x63: {  	_ =	shalt  }
0x64: {  	_ =	shalt  }
0x65: {  	_ =	shalt  }
0x66: {  	_ =	shalt  }
0x67: {  	_ =	shalt  }
0x68: {  	_ =	shalt  }
0x69: {  	_ =	shalt  }
0x6a: {  	_ =	shalt  }
0x6b: {  	_ =	shalt  }
0x6c: {  	_ =	shalt  }
0x6d: {  	_ =	shalt  }
0x6e: {  	_ =	shalt  }
0x6f: {  	_ =	shalt  }
0x70: {  	_ =	shalt  }
0x71: {  	_ =	shalt  }
0x72: {  	_ =	shalt  }
0x73: {  	_ =	shalt  }
0x74: {  	_ =	shalt  }
0x75: {  	_ =	shalt  }
0x76: {  	_ =	shalt  }
0x77: {  	_ =	shalt  }
0x78: {  	_ =	shalt  }
0x79: {  	_ =	shalt  }
0x7a: {  	_ =	shalt  }
0x7b: {  	_ =	shalt  }
0x7c: {  	_ =	shalt  }
0x7d: {  	_ =	shalt  }
0x7e: {  	_ =	shalt  }
0x7f: {  	_ =	shalt  }
0x80: {  	_ =	shalt  }
0x81: {  	_ =	shalt  }
0x82: {  	_ =	shalt  }
0x83: {  	_ =	shalt  }
0x84: {  	_ =	shalt  }
0x85: {  	_ =	shalt  }
0x86: {  	_ =	shalt  }
0x87: {  	_ =	shalt  }
.Lfunc_end0:
.L_simem_size_0:
called_computation_lowered:
.L_overlay_start_0:
0x88: {  	s2 =	sld [smem:$0x3FD9]  }
0x89: {  	s3 =	sld [smem:$0x3FFE];
	_ =	sdelay $0x1  }
0x8a: {  	s1 =	srdreg.scid  }
0x8b: {  	s0 =	sand.u32 $0x1, s1  }
0x8c: {  	s16 =	sshll.u32 s0, $0xA;
	s2 =	sadd.s32 s3, s2  }
0x8d: {  	s2 =	sadd.s32 s2, s16  }
0x8e: {  	[smem:$0x3FBE] =	sst s2  }
0x8f: {  	_ = 	snop  }
0x90: {  	(tm) =	ssettm $0x1  }
0x91: {  	s17 =	sld [smem:$0x3FFB];
	_ =	sdelay $0x3  }
0x92: {  	_ =	strace s17  }
0x93: {  	s2 =	sld [smem:$0x3FFC];
	_ =	sdelay $0x3  }
0x94: {  	_ =	strace s2  }
0x95: {  	s2 =	sld [smem:$0x3FFD];
	_ =	sdelay $0x3  }
0x96: {  	_ =	strace s2  }
0x97: {  	_ =	strace $0x8FFFFFFF  }
0x98: {  	s18 =	sld [smem:$0x3FDB];
	_ =	sdelay $0x1  }
0x99: {  	s19 =	simm.s32 $_scs_section_size  }
0x9a: {  	s4 =	simm.s32 $_size__tile_overlayer_lowered;
	s5 =	simm.s32 $_tile_overlayer_lowered  }
0x9b: {  	s22 =	simm.s32 $0x1BFF;
	s21 =	sshll.u32 s5, $0x1;
	s2 =	sadd.s32 s19, s18  }
0x9c: {  	s6 =	simm.s32 $0x0;
	s20 =	sshll.u32 s4, $0x1;
	s4 =	sadd.s32 s21, s2  }
0x9d: {  	[timem:s6], [sflag:s22] =	dma.local [hbm:s4], s20  }
0x9e: {  	_ =	swait.ge [sflag:s22], s20  }
0x9f: {  	s3 =	ssub.s32 $0x0, s20;
	[sflag:s22] =	ssyncset.done $0x0  }
0xa0: {  	[sflag:s22] =	ssyncadd.s32 s3;
	_ =	sdelay $0x1  }
0xa1: {  	s23 =	simm.s32 $0x1B8B  }
0xa2: {  	_ =	swait.ge [sflag:s23], $0x1  }
0xa3: {  	[sflag:s23] =	ssyncset.done $0x0  }
0xa4: {  	s25 =	simm.s32 $0x1B8E;
	s24 =	sld [smem:$0x3FFE];
	[sflag:s23] =	ssyncadd.s32 $0xFFFFFFFF  }
0xa5: {  	s26 =	simm.s32 $execute0_lowered;
	[smem:$0x3FD2] =	sst s25  }
0xa6: {  	s4 =	sshll.u32 s26, $0x1;
	_ =	strace $0x80000046;
	[dreg:$0x1] =	wrdreg $0xFFFFFFFF  }
0xa7: {  	s28 =	simm.s32 $_size_execute0_lowered;
	s2 =	sadd.s32 s2, s4;
	[dreg:$0x0] =	wrdreg $0x0  }
0xa8: {  	s4 =	sshll.u32 s28, $0x1;
	[dreg:$0x2] =	wrdreg s2  }
0xa9: {  	[dreg:$0x3] =	wrdreg s4  }
0xaa: {  	[dreg:$0x4] =	wrdreg $0xC0  }
0xab: {  	_ =	task [dreg:s6], $0x5FFFF  }
0xac: {  	[dreg:$0x1] =	wrdreg $0xFFFFFFFF  }
0xad: {  	[dreg:$0x0] =	wrdreg $0x60  }
0xae: {  	[dreg:$0x2] =	wrdreg s24  }
0xaf: {  	[dreg:$0x3] =	wrdreg $0xA  }
0xb0: {  	_ =	task.clear_ibuf [dreg:s6], $0x4FFFF;
	_ =	strace $0x90000046  }
0xb1: {  	s29 =	simm.s32 $0xA;
	_ =	strace $0x80000048  }
0xb2: {  	_ =	swait.ge [sflag:s29], $0x1  }
0xb3: {  	[sflag:s29] =	ssyncadd.s32 $0xFFFFFFFF  }
0xb4: {  	_ =	strace $0x90000048  }
0xb5: {  	_ =	sfence  }
0xb6: {  	s30 =	sld [smem:$0x0];
	_ =	sdelay $0x2  }
0xb7: {  	s31 =	sshll.u32 s1, $0xD;
	s1 =	sshrl.u32 s1, $0x2  }
0xb8: {  	s3 =	sand.u32 $0x4000, s31;
	s1 =	sadd.s32 s1, s30  }
0xb9: {  	s0 =	sor.u32 s3, s0;
	s1 =	sshll.u32 s1, $0x11  }
0xba: {  	s0 =	sor.u32 s1, s0  }
0xbb: {  	s0 =	sadd.s32 $0x8F2B, s0  }
0xbc: {  	[sflag:s0] =	ssyncadd.remote.s32 $0x1  }
0xbd: {  	_ =	sfence.sel $0xFFFF  }
0xbe: {  	[dreg:$0x0] =	wrdreg $0xFFFFFFFF;
	(pc) =	sbr.abs _section_cstart, $3  }
0xbf: {  	[dreg:$0x1] =	wrdreg $0xFFFFFFFF  }
0xc0: {  	_ =	task.clear_ibuf [dreg:s6], $0x2FFFF;
	_ =	strace $0x9FFFFFFF  }
0xc1: {  	(tm) =	ssettm $0x7FFFFFFF  }
tec
execute0_lowered:
.L_overlay_start_1:
0x0: {  	(tag) =	ssettag $0x1  }
0x1: {  	s0 =	srdreg.scid;
	s5 =	rddreg [dreg:$0x0]  }
0x2: {  	s1 =	stileid.u32;
	s6 =	simm.s32 $0x1;
	s9 =	simm.s32 $0x1  }
0x3: {  	s10 =	simm.s32 $0x3;
	s13 =	simm.s32 $0x0;
	s2 =	sshll.u32 s0, $0xC  }
0x4: {  	s12 =	simm.s32 $0x0;
	s3 =	sshll.u32 s1, $0xD;
	s2 =	sand.u32 $0x1000, s2  }
0x5: {  	s0 =	rddreg [dreg:$0x1];
	_ =	strace $0x80000047;
	s2 =	sor.u32 s3, s2  }
0x6: {  	s4 =	sadd.s32 $0x1D400, s5;
	[sflag:s6] =	ssyncpa.u1 $0x0;
	s8 =	ssub.s32 $0x28000, s2  }
.Ltmp0:
0x7: {  	s3 =	sadd.s32 $0x22400, s5;
	s7 =	sand.u32 $0x1F000, s8;
	(pc) =	sbr.rel .LBB2_1-.Ltmp0, $4  }
0x8: {  	s5 =	sadd.s32 $0x27400, s5;
	s11 =	smov.u32 s2;
	p0 =	sne.s32 s7, $0x0  }
0x9: {  	s8 =	sshrl.u32 s8, $0x11;
	s7 =	simm.s32 $0x2;
	s9 =	simm.s32 @!p0 $0x0  }
0xa: {  	[sflag:s7] =	ssyncpa.u1 $0x0;
	p0 =	por $0x0, $0x0;
	s8 =	sadd.s32 s9, s8  }
0xb: {  	vm0 =	vmmov $0xffff;
	[sflag:s10] =	ssyncpa.u1 $0x0;
	s10 =	simm.s32 $0x0;
	s9 =	sadd.s32 $0x1, s8  }
.LBB2_4:
0xc: {  	v2 =	vnsel vm1, $0x0, v2  }
0xd: {  	vm1 =	vgt.s32 v0, $0x0;
	v2 =	vmin.u32 v2, $0x27FFF  }
0xe: {  	v0 =	vnsel vm1, $0x0, v0  }
0xf: {  	v0 =	vmin.u32 v0, $0x27FFF  }
0x10: {  	[tilespmem:s15], [sflag:$0x1] =	stream.indirect_vreg.gather [hbm4b:s3+s10], $0x1, v1, vm0, $0x4038;
	[tilespmem:$0x4000] =	vst v63  }
0x11: {  	(ifvalue) =	ssetifvalue $0x7FFFFFFF  }
0x12: {  	[tilespmem:s16], [sflag:$0x1] =	stream.indirect_vreg.gather [hbm4b:s3+s10], $0x1, v2, vm0, $0x4038;
	[tilespmem:$0x4000] =	vst v63  }
0x13: {  	s29 =	sadd.s32 $0x10, s16;
	(ifvalue) =	ssetifvalue $0x7FFFFFFF  }
0x14: {  	[tilespmem:s29], [sflag:$0x1] =	stream.indirect_vreg.gather [hbm4b:s3+s10], $0x1, v0, vm0, $0x4038;
	[tilespmem:$0x4000] =	vst v63  }
0x15: {  	_ =	swait.ge [sflag:s6], $0x1000  }
0x16: {  	s30 =	sshrl.u32 s13, $0x3;
	[sflag:s6] =	ssyncset.done $0x0  }
0x17: {  	s31 =	sand.u32 $0x7, s13;
	s15 =	sadd.s32 s5, s30;
	[sflag:s6] =	ssyncadd.s32 $0xFFFFF000  }
0x18: {  	[hbm4b:s15+s31] =	stream.linear.scatter [tilespmem:s14], [sflag:$0x3], $0x1000, $0x38;
	[tilespmem:$0x4000] =	vst v63  }
.LBB2_5:
0x19: {  	s15 =	sadd.s32 $0x20000, s11  }
0x1a: {  	p2 =	sgt.s32 s15, $0x27FFF  }
0x1b: {  	s15 =	smov.u32 @p2 s2;
	p2 =	sne.s32 s12, s9  }
.Ltmp1:
0x1c: {  	p1 =	slt.u32 s12, $0x2;
	(pc) =	sbr.rel @!p2 .LBB2_6-.Ltmp1, $4  }
0x1d: {  	s14 =	simm.s32 @!p1 $0x3  }
0x1e: {  	s16 =	sadd.s32 $0x1, s12;
	_ =	swait.ge @!p1 [sflag:s14], $0x1000  }
0x1f: {  	s13 =	smov.u32 s11;
	p0 =	por !p0, !p0;
	[sflag:s14] =	ssyncset.done @!p1 $0x0  }
0x20: {  	s12 =	smov.u32 s16;
	s11 =	smov.u32 s15;
	[sflag:s14] =	ssyncadd.s32 @!p1 $0xFFFFF000  }
.LBB2_1:
0x21: {  	p1 =	sge.u32 s12, s8  }
0x22: {  	s14 =	sxor.u32 @!p1 $0xFFFFFFFF, s12  }
0x23: {  	s31 =	sadd.s32 $0xFFFFFFFF, s12;
	s15 =	sshrl.u32 @!p1 s11, $0x3;
	s14 =	sshll.u32 @!p1 s14, $0xC  }
0x24: {  	s16 =	sand.u32 @!p1 $0x7, s11;
	s15 =	sadd.s32 @!p1 s4, s15;
	s14 =	sand.u32 @!p1 $0x1000, s14  }
0x25: {  	[tilespmem:s14], [sflag:$0x2] =	stream.linear.gather @!p1 [hbm4b:s15+s16], $0x1000, $0x38;
	[tilespmem:$0x4000] =	vst v63  }
0x26: {  	p1 =	sge.u32 s31, s8  }
.Ltmp2:
0x27: {  	_ = 	snop;
	(pc) =	sbr.rel @p1 .LBB2_5-.Ltmp2, $1  }
0x28: {  	_ =	sdelay $0x3  }
0x29: {  	s14 =	simm.s32 $0x1  }
0x2a: {  	_ =	swait.ge [sflag:s7], $0x1000;
	s14 =	simm.s32 @!p0 $0x0  }
0x2b: {  	[sflag:s7] =	ssyncset.done $0x0;
	s14 =	sshll.u32 s14, $0xC  }
0x2c: {  	[sflag:s7] =	ssyncadd.s32 $0xFFFFF000;
	(ifvalue) =	ssetifvalue $0x7FFFFFFF;
	v0 =	vld.msk [tilespmem:s14+$0x0 ss:$0x1], $0xffff;
	_ =	sdelay $0x4  }
0x2d: {  	s15 =	sadd.s32 $0x10, s14;
	vm1 =	vgt.s32 v0, $0x0  }
0x2e: {  	v2 =	vld.msk [tilespmem:s15+$0x0 ss:$0x1], $0xffff;
	v1 =	vnsel vm1, $0x0, v0  }
0x2f: {  	v1 =	vmin.u32 v1, $0x27FFF;
	_ =	sdelay $0x1  }
0x30: {  	s16 =	sshll.u32 s12, $0xC;
	s18 =	simm.s32 $0x20  }
0x31: {  	s16 =	sand.u32 $0x1000, s16;
	s17 =	sadd.s32 $0x10, s15;
	s15 =	sor.u32 $0x2000, s14  }
0x32: {  	s14 =	sor.u32 $0x2000, s16;
	s16 =	sadd.s32 $0x10, s15;
	v0 =	vld.msk [tilespmem:s17+$0x0 ss:$0x1], $0xffff;
	vm1 =	vgt.s32 v2, $0x0;
	(ifvalue) =	ssetifvalue $0x7FFFFFFF  }
.LBB2_3:
0x33: {  	[tilespmem:s15], [sflag:$0x1] =	stream.indirect_vreg.gather [hbm4b:s3+s10], $0x1, v1, vm0, $0x4038;
	[tilespmem:$0x4000] =	vst v63  }
0x34: {  	s18 =	sadd.s32 $0x10, s18  }
0x35: {  	v2 =	vnsel vm1, $0x0, v2;
	p1 =	slt.u32 s18, $0xFF0  }
.Ltmp3:
0x36: {  	s15 =	smov.u32 s16;
	v1 =	vmin.u32 v2, $0x27FFF;
	(pc) =	sbr.rel @p1 .LBB2_3-.Ltmp3, $3  }
0x37: {  	_ =	sdelay $0x1  }
0x38: {  	s17 =	sadd.s32 $0x10, s17  }
0x39: {  	vm1 =	vgt.s32 v0, $0x0;
	s16 =	sadd.s32 $0x10, s16;
	v2 =	vmov v0;
	(ifvalue) =	ssetifvalue $0x7FFFFFFF;
	v0 =	vld.msk [tilespmem:s17+$0x0 ss:$0x1], $0xffff  }
.Ltmp4:
0x3a: {  	_ = 	snop;
	(pc) =	sbr.rel .LBB2_4-.Ltmp4, $1  }
0x3b: {  	_ =	sdelay $0x3  }
.LBB2_6:
0x3c: {  	_ =	sfence.sel $0x180000  }
0x3d: {  	s2 =	simm.s32 $0x2;
	[bflag:$0x0] =	sbarrier.arrive $0xFFFF  }
0x3e: {  	s30 =	simm.s32 $0x3;
	[sflag:s2] =	ssyncpa.u1 $0x1  }
0x3f: {  	s31 =	simm.s32 $0x1;
	[sflag:s30] =	ssyncpa.u1 $0x1  }
0x40: {  	[sflag:s31] =	ssyncpa.u1 $0x1  }
0x41: {  	p0 =	sne.s32 s1, $0x0;
	_ =	strace $0x90000047  }
0x42: {  	s0 =	sadd.s32 @!p0 $0x100000, s0;
	[bflag:$0x2] =	sbarrier.arrive $0xFFFF  }
0x43: {  	[sflag:s0] =	ssyncadd.tile.s32 @!p0 $0x1;
	_ =	shalt  }
.Lfunc_end2:
_tile_overlayer_lowered:
.L_overlay_start_2:
0x44: {  	(tag) =	ssettag $0x2  }
0x45: {  	s0 =	rddreg [dreg:$0x0];
	s2 =	stileid.u32  }
0x46: {  	s1 =	rddreg [dreg:$0x1];
	p0 =	sne.s32 s2, $0x0  }
0x47: {  	s3 =	rddreg [dreg:$0x2];
	[bflag:$0x3] =	sbarrier.arrive $0xFFFF;
	s2 =	simm.s32 @!p0 $0x1C01  }
0x48: {  	[timem:s3], [sflag:s2] =	dma.local @!p0 [hbm:s0], s1  }
0x49: {  	s0 =	simm.s32 @!p0 $0x1  }
0x4a: {  	_ =	swait.ge @!p0 [sflag:s0], s1  }
0x4b: {  	s1 =	ssub.s32 @!p0 $0x0, s1;
	[sflag:s0] =	ssyncset.done @!p0 $0x0  }
0x4c: {  	[sflag:s0] =	ssyncadd.s32 @!p0 s1  }
0x4d: {  	[bflag:$0x3] =	sbarrier.arrive $0xFFFF  }
0x4e: {  	_ =	shalt  }

// kernel: kernel.12.cloned.1.call-start
scs
__scs_entry_jumppad:
0x0: {  	(pc) =	sbr.rel $0x88, $3  }
0x1: {  	(tag) =	ssettag $0x0;
	lr =	simm.s32 $0x1  }
0x2: {  	[smem:$0x3F97] =	sst lr;
	_ =	strace $0xD0000000  }
0x3: {  	_ = 	snop  }
0x4: {  	_ = 	snop  }
0x5: {  	_ = 	snop  }
0x6: {  	_ = 	snop  }
0x7: {  	_ = 	snop  }
__scs_overlays_trampoline_lowered:
0x8: {  	[smem:$0x3FA6] =	sst s0  }
0x9: {  	[smem:$0x3FA7] =	sst s1  }
0xa: {  	[smem:$0x3FA8] =	sst s2  }
0xb: {  	[smem:$0x3FA9] =	sst s3  }
0xc: {  	[smem:$0x3FAA] =	sst s4  }
0xd: {  	[smem:$0x3FAB] =	sst s5  }
0xe: {  	[smem:$0x3FAC] =	sst s6  }
0xf: {  	[smem:$0x3FAD] =	sst s7  }
0x10: {  	[smem:$0x3FAE] =	sst s8  }
0x11: {  	[smem:$0x3FAF] =	sst s9;
	s0 =	simm.s32 @!p0 $0x0  }
0x12: {  	s1 =	sld [smem:$0x3F95];
	s0 =	simm.s32 @p0 $0x1  }
0x13: {  	[smem:$0x3FB0] =	sst s0;
	s0 =	simm.s32 @!p1 $0x0  }
0x14: {  	s2 =	sld [smem:$0x3F94];
	s0 =	simm.s32 @p1 $0x1  }
0x15: {  	[smem:$0x3FB1] =	sst s0;
	s0 =	simm.s32 @!p2 $0x0  }
0x16: {  	s3 =	sld [smem:$0x3FDB];
	s0 =	simm.s32 @p2 $0x1  }
0x17: {  	s4 =	simm.s32 $0x1BF5;
	[smem:$0x3FB3] =	sst s0  }
0x18: {  	s0 =	sld [smem:$0x3F96];
	_ =	swait.ge [sflag:s4], $0x0  }
0x19: {  	s7 =	sld [smem:$0x3F97]  }
0x1a: {  	s8 =	sadd.s32 $0xFFFFE003, lr  }
0x1b: {  	s9 =	sadd.s32 $0xFFFFFEF7, lr;
	s5 =	simm.s32 $0xFFFFFFFF;
	p2 =	slt.u32 s8, $0xFFFFF086  }
0x1c: {  	p1 =	slt.u32 s9, $0xF7A;
	s5 =	simm.s32 @!p2 $0x0  }
0x1d: {  	s5 =	simm.s32 @p1 $0x1;
	p0 =	seq.s32 s7, s2  }
0x1e: {  	s7 =	smul.u32 @!p0 $0xF7A, s2;
	p2 =	seq.s32 @!p0 s5, $0x0  }
0x1f: {  	s9 =	smul.u32 $0xF7A, s1;
	s8 =	simm.s32 @!p0 $0x1BF5;
	p2 =	por !p2, p0  }
0x20: {  	[sflag:s8] =	ssyncset.s32 @!p0 $0xFFFFF086;
	s6 =	sadd.s32 @!p0 s3, s7;
	s7 =	simm.s32 @!p0 $0x108  }
0x21: {  	s3 =	sadd.s32 s3, s9;
	s6 =	sadd.s32 @!p0 $0x88, s6;
	s7 =	simm.s32 @p2 $0x1082  }
0x22: {  	[simem:s7], [sflag:s8] =	dma.local @!p0 [hbm:s6], $0xF7A  }
0x23: {  	s9 =	sor.u32 $0xD0000000, s2;
	s6 =	simm.s32 $0x108;
	_ =	swait.ge @!p0 [sflag:s8], $0x0  }
0x24: {  	s3 =	sadd.s32 $0x88, s3;
	s6 =	simm.s32 @!p1 $0x1082;
	[sflag:s4] =	ssyncset.s32 $0xFFFFF086  }
0x25: {  	[simem:s6], [sflag:s4] =	dma.local [hbm:s3], $0xF7A  }
0x26: {  	[smem:$0x3F97] =	sst s1;
	(tag) =	ssettag s2;
	_ =	strace s9  }
0x27: {  	s1 =	sld [smem:$0x3FA7]  }
0x28: {  	s2 =	sld [smem:$0x3FA8]  }
0x29: {  	s4 =	sld [smem:$0x3FAA]  }
0x2a: {  	p0 =	seq.s32 s5, $0x0;
	s5 =	sld [smem:$0x3FAB]  }
0x2b: {  	s6 =	sld [smem:$0x3FAC]  }
0x2c: {  	s7 =	sld [smem:$0x3FAD]  }
0x2d: {  	s3 =	simm.s32 $0x108;
	s8 =	sld [smem:$0x3FAE]  }
0x2e: {  	s3 =	simm.s32 @!p0 $0x1082;
	s9 =	sld [smem:$0x3FAF]  }
0x2f: {  	lr =	sadd.s32 s0, s3;
	s0 =	sld [smem:$0x3FA6]  }
0x30: {  	s3 =	sld [smem:$0x3FA9]  }
0x31: {  	[smem:$0x3FB2] =	sst s10  }
0x32: {  	s10 =	sld [smem:$0x3FB0];
	_ =	sdelay $0x3  }
0x33: {  	p0 =	seq.s32 s10, $0x1;
	s10 =	sld [smem:$0x3FB2];
	_ =	sdelay $0x3  }
0x34: {  	[smem:$0x3FB2] =	sst s10  }
0x35: {  	s10 =	sld [smem:$0x3FB1];
	_ =	sdelay $0x3  }
0x36: {  	p1 =	seq.s32 s10, $0x1;
	s10 =	sld [smem:$0x3FB2];
	_ =	sdelay $0x3  }
0x37: {  	[smem:$0x3FB2] =	sst s10  }
0x38: {  	s10 =	sld [smem:$0x3FB3]  }
0x39: {  	_ = 	snop;
	(pc) =	sbr.ind lr, $3  }
0x3a: {  	_ = 	snop  }
0x3b: {  	_ = 	snop  }
0x3c: {  	p2 =	seq.s32 s10, $0x1;
	s10 =	sld [smem:$0x3FB2]  }
0x3d: {  	_ =	shalt  }
0x3e: {  	_ =	shalt  }
0x3f: {  	_ =	shalt  }
0x40: {  	_ =	shalt  }
0x41: {  	_ =	shalt  }
0x42: {  	_ =	shalt  }
0x43: {  	_ =	shalt  }
0x44: {  	_ =	shalt  }
0x45: {  	_ =	shalt  }
0x46: {  	_ =	shalt  }
0x47: {  	_ =	shalt  }
0x48: {  	_ =	shalt  }
0x49: {  	_ =	shalt  }
0x4a: {  	_ =	shalt  }
0x4b: {  	_ =	shalt  }
0x4c: {  	_ =	shalt  }
0x4d: {  	_ =	shalt  }
0x4e: {  	_ =	shalt  }
0x4f: {  	_ =	shalt  }
0x50: {  	_ =	shalt  }
0x51: {  	_ =	shalt  }
0x52: {  	_ =	shalt  }
0x53: {  	_ =	shalt  }
0x54: {  	_ =	shalt  }
0x55: {  	_ =	shalt  }
0x56: {  	_ =	shalt  }
0x57: {  	_ =	shalt  }
0x58: {  	_ =	shalt  }
0x59: {  	_ =	shalt  }
0x5a: {  	_ =	shalt  }
0x5b: {  	_ =	shalt  }
0x5c: {  	_ =	shalt  }
0x5d: {  	_ =	shalt  }
0x5e: {  	_ =	shalt  }
0x5f: {  	_ =	shalt  }
0x60: {  	_ =	shalt  }
0x61: {  	_ =	shalt  }
0x62: {  	_ =	shalt  }
0x63: {  	_ =	shalt  }
0x64: {  	_ =	shalt  }
0x65: {  	_ =	shalt  }
0x66: {  	_ =	shalt  }
0x67: {  	_ =	shalt  }
0x68: {  	_ =	shalt  }
0x69: {  	_ =	shalt  }
0x6a: {  	_ =	shalt  }
0x6b: {  	_ =	shalt  }
0x6c: {  	_ =	shalt  }
0x6d: {  	_ =	shalt  }
0x6e: {  	_ =	shalt  }
0x6f: {  	_ =	shalt  }
0x70: {  	_ =	shalt  }
0x71: {  	_ =	shalt  }
0x72: {  	_ =	shalt  }
0x73: {  	_ =	shalt  }
0x74: {  	_ =	shalt  }
0x75: {  	_ =	shalt  }
0x76: {  	_ =	shalt  }
0x77: {  	_ =	shalt  }
0x78: {  	_ =	shalt  }
0x79: {  	_ =	shalt  }
0x7a: {  	_ =	shalt  }
0x7b: {  	_ =	shalt  }
0x7c: {  	_ =	shalt  }
0x7d: {  	_ =	shalt  }
0x7e: {  	_ =	shalt  }
0x7f: {  	_ =	shalt  }
0x80: {  	_ =	shalt  }
0x81: {  	_ =	shalt  }
0x82: {  	_ =	shalt  }
0x83: {  	_ =	shalt  }
0x84: {  	_ =	shalt  }
0x85: {  	_ =	shalt  }
0x86: {  	_ =	shalt  }
0x87: {  	_ =	shalt  }
.Lfunc_end0:
.L_simem_size_0:
called_computation.4_lowered:
.L_overlay_start_0:
0x88: {  	s2 =	sld [smem:$0x3FD9]  }
0x89: {  	s3 =	sld [smem:$0x3FFE];
	_ =	sdelay $0x1  }
0x8a: {  	s1 =	srdreg.scid  }
0x8b: {  	s0 =	sand.u32 $0x1, s1  }
0x8c: {  	s17 =	sshll.u32 s0, $0xA;
	s2 =	sadd.s32 s3, s2  }
0x8d: {  	s2 =	sadd.s32 s2, s17  }
0x8e: {  	[smem:$0x3FBE] =	sst s2  }
0x8f: {  	_ = 	snop  }
0x90: {  	(tm) =	ssettm $0x1  }
0x91: {  	s18 =	sld [smem:$0x3FFB];
	_ =	sdelay $0x3  }
0x92: {  	_ =	strace s18  }
0x93: {  	s2 =	sld [smem:$0x3FFC];
	_ =	sdelay $0x3  }
0x94: {  	_ =	strace s2  }
0x95: {  	s2 =	sld [smem:$0x3FFD];
	_ =	sdelay $0x3  }
0x96: {  	_ =	strace s2  }
0x97: {  	_ =	strace $0x8FFFFFFF  }
0x98: {  	s19 =	sld [smem:$0x3FDB];
	_ =	sdelay $0x1  }
0x99: {  	s20 =	simm.s32 $_scs_section_size  }
0x9a: {  	s4 =	simm.s32 $_size__tile_overlayer_lowered;
	s5 =	simm.s32 $_tile_overlayer_lowered  }
0x9b: {  	s6 =	simm.s32 $0x1BFF;
	s21 =	sshll.u32 s5, $0x1;
	s3 =	sadd.s32 s20, s19  }
0x9c: {  	s22 =	simm.s32 $0x0;
	s4 =	sshll.u32 s4, $0x1;
	s5 =	sadd.s32 s21, s3  }
0x9d: {  	[timem:s22], [sflag:s6] =	dma.local [hbm:s5], s4  }
0x9e: {  	_ =	swait.ge [sflag:s6], s4  }
0x9f: {  	s4 =	ssub.s32 $0x0, s4;
	[sflag:s6] =	ssyncset.done $0x0  }
0xa0: {  	[sflag:s6] =	ssyncadd.s32 s4;
	_ =	sdelay $0x1  }
0xa1: {  	s23 =	simm.s32 $0x1B8B  }
0xa2: {  	_ =	swait.ge [sflag:s23], $0x1  }
0xa3: {  	[sflag:s23] =	ssyncset.done $0x0  }
0xa4: {  	[sflag:s23] =	ssyncadd.s32 $0xFFFFFFFF  }
0xa5: {  	s4 =	sld [smem:$0x0]  }
0xa6: {  	s5 =	sand.u32 $0xFFFFFFFE, s1  }
0xa7: {  	p0 =	sne.s32 s1, s5  }
0xa8: {  	s5 =	sshll.u32 @p0 s5, $0xE  }
0xa9: {  	s5 =	sadd.s32 @p0 $0x11B8D, s5;
	s6 =	sshll.u32 @p0 s4, $0x11  }
0xaa: {  	s5 =	sor.u32 @p0 s6, s5  }
0xab: {  	[sflag:s5] =	ssyncadd.remote.s32 @p0 $0x1;
	_ =	sdelay $0x1  }
0xac: {  	s5 =	simm.s32 @p0 $0x1B8D  }
0xad: {  	_ =	swait.eq @p0 [sflag:s5], $0x1  }
0xae: {  	[sflag:s5] =	ssyncadd.s32 @p0 $0xFFFFFFFF  }
0xaf: {  	s6 =	sshll.u32 @!p0 s1, $0xE  }
0xb0: {  	s6 =	sor.u32 @!p0 $0x4000, s6;
	s5 =	simm.s32 @!p0 $0x1B8D  }
0xb1: {  	s4 =	sshll.u32 @!p0 s4, $0x11;
	s6 =	sadd.s32 @!p0 $0x11B8D, s6;
	_ =	swait.eq @!p0 [sflag:s5], $0x1  }
0xb2: {  	s4 =	sor.u32 @!p0 s4, s6;
	[sflag:s5] =	ssyncadd.s32 @!p0 $0xFFFFFFFF  }
0xb3: {  	s25 =	simm.s32 $0x1B8E;
	s24 =	sld [smem:$0x3FFE];
	[sflag:s4] =	ssyncadd.remote.s32 @!p0 $0x1  }
0xb4: {  	s26 =	simm.s32 $execute0_lowered;
	[smem:$0x3FD2] =	sst s25  }
0xb5: {  	s5 =	sshll.u32 s26, $0x1;
	_ =	strace $0x80000055;
	[dreg:$0x1] =	wrdreg $0xFFFFFFFF  }
0xb6: {  	s28 =	simm.s32 $_size_execute0_lowered;
	s3 =	sadd.s32 s3, s5;
	[dreg:$0x0] =	wrdreg $0x0  }
0xb7: {  	s5 =	sshll.u32 s28, $0x1;
	[dreg:$0x2] =	wrdreg s3  }
0xb8: {  	[dreg:$0x3] =	wrdreg s5  }
0xb9: {  	[dreg:$0x4] =	wrdreg $0xC0  }
0xba: {  	_ =	task [dreg:s22], $0x5FFFF  }
0xbb: {  	[dreg:$0x1] =	wrdreg $0xFFFFFFFF  }
0xbc: {  	[dreg:$0x0] =	wrdreg $0x60  }
0xbd: {  	[dreg:$0x2] =	wrdreg s24  }
0xbe: {  	[dreg:$0x3] =	wrdreg $0x0  }
0xbf: {  	[dreg:$0x4] =	wrdreg $0xA  }
0xc0: {  	_ =	task.clear_ibuf [dreg:s22], $0x5FFFF;
	_ =	strace $0x90000055  }
0xc1: {  	s29 =	simm.s32 $0xA;
	_ =	strace $0x80000057  }
0xc2: {  	_ =	swait.ge [sflag:s29], $0x1  }
0xc3: {  	[sflag:s29] =	ssyncadd.s32 $0xFFFFFFFF  }
0xc4: {  	_ =	strace $0x90000057  }
0xc5: {  	_ =	sfence  }
0xc6: {  	s30 =	sld [smem:$0x0];
	_ =	sdelay $0x2  }
0xc7: {  	s31 =	sshll.u32 s1, $0xD;
	s1 =	sshrl.u32 s1, $0x2  }
0xc8: {  	s4 =	sand.u32 $0x4000, s31;
	s1 =	sadd.s32 s1, s30  }
0xc9: {  	s0 =	sor.u32 s4, s0;
	s1 =	sshll.u32 s1, $0x11  }
0xca: {  	s0 =	sor.u32 s1, s0  }
0xcb: {  	s0 =	sadd.s32 $0x8F2B, s0  }
0xcc: {  	[sflag:s0] =	ssyncadd.remote.s32 $0x1  }
0xcd: {  	_ =	sfence.sel $0xFFFF  }
0xce: {  	[dreg:$0x0] =	wrdreg $0xFFFFFFFF;
	(pc) =	sbr.abs _section_cstart, $3  }
0xcf: {  	[dreg:$0x1] =	wrdreg $0xFFFFFFFF  }
0xd0: {  	_ =	task.clear_ibuf [dreg:s22], $0x2FFFF;
	_ =	strace $0x9FFFFFFF  }
0xd1: {  	(tm) =	ssettm $0x7FFFFFFF  }
tec
execute0_lowered:
.L_overlay_start_1:
0x0: {  	(tag) =	ssettag $0x1  }
0x1: {  	s1 =	srdreg.scid;
	s0 =	stileid.u32  }
0x2: {  	s1 =	sand.u32 $0x1, s1;
	s4 =	smul.u32 $0x5000, s0  }
0x3: {  	s3 =	smul.u32 $0x50000, s1  }
0x4: {  	s5 =	rddreg [dreg:$0x0]  }
0x5: {  	s2 =	rddreg [dreg:$0x1];
	s7 =	sadd.s32 s4, s3;
	s3 =	simm.s32 $0x0  }
0x6: {  	s10 =	simm.s32 $0x5100;
	[smem:$0x7FF] =	sst s3  }
0x7: {  	s11 =	simm.s32 $0x7A00;
	_ =	strace $0x80000056;
	[dreg:$0x9] =	wrdreg s10  }
0x8: {  	s12 =	simm.s32 $0x5180;
	[dreg:$0xa] =	wrdreg s11  }
0x9: {  	s13 =	simm.s32 $0x8A00;
	[dreg:$0xb] =	wrdreg s12  }
0xa: {  	s14 =	simm.s32 $0x5200;
	[dreg:$0xc] =	wrdreg s13  }
0xb: {  	s15 =	simm.s32 $0x9A00;
	[dreg:$0xd] =	wrdreg s14  }
0xc: {  	s16 =	simm.s32 $0x5280;
	[dreg:$0xe] =	wrdreg s15  }
0xd: {  	s17 =	simm.s32 $0xAA00;
	[dreg:$0xf] =	wrdreg s16  }
0xe: {  	s18 =	simm.s32 $0x5300;
	[dreg:$0x10] =	wrdreg s17  }
0xf: {  	s19 =	simm.s32 $0xBA00;
	s20 =	simm.s32 $0x5380;
	[dreg:$0x11] =	wrdreg s18  }
0x10: {  	s21 =	simm.s32 $0xCA00;
	s6 =	sshll.u32 s0, $0x1;
	[dreg:$0x12] =	wrdreg s19  }
0x11: {  	s22 =	simm.s32 $0x5400;
	s6 =	sor.u32 s1, s6;
	[dreg:$0x13] =	wrdreg s20  }
0x12: {  	s25 =	simm.s32 $0xDA00;
	s8 =	smul.u32 $0x140, s6;
	[dreg:$0x14] =	wrdreg s21  }
0x13: {  	s24 =	sshll.u32 s0, $0x6;
	s0 =	simm.s32 $0x5480;
	[dreg:$0x15] =	wrdreg s22  }
0x14: {  	s6 =	smul.u32 $0x2800, s6;
	s8 =	sadd.s32 s8, s5;
	[dreg:$0x16] =	wrdreg s25  }
0x15: {  	s7 =	sshrl.u32 s7, $0x3;
	s26 =	sadd.s32 $0x1D400, s8;
	[dreg:$0x17] =	wrdreg s0  }
0x16: {  	s7 =	sadd.s32 s7, s5;
	s8 =	simm.s32 $0x5080;
	[dreg:$0x4] =	wrdreg s26  }
0x17: {  	s5 =	sadd.s32 s6, s5;
	s9 =	sadd.s32 $0xDDC00, s7;
	[dreg:$0x7] =	wrdreg s8  }
0x18: {  	s5 =	sadd.s32 $0x2C400, s5;
	[dreg:$0x3] =	wrdreg s9  }
0x19: {  	s7 =	sadd.s32 $0xF1C00, s7;
	[dreg:$0x5] =	wrdreg s5  }
0x1a: {  	[dreg:$0x6] =	wrdreg s7;
	s9 =	simm.s32 $0x6A00  }
0x1b: {  	s23 =	sadd.s32 s4, s2;
	s4 =	sor.u32 $0x1C01, s24;
	[dreg:$0x8] =	wrdreg s9  }
0x1c: {  	s6 =	sshrl.u32 s23, $0x3;
	s5 =	simm.s32 $0x1;
	s26 =	rddreg [dreg:$0x3]  }
0x1d: {  	[spmem:s6], [sflag:s4] =	dma.local [hbm:s26], $0xA00  }
0x1e: {  	_ =	swait.ge [sflag:s5], $0xA00  }
0x1f: {  	[sflag:s5] =	ssyncset.done $0x0  }
0x20: {  	[sflag:s5] =	ssyncadd.s32 $0xFFFFF600  }
0x21: {  	[bflag:$0x0] =	sbarrier.arrive $0xFFFF  }
0x22: {  	s7 =	simm.s32 $0x5000;
	s9 =	rddreg [dreg:$0x4]  }
0x23: {  	[tilespmem:s7], [sflag:$0x1] =	stream.linear.gather [hbm4b:s9+s3], $0xA00, $0x38;
	[tilespmem:$0x19A00] =	vst v63  }
0x24: {  	_ =	swait.ge [sflag:s5], $0xA00  }
0x25: {  	[sflag:s5] =	ssyncset.done $0x0  }
0x26: {  	s8 =	simm.s32 $0x5A00;
	s10 =	rddreg [dreg:$0x5];
	[sflag:s5] =	ssyncadd.s32 $0xFFFFF600  }
0x27: {  	[tilespmem:s8], [sflag:$0x1] =	stream.linear.gather [hbm4b:s10+s3], $0x14000, $0x38;
	[tilespmem:$0x19A00] =	vst v63  }
0x28: {  	_ =	swait.ge [sflag:s5], $0x14000  }
0x29: {  	[sflag:s5] =	ssyncset.done $0x0  }
0x2a: {  	s9 =	simm.s32 $0x80;
	[sflag:s5] =	ssyncadd.s32 $0xFFFEC000  }
0x2b: {  	[spmem:s2] =	stream.indirect.scatter.add.f32 [tilespmem:s8], [sflag:$0x1], $0x20, s7, s9, $0xb8;
	[tilespmem:$0x19A00] =	vst v63  }
0x2c: {  	_ =	swait.ge [sflag:s5], $0x1000  }
0x2d: {  	s10 =	rddreg [dreg:$0x7];
	[sflag:s5] =	ssyncset.done $0x0  }
0x2e: {  	s11 =	rddreg [dreg:$0x8];
	[sflag:s5] =	ssyncadd.s32 $0xFFFFF000  }
0x2f: {  	[spmem:s2] =	stream.indirect.scatter.add.f32 [tilespmem:s11], [sflag:$0x1], $0x20, s10, s9, $0xb8;
	[tilespmem:$0x19A00] =	vst v63  }
0x30: {  	_ =	swait.ge [sflag:s5], $0x1000  }
0x31: {  	s11 =	rddreg [dreg:$0x9];
	[sflag:s5] =	ssyncset.done $0x0  }
0x32: {  	s12 =	rddreg [dreg:$0xa];
	[sflag:s5] =	ssyncadd.s32 $0xFFFFF000  }
0x33: {  	[spmem:s2] =	stream.indirect.scatter.add.f32 [tilespmem:s12], [sflag:$0x1], $0x20, s11, s9, $0xb8;
	[tilespmem:$0x19A00] =	vst v63  }
0x34: {  	_ =	swait.ge [sflag:s5], $0x1000  }
0x35: {  	s13 =	rddreg [dreg:$0xb];
	[sflag:s5] =	ssyncset.done $0x0  }
0x36: {  	s14 =	rddreg [dreg:$0xc];
	[sflag:s5] =	ssyncadd.s32 $0xFFFFF000  }
0x37: {  	[spmem:s2] =	stream.indirect.scatter.add.f32 [tilespmem:s14], [sflag:$0x1], $0x20, s13, s9, $0xb8;
	[tilespmem:$0x19A00] =	vst v63  }
0x38: {  	_ =	swait.ge [sflag:s5], $0x1000  }
0x39: {  	s15 =	rddreg [dreg:$0xd];
	[sflag:s5] =	ssyncset.done $0x0  }
0x3a: {  	s16 =	rddreg [dreg:$0xe];
	[sflag:s5] =	ssyncadd.s32 $0xFFFFF000  }
0x3b: {  	[spmem:s2] =	stream.indirect.scatter.add.f32 [tilespmem:s16], [sflag:$0x1], $0x20, s15, s9, $0xb8;
	[tilespmem:$0x19A00] =	vst v63  }
0x3c: {  	_ =	swait.ge [sflag:s5], $0x1000  }
0x3d: {  	s17 =	rddreg [dreg:$0xf];
	[sflag:s5] =	ssyncset.done $0x0  }
0x3e: {  	s18 =	rddreg [dreg:$0x10];
	[sflag:s5] =	ssyncadd.s32 $0xFFFFF000  }
0x3f: {  	[spmem:s2] =	stream.indirect.scatter.add.f32 [tilespmem:s18], [sflag:$0x1], $0x20, s17, s9, $0xb8;
	[tilespmem:$0x19A00] =	vst v63  }
0x40: {  	_ =	swait.ge [sflag:s5], $0x1000  }
0x41: {  	s19 =	rddreg [dreg:$0x11];
	[sflag:s5] =	ssyncset.done $0x0  }
0x42: {  	s20 =	rddreg [dreg:$0x12];
	[sflag:s5] =	ssyncadd.s32 $0xFFFFF000  }
0x43: {  	[spmem:s2] =	stream.indirect.scatter.add.f32 [tilespmem:s20], [sflag:$0x1], $0x20, s19, s9, $0xb8;
	[tilespmem:$0x19A00] =	vst v63  }
0x44: {  	_ =	swait.ge [sflag:s5], $0x1000  }
0x45: {  	s21 =	rddreg [dreg:$0x13];
	[sflag:s5] =	ssyncset.done $0x0  }
0x46: {  	s22 =	rddreg [dreg:$0x14];
	[sflag:s5] =	ssyncadd.s32 $0xFFFFF000  }
0x47: {  	[spmem:s2] =	stream.indirect.scatter.add.f32 [tilespmem:s22], [sflag:$0x1], $0x20, s21, s9, $0xb8;
	[tilespmem:$0x19A00] =	vst v63  }
0x48: {  	_ =	swait.ge [sflag:s5], $0x1000  }
0x49: {  	s23 =	rddreg [dreg:$0x15];
	[sflag:s5] =	ssyncset.done $0x0  }
0x4a: {  	s24 =	rddreg [dreg:$0x16];
	[sflag:s5] =	ssyncadd.s32 $0xFFFFF000  }
0x4b: {  	[spmem:s2] =	stream.indirect.scatter.add.f32 [tilespmem:s24], [sflag:$0x1], $0x20, s23, s9, $0xb8;
	[tilespmem:$0x19A00] =	vst v63  }
0x4c: {  	_ =	swait.ge [sflag:s5], $0x1000  }
0x4d: {  	[sflag:s5] =	ssyncset.done $0x0  }
0x4e: {  	s26 =	simm.s32 $0xEA00;
	s25 =	rddreg [dreg:$0x17];
	[sflag:s5] =	ssyncadd.s32 $0xFFFFF000  }
0x4f: {  	[spmem:s2] =	stream.indirect.scatter.add.f32 [tilespmem:s26], [sflag:$0x1], $0x20, s25, s9, $0xb8;
	[tilespmem:$0x19A00] =	vst v63  }
0x50: {  	_ =	swait.ge [sflag:s5], $0x1000  }
0x51: {  	[sflag:s5] =	ssyncset.done $0x0  }
0x52: {  	s11 =	simm.s32 $0x5500;
	s12 =	simm.s32 $0xFA00;
	[sflag:s5] =	ssyncadd.s32 $0xFFFFF000  }
0x53: {  	[spmem:s2] =	stream.indirect.scatter.add.f32 [tilespmem:s12], [sflag:$0x1], $0x20, s11, s9, $0xb8;
	[tilespmem:$0x19A00] =	vst v63  }
0x54: {  	_ =	swait.ge [sflag:s5], $0x1000  }
0x55: {  	[sflag:s5] =	ssyncset.done $0x0  }
0x56: {  	s13 =	simm.s32 $0x5580;
	s14 =	simm.s32 $0x10A00;
	[sflag:s5] =	ssyncadd.s32 $0xFFFFF000  }
0x57: {  	[spmem:s2] =	stream.indirect.scatter.add.f32 [tilespmem:s14], [sflag:$0x1], $0x20, s13, s9, $0xb8;
	[tilespmem:$0x19A00] =	vst v63  }
0x58: {  	_ =	swait.ge [sflag:s5], $0x1000  }
0x59: {  	[sflag:s5] =	ssyncset.done $0x0  }
0x5a: {  	s15 =	simm.s32 $0x5600;
	s16 =	simm.s32 $0x11A00;
	[sflag:s5] =	ssyncadd.s32 $0xFFFFF000  }
0x5b: {  	[spmem:s2] =	stream.indirect.scatter.add.f32 [tilespmem:s16], [sflag:$0x1], $0x20, s15, s9, $0xb8;
	[tilespmem:$0x19A00] =	vst v63  }
0x5c: {  	_ =	swait.ge [sflag:s5], $0x1000  }
0x5d: {  	[sflag:s5] =	ssyncset.done $0x0  }
0x5e: {  	s17 =	simm.s32 $0x5680;
	s18 =	simm.s32 $0x12A00;
	[sflag:s5] =	ssyncadd.s32 $0xFFFFF000  }
0x5f: {  	[spmem:s2] =	stream.indirect.scatter.add.f32 [tilespmem:s18], [sflag:$0x1], $0x20, s17, s9, $0xb8;
	[tilespmem:$0x19A00] =	vst v63  }
0x60: {  	_ =	swait.ge [sflag:s5], $0x1000  }
0x61: {  	[sflag:s5] =	ssyncset.done $0x0  }
0x62: {  	s19 =	simm.s32 $0x5700;
	s20 =	simm.s32 $0x13A00;
	[sflag:s5] =	ssyncadd.s32 $0xFFFFF000  }
0x63: {  	[spmem:s2] =	stream.indirect.scatter.add.f32 [tilespmem:s20], [sflag:$0x1], $0x20, s19, s9, $0xb8;
	[tilespmem:$0x19A00] =	vst v63  }
0x64: {  	_ =	swait.ge [sflag:s5], $0x1000  }
0x65: {  	[sflag:s5] =	ssyncset.done $0x0  }
0x66: {  	s21 =	simm.s32 $0x5780;
	s22 =	simm.s32 $0x14A00;
	[sflag:s5] =	ssyncadd.s32 $0xFFFFF000  }
0x67: {  	[spmem:s2] =	stream.indirect.scatter.add.f32 [tilespmem:s22], [sflag:$0x1], $0x20, s21, s9, $0xb8;
	[tilespmem:$0x19A00] =	vst v63  }
0x68: {  	_ =	swait.ge [sflag:s5], $0x1000  }
0x69: {  	[sflag:s5] =	ssyncset.done $0x0  }
0x6a: {  	s23 =	simm.s32 $0x5800;
	s24 =	simm.s32 $0x15A00;
	[sflag:s5] =	ssyncadd.s32 $0xFFFFF000  }
0x6b: {  	[spmem:s2] =	stream.indirect.scatter.add.f32 [tilespmem:s24], [sflag:$0x1], $0x20, s23, s9, $0xb8;
	[tilespmem:$0x19A00] =	vst v63  }
0x6c: {  	_ =	swait.ge [sflag:s5], $0x1000  }
0x6d: {  	s1 =	ssub.s32 $0x2, s1;
	[sflag:s5] =	ssyncset.done $0x0  }
0x6e: {  	s25 =	simm.s32 $0x5880;
	s26 =	simm.s32 $0x16A00;
	[sflag:s5] =	ssyncadd.s32 $0xFFFFF000  }
0x6f: {  	[spmem:s2] =	stream.indirect.scatter.add.f32 [tilespmem:s26], [sflag:$0x1], $0x20, s25, s9, $0xb8;
	[tilespmem:$0x19A00] =	vst v63  }
0x70: {  	s30 =	sshrl.u32 s1, $0x1;
	_ =	swait.ge [sflag:s5], $0x1000  }
0x71: {  	s28 =	simm.s32 $0x5900;
	s1 =	ssub.s32 s1, s30;
	[sflag:s5] =	ssyncset.done $0x0  }
0x72: {  	s29 =	simm.s32 $0x17A00;
	s1 =	smax.u32 s1, $0x1;
	[sflag:s5] =	ssyncadd.s32 $0xFFFFF000  }
0x73: {  	[spmem:s2] =	stream.indirect.scatter.add.f32 [tilespmem:s29], [sflag:$0x1], $0x20, s28, s9, $0xb8;
	[tilespmem:$0x19A00] =	vst v63  }
0x74: {  	p0 =	sne.s32 s1, $0x1;
	_ =	swait.ge [sflag:s5], $0x1000  }
.Ltmp0:
0x75: {  	[sflag:s5] =	ssyncset.done $0x0;
	(pc) =	sbr.rel @!p0 .LBB2_2-.Ltmp0, $4  }
0x76: {  	s31 =	simm.s32 $0x18A00;
	s30 =	simm.s32 $0x5980;
	[sflag:s5] =	ssyncadd.s32 $0xFFFFF000  }
0x77: {  	[spmem:s2] =	stream.indirect.scatter.add.f32 [tilespmem:s31], [sflag:$0x1], $0x20, s30, s9, $0xb8;
	[tilespmem:$0x19A00] =	vst v63  }
0x78: {  	_ =	swait.ge [sflag:s5], $0x1000  }
0x79: {  	s1 =	sadd.s32 $0xFFFFFFFF, s1;
	[sflag:s5] =	ssyncset.done $0x0  }
.LBB2_1:
0x7a: {  	[sflag:s5] =	ssyncadd.s32 $0xFFFFF000  }
0x7b: {  	[bflag:$0x0] =	sbarrier.arrive $0xFFFF  }
0x7c: {  	s0 =	rddreg [dreg:$0x6]  }
0x7d: {  	[hbm:s0], [sflag:s4] =	dma.local [spmem:s6], $0xA00  }
0x7e: {  	_ =	swait.ge [sflag:s5], $0xA00  }
0x7f: {  	[sflag:s5] =	ssyncset.done $0x0  }
0x80: {  	s10 =	rddreg [dreg:$0x3];
	[sflag:s5] =	ssyncadd.s32 $0xFFFFF600  }
0x81: {  	[spmem:s6], [sflag:s4] =	dma.local [hbm:s10], $0xA00  }
0x82: {  	_ =	swait.ge [sflag:s5], $0xA00  }
0x83: {  	[sflag:s5] =	ssyncset.done $0x0  }
0x84: {  	[sflag:s5] =	ssyncadd.s32 $0xFFFFF600  }
0x85: {  	[bflag:$0x0] =	sbarrier.arrive $0xFFFF  }
0x86: {  	s10 =	rddreg [dreg:$0x4]  }
0x87: {  	[tilespmem:s7], [sflag:$0x1] =	stream.linear.gather [hbm4b:s10+s3], $0xA00, $0x38;
	[tilespmem:$0x19A00] =	vst v63  }
0x88: {  	_ =	swait.ge [sflag:s5], $0xA00  }
0x89: {  	[sflag:s5] =	ssyncset.done $0x0  }
0x8a: {  	s10 =	rddreg [dreg:$0x5];
	[sflag:s5] =	ssyncadd.s32 $0xFFFFF600  }
0x8b: {  	[tilespmem:s8], [sflag:$0x1] =	stream.linear.gather [hbm4b:s10+s3], $0x14000, $0x38;
	[tilespmem:$0x19A00] =	vst v63  }
0x8c: {  	_ =	swait.ge [sflag:s5], $0x14000  }
0x8d: {  	[sflag:s5] =	ssyncset.done $0x0  }
0x8e: {  	[sflag:s5] =	ssyncadd.s32 $0xFFFEC000  }
0x8f: {  	[spmem:s2] =	stream.indirect.scatter.add.f32 [tilespmem:s8], [sflag:$0x1], $0x20, s7, s9, $0xb8;
	[tilespmem:$0x19A00] =	vst v63  }
0x90: {  	_ =	swait.ge [sflag:s5], $0x1000  }
0x91: {  	s0 =	rddreg [dreg:$0x7];
	[sflag:s5] =	ssyncset.done $0x0  }
0x92: {  	s10 =	rddreg [dreg:$0x8];
	[sflag:s5] =	ssyncadd.s32 $0xFFFFF000  }
0x93: {  	[spmem:s2] =	stream.indirect.scatter.add.f32 [tilespmem:s10], [sflag:$0x1], $0x20, s0, s9, $0xb8;
	[tilespmem:$0x19A00] =	vst v63  }
0x94: {  	_ =	swait.ge [sflag:s5], $0x1000  }
0x95: {  	[sflag:s5] =	ssyncset.done $0x0;
	s0 =	rddreg [dreg:$0x9]  }
0x96: {  	s10 =	rddreg [dreg:$0xa];
	[sflag:s5] =	ssyncadd.s32 $0xFFFFF000  }
0x97: {  	[spmem:s2] =	stream.indirect.scatter.add.f32 [tilespmem:s10], [sflag:$0x1], $0x20, s0, s9, $0xb8;
	[tilespmem:$0x19A00] =	vst v63  }
0x98: {  	_ =	swait.ge [sflag:s5], $0x1000  }
0x99: {  	[sflag:s5] =	ssyncset.done $0x0;
	s0 =	rddreg [dreg:$0xb]  }
0x9a: {  	s10 =	rddreg [dreg:$0xc];
	[sflag:s5] =	ssyncadd.s32 $0xFFFFF000  }
0x9b: {  	[spmem:s2] =	stream.indirect.scatter.add.f32 [tilespmem:s10], [sflag:$0x1], $0x20, s0, s9, $0xb8;
	[tilespmem:$0x19A00] =	vst v63  }
0x9c: {  	_ =	swait.ge [sflag:s5], $0x1000  }
0x9d: {  	[sflag:s5] =	ssyncset.done $0x0;
	s0 =	rddreg [dreg:$0xd]  }
0x9e: {  	s10 =	rddreg [dreg:$0xe];
	[sflag:s5] =	ssyncadd.s32 $0xFFFFF000  }
0x9f: {  	[spmem:s2] =	stream.indirect.scatter.add.f32 [tilespmem:s10], [sflag:$0x1], $0x20, s0, s9, $0xb8;
	[tilespmem:$0x19A00] =	vst v63  }
0xa0: {  	_ =	swait.ge [sflag:s5], $0x1000  }
0xa1: {  	[sflag:s5] =	ssyncset.done $0x0;
	s0 =	rddreg [dreg:$0xf]  }
0xa2: {  	s10 =	rddreg [dreg:$0x10];
	[sflag:s5] =	ssyncadd.s32 $0xFFFFF000  }
0xa3: {  	[spmem:s2] =	stream.indirect.scatter.add.f32 [tilespmem:s10], [sflag:$0x1], $0x20, s0, s9, $0xb8;
	[tilespmem:$0x19A00] =	vst v63  }
0xa4: {  	_ =	swait.ge [sflag:s5], $0x1000  }
0xa5: {  	[sflag:s5] =	ssyncset.done $0x0;
	s0 =	rddreg [dreg:$0x11]  }
0xa6: {  	s10 =	rddreg [dreg:$0x12];
	[sflag:s5] =	ssyncadd.s32 $0xFFFFF000  }
0xa7: {  	[spmem:s2] =	stream.indirect.scatter.add.f32 [tilespmem:s10], [sflag:$0x1], $0x20, s0, s9, $0xb8;
	[tilespmem:$0x19A00] =	vst v63  }
0xa8: {  	_ =	swait.ge [sflag:s5], $0x1000  }
0xa9: {  	[sflag:s5] =	ssyncset.done $0x0;
	s0 =	rddreg [dreg:$0x13]  }
0xaa: {  	s10 =	rddreg [dreg:$0x14];
	[sflag:s5] =	ssyncadd.s32 $0xFFFFF000  }
0xab: {  	[spmem:s2] =	stream.indirect.scatter.add.f32 [tilespmem:s10], [sflag:$0x1], $0x20, s0, s9, $0xb8;
	[tilespmem:$0x19A00] =	vst v63  }
0xac: {  	_ =	swait.ge [sflag:s5], $0x1000  }
0xad: {  	[sflag:s5] =	ssyncset.done $0x0;
	s0 =	rddreg [dreg:$0x15]  }
0xae: {  	s10 =	rddreg [dreg:$0x16];
	[sflag:s5] =	ssyncadd.s32 $0xFFFFF000  }
0xaf: {  	[spmem:s2] =	stream.indirect.scatter.add.f32 [tilespmem:s10], [sflag:$0x1], $0x20, s0, s9, $0xb8;
	[tilespmem:$0x19A00] =	vst v63  }
0xb0: {  	_ =	swait.ge [sflag:s5], $0x1000  }
0xb1: {  	[sflag:s5] =	ssyncset.done $0x0  }
0xb2: {  	s10 =	simm.s32 $0xEA00;
	s0 =	rddreg [dreg:$0x17];
	[sflag:s5] =	ssyncadd.s32 $0xFFFFF000  }
0xb3: {  	[spmem:s2] =	stream.indirect.scatter.add.f32 [tilespmem:s10], [sflag:$0x1], $0x20, s0, s9, $0xb8;
	[tilespmem:$0x19A00] =	vst v63  }
0xb4: {  	_ =	swait.ge [sflag:s5], $0x1000  }
0xb5: {  	[sflag:s5] =	ssyncset.done $0x0  }
0xb6: {  	[sflag:s5] =	ssyncadd.s32 $0xFFFFF000  }
0xb7: {  	[spmem:s2] =	stream.indirect.scatter.add.f32 [tilespmem:s12], [sflag:$0x1], $0x20, s11, s9, $0xb8;
	[tilespmem:$0x19A00] =	vst v63  }
0xb8: {  	_ =	swait.ge [sflag:s5], $0x1000  }
0xb9: {  	[sflag:s5] =	ssyncset.done $0x0  }
0xba: {  	[sflag:s5] =	ssyncadd.s32 $0xFFFFF000  }
0xbb: {  	[spmem:s2] =	stream.indirect.scatter.add.f32 [tilespmem:s14], [sflag:$0x1], $0x20, s13, s9, $0xb8;
	[tilespmem:$0x19A00] =	vst v63  }
0xbc: {  	_ =	swait.ge [sflag:s5], $0x1000  }
0xbd: {  	[sflag:s5] =	ssyncset.done $0x0  }
0xbe: {  	[sflag:s5] =	ssyncadd.s32 $0xFFFFF000  }
0xbf: {  	[spmem:s2] =	stream.indirect.scatter.add.f32 [tilespmem:s16], [sflag:$0x1], $0x20, s15, s9, $0xb8;
	[tilespmem:$0x19A00] =	vst v63  }
0xc0: {  	_ =	swait.ge [sflag:s5], $0x1000  }
0xc1: {  	[sflag:s5] =	ssyncset.done $0x0  }
0xc2: {  	[sflag:s5] =	ssyncadd.s32 $0xFFFFF000  }
0xc3: {  	[spmem:s2] =	stream.indirect.scatter.add.f32 [tilespmem:s18], [sflag:$0x1], $0x20, s17, s9, $0xb8;
	[tilespmem:$0x19A00] =	vst v63  }
0xc4: {  	_ =	swait.ge [sflag:s5], $0x1000  }
0xc5: {  	[sflag:s5] =	ssyncset.done $0x0  }
0xc6: {  	[sflag:s5] =	ssyncadd.s32 $0xFFFFF000  }
0xc7: {  	[spmem:s2] =	stream.indirect.scatter.add.f32 [tilespmem:s20], [sflag:$0x1], $0x20, s19, s9, $0xb8;
	[tilespmem:$0x19A00] =	vst v63  }
0xc8: {  	_ =	swait.ge [sflag:s5], $0x1000  }
0xc9: {  	[sflag:s5] =	ssyncset.done $0x0  }
0xca: {  	[sflag:s5] =	ssyncadd.s32 $0xFFFFF000  }
0xcb: {  	[spmem:s2] =	stream.indirect.scatter.add.f32 [tilespmem:s22], [sflag:$0x1], $0x20, s21, s9, $0xb8;
	[tilespmem:$0x19A00] =	vst v63  }
0xcc: {  	_ =	swait.ge [sflag:s5], $0x1000  }
0xcd: {  	[sflag:s5] =	ssyncset.done $0x0  }
0xce: {  	[sflag:s5] =	ssyncadd.s32 $0xFFFFF000  }
0xcf: {  	[spmem:s2] =	stream.indirect.scatter.add.f32 [tilespmem:s24], [sflag:$0x1], $0x20, s23, s9, $0xb8;
	[tilespmem:$0x19A00] =	vst v63  }
0xd0: {  	_ =	swait.ge [sflag:s5], $0x1000  }
0xd1: {  	[sflag:s5] =	ssyncset.done $0x0  }
0xd2: {  	[sflag:s5] =	ssyncadd.s32 $0xFFFFF000  }
0xd3: {  	[spmem:s2] =	stream.indirect.scatter.add.f32 [tilespmem:s26], [sflag:$0x1], $0x20, s25, s9, $0xb8;
	[tilespmem:$0x19A00] =	vst v63  }
0xd4: {  	_ =	swait.ge [sflag:s5], $0x1000  }
0xd5: {  	[sflag:s5] =	ssyncset.done $0x0  }
0xd6: {  	[sflag:s5] =	ssyncadd.s32 $0xFFFFF000  }
0xd7: {  	[spmem:s2] =	stream.indirect.scatter.add.f32 [tilespmem:s29], [sflag:$0x1], $0x20, s28, s9, $0xb8;
	[tilespmem:$0x19A00] =	vst v63  }
0xd8: {  	p0 =	sne.s32 s1, $0x1;
	_ =	swait.ge [sflag:s5], $0x1000  }
.Ltmp1:
0xd9: {  	[sflag:s5] =	ssyncset.done $0x0;
	(pc) =	sbr.rel @p0 .LBB2_1-.Ltmp1, $4  }
0xda: {  	[sflag:s5] =	ssyncadd.s32 $0xFFFFF000  }
0xdb: {  	[spmem:s2] =	stream.indirect.scatter.add.f32 [tilespmem:s31], [sflag:$0x1], $0x20, s30, s9, $0xb8;
	[tilespmem:$0x19A00] =	vst v63  }
0xdc: {  	_ =	swait.ge [sflag:s5], $0x1000  }
0xdd: {  	s1 =	sadd.s32 $0xFFFFFFFF, s1;
	[sflag:s5] =	ssyncset.done $0x0  }
.LBB2_2:
0xde: {  	[sflag:s5] =	ssyncadd.s32 $0xFFFFF000  }
0xdf: {  	[bflag:$0x0] =	sbarrier.arrive $0xFFFF  }
0xe0: {  	s0 =	rddreg [dreg:$0x6]  }
0xe1: {  	[hbm:s0], [sflag:s4] =	dma.local [spmem:s6], $0xA00  }
0xe2: {  	_ =	swait.ge [sflag:s5], $0xA00  }
0xe3: {  	[sflag:s5] =	ssyncset.done $0x0  }
0xe4: {  	[sflag:s5] =	ssyncadd.s32 $0xFFFFF600  }
0xe5: {  	_ =	sfence.sel $0x180000  }
0xe6: {  	[bflag:$0x0] =	sbarrier.arrive $0xFFFF  }
0xe7: {  	_ =	strace $0x90000056  }
0xe8: {  	s31 =	stileid.u32;
	[bflag:$0x2] =	sbarrier.arrive $0xFFFF  }
0xe9: {  	p0 =	sne.s32 s31, $0x0;
	s0 =	rddreg [dreg:$0x2]  }
0xea: {  	s0 =	sadd.s32 @!p0 $0x100000, s0  }
0xeb: {  	[sflag:s0] =	ssyncadd.tile.s32 @!p0 $0x1;
	_ =	shalt  }
.Lfunc_end2:
_tile_overlayer_lowered:
.L_overlay_start_2:
0xec: {  	(tag) =	ssettag $0x2  }
0xed: {  	s0 =	rddreg [dreg:$0x0];
	s2 =	stileid.u32  }
0xee: {  	s1 =	rddreg [dreg:$0x1];
	p0 =	sne.s32 s2, $0x0  }
0xef: {  	s3 =	rddreg [dreg:$0x2];
	[bflag:$0x3] =	sbarrier.arrive $0xFFFF;
	s2 =	simm.s32 @!p0 $0x1C01  }
0xf0: {  	[timem:s3], [sflag:s2] =	dma.local @!p0 [hbm:s0], s1  }
0xf1: {  	s0 =	simm.s32 @!p0 $0x1  }
0xf2: {  	_ =	swait.ge @!p0 [sflag:s0], s1  }
0xf3: {  	s1 =	ssub.s32 @!p0 $0x0, s1;
	[sflag:s0] =	ssyncset.done @!p0 $0x0  }
0xf4: {  	[sflag:s0] =	ssyncadd.s32 @!p0 s1  }
0xf5: {  	[bflag:$0x3] =	sbarrier.arrive $0xFFFF  }
0xf6: {  	_ =	shalt  }

// kernel: kernel.15.cloned.1.call-start
scs
__scs_entry_jumppad:
0x0: {  	(pc) =	sbr.rel $0x88, $3  }
0x1: {  	(tag) =	ssettag $0x0;
	lr =	simm.s32 $0x1  }
0x2: {  	[smem:$0x3F97] =	sst lr;
	_ =	strace $0xD0000000  }
0x3: {  	_ = 	snop  }
0x4: {  	_ = 	snop  }
0x5: {  	_ = 	snop  }
0x6: {  	_ = 	snop  }
0x7: {  	_ = 	snop  }
__scs_overlays_trampoline_lowered:
0x8: {  	[smem:$0x3FA6] =	sst s0  }
0x9: {  	[smem:$0x3FA7] =	sst s1  }
0xa: {  	[smem:$0x3FA8] =	sst s2  }
0xb: {  	[smem:$0x3FA9] =	sst s3  }
0xc: {  	[smem:$0x3FAA] =	sst s4  }
0xd: {  	[smem:$0x3FAB] =	sst s5  }
0xe: {  	[smem:$0x3FAC] =	sst s6  }
0xf: {  	[smem:$0x3FAD] =	sst s7  }
0x10: {  	[smem:$0x3FAE] =	sst s8  }
0x11: {  	[smem:$0x3FAF] =	sst s9;
	s0 =	simm.s32 @!p0 $0x0  }
0x12: {  	s1 =	sld [smem:$0x3F95];
	s0 =	simm.s32 @p0 $0x1  }
0x13: {  	[smem:$0x3FB0] =	sst s0;
	s0 =	simm.s32 @!p1 $0x0  }
0x14: {  	s2 =	sld [smem:$0x3F94];
	s0 =	simm.s32 @p1 $0x1  }
0x15: {  	[smem:$0x3FB1] =	sst s0;
	s0 =	simm.s32 @!p2 $0x0  }
0x16: {  	s3 =	sld [smem:$0x3FDB];
	s0 =	simm.s32 @p2 $0x1  }
0x17: {  	s4 =	simm.s32 $0x1BF5;
	[smem:$0x3FB3] =	sst s0  }
0x18: {  	s0 =	sld [smem:$0x3F96];
	_ =	swait.ge [sflag:s4], $0x0  }
0x19: {  	s7 =	sld [smem:$0x3F97]  }
0x1a: {  	s8 =	sadd.s32 $0xFFFFE003, lr  }
0x1b: {  	s9 =	sadd.s32 $0xFFFFFEF7, lr;
	s5 =	simm.s32 $0xFFFFFFFF;
	p2 =	slt.u32 s8, $0xFFFFF086  }
0x1c: {  	p1 =	slt.u32 s9, $0xF7A;
	s5 =	simm.s32 @!p2 $0x0  }
0x1d: {  	s5 =	simm.s32 @p1 $0x1;
	p0 =	seq.s32 s7, s2  }
0x1e: {  	s7 =	smul.u32 @!p0 $0xF7A, s2;
	p2 =	seq.s32 @!p0 s5, $0x0  }
0x1f: {  	s9 =	smul.u32 $0xF7A, s1;
	s8 =	simm.s32 @!p0 $0x1BF5;
	p2 =	por !p2, p0  }
0x20: {  	[sflag:s8] =	ssyncset.s32 @!p0 $0xFFFFF086;
	s6 =	sadd.s32 @!p0 s3, s7;
	s7 =	simm.s32 @!p0 $0x108  }
0x21: {  	s3 =	sadd.s32 s3, s9;
	s6 =	sadd.s32 @!p0 $0x88, s6;
	s7 =	simm.s32 @p2 $0x1082  }
0x22: {  	[simem:s7], [sflag:s8] =	dma.local @!p0 [hbm:s6], $0xF7A  }
0x23: {  	s9 =	sor.u32 $0xD0000000, s2;
	s6 =	simm.s32 $0x108;
	_ =	swait.ge @!p0 [sflag:s8], $0x0  }
0x24: {  	s3 =	sadd.s32 $0x88, s3;
	s6 =	simm.s32 @!p1 $0x1082;
	[sflag:s4] =	ssyncset.s32 $0xFFFFF086  }
0x25: {  	[simem:s6], [sflag:s4] =	dma.local [hbm:s3], $0xF7A  }
0x26: {  	[smem:$0x3F97] =	sst s1;
	(tag) =	ssettag s2;
	_ =	strace s9  }
0x27: {  	s1 =	sld [smem:$0x3FA7]  }
0x28: {  	s2 =	sld [smem:$0x3FA8]  }
0x29: {  	s4 =	sld [smem:$0x3FAA]  }
0x2a: {  	p0 =	seq.s32 s5, $0x0;
	s5 =	sld [smem:$0x3FAB]  }
0x2b: {  	s6 =	sld [smem:$0x3FAC]  }
0x2c: {  	s7 =	sld [smem:$0x3FAD]  }
0x2d: {  	s3 =	simm.s32 $0x108;
	s8 =	sld [smem:$0x3FAE]  }
0x2e: {  	s3 =	simm.s32 @!p0 $0x1082;
	s9 =	sld [smem:$0x3FAF]  }
0x2f: {  	lr =	sadd.s32 s0, s3;
	s0 =	sld [smem:$0x3FA6]  }
0x30: {  	s3 =	sld [smem:$0x3FA9]  }
0x31: {  	[smem:$0x3FB2] =	sst s10  }
0x32: {  	s10 =	sld [smem:$0x3FB0];
	_ =	sdelay $0x3  }
0x33: {  	p0 =	seq.s32 s10, $0x1;
	s10 =	sld [smem:$0x3FB2];
	_ =	sdelay $0x3  }
0x34: {  	[smem:$0x3FB2] =	sst s10  }
0x35: {  	s10 =	sld [smem:$0x3FB1];
	_ =	sdelay $0x3  }
0x36: {  	p1 =	seq.s32 s10, $0x1;
	s10 =	sld [smem:$0x3FB2];
	_ =	sdelay $0x3  }
0x37: {  	[smem:$0x3FB2] =	sst s10  }
0x38: {  	s10 =	sld [smem:$0x3FB3]  }
0x39: {  	_ = 	snop;
	(pc) =	sbr.ind lr, $3  }
0x3a: {  	_ = 	snop  }
0x3b: {  	_ = 	snop  }
0x3c: {  	p2 =	seq.s32 s10, $0x1;
	s10 =	sld [smem:$0x3FB2]  }
0x3d: {  	_ =	shalt  }
0x3e: {  	_ =	shalt  }
0x3f: {  	_ =	shalt  }
0x40: {  	_ =	shalt  }
0x41: {  	_ =	shalt  }
0x42: {  	_ =	shalt  }
0x43: {  	_ =	shalt  }
0x44: {  	_ =	shalt  }
0x45: {  	_ =	shalt  }
0x46: {  	_ =	shalt  }
0x47: {  	_ =	shalt  }
0x48: {  	_ =	shalt  }
0x49: {  	_ =	shalt  }
0x4a: {  	_ =	shalt  }
0x4b: {  	_ =	shalt  }
0x4c: {  	_ =	shalt  }
0x4d: {  	_ =	shalt  }
0x4e: {  	_ =	shalt  }
0x4f: {  	_ =	shalt  }
0x50: {  	_ =	shalt  }
0x51: {  	_ =	shalt  }
0x52: {  	_ =	shalt  }
0x53: {  	_ =	shalt  }
0x54: {  	_ =	shalt  }
0x55: {  	_ =	shalt  }
0x56: {  	_ =	shalt  }
0x57: {  	_ =	shalt  }
0x58: {  	_ =	shalt  }
0x59: {  	_ =	shalt  }
0x5a: {  	_ =	shalt  }
0x5b: {  	_ =	shalt  }
0x5c: {  	_ =	shalt  }
0x5d: {  	_ =	shalt  }
0x5e: {  	_ =	shalt  }
0x5f: {  	_ =	shalt  }
0x60: {  	_ =	shalt  }
0x61: {  	_ =	shalt  }
0x62: {  	_ =	shalt  }
0x63: {  	_ =	shalt  }
0x64: {  	_ =	shalt  }
0x65: {  	_ =	shalt  }
0x66: {  	_ =	shalt  }
0x67: {  	_ =	shalt  }
0x68: {  	_ =	shalt  }
0x69: {  	_ =	shalt  }
0x6a: {  	_ =	shalt  }
0x6b: {  	_ =	shalt  }
0x6c: {  	_ =	shalt  }
0x6d: {  	_ =	shalt  }
0x6e: {  	_ =	shalt  }
0x6f: {  	_ =	shalt  }
0x70: {  	_ =	shalt  }
0x71: {  	_ =	shalt  }
0x72: {  	_ =	shalt  }
0x73: {  	_ =	shalt  }
0x74: {  	_ =	shalt  }
0x75: {  	_ =	shalt  }
0x76: {  	_ =	shalt  }
0x77: {  	_ =	shalt  }
0x78: {  	_ =	shalt  }
0x79: {  	_ =	shalt  }
0x7a: {  	_ =	shalt  }
0x7b: {  	_ =	shalt  }
0x7c: {  	_ =	shalt  }
0x7d: {  	_ =	shalt  }
0x7e: {  	_ =	shalt  }
0x7f: {  	_ =	shalt  }
0x80: {  	_ =	shalt  }
0x81: {  	_ =	shalt  }
0x82: {  	_ =	shalt  }
0x83: {  	_ =	shalt  }
0x84: {  	_ =	shalt  }
0x85: {  	_ =	shalt  }
0x86: {  	_ =	shalt  }
0x87: {  	_ =	shalt  }
.Lfunc_end0:
.L_simem_size_0:
called_computation.5_lowered:
.L_overlay_start_0:
0x88: {  	s2 =	sld [smem:$0x3FD9]  }
0x89: {  	s3 =	sld [smem:$0x3FFE];
	_ =	sdelay $0x1  }
0x8a: {  	s1 =	srdreg.scid  }
0x8b: {  	s0 =	sand.u32 $0x1, s1  }
0x8c: {  	s17 =	sshll.u32 s0, $0xA;
	s2 =	sadd.s32 s3, s2  }
0x8d: {  	s2 =	sadd.s32 s2, s17  }
0x8e: {  	[smem:$0x3FBE] =	sst s2  }
0x8f: {  	_ = 	snop  }
0x90: {  	(tm) =	ssettm $0x1  }
0x91: {  	s18 =	sld [smem:$0x3FFB];
	_ =	sdelay $0x3  }
0x92: {  	_ =	strace s18  }
0x93: {  	s2 =	sld [smem:$0x3FFC];
	_ =	sdelay $0x3  }
0x94: {  	_ =	strace s2  }
0x95: {  	s2 =	sld [smem:$0x3FFD];
	_ =	sdelay $0x3  }
0x96: {  	_ =	strace s2  }
0x97: {  	_ =	strace $0x8FFFFFFF  }
0x98: {  	s19 =	sld [smem:$0x3FDB];
	_ =	sdelay $0x1  }
0x99: {  	s20 =	simm.s32 $_scs_section_size  }
0x9a: {  	s4 =	simm.s32 $_size__tile_overlayer_lowered;
	s5 =	simm.s32 $_tile_overlayer_lowered  }
0x9b: {  	s6 =	simm.s32 $0x1BFF;
	s21 =	sshll.u32 s5, $0x1;
	s3 =	sadd.s32 s20, s19  }
0x9c: {  	s22 =	simm.s32 $0x0;
	s4 =	sshll.u32 s4, $0x1;
	s5 =	sadd.s32 s21, s3  }
0x9d: {  	[timem:s22], [sflag:s6] =	dma.local [hbm:s5], s4  }
0x9e: {  	_ =	swait.ge [sflag:s6], s4  }
0x9f: {  	s4 =	ssub.s32 $0x0, s4;
	[sflag:s6] =	ssyncset.done $0x0  }
0xa0: {  	[sflag:s6] =	ssyncadd.s32 s4;
	_ =	sdelay $0x1  }
0xa1: {  	s23 =	simm.s32 $0x1B8B  }
0xa2: {  	_ =	swait.ge [sflag:s23], $0x1  }
0xa3: {  	[sflag:s23] =	ssyncset.done $0x0  }
0xa4: {  	[sflag:s23] =	ssyncadd.s32 $0xFFFFFFFF  }
0xa5: {  	s4 =	sld [smem:$0x0]  }
0xa6: {  	s5 =	sand.u32 $0xFFFFFFFE, s1  }
0xa7: {  	p0 =	sne.s32 s1, s5  }
0xa8: {  	s5 =	sshll.u32 @p0 s5, $0xE  }
0xa9: {  	s5 =	sadd.s32 @p0 $0x11B8D, s5;
	s6 =	sshll.u32 @p0 s4, $0x11  }
0xaa: {  	s5 =	sor.u32 @p0 s6, s5  }
0xab: {  	[sflag:s5] =	ssyncadd.remote.s32 @p0 $0x1;
	_ =	sdelay $0x1  }
0xac: {  	s5 =	simm.s32 @p0 $0x1B8D  }
0xad: {  	_ =	swait.eq @p0 [sflag:s5], $0x1  }
0xae: {  	[sflag:s5] =	ssyncadd.s32 @p0 $0xFFFFFFFF  }
0xaf: {  	s6 =	sshll.u32 @!p0 s1, $0xE  }
0xb0: {  	s6 =	sor.u32 @!p0 $0x4000, s6;
	s5 =	simm.s32 @!p0 $0x1B8D  }
0xb1: {  	s4 =	sshll.u32 @!p0 s4, $0x11;
	s6 =	sadd.s32 @!p0 $0x11B8D, s6;
	_ =	swait.eq @!p0 [sflag:s5], $0x1  }
0xb2: {  	s4 =	sor.u32 @!p0 s4, s6;
	[sflag:s5] =	ssyncadd.s32 @!p0 $0xFFFFFFFF  }
0xb3: {  	s25 =	simm.s32 $0x1B8E;
	s24 =	sld [smem:$0x3FFE];
	[sflag:s4] =	ssyncadd.remote.s32 @!p0 $0x1  }
0xb4: {  	s26 =	simm.s32 $execute0_lowered;
	[smem:$0x3FD2] =	sst s25  }
0xb5: {  	s5 =	sshll.u32 s26, $0x1;
	_ =	strace $0x80000052;
	[dreg:$0x1] =	wrdreg $0xFFFFFFFF  }
0xb6: {  	s28 =	simm.s32 $_size_execute0_lowered;
	s3 =	sadd.s32 s3, s5;
	[dreg:$0x0] =	wrdreg $0x0  }
0xb7: {  	s5 =	sshll.u32 s28, $0x1;
	[dreg:$0x2] =	wrdreg s3  }
0xb8: {  	[dreg:$0x3] =	wrdreg s5  }
0xb9: {  	[dreg:$0x4] =	wrdreg $0xC0  }
0xba: {  	_ =	task [dreg:s22], $0x5FFFF  }
0xbb: {  	[dreg:$0x1] =	wrdreg $0xFFFFFFFF  }
0xbc: {  	[dreg:$0x0] =	wrdreg $0x60  }
0xbd: {  	[dreg:$0x2] =	wrdreg s24  }
0xbe: {  	[dreg:$0x3] =	wrdreg $0x9  }
0xbf: {  	_ =	task.clear_ibuf [dreg:s22], $0x4FFFF;
	_ =	strace $0x90000052  }
0xc0: {  	s29 =	simm.s32 $0x9;
	_ =	strace $0x80000054  }
0xc1: {  	_ =	swait.ge [sflag:s29], $0x1  }
0xc2: {  	[sflag:s29] =	ssyncadd.s32 $0xFFFFFFFF  }
0xc3: {  	_ =	strace $0x90000054  }
0xc4: {  	_ =	sfence  }
0xc5: {  	s30 =	sld [smem:$0x0];
	_ =	sdelay $0x2  }
0xc6: {  	s31 =	sshll.u32 s1, $0xD;
	s1 =	sshrl.u32 s1, $0x2  }
0xc7: {  	s4 =	sand.u32 $0x4000, s31;
	s1 =	sadd.s32 s1, s30  }
0xc8: {  	s0 =	sor.u32 s4, s0;
	s1 =	sshll.u32 s1, $0x11  }
0xc9: {  	s0 =	sor.u32 s1, s0  }
0xca: {  	s0 =	sadd.s32 $0x8F2B, s0  }
0xcb: {  	[sflag:s0] =	ssyncadd.remote.s32 $0x1  }
0xcc: {  	_ =	sfence.sel $0xFFFF  }
0xcd: {  	[dreg:$0x0] =	wrdreg $0xFFFFFFFF;
	(pc) =	sbr.abs _section_cstart, $3  }
0xce: {  	[dreg:$0x1] =	wrdreg $0xFFFFFFFF  }
0xcf: {  	_ =	task.clear_ibuf [dreg:s22], $0x2FFFF;
	_ =	strace $0x9FFFFFFF  }
0xd0: {  	(tm) =	ssettm $0x7FFFFFFF  }
0xd1: {  	_ =	shalt  }
tec
execute0_lowered:
.L_overlay_start_1:
0x0: {  	(tag) =	ssettag $0x1  }
0x1: {  	s0 =	srdreg.scid;
	s1 =	stileid.u32  }
0x2: {  	s3 =	rddreg [dreg:$0x0];
	s0 =	sand.u32 $0x1, s0;
	s1 =	sshll.u32 s1, $0x1  }
0x3: {  	s2 =	simm.s32 $0x0;
	s1 =	sor.u32 s0, s1;
	s0 =	ssub.s32 $0x2, s0  }
0x4: {  	s7 =	simm.s32 $0x80;
	s4 =	smul.u32 $0x140, s1;
	s6 =	sshrl.u32 s0, $0x1  }
0x5: {  	[smem:$0x7FF] =	sst s2;
	s1 =	smul.u32 $0x1400, s1;
	s0 =	ssub.s32 s0, s6  }
0x6: {  	_ =	strace $0x80000053;
	s4 =	sadd.s32 s4, s3;
	s0 =	smax.u32 s0, $0x1  }
0x7: {  	s1 =	sadd.s32 s1, s3;
	s5 =	sadd.s32 $0x8B400, s4;
	p1 =	sne.s32 s0, $0x1  }
.Ltmp0:
0x8: {  	s31 =	sadd.s32 $0x8DC00, s1;
	[dreg:$0x2] =	wrdreg s5;
	(pc) =	sbr.rel @!p1 .LBB2_4-.Ltmp0, $4  }
0x9: {  	p0 =	por $0x0, $0x0;
	s4 =	sadd.s32 $0x13400, s4;
	[dreg:$0x3] =	wrdreg s31  }
0xa: {  	s6 =	sadd.s32 $0x18400, s3;
	s1 =	sadd.s32 $0xB5C00, s1;
	[dreg:$0x4] =	wrdreg s4  }
0xb: {  	s3 =	simm.s32 $0x2;
	s28 =	sadd.s32 $0xFFFFFFFF, s0;
	[dreg:$0x5] =	wrdreg s1  }
0xc: {  	s4 =	simm.s32 $0xA00;
	s5 =	simm.s32 $0x1;
	s21 =	rddreg [dreg:$0x2]  }
0xd: {  	[tilespmem:s2], [sflag:$0x2] =	stream.linear.gather [hbm4b:s21+s2], $0xA00, $0x38;
	[tilespmem:$0xAA00] =	vst v63  }
0xe: {  	_ =	swait.ge [sflag:s3], $0xA00  }
0xf: {  	[sflag:s3] =	ssyncset.done $0x0  }
0x10: {  	[sflag:s3] =	ssyncadd.s32 $0xFFFFF600  }
0x11: {  	[tilespmem:s4], [sflag:$0x1] =	stream.indirect.gather [hbm4b:s6+s7], $0x10, s2, s7, $0xb8;
	[tilespmem:$0xAA00] =	vst v63  }
0x12: {  	s23 =	simm.s32 $0x1200  }
0x13: {  	[tilespmem:s23], [sflag:$0x1] =	stream.indirect.gather [hbm4b:s6+s7], $0x10, s7, s7, $0xb8;
	[tilespmem:$0xAA00] =	vst v63  }
0x14: {  	s24 =	simm.s32 $0x100;
	s25 =	simm.s32 $0x1A00  }
0x15: {  	[tilespmem:s25], [sflag:$0x1] =	stream.indirect.gather [hbm4b:s6+s7], $0x10, s24, s7, $0xb8;
	[tilespmem:$0xAA00] =	vst v63  }
0x16: {  	s14 =	simm.s32 $0x180;
	s9 =	simm.s32 $0x2200  }
0x17: {  	[tilespmem:s9], [sflag:$0x1] =	stream.indirect.gather [hbm4b:s6+s7], $0x10, s14, s7, $0xb8;
	[tilespmem:$0xAA00] =	vst v63  }
0x18: {  	_ =	swait.ge [sflag:s5], $0x800  }
0x19: {  	[sflag:s5] =	ssyncset.done $0x0  }
0x1a: {  	[sflag:s5] =	ssyncadd.s32 $0xFFFFF800  }
0x1b: {  	_ =	swait.ge [sflag:s5], $0x800  }
0x1c: {  	[sflag:s5] =	ssyncset.done $0x0  }
0x1d: {  	[sflag:s5] =	ssyncadd.s32 $0xFFFFF800  }
0x1e: {  	_ =	swait.ge [sflag:s5], $0x800  }
0x1f: {  	[sflag:s5] =	ssyncset.done $0x0  }
0x20: {  	[sflag:s5] =	ssyncadd.s32 $0xFFFFF800  }
0x21: {  	_ =	swait.ge [sflag:s5], $0x800  }
0x22: {  	[sflag:s5] =	ssyncset.done $0x0  }
0x23: {  	s16 =	simm.s32 $0x200;
	s0 =	simm.s32 $0x2A00;
	[sflag:s5] =	ssyncadd.s32 $0xFFFFF800  }
0x24: {  	[tilespmem:s0], [sflag:$0x1] =	stream.indirect.gather [hbm4b:s6+s7], $0x10, s16, s7, $0xb8;
	[tilespmem:$0xAA00] =	vst v63  }
0x25: {  	s8 =	simm.s32 $0x280;
	s17 =	simm.s32 $0x3200  }
0x26: {  	[tilespmem:s17], [sflag:$0x1] =	stream.indirect.gather [hbm4b:s6+s7], $0x10, s8, s7, $0xb8;
	[tilespmem:$0xAA00] =	vst v63  }
0x27: {  	s10 =	simm.s32 $0x300;
	s15 =	simm.s32 $0x3A00  }
0x28: {  	[tilespmem:s15], [sflag:$0x1] =	stream.indirect.gather [hbm4b:s6+s7], $0x10, s10, s7, $0xb8;
	[tilespmem:$0xAA00] =	vst v63  }
0x29: {  	s18 =	simm.s32 $0x380;
	s11 =	simm.s32 $0x4200  }
0x2a: {  	[tilespmem:s11], [sflag:$0x1] =	stream.indirect.gather [hbm4b:s6+s7], $0x10, s18, s7, $0xb8;
	[tilespmem:$0xAA00] =	vst v63  }
0x2b: {  	_ =	swait.ge [sflag:s5], $0x800  }
0x2c: {  	[sflag:s5] =	ssyncset.done $0x0  }
0x2d: {  	[sflag:s5] =	ssyncadd.s32 $0xFFFFF800  }
0x2e: {  	_ =	swait.ge [sflag:s5], $0x800  }
0x2f: {  	[sflag:s5] =	ssyncset.done $0x0  }
0x30: {  	[sflag:s5] =	ssyncadd.s32 $0xFFFFF800  }
0x31: {  	_ =	swait.ge [sflag:s5], $0x800  }
0x32: {  	[sflag:s5] =	ssyncset.done $0x0  }
0x33: {  	[sflag:s5] =	ssyncadd.s32 $0xFFFFF800  }
0x34: {  	_ =	swait.ge [sflag:s5], $0x800  }
0x35: {  	[sflag:s5] =	ssyncset.done $0x0  }
0x36: {  	s1 =	simm.s32 $0x400;
	s31 =	simm.s32 $0x4A00;
	[sflag:s5] =	ssyncadd.s32 $0xFFFFF800  }
0x37: {  	[tilespmem:s31], [sflag:$0x1] =	stream.indirect.gather [hbm4b:s6+s7], $0x10, s1, s7, $0xb8;
	[tilespmem:$0xAA00] =	vst v63  }
0x38: {  	s26 =	simm.s32 $0x480;
	s22 =	simm.s32 $0x5200  }
0x39: {  	[tilespmem:s22], [sflag:$0x1] =	stream.indirect.gather [hbm4b:s6+s7], $0x10, s26, s7, $0xb8;
	[tilespmem:$0xAA00] =	vst v63  }
0x3a: {  	s29 =	simm.s32 $0x500;
	s12 =	simm.s32 $0x5A00  }
0x3b: {  	[tilespmem:s12], [sflag:$0x1] =	stream.indirect.gather [hbm4b:s6+s7], $0x10, s29, s7, $0xb8;
	[tilespmem:$0xAA00] =	vst v63  }
0x3c: {  	s13 =	simm.s32 $0x580;
	s30 =	simm.s32 $0x6200  }
0x3d: {  	[tilespmem:s30], [sflag:$0x1] =	stream.indirect.gather [hbm4b:s6+s7], $0x10, s13, s7, $0xb8;
	[tilespmem:$0xAA00] =	vst v63  }
0x3e: {  	_ =	swait.ge [sflag:s5], $0x800  }
0x3f: {  	[sflag:s5] =	ssyncset.done $0x0  }
0x40: {  	[sflag:s5] =	ssyncadd.s32 $0xFFFFF800  }
0x41: {  	_ =	swait.ge [sflag:s5], $0x800  }
0x42: {  	[sflag:s5] =	ssyncset.done $0x0  }
0x43: {  	[sflag:s5] =	ssyncadd.s32 $0xFFFFF800  }
0x44: {  	_ =	swait.ge [sflag:s5], $0x800  }
0x45: {  	[sflag:s5] =	ssyncset.done $0x0  }
0x46: {  	[sflag:s5] =	ssyncadd.s32 $0xFFFFF800  }
0x47: {  	_ =	swait.ge [sflag:s5], $0x800  }
0x48: {  	[sflag:s5] =	ssyncset.done $0x0  }
0x49: {  	s21 =	simm.s32 $0x600;
	s1 =	simm.s32 $0x6A00;
	[sflag:s5] =	ssyncadd.s32 $0xFFFFF800  }
0x4a: {  	[tilespmem:s1], [sflag:$0x1] =	stream.indirect.gather [hbm4b:s6+s7], $0x10, s21, s7, $0xb8;
	[tilespmem:$0xAA00] =	vst v63  }
0x4b: {  	s19 =	simm.s32 $0x680;
	s20 =	simm.s32 $0x7200  }
0x4c: {  	[tilespmem:s20], [sflag:$0x1] =	stream.indirect.gather [hbm4b:s6+s7], $0x10, s19, s7, $0xb8;
	[tilespmem:$0xAA00] =	vst v63  }
0x4d: {  	s21 =	simm.s32 $0x700;
	s1 =	simm.s32 $0x7A00  }
0x4e: {  	[tilespmem:s1], [sflag:$0x1] =	stream.indirect.gather [hbm4b:s6+s7], $0x10, s21, s7, $0xb8;
	[tilespmem:$0xAA00] =	vst v63  }
0x4f: {  	s19 =	simm.s32 $0x780;
	s20 =	simm.s32 $0x8200  }
0x50: {  	[tilespmem:s20], [sflag:$0x1] =	stream.indirect.gather [hbm4b:s6+s7], $0x10, s19, s7, $0xb8;
	[tilespmem:$0xAA00] =	vst v63  }
0x51: {  	_ =	swait.ge [sflag:s5], $0x800  }
0x52: {  	[sflag:s5] =	ssyncset.done $0x0  }
0x53: {  	[sflag:s5] =	ssyncadd.s32 $0xFFFFF800  }
0x54: {  	_ =	swait.ge [sflag:s5], $0x800  }
0x55: {  	[sflag:s5] =	ssyncset.done $0x0  }
0x56: {  	[sflag:s5] =	ssyncadd.s32 $0xFFFFF800  }
0x57: {  	_ =	swait.ge [sflag:s5], $0x800  }
0x58: {  	[sflag:s5] =	ssyncset.done $0x0  }
0x59: {  	[sflag:s5] =	ssyncadd.s32 $0xFFFFF800  }
0x5a: {  	_ =	swait.ge [sflag:s5], $0x800  }
0x5b: {  	[sflag:s5] =	ssyncset.done $0x0  }
0x5c: {  	s4 =	simm.s32 $0x8A00;
	s21 =	simm.s32 $0x800;
	[sflag:s5] =	ssyncadd.s32 $0xFFFFF800  }
0x5d: {  	[tilespmem:s4], [sflag:$0x1] =	stream.indirect.gather [hbm4b:s6+s7], $0x10, s21, s7, $0xb8;
	[tilespmem:$0xAA00] =	vst v63  }
0x5e: {  	s1 =	simm.s32 $0x9200;
	s19 =	simm.s32 $0x880  }
0x5f: {  	[tilespmem:s1], [sflag:$0x1] =	stream.indirect.gather [hbm4b:s6+s7], $0x10, s19, s7, $0xb8;
	[tilespmem:$0xAA00] =	vst v63  }
0x60: {  	s21 =	simm.s32 $0x9A00;
	s1 =	simm.s32 $0x900  }
0x61: {  	[tilespmem:s21], [sflag:$0x1] =	stream.indirect.gather [hbm4b:s6+s7], $0x10, s1, s7, $0xb8;
	[tilespmem:$0xAA00] =	vst v63  }
0x62: {  	s1 =	simm.s32 $0x980;
	s21 =	simm.s32 $0xA200  }
0x63: {  	[tilespmem:s21], [sflag:$0x1] =	stream.indirect.gather [hbm4b:s6+s7], $0x10, s1, s7, $0xb8;
	[tilespmem:$0xAA00] =	vst v63  }
0x64: {  	_ =	swait.ge [sflag:s5], $0x800  }
0x65: {  	[sflag:s5] =	ssyncset.done $0x0  }
0x66: {  	[sflag:s5] =	ssyncadd.s32 $0xFFFFF800  }
0x67: {  	_ =	swait.ge [sflag:s5], $0x800  }
0x68: {  	[sflag:s5] =	ssyncset.done $0x0  }
0x69: {  	[sflag:s5] =	ssyncadd.s32 $0xFFFFF800  }
0x6a: {  	_ =	swait.ge [sflag:s5], $0x800  }
0x6b: {  	[sflag:s5] =	ssyncset.done $0x0  }
0x6c: {  	[sflag:s5] =	ssyncadd.s32 $0xFFFFF800  }
0x6d: {  	_ =	swait.ge [sflag:s5], $0x800  }
0x6e: {  	s2 =	simm.s32 $0xA00;
	[sflag:s5] =	ssyncset.done $0x0  }
0x6f: {  	s20 =	simm.s32 $0x0;
	s21 =	rddreg [dreg:$0x3];
	[sflag:s5] =	ssyncadd.s32 $0xFFFFF800  }
0x70: {  	[hbm4b:s21+s20] =	stream.linear.scatter [tilespmem:s2], [sflag:$0x2], $0xA000, $0x38;
	[tilespmem:$0xAA00] =	vst v63  }
0x71: {  	_ =	swait.ge [sflag:s3], $0xA000  }
0x72: {  	[sflag:s3] =	ssyncset.done $0x0  }
0x73: {  	s21 =	rddreg [dreg:$0x4];
	[sflag:s3] =	ssyncadd.s32 $0xFFFF6000  }
0x74: {  	[tilespmem:s20], [sflag:$0x2] =	stream.linear.gather [hbm4b:s21+s20], $0xA00, $0x38;
	[tilespmem:$0xAA00] =	vst v63  }
0x75: {  	_ =	swait.ge [sflag:s3], $0xA00  }
0x76: {  	[sflag:s3] =	ssyncset.done $0x0  }
0x77: {  	[sflag:s3] =	ssyncadd.s32 $0xFFFFF600  }
0x78: {  	[tilespmem:s2], [sflag:$0x1] =	stream.indirect.gather [hbm4b:s6+s7], $0x10, s20, s7, $0xb8;
	[tilespmem:$0xAA00] =	vst v63  }
0x79: {  	_ = 	snop  }
0x7a: {  	[tilespmem:s23], [sflag:$0x1] =	stream.indirect.gather [hbm4b:s6+s7], $0x10, s7, s7, $0xb8;
	[tilespmem:$0xAA00] =	vst v63  }
0x7b: {  	_ = 	snop  }
0x7c: {  	[tilespmem:s25], [sflag:$0x1] =	stream.indirect.gather [hbm4b:s6+s7], $0x10, s24, s7, $0xb8;
	[tilespmem:$0xAA00] =	vst v63  }
0x7d: {  	_ = 	snop  }
0x7e: {  	[tilespmem:s9], [sflag:$0x1] =	stream.indirect.gather [hbm4b:s6+s7], $0x10, s14, s7, $0xb8;
	[tilespmem:$0xAA00] =	vst v63  }
0x7f: {  	_ =	swait.ge [sflag:s5], $0x800  }
0x80: {  	[sflag:s5] =	ssyncset.done $0x0  }
0x81: {  	[sflag:s5] =	ssyncadd.s32 $0xFFFFF800  }
0x82: {  	_ =	swait.ge [sflag:s5], $0x800  }
0x83: {  	[sflag:s5] =	ssyncset.done $0x0  }
0x84: {  	[sflag:s5] =	ssyncadd.s32 $0xFFFFF800  }
0x85: {  	_ =	swait.ge [sflag:s5], $0x800  }
0x86: {  	[sflag:s5] =	ssyncset.done $0x0  }
0x87: {  	[sflag:s5] =	ssyncadd.s32 $0xFFFFF800  }
0x88: {  	_ =	swait.ge [sflag:s5], $0x800  }
0x89: {  	[sflag:s5] =	ssyncset.done $0x0  }
0x8a: {  	[sflag:s5] =	ssyncadd.s32 $0xFFFFF800  }
0x8b: {  	[tilespmem:s0], [sflag:$0x1] =	stream.indirect.gather [hbm4b:s6+s7], $0x10, s16, s7, $0xb8;
	[tilespmem:$0xAA00] =	vst v63  }
0x8c: {  	_ = 	snop  }
0x8d: {  	[tilespmem:s17], [sflag:$0x1] =	stream.indirect.gather [hbm4b:s6+s7], $0x10, s8, s7, $0xb8;
	[tilespmem:$0xAA00] =	vst v63  }
0x8e: {  	_ = 	snop  }
0x8f: {  	[tilespmem:s15], [sflag:$0x1] =	stream.indirect.gather [hbm4b:s6+s7], $0x10, s10, s7, $0xb8;
	[tilespmem:$0xAA00] =	vst v63  }
0x90: {  	_ = 	snop  }
0x91: {  	[tilespmem:s11], [sflag:$0x1] =	stream.indirect.gather [hbm4b:s6+s7], $0x10, s18, s7, $0xb8;
	[tilespmem:$0xAA00] =	vst v63  }
0x92: {  	_ =	swait.ge [sflag:s5], $0x800  }
0x93: {  	[sflag:s5] =	ssyncset.done $0x0  }
0x94: {  	[sflag:s5] =	ssyncadd.s32 $0xFFFFF800  }
0x95: {  	_ =	swait.ge [sflag:s5], $0x800  }
0x96: {  	[sflag:s5] =	ssyncset.done $0x0  }
0x97: {  	[sflag:s5] =	ssyncadd.s32 $0xFFFFF800  }
0x98: {  	_ =	swait.ge [sflag:s5], $0x800  }
0x99: {  	[sflag:s5] =	ssyncset.done $0x0  }
0x9a: {  	[sflag:s5] =	ssyncadd.s32 $0xFFFFF800  }
0x9b: {  	_ =	swait.ge [sflag:s5], $0x800  }
0x9c: {  	[sflag:s5] =	ssyncset.done $0x0  }
0x9d: {  	s14 =	simm.s32 $0x400;
	[sflag:s5] =	ssyncadd.s32 $0xFFFFF800  }
0x9e: {  	[tilespmem:s31], [sflag:$0x1] =	stream.indirect.gather [hbm4b:s6+s7], $0x10, s14, s7, $0xb8;
	[tilespmem:$0xAA00] =	vst v63  }
0x9f: {  	_ = 	snop  }
0xa0: {  	[tilespmem:s22], [sflag:$0x1] =	stream.indirect.gather [hbm4b:s6+s7], $0x10, s26, s7, $0xb8;
	[tilespmem:$0xAA00] =	vst v63  }
0xa1: {  	_ = 	snop  }
0xa2: {  	[tilespmem:s12], [sflag:$0x1] =	stream.indirect.gather [hbm4b:s6+s7], $0x10, s29, s7, $0xb8;
	[tilespmem:$0xAA00] =	vst v63  }
0xa3: {  	_ = 	snop  }
0xa4: {  	[tilespmem:s30], [sflag:$0x1] =	stream.indirect.gather [hbm4b:s6+s7], $0x10, s13, s7, $0xb8;
	[tilespmem:$0xAA00] =	vst v63  }
0xa5: {  	_ =	swait.ge [sflag:s5], $0x800  }
0xa6: {  	[sflag:s5] =	ssyncset.done $0x0  }
0xa7: {  	[sflag:s5] =	ssyncadd.s32 $0xFFFFF800  }
0xa8: {  	_ =	swait.ge [sflag:s5], $0x800  }
0xa9: {  	[sflag:s5] =	ssyncset.done $0x0  }
0xaa: {  	[sflag:s5] =	ssyncadd.s32 $0xFFFFF800  }
0xab: {  	_ =	swait.ge [sflag:s5], $0x800  }
0xac: {  	[sflag:s5] =	ssyncset.done $0x0  }
0xad: {  	[sflag:s5] =	ssyncadd.s32 $0xFFFFF800  }
0xae: {  	_ =	swait.ge [sflag:s5], $0x800  }
0xaf: {  	[sflag:s5] =	ssyncset.done $0x0  }
0xb0: {  	s16 =	simm.s32 $0x6A00;
	s15 =	simm.s32 $0x600;
	[sflag:s5] =	ssyncadd.s32 $0xFFFFF800  }
0xb1: {  	[tilespmem:s16], [sflag:$0x1] =	stream.indirect.gather [hbm4b:s6+s7], $0x10, s15, s7, $0xb8;
	[tilespmem:$0xAA00] =	vst v63  }
0xb2: {  	s17 =	simm.s32 $0x680;
	s18 =	simm.s32 $0x7200  }
0xb3: {  	[tilespmem:s18], [sflag:$0x1] =	stream.indirect.gather [hbm4b:s6+s7], $0x10, s17, s7, $0xb8;
	[tilespmem:$0xAA00] =	vst v63  }
0xb4: {  	s21 =	simm.s32 $0x7A00;
	s20 =	simm.s32 $0x700  }
0xb5: {  	[tilespmem:s21], [sflag:$0x1] =	stream.indirect.gather [hbm4b:s6+s7], $0x10, s20, s7, $0xb8;
	[tilespmem:$0xAA00] =	vst v63  }
0xb6: {  	s23 =	simm.s32 $0x8200;
	s22 =	simm.s32 $0x780  }
0xb7: {  	[tilespmem:s23], [sflag:$0x1] =	stream.indirect.gather [hbm4b:s6+s7], $0x10, s22, s7, $0xb8;
	[tilespmem:$0xAA00] =	vst v63  }
0xb8: {  	_ =	swait.ge [sflag:s5], $0x800  }
0xb9: {  	[sflag:s5] =	ssyncset.done $0x0  }
0xba: {  	[sflag:s5] =	ssyncadd.s32 $0xFFFFF800  }
0xbb: {  	_ =	swait.ge [sflag:s5], $0x800  }
0xbc: {  	[sflag:s5] =	ssyncset.done $0x0  }
0xbd: {  	[sflag:s5] =	ssyncadd.s32 $0xFFFFF800  }
0xbe: {  	_ =	swait.ge [sflag:s5], $0x800  }
0xbf: {  	[sflag:s5] =	ssyncset.done $0x0  }
0xc0: {  	[sflag:s5] =	ssyncadd.s32 $0xFFFFF800  }
0xc1: {  	_ =	swait.ge [sflag:s5], $0x800  }
0xc2: {  	[sflag:s5] =	ssyncset.done $0x0  }
0xc3: {  	s24 =	simm.s32 $0x800;
	[sflag:s5] =	ssyncadd.s32 $0xFFFFF800  }
0xc4: {  	[tilespmem:s4], [sflag:$0x1] =	stream.indirect.gather [hbm4b:s6+s7], $0x10, s24, s7, $0xb8;
	[tilespmem:$0xAA00] =	vst v63  }
0xc5: {  	s25 =	simm.s32 $0x9200  }
0xc6: {  	[tilespmem:s25], [sflag:$0x1] =	stream.indirect.gather [hbm4b:s6+s7], $0x10, s19, s7, $0xb8;
	[tilespmem:$0xAA00] =	vst v63  }
0xc7: {  	s26 =	simm.s32 $0x9A00;
	s29 =	simm.s32 $0x900  }
0xc8: {  	[tilespmem:s26], [sflag:$0x1] =	stream.indirect.gather [hbm4b:s6+s7], $0x10, s29, s7, $0xb8;
	[tilespmem:$0xAA00] =	vst v63  }
0xc9: {  	s1 =	simm.s32 $0xA200;
	s30 =	simm.s32 $0x980  }
0xca: {  	[tilespmem:s1], [sflag:$0x1] =	stream.indirect.gather [hbm4b:s6+s7], $0x10, s30, s7, $0xb8;
	[tilespmem:$0xAA00] =	vst v63  }
0xcb: {  	_ =	swait.ge [sflag:s5], $0x800  }
0xcc: {  	[sflag:s5] =	ssyncset.done $0x0  }
0xcd: {  	[sflag:s5] =	ssyncadd.s32 $0xFFFFF800  }
0xce: {  	_ =	swait.ge [sflag:s5], $0x800  }
0xcf: {  	[sflag:s5] =	ssyncset.done $0x0  }
0xd0: {  	[sflag:s5] =	ssyncadd.s32 $0xFFFFF800  }
0xd1: {  	_ =	swait.ge [sflag:s5], $0x800  }
0xd2: {  	[sflag:s5] =	ssyncset.done $0x0  }
0xd3: {  	[sflag:s5] =	ssyncadd.s32 $0xFFFFF800  }
0xd4: {  	p1 =	sne.s32 s28, $0x1;
	_ =	swait.ge [sflag:s5], $0x800  }
.Ltmp1:
0xd5: {  	s2 =	simm.s32 $0x0;
	[sflag:s5] =	ssyncset.done $0x0;
	(pc) =	sbr.rel @!p1 .LBB2_4-.Ltmp1, $4  }
0xd6: {  	s4 =	simm.s32 $0xA00;
	s31 =	rddreg [dreg:$0x5];
	[sflag:s5] =	ssyncadd.s32 $0xFFFFF800  }
0xd7: {  	[hbm4b:s31+s2] =	stream.linear.scatter [tilespmem:s4], [sflag:$0x2], $0xA000, $0x38;
	[tilespmem:$0xAA00] =	vst v63  }
0xd8: {  	p0 =	por $0x1, $0x1;
	_ =	swait.ge [sflag:s3], $0xA000  }
0xd9: {  	s20 =	sadd.s32 $0xFFFFFFFF, s28;
	s21 =	rddreg [dreg:$0x2];
	[sflag:s3] =	ssyncset.done $0x0  }
0xda: {  	s23 =	simm.s32 $0x1200;
	s24 =	simm.s32 $0x100  }
0xdb: {  	s25 =	simm.s32 $0x1A00;
	s14 =	simm.s32 $0x180;
	s9 =	simm.s32 $0x2200  }
0xdc: {  	s10 =	simm.s32 $0x2A00;
	s17 =	simm.s32 $0x3200;
	s15 =	simm.s32 $0x3A00  }
0xdd: {  	s11 =	simm.s32 $0x4200;
	s31 =	simm.s32 $0x4A00;
	s22 =	simm.s32 $0x5200  }
0xde: {  	s29 =	simm.s32 $0x500;
	s12 =	simm.s32 $0x5A00;
	s30 =	simm.s32 $0x6200  }
0xdf: {  	s28 =	simm.s32 $0x600;
	s19 =	simm.s32 $0x6A00;
	s8 =	simm.s32 $0x7A00  }
0xe0: {  	s13 =	simm.s32 $0x8200;
	s1 =	simm.s32 $0x8A00;
	s26 =	simm.s32 $0xA200  }
.LBB2_3:
0xe1: {  	[sflag:s3] =	ssyncadd.s32 $0xFFFF6000  }
0xe2: {  	[tilespmem:s2], [sflag:$0x2] =	stream.linear.gather [hbm4b:s21+s2], $0xA00, $0x38;
	[tilespmem:$0xAA00] =	vst v63  }
0xe3: {  	_ =	swait.ge [sflag:s3], $0xA00  }
0xe4: {  	[sflag:s3] =	ssyncset.done $0x0  }
0xe5: {  	[sflag:s3] =	ssyncadd.s32 $0xFFFFF600  }
0xe6: {  	[tilespmem:s4], [sflag:$0x1] =	stream.indirect.gather [hbm4b:s6+s7], $0x10, s2, s7, $0xb8;
	[tilespmem:$0xAA00] =	vst v63  }
0xe7: {  	_ = 	snop  }
0xe8: {  	[tilespmem:s23], [sflag:$0x1] =	stream.indirect.gather [hbm4b:s6+s7], $0x10, s7, s7, $0xb8;
	[tilespmem:$0xAA00] =	vst v63  }
0xe9: {  	_ = 	snop  }
0xea: {  	[tilespmem:s25], [sflag:$0x1] =	stream.indirect.gather [hbm4b:s6+s7], $0x10, s24, s7, $0xb8;
	[tilespmem:$0xAA00] =	vst v63  }
0xeb: {  	_ = 	snop  }
0xec: {  	[tilespmem:s9], [sflag:$0x1] =	stream.indirect.gather [hbm4b:s6+s7], $0x10, s14, s7, $0xb8;
	[tilespmem:$0xAA00] =	vst v63  }
0xed: {  	_ =	swait.ge [sflag:s5], $0x800  }
0xee: {  	[sflag:s5] =	ssyncset.done $0x0  }
0xef: {  	[sflag:s5] =	ssyncadd.s32 $0xFFFFF800  }
0xf0: {  	_ =	swait.ge [sflag:s5], $0x800  }
0xf1: {  	[sflag:s5] =	ssyncset.done $0x0  }
0xf2: {  	[sflag:s5] =	ssyncadd.s32 $0xFFFFF800  }
0xf3: {  	_ =	swait.ge [sflag:s5], $0x800  }
0xf4: {  	[sflag:s5] =	ssyncset.done $0x0  }
0xf5: {  	[sflag:s5] =	ssyncadd.s32 $0xFFFFF800  }
0xf6: {  	_ =	swait.ge [sflag:s5], $0x800  }
0xf7: {  	[sflag:s5] =	ssyncset.done $0x0  }
0xf8: {  	s0 =	simm.s32 $0x200;
	[sflag:s5] =	ssyncadd.s32 $0xFFFFF800  }
0xf9: {  	[tilespmem:s10], [sflag:$0x1] =	stream.indirect.gather [hbm4b:s6+s7], $0x10, s0, s7, $0xb8;
	[tilespmem:$0xAA00] =	vst v63  }
0xfa: {  	s21 =	simm.s32 $0x280  }
0xfb: {  	[tilespmem:s17], [sflag:$0x1] =	stream.indirect.gather [hbm4b:s6+s7], $0x10, s21, s7, $0xb8;
	[tilespmem:$0xAA00] =	vst v63  }
0xfc: {  	s2 =	simm.s32 $0x300  }
0xfd: {  	[tilespmem:s15], [sflag:$0x1] =	stream.indirect.gather [hbm4b:s6+s7], $0x10, s2, s7, $0xb8;
	[tilespmem:$0xAA00] =	vst v63  }
0xfe: {  	s4 =	simm.s32 $0x380  }
0xff: {  	[tilespmem:s11], [sflag:$0x1] =	stream.indirect.gather [hbm4b:s6+s7], $0x10, s4, s7, $0xb8;
	[tilespmem:$0xAA00] =	vst v63  }
0x100: {  	_ =	swait.ge [sflag:s5], $0x800  }
0x101: {  	[sflag:s5] =	ssyncset.done $0x0  }
0x102: {  	[sflag:s5] =	ssyncadd.s32 $0xFFFFF800  }
0x103: {  	_ =	swait.ge [sflag:s5], $0x800  }
0x104: {  	[sflag:s5] =	ssyncset.done $0x0  }
0x105: {  	[sflag:s5] =	ssyncadd.s32 $0xFFFFF800  }
0x106: {  	_ =	swait.ge [sflag:s5], $0x800  }
0x107: {  	[sflag:s5] =	ssyncset.done $0x0  }
0x108: {  	[sflag:s5] =	ssyncadd.s32 $0xFFFFF800  }
0x109: {  	_ =	swait.ge [sflag:s5], $0x800  }
0x10a: {  	[sflag:s5] =	ssyncset.done $0x0  }
0x10b: {  	s16 =	simm.s32 $0x400;
	[sflag:s5] =	ssyncadd.s32 $0xFFFFF800  }
0x10c: {  	[tilespmem:s31], [sflag:$0x1] =	stream.indirect.gather [hbm4b:s6+s7], $0x10, s16, s7, $0xb8;
	[tilespmem:$0xAA00] =	vst v63  }
0x10d: {  	s18 =	simm.s32 $0x480  }
0x10e: {  	[tilespmem:s22], [sflag:$0x1] =	stream.indirect.gather [hbm4b:s6+s7], $0x10, s18, s7, $0xb8;
	[tilespmem:$0xAA00] =	vst v63  }
0x10f: {  	_ = 	snop  }
0x110: {  	[tilespmem:s12], [sflag:$0x1] =	stream.indirect.gather [hbm4b:s6+s7], $0x10, s29, s7, $0xb8;
	[tilespmem:$0xAA00] =	vst v63  }
0x111: {  	s21 =	simm.s32 $0x580  }
0x112: {  	[tilespmem:s30], [sflag:$0x1] =	stream.indirect.gather [hbm4b:s6+s7], $0x10, s21, s7, $0xb8;
	[tilespmem:$0xAA00] =	vst v63  }
0x113: {  	_ =	swait.ge [sflag:s5], $0x800  }
0x114: {  	[sflag:s5] =	ssyncset.done $0x0  }
0x115: {  	[sflag:s5] =	ssyncadd.s32 $0xFFFFF800  }
0x116: {  	_ =	swait.ge [sflag:s5], $0x800  }
0x117: {  	[sflag:s5] =	ssyncset.done $0x0  }
0x118: {  	[sflag:s5] =	ssyncadd.s32 $0xFFFFF800  }
0x119: {  	_ =	swait.ge [sflag:s5], $0x800  }
0x11a: {  	[sflag:s5] =	ssyncset.done $0x0  }
0x11b: {  	[sflag:s5] =	ssyncadd.s32 $0xFFFFF800  }
0x11c: {  	_ =	swait.ge [sflag:s5], $0x800  }
0x11d: {  	[sflag:s5] =	ssyncset.done $0x0  }
0x11e: {  	[sflag:s5] =	ssyncadd.s32 $0xFFFFF800  }
0x11f: {  	[tilespmem:s19], [sflag:$0x1] =	stream.indirect.gather [hbm4b:s6+s7], $0x10, s28, s7, $0xb8;
	[tilespmem:$0xAA00] =	vst v63  }
0x120: {  	s2 =	simm.s32 $0x680;
	s4 =	simm.s32 $0x7200  }
0x121: {  	[tilespmem:s4], [sflag:$0x1] =	stream.indirect.gather [hbm4b:s6+s7], $0x10, s2, s7, $0xb8;
	[tilespmem:$0xAA00] =	vst v63  }
0x122: {  	s16 =	simm.s32 $0x700  }
0x123: {  	[tilespmem:s8], [sflag:$0x1] =	stream.indirect.gather [hbm4b:s6+s7], $0x10, s16, s7, $0xb8;
	[tilespmem:$0xAA00] =	vst v63  }
0x124: {  	s18 =	simm.s32 $0x780  }
0x125: {  	[tilespmem:s13], [sflag:$0x1] =	stream.indirect.gather [hbm4b:s6+s7], $0x10, s18, s7, $0xb8;
	[tilespmem:$0xAA00] =	vst v63  }
0x126: {  	_ =	swait.ge [sflag:s5], $0x800  }
0x127: {  	[sflag:s5] =	ssyncset.done $0x0  }
0x128: {  	[sflag:s5] =	ssyncadd.s32 $0xFFFFF800  }
0x129: {  	_ =	swait.ge [sflag:s5], $0x800  }
0x12a: {  	[sflag:s5] =	ssyncset.done $0x0  }
0x12b: {  	[sflag:s5] =	ssyncadd.s32 $0xFFFFF800  }
0x12c: {  	_ =	swait.ge [sflag:s5], $0x800  }
0x12d: {  	[sflag:s5] =	ssyncset.done $0x0  }
0x12e: {  	[sflag:s5] =	ssyncadd.s32 $0xFFFFF800  }
0x12f: {  	_ =	swait.ge [sflag:s5], $0x800  }
0x130: {  	[sflag:s5] =	ssyncset.done $0x0  }
0x131: {  	s16 =	simm.s32 $0x800;
	[sflag:s5] =	ssyncadd.s32 $0xFFFFF800  }
0x132: {  	[tilespmem:s1], [sflag:$0x1] =	stream.indirect.gather [hbm4b:s6+s7], $0x10, s16, s7, $0xb8;
	[tilespmem:$0xAA00] =	vst v63  }
0x133: {  	s18 =	simm.s32 $0x880;
	s16 =	simm.s32 $0x9200  }
0x134: {  	[tilespmem:s16], [sflag:$0x1] =	stream.indirect.gather [hbm4b:s6+s7], $0x10, s18, s7, $0xb8;
	[tilespmem:$0xAA00] =	vst v63  }
0x135: {  	s21 =	simm.s32 $0x900;
	s18 =	simm.s32 $0x9A00  }
0x136: {  	[tilespmem:s18], [sflag:$0x1] =	stream.indirect.gather [hbm4b:s6+s7], $0x10, s21, s7, $0xb8;
	[tilespmem:$0xAA00] =	vst v63  }
0x137: {  	s21 =	simm.s32 $0x980  }
0x138: {  	[tilespmem:s26], [sflag:$0x1] =	stream.indirect.gather [hbm4b:s6+s7], $0x10, s21, s7, $0xb8;
	[tilespmem:$0xAA00] =	vst v63  }
0x139: {  	_ =	swait.ge [sflag:s5], $0x800  }
0x13a: {  	[sflag:s5] =	ssyncset.done $0x0  }
0x13b: {  	[sflag:s5] =	ssyncadd.s32 $0xFFFFF800  }
0x13c: {  	_ =	swait.ge [sflag:s5], $0x800  }
0x13d: {  	[sflag:s5] =	ssyncset.done $0x0  }
0x13e: {  	[sflag:s5] =	ssyncadd.s32 $0xFFFFF800  }
0x13f: {  	_ =	swait.ge [sflag:s5], $0x800  }
0x140: {  	[sflag:s5] =	ssyncset.done $0x0  }
0x141: {  	[sflag:s5] =	ssyncadd.s32 $0xFFFFF800  }
0x142: {  	_ =	swait.ge [sflag:s5], $0x800  }
0x143: {  	s0 =	simm.s32 $0x0;
	[sflag:s5] =	ssyncset.done $0x0  }
0x144: {  	s2 =	simm.s32 $0xA00;
	s21 =	rddreg [dreg:$0x3];
	[sflag:s5] =	ssyncadd.s32 $0xFFFFF800  }
0x145: {  	[hbm4b:s21+s0] =	stream.linear.scatter [tilespmem:s2], [sflag:$0x2], $0xA000, $0x38;
	[tilespmem:$0xAA00] =	vst v63  }
0x146: {  	_ =	swait.ge [sflag:s3], $0xA000  }
0x147: {  	[sflag:s3] =	ssyncset.done $0x0  }
0x148: {  	s21 =	rddreg [dreg:$0x4];
	[sflag:s3] =	ssyncadd.s32 $0xFFFF6000  }
0x149: {  	[tilespmem:s0], [sflag:$0x2] =	stream.linear.gather [hbm4b:s21+s0], $0xA00, $0x38;
	[tilespmem:$0xAA00] =	vst v63  }
0x14a: {  	_ =	swait.ge [sflag:s3], $0xA00  }
0x14b: {  	[sflag:s3] =	ssyncset.done $0x0  }
0x14c: {  	[sflag:s3] =	ssyncadd.s32 $0xFFFFF600  }
0x14d: {  	[tilespmem:s2], [sflag:$0x1] =	stream.indirect.gather [hbm4b:s6+s7], $0x10, s0, s7, $0xb8;
	[tilespmem:$0xAA00] =	vst v63  }
0x14e: {  	_ = 	snop  }
0x14f: {  	[tilespmem:s23], [sflag:$0x1] =	stream.indirect.gather [hbm4b:s6+s7], $0x10, s7, s7, $0xb8;
	[tilespmem:$0xAA00] =	vst v63  }
0x150: {  	_ = 	snop  }
0x151: {  	[tilespmem:s25], [sflag:$0x1] =	stream.indirect.gather [hbm4b:s6+s7], $0x10, s24, s7, $0xb8;
	[tilespmem:$0xAA00] =	vst v63  }
0x152: {  	_ = 	snop  }
0x153: {  	[tilespmem:s9], [sflag:$0x1] =	stream.indirect.gather [hbm4b:s6+s7], $0x10, s14, s7, $0xb8;
	[tilespmem:$0xAA00] =	vst v63  }
0x154: {  	_ =	swait.ge [sflag:s5], $0x800  }
0x155: {  	[sflag:s5] =	ssyncset.done $0x0  }
0x156: {  	[sflag:s5] =	ssyncadd.s32 $0xFFFFF800  }
0x157: {  	_ =	swait.ge [sflag:s5], $0x800  }
0x158: {  	[sflag:s5] =	ssyncset.done $0x0  }
0x159: {  	[sflag:s5] =	ssyncadd.s32 $0xFFFFF800  }
0x15a: {  	_ =	swait.ge [sflag:s5], $0x800  }
0x15b: {  	[sflag:s5] =	ssyncset.done $0x0  }
0x15c: {  	[sflag:s5] =	ssyncadd.s32 $0xFFFFF800  }
0x15d: {  	_ =	swait.ge [sflag:s5], $0x800  }
0x15e: {  	[sflag:s5] =	ssyncset.done $0x0  }
0x15f: {  	s21 =	simm.s32 $0x200;
	[sflag:s5] =	ssyncadd.s32 $0xFFFFF800  }
0x160: {  	[tilespmem:s10], [sflag:$0x1] =	stream.indirect.gather [hbm4b:s6+s7], $0x10, s21, s7, $0xb8;
	[tilespmem:$0xAA00] =	vst v63  }
0x161: {  	s21 =	simm.s32 $0x280  }
0x162: {  	[tilespmem:s17], [sflag:$0x1] =	stream.indirect.gather [hbm4b:s6+s7], $0x10, s21, s7, $0xb8;
	[tilespmem:$0xAA00] =	vst v63  }
0x163: {  	s21 =	simm.s32 $0x300  }
0x164: {  	[tilespmem:s15], [sflag:$0x1] =	stream.indirect.gather [hbm4b:s6+s7], $0x10, s21, s7, $0xb8;
	[tilespmem:$0xAA00] =	vst v63  }
0x165: {  	s21 =	simm.s32 $0x380  }
0x166: {  	[tilespmem:s11], [sflag:$0x1] =	stream.indirect.gather [hbm4b:s6+s7], $0x10, s21, s7, $0xb8;
	[tilespmem:$0xAA00] =	vst v63  }
0x167: {  	_ =	swait.ge [sflag:s5], $0x800  }
0x168: {  	[sflag:s5] =	ssyncset.done $0x0  }
0x169: {  	[sflag:s5] =	ssyncadd.s32 $0xFFFFF800  }
0x16a: {  	_ =	swait.ge [sflag:s5], $0x800  }
0x16b: {  	[sflag:s5] =	ssyncset.done $0x0  }
0x16c: {  	[sflag:s5] =	ssyncadd.s32 $0xFFFFF800  }
0x16d: {  	_ =	swait.ge [sflag:s5], $0x800  }
0x16e: {  	[sflag:s5] =	ssyncset.done $0x0  }
0x16f: {  	[sflag:s5] =	ssyncadd.s32 $0xFFFFF800  }
0x170: {  	_ =	swait.ge [sflag:s5], $0x800  }
0x171: {  	[sflag:s5] =	ssyncset.done $0x0  }
0x172: {  	s21 =	simm.s32 $0x400;
	[sflag:s5] =	ssyncadd.s32 $0xFFFFF800  }
0x173: {  	[tilespmem:s31], [sflag:$0x1] =	stream.indirect.gather [hbm4b:s6+s7], $0x10, s21, s7, $0xb8;
	[tilespmem:$0xAA00] =	vst v63  }
0x174: {  	s21 =	simm.s32 $0x480  }
0x175: {  	[tilespmem:s22], [sflag:$0x1] =	stream.indirect.gather [hbm4b:s6+s7], $0x10, s21, s7, $0xb8;
	[tilespmem:$0xAA00] =	vst v63  }
0x176: {  	_ = 	snop  }
0x177: {  	[tilespmem:s12], [sflag:$0x1] =	stream.indirect.gather [hbm4b:s6+s7], $0x10, s29, s7, $0xb8;
	[tilespmem:$0xAA00] =	vst v63  }
0x178: {  	s21 =	simm.s32 $0x580  }
0x179: {  	[tilespmem:s30], [sflag:$0x1] =	stream.indirect.gather [hbm4b:s6+s7], $0x10, s21, s7, $0xb8;
	[tilespmem:$0xAA00] =	vst v63  }
0x17a: {  	_ =	swait.ge [sflag:s5], $0x800  }
0x17b: {  	[sflag:s5] =	ssyncset.done $0x0  }
0x17c: {  	[sflag:s5] =	ssyncadd.s32 $0xFFFFF800  }
0x17d: {  	_ =	swait.ge [sflag:s5], $0x800  }
0x17e: {  	[sflag:s5] =	ssyncset.done $0x0  }
0x17f: {  	[sflag:s5] =	ssyncadd.s32 $0xFFFFF800  }
0x180: {  	_ =	swait.ge [sflag:s5], $0x800  }
0x181: {  	[sflag:s5] =	ssyncset.done $0x0  }
0x182: {  	[sflag:s5] =	ssyncadd.s32 $0xFFFFF800  }
0x183: {  	_ =	swait.ge [sflag:s5], $0x800  }
0x184: {  	[sflag:s5] =	ssyncset.done $0x0  }
0x185: {  	[sflag:s5] =	ssyncadd.s32 $0xFFFFF800  }
0x186: {  	[tilespmem:s19], [sflag:$0x1] =	stream.indirect.gather [hbm4b:s6+s7], $0x10, s28, s7, $0xb8;
	[tilespmem:$0xAA00] =	vst v63  }
0x187: {  	s21 =	simm.s32 $0x680  }
0x188: {  	[tilespmem:s4], [sflag:$0x1] =	stream.indirect.gather [hbm4b:s6+s7], $0x10, s21, s7, $0xb8;
	[tilespmem:$0xAA00] =	vst v63  }
0x189: {  	s4 =	simm.s32 $0x700  }
0x18a: {  	[tilespmem:s8], [sflag:$0x1] =	stream.indirect.gather [hbm4b:s6+s7], $0x10, s4, s7, $0xb8;
	[tilespmem:$0xAA00] =	vst v63  }
0x18b: {  	s21 =	simm.s32 $0x780  }
0x18c: {  	[tilespmem:s13], [sflag:$0x1] =	stream.indirect.gather [hbm4b:s6+s7], $0x10, s21, s7, $0xb8;
	[tilespmem:$0xAA00] =	vst v63  }
0x18d: {  	_ =	swait.ge [sflag:s5], $0x800  }
0x18e: {  	[sflag:s5] =	ssyncset.done $0x0  }
0x18f: {  	[sflag:s5] =	ssyncadd.s32 $0xFFFFF800  }
0x190: {  	_ =	swait.ge [sflag:s5], $0x800  }
0x191: {  	[sflag:s5] =	ssyncset.done $0x0  }
0x192: {  	[sflag:s5] =	ssyncadd.s32 $0xFFFFF800  }
0x193: {  	_ =	swait.ge [sflag:s5], $0x800  }
0x194: {  	[sflag:s5] =	ssyncset.done $0x0  }
0x195: {  	[sflag:s5] =	ssyncadd.s32 $0xFFFFF800  }
0x196: {  	_ =	swait.ge [sflag:s5], $0x800  }
0x197: {  	[sflag:s5] =	ssyncset.done $0x0  }
0x198: {  	s4 =	simm.s32 $0x800;
	[sflag:s5] =	ssyncadd.s32 $0xFFFFF800  }
0x199: {  	[tilespmem:s1], [sflag:$0x1] =	stream.indirect.gather [hbm4b:s6+s7], $0x10, s4, s7, $0xb8;
	[tilespmem:$0xAA00] =	vst v63  }
0x19a: {  	s21 =	simm.s32 $0x880  }
0x19b: {  	[tilespmem:s16], [sflag:$0x1] =	stream.indirect.gather [hbm4b:s6+s7], $0x10, s21, s7, $0xb8;
	[tilespmem:$0xAA00] =	vst v63  }
0x19c: {  	s21 =	simm.s32 $0x900  }
0x19d: {  	[tilespmem:s18], [sflag:$0x1] =	stream.indirect.gather [hbm4b:s6+s7], $0x10, s21, s7, $0xb8;
	[tilespmem:$0xAA00] =	vst v63  }
0x19e: {  	s16 =	simm.s32 $0x980  }
0x19f: {  	[tilespmem:s26], [sflag:$0x1] =	stream.indirect.gather [hbm4b:s6+s7], $0x10, s16, s7, $0xb8;
	[tilespmem:$0xAA00] =	vst v63  }
0x1a0: {  	_ =	swait.ge [sflag:s5], $0x800  }
0x1a1: {  	[sflag:s5] =	ssyncset.done $0x0  }
0x1a2: {  	[sflag:s5] =	ssyncadd.s32 $0xFFFFF800  }
0x1a3: {  	_ =	swait.ge [sflag:s5], $0x800  }
0x1a4: {  	[sflag:s5] =	ssyncset.done $0x0  }
0x1a5: {  	[sflag:s5] =	ssyncadd.s32 $0xFFFFF800  }
0x1a6: {  	_ =	swait.ge [sflag:s5], $0x800  }
0x1a7: {  	[sflag:s5] =	ssyncset.done $0x0  }
0x1a8: {  	[sflag:s5] =	ssyncadd.s32 $0xFFFFF800  }
0x1a9: {  	p1 =	sne.s32 s20, $0x1;
	_ =	swait.ge [sflag:s5], $0x800  }
.Ltmp2:
0x1aa: {  	s2 =	simm.s32 $0x0;
	[sflag:s5] =	ssyncset.done $0x0;
	(pc) =	sbr.rel @p1 .LBB2_3-.Ltmp2, $4  }
0x1ab: {  	s4 =	simm.s32 $0xA00;
	s18 =	rddreg [dreg:$0x5];
	[sflag:s5] =	ssyncadd.s32 $0xFFFFF800  }
0x1ac: {  	[hbm4b:s18+s2] =	stream.linear.scatter [tilespmem:s4], [sflag:$0x2], $0xA000, $0x38;
	[tilespmem:$0xAA00] =	vst v63  }
0x1ad: {  	_ =	swait.ge [sflag:s3], $0xA000  }
0x1ae: {  	s20 =	sadd.s32 $0xFFFFFFFF, s20;
	s21 =	rddreg [dreg:$0x2];
	[sflag:s3] =	ssyncset.done $0x0  }
.LBB2_4:
0x1af: {  	[sflag:s3] =	ssyncadd.s32 @p0 $0xFFFF6000  }
0x1b0: {  	[tilespmem:s2], [sflag:$0x2] =	stream.linear.gather [hbm4b:s21+s2], $0xA00, $0x38;
	[tilespmem:$0xAA00] =	vst v63  }
0x1b1: {  	_ =	swait.ge [sflag:s3], $0xA00  }
0x1b2: {  	[sflag:s3] =	ssyncset.done $0x0  }
0x1b3: {  	[sflag:s3] =	ssyncadd.s32 $0xFFFFF600  }
0x1b4: {  	[tilespmem:s4], [sflag:$0x1] =	stream.indirect.gather [hbm4b:s6+s7], $0x10, s2, s7, $0xb8;
	[tilespmem:$0xAA00] =	vst v63  }
0x1b5: {  	s9 =	simm.s32 $0x1200  }
0x1b6: {  	[tilespmem:s9], [sflag:$0x1] =	stream.indirect.gather [hbm4b:s6+s7], $0x10, s7, s7, $0xb8;
	[tilespmem:$0xAA00] =	vst v63  }
0x1b7: {  	s10 =	simm.s32 $0x100;
	s1 =	simm.s32 $0x1A00  }
0x1b8: {  	[tilespmem:s1], [sflag:$0x1] =	stream.indirect.gather [hbm4b:s6+s7], $0x10, s10, s7, $0xb8;
	[tilespmem:$0xAA00] =	vst v63  }
0x1b9: {  	s8 =	simm.s32 $0x180;
	s0 =	simm.s32 $0x2200  }
0x1ba: {  	[tilespmem:s0], [sflag:$0x1] =	stream.indirect.gather [hbm4b:s6+s7], $0x10, s8, s7, $0xb8;
	[tilespmem:$0xAA00] =	vst v63  }
0x1bb: {  	_ =	swait.ge [sflag:s5], $0x800  }
0x1bc: {  	[sflag:s5] =	ssyncset.done $0x0  }
0x1bd: {  	[sflag:s5] =	ssyncadd.s32 $0xFFFFF800  }
0x1be: {  	_ =	swait.ge [sflag:s5], $0x800  }
0x1bf: {  	[sflag:s5] =	ssyncset.done $0x0  }
0x1c0: {  	[sflag:s5] =	ssyncadd.s32 $0xFFFFF800  }
0x1c1: {  	_ =	swait.ge [sflag:s5], $0x800  }
0x1c2: {  	[sflag:s5] =	ssyncset.done $0x0  }
0x1c3: {  	[sflag:s5] =	ssyncadd.s32 $0xFFFFF800  }
0x1c4: {  	_ =	swait.ge [sflag:s5], $0x800  }
0x1c5: {  	[sflag:s5] =	ssyncset.done $0x0  }
0x1c6: {  	s18 =	simm.s32 $0x200;
	s17 =	simm.s32 $0x2A00;
	[sflag:s5] =	ssyncadd.s32 $0xFFFFF800  }
0x1c7: {  	[tilespmem:s17], [sflag:$0x1] =	stream.indirect.gather [hbm4b:s6+s7], $0x10, s18, s7, $0xb8;
	[tilespmem:$0xAA00] =	vst v63  }
0x1c8: {  	s16 =	simm.s32 $0x280;
	s15 =	simm.s32 $0x3200  }
0x1c9: {  	[tilespmem:s15], [sflag:$0x1] =	stream.indirect.gather [hbm4b:s6+s7], $0x10, s16, s7, $0xb8;
	[tilespmem:$0xAA00] =	vst v63  }
0x1ca: {  	s14 =	simm.s32 $0x300;
	s13 =	simm.s32 $0x3A00  }
0x1cb: {  	[tilespmem:s13], [sflag:$0x1] =	stream.indirect.gather [hbm4b:s6+s7], $0x10, s14, s7, $0xb8;
	[tilespmem:$0xAA00] =	vst v63  }
0x1cc: {  	s12 =	simm.s32 $0x380;
	s11 =	simm.s32 $0x4200  }
0x1cd: {  	[tilespmem:s11], [sflag:$0x1] =	stream.indirect.gather [hbm4b:s6+s7], $0x10, s12, s7, $0xb8;
	[tilespmem:$0xAA00] =	vst v63  }
0x1ce: {  	_ =	swait.ge [sflag:s5], $0x800  }
0x1cf: {  	[sflag:s5] =	ssyncset.done $0x0  }
0x1d0: {  	[sflag:s5] =	ssyncadd.s32 $0xFFFFF800  }
0x1d1: {  	_ =	swait.ge [sflag:s5], $0x800  }
0x1d2: {  	[sflag:s5] =	ssyncset.done $0x0  }
0x1d3: {  	[sflag:s5] =	ssyncadd.s32 $0xFFFFF800  }
0x1d4: {  	_ =	swait.ge [sflag:s5], $0x800  }
0x1d5: {  	[sflag:s5] =	ssyncset.done $0x0  }
0x1d6: {  	[sflag:s5] =	ssyncadd.s32 $0xFFFFF800  }
0x1d7: {  	_ =	swait.ge [sflag:s5], $0x800  }
0x1d8: {  	[sflag:s5] =	ssyncset.done $0x0  }
0x1d9: {  	s19 =	simm.s32 $0x400;
	s23 =	simm.s32 $0x4A00;
	[sflag:s5] =	ssyncadd.s32 $0xFFFFF800  }
0x1da: {  	[tilespmem:s23], [sflag:$0x1] =	stream.indirect.gather [hbm4b:s6+s7], $0x10, s19, s7, $0xb8;
	[tilespmem:$0xAA00] =	vst v63  }
0x1db: {  	s22 =	simm.s32 $0x480;
	s28 =	simm.s32 $0x5200  }
0x1dc: {  	[tilespmem:s28], [sflag:$0x1] =	stream.indirect.gather [hbm4b:s6+s7], $0x10, s22, s7, $0xb8;
	[tilespmem:$0xAA00] =	vst v63  }
0x1dd: {  	s24 =	simm.s32 $0x500;
	s20 =	simm.s32 $0x5A00  }
0x1de: {  	[tilespmem:s20], [sflag:$0x1] =	stream.indirect.gather [hbm4b:s6+s7], $0x10, s24, s7, $0xb8;
	[tilespmem:$0xAA00] =	vst v63  }
0x1df: {  	s25 =	simm.s32 $0x580;
	s31 =	simm.s32 $0x6200  }
0x1e0: {  	[tilespmem:s31], [sflag:$0x1] =	stream.indirect.gather [hbm4b:s6+s7], $0x10, s25, s7, $0xb8;
	[tilespmem:$0xAA00] =	vst v63  }
0x1e1: {  	_ =	swait.ge [sflag:s5], $0x800  }
0x1e2: {  	[sflag:s5] =	ssyncset.done $0x0  }
0x1e3: {  	[sflag:s5] =	ssyncadd.s32 $0xFFFFF800  }
0x1e4: {  	_ =	swait.ge [sflag:s5], $0x800  }
0x1e5: {  	[sflag:s5] =	ssyncset.done $0x0  }
0x1e6: {  	[sflag:s5] =	ssyncadd.s32 $0xFFFFF800  }
0x1e7: {  	_ =	swait.ge [sflag:s5], $0x800  }
0x1e8: {  	[sflag:s5] =	ssyncset.done $0x0  }
0x1e9: {  	[sflag:s5] =	ssyncadd.s32 $0xFFFFF800  }
0x1ea: {  	_ =	swait.ge [sflag:s5], $0x800  }
0x1eb: {  	[sflag:s5] =	ssyncset.done $0x0  }
0x1ec: {  	s26 =	simm.s32 $0x600;
	s21 =	simm.s32 $0x6A00;
	[sflag:s5] =	ssyncadd.s32 $0xFFFFF800  }
0x1ed: {  	[tilespmem:s21], [sflag:$0x1] =	stream.indirect.gather [hbm4b:s6+s7], $0x10, s26, s7, $0xb8;
	[tilespmem:$0xAA00] =	vst v63  }
0x1ee: {  	s29 =	simm.s32 $0x680;
	s30 =	simm.s32 $0x7200  }
0x1ef: {  	[tilespmem:s30], [sflag:$0x1] =	stream.indirect.gather [hbm4b:s6+s7], $0x10, s29, s7, $0xb8;
	[tilespmem:$0xAA00] =	vst v63  }
0x1f0: {  	s20 =	simm.s32 $0x700;
	s25 =	simm.s32 $0x7A00  }
0x1f1: {  	[tilespmem:s25], [sflag:$0x1] =	stream.indirect.gather [hbm4b:s6+s7], $0x10, s20, s7, $0xb8;
	[tilespmem:$0xAA00] =	vst v63  }
0x1f2: {  	s19 =	simm.s32 $0x8200;
	s22 =	simm.s32 $0x780  }
0x1f3: {  	[tilespmem:s19], [sflag:$0x1] =	stream.indirect.gather [hbm4b:s6+s7], $0x10, s22, s7, $0xb8;
	[tilespmem:$0xAA00] =	vst v63  }
0x1f4: {  	_ =	swait.ge [sflag:s5], $0x800  }
0x1f5: {  	[sflag:s5] =	ssyncset.done $0x0  }
0x1f6: {  	[sflag:s5] =	ssyncadd.s32 $0xFFFFF800  }
0x1f7: {  	_ =	swait.ge [sflag:s5], $0x800  }
0x1f8: {  	[sflag:s5] =	ssyncset.done $0x0  }
0x1f9: {  	[sflag:s5] =	ssyncadd.s32 $0xFFFFF800  }
0x1fa: {  	_ =	swait.ge [sflag:s5], $0x800  }
0x1fb: {  	[sflag:s5] =	ssyncset.done $0x0  }
0x1fc: {  	[sflag:s5] =	ssyncadd.s32 $0xFFFFF800  }
0x1fd: {  	_ =	swait.ge [sflag:s5], $0x800  }
0x1fe: {  	[sflag:s5] =	ssyncset.done $0x0  }
0x1ff: {  	s24 =	simm.s32 $0x800;
	s22 =	simm.s32 $0x8A00;
	[sflag:s5] =	ssyncadd.s32 $0xFFFFF800  }
0x200: {  	[tilespmem:s22], [sflag:$0x1] =	stream.indirect.gather [hbm4b:s6+s7], $0x10, s24, s7, $0xb8;
	[tilespmem:$0xAA00] =	vst v63  }
0x201: {  	s26 =	simm.s32 $0x880;
	s24 =	simm.s32 $0x9200  }
0x202: {  	[tilespmem:s24], [sflag:$0x1] =	stream.indirect.gather [hbm4b:s6+s7], $0x10, s26, s7, $0xb8;
	[tilespmem:$0xAA00] =	vst v63  }
0x203: {  	s29 =	simm.s32 $0x900;
	s26 =	simm.s32 $0x9A00  }
0x204: {  	[tilespmem:s26], [sflag:$0x1] =	stream.indirect.gather [hbm4b:s6+s7], $0x10, s29, s7, $0xb8;
	[tilespmem:$0xAA00] =	vst v63  }
0x205: {  	s20 =	simm.s32 $0x980;
	s29 =	simm.s32 $0xA200  }
0x206: {  	[tilespmem:s29], [sflag:$0x1] =	stream.indirect.gather [hbm4b:s6+s7], $0x10, s20, s7, $0xb8;
	[tilespmem:$0xAA00] =	vst v63  }
0x207: {  	_ =	swait.ge [sflag:s5], $0x800  }
0x208: {  	[sflag:s5] =	ssyncset.done $0x0  }
0x209: {  	[sflag:s5] =	ssyncadd.s32 $0xFFFFF800  }
0x20a: {  	_ =	swait.ge [sflag:s5], $0x800  }
0x20b: {  	[sflag:s5] =	ssyncset.done $0x0  }
0x20c: {  	[sflag:s5] =	ssyncadd.s32 $0xFFFFF800  }
0x20d: {  	_ =	swait.ge [sflag:s5], $0x800  }
0x20e: {  	[sflag:s5] =	ssyncset.done $0x0  }
0x20f: {  	[sflag:s5] =	ssyncadd.s32 $0xFFFFF800  }
0x210: {  	_ =	swait.ge [sflag:s5], $0x800  }
0x211: {  	[sflag:s5] =	ssyncset.done $0x0  }
0x212: {  	s20 =	rddreg [dreg:$0x3];
	[sflag:s5] =	ssyncadd.s32 $0xFFFFF800  }
0x213: {  	[hbm4b:s20+s2] =	stream.linear.scatter [tilespmem:s4], [sflag:$0x2], $0xA000, $0x38;
	[tilespmem:$0xAA00] =	vst v63  }
0x214: {  	_ =	swait.ge [sflag:s3], $0xA000  }
0x215: {  	[sflag:s3] =	ssyncset.done $0x0  }
0x216: {  	s20 =	rddreg [dreg:$0x4];
	[sflag:s3] =	ssyncadd.s32 $0xFFFF6000  }
0x217: {  	[tilespmem:s2], [sflag:$0x2] =	stream.linear.gather [hbm4b:s20+s2], $0xA00, $0x38;
	[tilespmem:$0xAA00] =	vst v63  }
0x218: {  	_ =	swait.ge [sflag:s3], $0xA00  }
0x219: {  	[sflag:s3] =	ssyncset.done $0x0  }
0x21a: {  	[sflag:s3] =	ssyncadd.s32 $0xFFFFF600  }
0x21b: {  	[tilespmem:s4], [sflag:$0x1] =	stream.indirect.gather [hbm4b:s6+s7], $0x10, s2, s7, $0xb8;
	[tilespmem:$0xAA00] =	vst v63  }
0x21c: {  	_ = 	snop  }
0x21d: {  	[tilespmem:s9], [sflag:$0x1] =	stream.indirect.gather [hbm4b:s6+s7], $0x10, s7, s7, $0xb8;
	[tilespmem:$0xAA00] =	vst v63  }
0x21e: {  	_ = 	snop  }
0x21f: {  	[tilespmem:s1], [sflag:$0x1] =	stream.indirect.gather [hbm4b:s6+s7], $0x10, s10, s7, $0xb8;
	[tilespmem:$0xAA00] =	vst v63  }
0x220: {  	_ = 	snop  }
0x221: {  	[tilespmem:s0], [sflag:$0x1] =	stream.indirect.gather [hbm4b:s6+s7], $0x10, s8, s7, $0xb8;
	[tilespmem:$0xAA00] =	vst v63  }
0x222: {  	_ =	swait.ge [sflag:s5], $0x800  }
0x223: {  	[sflag:s5] =	ssyncset.done $0x0  }
0x224: {  	[sflag:s5] =	ssyncadd.s32 $0xFFFFF800  }
0x225: {  	_ =	swait.ge [sflag:s5], $0x800  }
0x226: {  	[sflag:s5] =	ssyncset.done $0x0  }
0x227: {  	[sflag:s5] =	ssyncadd.s32 $0xFFFFF800  }
0x228: {  	_ =	swait.ge [sflag:s5], $0x800  }
0x229: {  	[sflag:s5] =	ssyncset.done $0x0  }
0x22a: {  	[sflag:s5] =	ssyncadd.s32 $0xFFFFF800  }
0x22b: {  	_ =	swait.ge [sflag:s5], $0x800  }
0x22c: {  	[sflag:s5] =	ssyncset.done $0x0  }
0x22d: {  	[sflag:s5] =	ssyncadd.s32 $0xFFFFF800  }
0x22e: {  	[tilespmem:s17], [sflag:$0x1] =	stream.indirect.gather [hbm4b:s6+s7], $0x10, s18, s7, $0xb8;
	[tilespmem:$0xAA00] =	vst v63  }
0x22f: {  	_ = 	snop  }
0x230: {  	[tilespmem:s15], [sflag:$0x1] =	stream.indirect.gather [hbm4b:s6+s7], $0x10, s16, s7, $0xb8;
	[tilespmem:$0xAA00] =	vst v63  }
0x231: {  	_ = 	snop  }
0x232: {  	[tilespmem:s13], [sflag:$0x1] =	stream.indirect.gather [hbm4b:s6+s7], $0x10, s14, s7, $0xb8;
	[tilespmem:$0xAA00] =	vst v63  }
0x233: {  	_ = 	snop  }
0x234: {  	[tilespmem:s11], [sflag:$0x1] =	stream.indirect.gather [hbm4b:s6+s7], $0x10, s12, s7, $0xb8;
	[tilespmem:$0xAA00] =	vst v63  }
0x235: {  	_ =	swait.ge [sflag:s5], $0x800  }
0x236: {  	[sflag:s5] =	ssyncset.done $0x0  }
0x237: {  	[sflag:s5] =	ssyncadd.s32 $0xFFFFF800  }
0x238: {  	_ =	swait.ge [sflag:s5], $0x800  }
0x239: {  	[sflag:s5] =	ssyncset.done $0x0  }
0x23a: {  	[sflag:s5] =	ssyncadd.s32 $0xFFFFF800  }
0x23b: {  	_ =	swait.ge [sflag:s5], $0x800  }
0x23c: {  	[sflag:s5] =	ssyncset.done $0x0  }
0x23d: {  	[sflag:s5] =	ssyncadd.s32 $0xFFFFF800  }
0x23e: {  	_ =	swait.ge [sflag:s5], $0x800  }
0x23f: {  	[sflag:s5] =	ssyncset.done $0x0  }
0x240: {  	s11 =	simm.s32 $0x400;
	[sflag:s5] =	ssyncadd.s32 $0xFFFFF800  }
0x241: {  	[tilespmem:s23], [sflag:$0x1] =	stream.indirect.gather [hbm4b:s6+s7], $0x10, s11, s7, $0xb8;
	[tilespmem:$0xAA00] =	vst v63  }
0x242: {  	s12 =	simm.s32 $0x480  }
0x243: {  	[tilespmem:s28], [sflag:$0x1] =	stream.indirect.gather [hbm4b:s6+s7], $0x10, s12, s7, $0xb8;
	[tilespmem:$0xAA00] =	vst v63  }
0x244: {  	s13 =	simm.s32 $0x500;
	s14 =	simm.s32 $0x5A00  }
0x245: {  	[tilespmem:s14], [sflag:$0x1] =	stream.indirect.gather [hbm4b:s6+s7], $0x10, s13, s7, $0xb8;
	[tilespmem:$0xAA00] =	vst v63  }
0x246: {  	s15 =	simm.s32 $0x580  }
0x247: {  	[tilespmem:s31], [sflag:$0x1] =	stream.indirect.gather [hbm4b:s6+s7], $0x10, s15, s7, $0xb8;
	[tilespmem:$0xAA00] =	vst v63  }
0x248: {  	_ =	swait.ge [sflag:s5], $0x800  }
0x249: {  	[sflag:s5] =	ssyncset.done $0x0  }
0x24a: {  	[sflag:s5] =	ssyncadd.s32 $0xFFFFF800  }
0x24b: {  	_ =	swait.ge [sflag:s5], $0x800  }
0x24c: {  	[sflag:s5] =	ssyncset.done $0x0  }
0x24d: {  	[sflag:s5] =	ssyncadd.s32 $0xFFFFF800  }
0x24e: {  	_ =	swait.ge [sflag:s5], $0x800  }
0x24f: {  	[sflag:s5] =	ssyncset.done $0x0  }
0x250: {  	[sflag:s5] =	ssyncadd.s32 $0xFFFFF800  }
0x251: {  	_ =	swait.ge [sflag:s5], $0x800  }
0x252: {  	[sflag:s5] =	ssyncset.done $0x0  }
0x253: {  	s16 =	simm.s32 $0x600;
	[sflag:s5] =	ssyncadd.s32 $0xFFFFF800  }
0x254: {  	[tilespmem:s21], [sflag:$0x1] =	stream.indirect.gather [hbm4b:s6+s7], $0x10, s16, s7, $0xb8;
	[tilespmem:$0xAA00] =	vst v63  }
0x255: {  	s17 =	simm.s32 $0x680  }
0x256: {  	[tilespmem:s30], [sflag:$0x1] =	stream.indirect.gather [hbm4b:s6+s7], $0x10, s17, s7, $0xb8;
	[tilespmem:$0xAA00] =	vst v63  }
0x257: {  	s18 =	simm.s32 $0x700  }
0x258: {  	[tilespmem:s25], [sflag:$0x1] =	stream.indirect.gather [hbm4b:s6+s7], $0x10, s18, s7, $0xb8;
	[tilespmem:$0xAA00] =	vst v63  }
0x259: {  	s20 =	simm.s32 $0x780  }
0x25a: {  	[tilespmem:s19], [sflag:$0x1] =	stream.indirect.gather [hbm4b:s6+s7], $0x10, s20, s7, $0xb8;
	[tilespmem:$0xAA00] =	vst v63  }
0x25b: {  	_ =	swait.ge [sflag:s5], $0x800  }
0x25c: {  	[sflag:s5] =	ssyncset.done $0x0  }
0x25d: {  	[sflag:s5] =	ssyncadd.s32 $0xFFFFF800  }
0x25e: {  	_ =	swait.ge [sflag:s5], $0x800  }
0x25f: {  	[sflag:s5] =	ssyncset.done $0x0  }
0x260: {  	[sflag:s5] =	ssyncadd.s32 $0xFFFFF800  }
0x261: {  	_ =	swait.ge [sflag:s5], $0x800  }
0x262: {  	[sflag:s5] =	ssyncset.done $0x0  }
0x263: {  	[sflag:s5] =	ssyncadd.s32 $0xFFFFF800  }
0x264: {  	_ =	swait.ge [sflag:s5], $0x800  }
0x265: {  	[sflag:s5] =	ssyncset.done $0x0  }
0x266: {  	s21 =	simm.s32 $0x800;
	[sflag:s5] =	ssyncadd.s32 $0xFFFFF800  }
0x267: {  	[tilespmem:s22], [sflag:$0x1] =	stream.indirect.gather [hbm4b:s6+s7], $0x10, s21, s7, $0xb8;
	[tilespmem:$0xAA00] =	vst v63  }
0x268: {  	s23 =	simm.s32 $0x880  }
0x269: {  	[tilespmem:s24], [sflag:$0x1] =	stream.indirect.gather [hbm4b:s6+s7], $0x10, s23, s7, $0xb8;
	[tilespmem:$0xAA00] =	vst v63  }
0x26a: {  	s25 =	simm.s32 $0x900  }
0x26b: {  	[tilespmem:s26], [sflag:$0x1] =	stream.indirect.gather [hbm4b:s6+s7], $0x10, s25, s7, $0xb8;
	[tilespmem:$0xAA00] =	vst v63  }
0x26c: {  	s28 =	simm.s32 $0x980  }
0x26d: {  	[tilespmem:s29], [sflag:$0x1] =	stream.indirect.gather [hbm4b:s6+s7], $0x10, s28, s7, $0xb8;
	[tilespmem:$0xAA00] =	vst v63  }
0x26e: {  	_ =	swait.ge [sflag:s5], $0x800  }
0x26f: {  	[sflag:s5] =	ssyncset.done $0x0  }
0x270: {  	[sflag:s5] =	ssyncadd.s32 $0xFFFFF800  }
0x271: {  	_ =	swait.ge [sflag:s5], $0x800  }
0x272: {  	[sflag:s5] =	ssyncset.done $0x0  }
0x273: {  	[sflag:s5] =	ssyncadd.s32 $0xFFFFF800  }
0x274: {  	_ =	swait.ge [sflag:s5], $0x800  }
0x275: {  	[sflag:s5] =	ssyncset.done $0x0  }
0x276: {  	[sflag:s5] =	ssyncadd.s32 $0xFFFFF800  }
0x277: {  	_ =	swait.ge [sflag:s5], $0x800  }
0x278: {  	[sflag:s5] =	ssyncset.done $0x0  }
0x279: {  	s30 =	rddreg [dreg:$0x5];
	[sflag:s5] =	ssyncadd.s32 $0xFFFFF800  }
0x27a: {  	[hbm4b:s30+s2] =	stream.linear.scatter [tilespmem:s4], [sflag:$0x2], $0xA000, $0x38;
	[tilespmem:$0xAA00] =	vst v63  }
0x27b: {  	_ =	swait.ge [sflag:s3], $0xA000  }
0x27c: {  	[sflag:s3] =	ssyncset.done $0x0  }
0x27d: {  	[sflag:s3] =	ssyncadd.s32 $0xFFFF6000  }
0x27e: {  	_ =	sfence.sel $0x180000  }
0x27f: {  	[bflag:$0x0] =	sbarrier.arrive $0xFFFF  }
0x280: {  	_ =	strace $0x90000053  }
0x281: {  	s31 =	stileid.u32;
	[bflag:$0x2] =	sbarrier.arrive $0xFFFF  }
0x282: {  	p0 =	sne.s32 s31, $0x0;
	s0 =	rddreg [dreg:$0x1]  }
0x283: {  	s0 =	sadd.s32 @!p0 $0x100000, s0  }
0x284: {  	[sflag:s0] =	ssyncadd.tile.s32 @!p0 $0x1;
	_ =	shalt  }
.Lfunc_end2:
_tile_overlayer_lowered:
.L_overlay_start_2:
0x285: {  	(tag) =	ssettag $0x2  }
0x286: {  	s0 =	rddreg [dreg:$0x0];
	s2 =	stileid.u32  }
0x287: {  	s1 =	rddreg [dreg:$0x1];
	p0 =	sne.s32 s2, $0x0  }
0x288: {  	s3 =	rddreg [dreg:$0x2];
	[bflag:$0x3] =	sbarrier.arrive $0xFFFF;
	s2 =	simm.s32 @!p0 $0x1C02  }
0x289: {  	[timem:s3], [sflag:s2] =	dma.local @!p0 [hbm:s0], s1  }
0x28a: {  	s0 =	simm.s32 @!p0 $0x2  }
0x28b: {  	_ =	swait.ge @!p0 [sflag:s0], s1  }
0x28c: {  	s1 =	ssub.s32 @!p0 $0x0, s1;
	[sflag:s0] =	ssyncset.done @!p0 $0x0  }
0x28d: {  	[sflag:s0] =	ssyncadd.s32 @!p0 s1  }
0x28e: {  	[bflag:$0x3] =	sbarrier.arrive $0xFFFF  }
0x28f: {  	_ =	shalt  }

// kernel: kernel.18.cloned.1.call-start
scs
__scs_entry_jumppad:
0x0: {  	(pc) =	sbr.rel $0x88, $3  }
0x1: {  	(tag) =	ssettag $0x0;
	lr =	simm.s32 $0x1  }
0x2: {  	[smem:$0x3F97] =	sst lr;
	_ =	strace $0xD0000000  }
0x3: {  	_ = 	snop  }
0x4: {  	_ = 	snop  }
0x5: {  	_ = 	snop  }
0x6: {  	_ = 	snop  }
0x7: {  	_ = 	snop  }
__scs_overlays_trampoline_lowered:
0x8: {  	[smem:$0x3FA6] =	sst s0  }
0x9: {  	[smem:$0x3FA7] =	sst s1  }
0xa: {  	[smem:$0x3FA8] =	sst s2  }
0xb: {  	[smem:$0x3FA9] =	sst s3  }
0xc: {  	[smem:$0x3FAA] =	sst s4  }
0xd: {  	[smem:$0x3FAB] =	sst s5  }
0xe: {  	[smem:$0x3FAC] =	sst s6  }
0xf: {  	[smem:$0x3FAD] =	sst s7  }
0x10: {  	[smem:$0x3FAE] =	sst s8  }
0x11: {  	[smem:$0x3FAF] =	sst s9;
	s0 =	simm.s32 @!p0 $0x0  }
0x12: {  	s1 =	sld [smem:$0x3F95];
	s0 =	simm.s32 @p0 $0x1  }
0x13: {  	[smem:$0x3FB0] =	sst s0;
	s0 =	simm.s32 @!p1 $0x0  }
0x14: {  	s2 =	sld [smem:$0x3F94];
	s0 =	simm.s32 @p1 $0x1  }
0x15: {  	[smem:$0x3FB1] =	sst s0;
	s0 =	simm.s32 @!p2 $0x0  }
0x16: {  	s3 =	sld [smem:$0x3FDB];
	s0 =	simm.s32 @p2 $0x1  }
0x17: {  	s4 =	simm.s32 $0x1BF5;
	[smem:$0x3FB3] =	sst s0  }
0x18: {  	s0 =	sld [smem:$0x3F96];
	_ =	swait.ge [sflag:s4], $0x0  }
0x19: {  	s7 =	sld [smem:$0x3F97]  }
0x1a: {  	s8 =	sadd.s32 $0xFFFFE003, lr  }
0x1b: {  	s9 =	sadd.s32 $0xFFFFFEF7, lr;
	s5 =	simm.s32 $0xFFFFFFFF;
	p2 =	slt.u32 s8, $0xFFFFF086  }
0x1c: {  	p1 =	slt.u32 s9, $0xF7A;
	s5 =	simm.s32 @!p2 $0x0  }
0x1d: {  	s5 =	simm.s32 @p1 $0x1;
	p0 =	seq.s32 s7, s2  }
0x1e: {  	s7 =	smul.u32 @!p0 $0xF7A, s2;
	p2 =	seq.s32 @!p0 s5, $0x0  }
0x1f: {  	s9 =	smul.u32 $0xF7A, s1;
	s8 =	simm.s32 @!p0 $0x1BF5;
	p2 =	por !p2, p0  }
0x20: {  	[sflag:s8] =	ssyncset.s32 @!p0 $0xFFFFF086;
	s6 =	sadd.s32 @!p0 s3, s7;
	s7 =	simm.s32 @!p0 $0x108  }
0x21: {  	s3 =	sadd.s32 s3, s9;
	s6 =	sadd.s32 @!p0 $0x88, s6;
	s7 =	simm.s32 @p2 $0x1082  }
0x22: {  	[simem:s7], [sflag:s8] =	dma.local @!p0 [hbm:s6], $0xF7A  }
0x23: {  	s9 =	sor.u32 $0xD0000000, s2;
	s6 =	simm.s32 $0x108;
	_ =	swait.ge @!p0 [sflag:s8], $0x0  }
0x24: {  	s3 =	sadd.s32 $0x88, s3;
	s6 =	simm.s32 @!p1 $0x1082;
	[sflag:s4] =	ssyncset.s32 $0xFFFFF086  }
0x25: {  	[simem:s6], [sflag:s4] =	dma.local [hbm:s3], $0xF7A  }
0x26: {  	[smem:$0x3F97] =	sst s1;
	(tag) =	ssettag s2;
	_ =	strace s9  }
0x27: {  	s1 =	sld [smem:$0x3FA7]  }
0x28: {  	s2 =	sld [smem:$0x3FA8]  }
0x29: {  	s4 =	sld [smem:$0x3FAA]  }
0x2a: {  	p0 =	seq.s32 s5, $0x0;
	s5 =	sld [smem:$0x3FAB]  }
0x2b: {  	s6 =	sld [smem:$0x3FAC]  }
0x2c: {  	s7 =	sld [smem:$0x3FAD]  }
0x2d: {  	s3 =	simm.s32 $0x108;
	s8 =	sld [smem:$0x3FAE]  }
0x2e: {  	s3 =	simm.s32 @!p0 $0x1082;
	s9 =	sld [smem:$0x3FAF]  }
0x2f: {  	lr =	sadd.s32 s0, s3;
	s0 =	sld [smem:$0x3FA6]  }
0x30: {  	s3 =	sld [smem:$0x3FA9]  }
0x31: {  	[smem:$0x3FB2] =	sst s10  }
0x32: {  	s10 =	sld [smem:$0x3FB0];
	_ =	sdelay $0x3  }
0x33: {  	p0 =	seq.s32 s10, $0x1;
	s10 =	sld [smem:$0x3FB2];
	_ =	sdelay $0x3  }
0x34: {  	[smem:$0x3FB2] =	sst s10  }
0x35: {  	s10 =	sld [smem:$0x3FB1];
	_ =	sdelay $0x3  }
0x36: {  	p1 =	seq.s32 s10, $0x1;
	s10 =	sld [smem:$0x3FB2];
	_ =	sdelay $0x3  }
0x37: {  	[smem:$0x3FB2] =	sst s10  }
0x38: {  	s10 =	sld [smem:$0x3FB3]  }
0x39: {  	_ = 	snop;
	(pc) =	sbr.ind lr, $3  }
0x3a: {  	_ = 	snop  }
0x3b: {  	_ = 	snop  }
0x3c: {  	p2 =	seq.s32 s10, $0x1;
	s10 =	sld [smem:$0x3FB2]  }
0x3d: {  	_ =	shalt  }
0x3e: {  	_ =	shalt  }
0x3f: {  	_ =	shalt  }
0x40: {  	_ =	shalt  }
0x41: {  	_ =	shalt  }
0x42: {  	_ =	shalt  }
0x43: {  	_ =	shalt  }
0x44: {  	_ =	shalt  }
0x45: {  	_ =	shalt  }
0x46: {  	_ =	shalt  }
0x47: {  	_ =	shalt  }
0x48: {  	_ =	shalt  }
0x49: {  	_ =	shalt  }
0x4a: {  	_ =	shalt  }
0x4b: {  	_ =	shalt  }
0x4c: {  	_ =	shalt  }
0x4d: {  	_ =	shalt  }
0x4e: {  	_ =	shalt  }
0x4f: {  	_ =	shalt  }
0x50: {  	_ =	shalt  }
0x51: {  	_ =	shalt  }
0x52: {  	_ =	shalt  }
0x53: {  	_ =	shalt  }
0x54: {  	_ =	shalt  }
0x55: {  	_ =	shalt  }
0x56: {  	_ =	shalt  }
0x57: {  	_ =	shalt  }
0x58: {  	_ =	shalt  }
0x59: {  	_ =	shalt  }
0x5a: {  	_ =	shalt  }
0x5b: {  	_ =	shalt  }
0x5c: {  	_ =	shalt  }
0x5d: {  	_ =	shalt  }
0x5e: {  	_ =	shalt  }
0x5f: {  	_ =	shalt  }
0x60: {  	_ =	shalt  }
0x61: {  	_ =	shalt  }
0x62: {  	_ =	shalt  }
0x63: {  	_ =	shalt  }
0x64: {  	_ =	shalt  }
0x65: {  	_ =	shalt  }
0x66: {  	_ =	shalt  }
0x67: {  	_ =	shalt  }
0x68: {  	_ =	shalt  }
0x69: {  	_ =	shalt  }
0x6a: {  	_ =	shalt  }
0x6b: {  	_ =	shalt  }
0x6c: {  	_ =	shalt  }
0x6d: {  	_ =	shalt  }
0x6e: {  	_ =	shalt  }
0x6f: {  	_ =	shalt  }
0x70: {  	_ =	shalt  }
0x71: {  	_ =	shalt  }
0x72: {  	_ =	shalt  }
0x73: {  	_ =	shalt  }
0x74: {  	_ =	shalt  }
0x75: {  	_ =	shalt  }
0x76: {  	_ =	shalt  }
0x77: {  	_ =	shalt  }
0x78: {  	_ =	shalt  }
0x79: {  	_ =	shalt  }
0x7a: {  	_ =	shalt  }
0x7b: {  	_ =	shalt  }
0x7c: {  	_ =	shalt  }
0x7d: {  	_ =	shalt  }
0x7e: {  	_ =	shalt  }
0x7f: {  	_ =	shalt  }
0x80: {  	_ =	shalt  }
0x81: {  	_ =	shalt  }
0x82: {  	_ =	shalt  }
0x83: {  	_ =	shalt  }
0x84: {  	_ =	shalt  }
0x85: {  	_ =	shalt  }
0x86: {  	_ =	shalt  }
0x87: {  	_ =	shalt  }
.Lfunc_end0:
.L_simem_size_0:
called_computation.6_lowered:
.L_overlay_start_0:
0x88: {  	s2 =	sld [smem:$0x3FD9]  }
0x89: {  	s3 =	sld [smem:$0x3FFE];
	_ =	sdelay $0x1  }
0x8a: {  	s1 =	srdreg.scid  }
0x8b: {  	s0 =	sand.u32 $0x1, s1  }
0x8c: {  	s17 =	sshll.u32 s0, $0xA;
	s2 =	sadd.s32 s3, s2  }
0x8d: {  	s2 =	sadd.s32 s2, s17  }
0x8e: {  	[smem:$0x3FBE] =	sst s2  }
0x8f: {  	_ = 	snop  }
0x90: {  	s2 =	sld [smem:$0x3FD0];
	(tm) =	ssettm $0x1  }
0x91: {  	s18 =	sld [smem:$0x3FFB];
	_ =	sdelay $0x3  }
0x92: {  	_ =	strace s18  }
0x93: {  	s3 =	sld [smem:$0x3FFC];
	_ =	sdelay $0x3  }
0x94: {  	_ =	strace s3  }
0x95: {  	s3 =	sld [smem:$0x3FFD];
	_ =	sdelay $0x3  }
0x96: {  	_ =	strace s3  }
0x97: {  	_ =	strace $0x8FFFFFFF  }
0x98: {  	s19 =	sld [smem:$0x3FDB];
	_ =	sdelay $0x1  }
0x99: {  	s4 =	simm.s32 $_scs_section_size  }
0x9a: {  	s5 =	simm.s32 $_size__tile_overlayer_lowered;
	s6 =	simm.s32 $_tile_overlayer_lowered  }
0x9b: {  	s22 =	simm.s32 $0x1BFF;
	s21 =	sshll.u32 s6, $0x1;
	s3 =	sadd.s32 s4, s19  }
0x9c: {  	s7 =	simm.s32 $0x0;
	s20 =	sshll.u32 s5, $0x1;
	s5 =	sadd.s32 s21, s3  }
0x9d: {  	[timem:s7], [sflag:s22] =	dma.local [hbm:s5], s20  }
0x9e: {  	_ =	swait.ge [sflag:s22], s20  }
0x9f: {  	s4 =	ssub.s32 $0x0, s20;
	[sflag:s22] =	ssyncset.done $0x0  }
0xa0: {  	[sflag:s22] =	ssyncadd.s32 s4;
	_ =	sdelay $0x1  }
0xa1: {  	s23 =	simm.s32 $0x1B8B  }
0xa2: {  	_ =	swait.ge [sflag:s23], $0x1  }
0xa3: {  	[sflag:s23] =	ssyncset.done $0x0  }
0xa4: {  	s25 =	simm.s32 $0x1B8E;
	s24 =	sld [smem:$0x3FFE];
	[sflag:s23] =	ssyncadd.s32 $0xFFFFFFFF  }
0xa5: {  	s26 =	simm.s32 $execute0_lowered;
	[smem:$0x3FD2] =	sst s25  }
0xa6: {  	s5 =	sshll.u32 s26, $0x1;
	_ =	strace $0x80000058;
	[dreg:$0x1] =	wrdreg $0xFFFFFFFF  }
0xa7: {  	s28 =	simm.s32 $_size_execute0_lowered;
	s3 =	sadd.s32 s3, s5;
	[dreg:$0x0] =	wrdreg $0x0  }
0xa8: {  	s5 =	sshll.u32 s28, $0x1;
	[dreg:$0x2] =	wrdreg s3  }
0xa9: {  	[dreg:$0x3] =	wrdreg s5  }
0xaa: {  	[dreg:$0x4] =	wrdreg $0xC0  }
0xab: {  	_ =	task [dreg:s7], $0x5FFFF  }
0xac: {  	[dreg:$0x1] =	wrdreg $0xFFFFFFFF  }
0xad: {  	[dreg:$0x0] =	wrdreg $0x60  }
0xae: {  	[dreg:$0x2] =	wrdreg s2  }
0xaf: {  	[dreg:$0x3] =	wrdreg s24  }
0xb0: {  	[dreg:$0x4] =	wrdreg $0x0  }
0xb1: {  	[dreg:$0x5] =	wrdreg $0x9  }
0xb2: {  	_ =	task.clear_ibuf [dreg:s7], $0x6FFFF;
	_ =	strace $0x90000058  }
0xb3: {  	s29 =	simm.s32 $0x9;
	_ =	strace $0x8000005A  }
0xb4: {  	_ =	swait.ge [sflag:s29], $0x1  }
0xb5: {  	[sflag:s29] =	ssyncadd.s32 $0xFFFFFFFF  }
0xb6: {  	_ =	strace $0x9000005A  }
0xb7: {  	_ =	sfence  }
0xb8: {  	s30 =	sld [smem:$0x0];
	_ =	sdelay $0x2  }
0xb9: {  	s31 =	sshll.u32 s1, $0xD;
	s1 =	sshrl.u32 s1, $0x2  }
0xba: {  	s3 =	sand.u32 $0x4000, s31;
	s1 =	sadd.s32 s1, s30  }
0xbb: {  	s0 =	sor.u32 s3, s0;
	s1 =	sshll.u32 s1, $0x11  }
0xbc: {  	s0 =	sor.u32 s1, s0  }
0xbd: {  	s0 =	sadd.s32 $0x8F2B, s0  }
0xbe: {  	[sflag:s0] =	ssyncadd.remote.s32 $0x1  }
0xbf: {  	_ =	sfence.sel $0xFFFF  }
0xc0: {  	[dreg:$0x0] =	wrdreg $0xFFFFFFFF;
	(pc) =	sbr.abs _section_cstart, $3  }
0xc1: {  	[dreg:$0x1] =	wrdreg $0xFFFFFFFF  }
0xc2: {  	_ =	task.clear_ibuf [dreg:s7], $0x2FFFF;
	_ =	strace $0x9FFFFFFF  }
0xc3: {  	(tm) =	ssettm $0x7FFFFFFF  }
tec
execute0_lowered:
.L_overlay_start_1:
0x0: {  	(tag) =	ssettag $0x1  }
0x1: {  	s1 =	srdreg.scid;
	s0 =	stileid.u32  }
0x2: {  	s1 =	sand.u32 $0x1, s1;
	s5 =	smul.u32 $0x5000, s0;
	s7 =	sshll.u32 s0, $0x1  }
0x3: {  	s3 =	smul.u32 $0x50000, s1;
	s7 =	sor.u32 s1, s7  }
0x4: {  	s4 =	rddreg [dreg:$0x0];
	s9 =	smul.u32 $0x2800, s7  }
0x5: {  	s6 =	rddreg [dreg:$0x1];
	s7 =	smul.u32 $0x140, s7  }
0x6: {  	s2 =	rddreg [dreg:$0x2];
	s8 =	sadd.s32 s5, s3;
	s3 =	simm.s32 $0x0  }
0x7: {  	[smem:$0x7FF] =	sst s3;
	s4 =	sadd.s32 s4, s7  }
0x8: {  	s7 =	simm.s32 $0x6A00;
	_ =	strace $0x80000059;
	[dreg:$0x5] =	wrdreg s4  }
0x9: {  	s11 =	simm.s32 $0x8A00;
	[dreg:$0x9] =	wrdreg s7  }
0xa: {  	s12 =	simm.s32 $0x5200;
	[dreg:$0xd] =	wrdreg s11  }
0xb: {  	s13 =	simm.s32 $0x9A00;
	[dreg:$0xe] =	wrdreg s12  }
0xc: {  	s14 =	simm.s32 $0x5280;
	[dreg:$0xf] =	wrdreg s13  }
0xd: {  	s15 =	simm.s32 $0xAA00;
	[dreg:$0x10] =	wrdreg s14  }
0xe: {  	s16 =	simm.s32 $0x5300;
	[dreg:$0x11] =	wrdreg s15  }
0xf: {  	s17 =	simm.s32 $0xBA00;
	[dreg:$0x12] =	wrdreg s16  }
0x10: {  	s18 =	simm.s32 $0x5380;
	[dreg:$0x13] =	wrdreg s17  }
0x11: {  	s19 =	simm.s32 $0xCA00;
	[dreg:$0x14] =	wrdreg s18  }
0x12: {  	s20 =	simm.s32 $0x5400;
	[dreg:$0x15] =	wrdreg s19  }
0x13: {  	s22 =	simm.s32 $0xDA00;
	s8 =	sshrl.u32 s8, $0x3;
	[dreg:$0x16] =	wrdreg s20  }
0x14: {  	s24 =	simm.s32 $0x5480;
	s8 =	sadd.s32 s8, s6;
	[dreg:$0x17] =	wrdreg s22  }
0x15: {  	s6 =	sadd.s32 s9, s6;
	s9 =	simm.s32 $0x7A00;
	[dreg:$0x18] =	wrdreg s24  }
0x16: {  	s10 =	sadd.s32 $0xF1C00, s8;
	[dreg:$0xb] =	wrdreg s9  }
0x17: {  	s25 =	sadd.s32 $0x7C400, s6;
	[dreg:$0x4] =	wrdreg s10  }
0x18: {  	s26 =	sadd.s32 $0xCC400, s8;
	[dreg:$0x6] =	wrdreg s25  }
0x19: {  	s6 =	simm.s32 $0x5080;
	[dreg:$0x7] =	wrdreg s26  }
0x1a: {  	s8 =	simm.s32 $0x5100;
	[dreg:$0x8] =	wrdreg s6  }
0x1b: {  	s21 =	sshll.u32 s0, $0x6;
	[dreg:$0xa] =	wrdreg s8;
	s10 =	simm.s32 $0x5180  }
0x1c: {  	s5 =	sadd.s32 s5, s2;
	s4 =	sor.u32 $0x1C01, s21;
	[dreg:$0xc] =	wrdreg s10  }
0x1d: {  	s6 =	sshrl.u32 s5, $0x3;
	s5 =	simm.s32 $0x1;
	s23 =	rddreg [dreg:$0x4]  }
0x1e: {  	[spmem:s6], [sflag:s4] =	dma.local [hbm:s23], $0xA00  }
0x1f: {  	_ =	swait.ge [sflag:s5], $0xA00  }
0x20: {  	[sflag:s5] =	ssyncset.done $0x0  }
0x21: {  	[sflag:s5] =	ssyncadd.s32 $0xFFFFF600  }
0x22: {  	[bflag:$0x0] =	sbarrier.arrive $0xFFFF  }
0x23: {  	s7 =	simm.s32 $0x5000;
	s25 =	rddreg [dreg:$0x5]  }
0x24: {  	[tilespmem:s7], [sflag:$0x1] =	stream.linear.gather [hbm4b:s25+s3], $0xA00, $0x38;
	[tilespmem:$0x19A00] =	vst v63  }
0x25: {  	_ =	swait.ge [sflag:s5], $0xA00  }
0x26: {  	[sflag:s5] =	ssyncset.done $0x0  }
0x27: {  	s8 =	simm.s32 $0x5A00;
	s26 =	rddreg [dreg:$0x6];
	[sflag:s5] =	ssyncadd.s32 $0xFFFFF600  }
0x28: {  	[tilespmem:s8], [sflag:$0x1] =	stream.linear.gather [hbm4b:s26+s3], $0x14000, $0x38;
	[tilespmem:$0x19A00] =	vst v63  }
0x29: {  	_ =	swait.ge [sflag:s5], $0x14000  }
0x2a: {  	[sflag:s5] =	ssyncset.done $0x0  }
0x2b: {  	s9 =	simm.s32 $0x80;
	[sflag:s5] =	ssyncadd.s32 $0xFFFEC000  }
0x2c: {  	[spmem:s2] =	stream.indirect.scatter.add.f32 [tilespmem:s8], [sflag:$0x1], $0x20, s7, s9, $0xb8;
	[tilespmem:$0x19A00] =	vst v63  }
0x2d: {  	_ =	swait.ge [sflag:s5], $0x1000  }
0x2e: {  	s0 =	rddreg [dreg:$0x8];
	[sflag:s5] =	ssyncset.done $0x0  }
0x2f: {  	s11 =	rddreg [dreg:$0x9];
	[sflag:s5] =	ssyncadd.s32 $0xFFFFF000  }
0x30: {  	[spmem:s2] =	stream.indirect.scatter.add.f32 [tilespmem:s11], [sflag:$0x1], $0x20, s0, s9, $0xb8;
	[tilespmem:$0x19A00] =	vst v63  }
0x31: {  	_ =	swait.ge [sflag:s5], $0x1000  }
0x32: {  	s11 =	rddreg [dreg:$0xa];
	[sflag:s5] =	ssyncset.done $0x0  }
0x33: {  	s12 =	rddreg [dreg:$0xb];
	[sflag:s5] =	ssyncadd.s32 $0xFFFFF000  }
0x34: {  	[spmem:s2] =	stream.indirect.scatter.add.f32 [tilespmem:s12], [sflag:$0x1], $0x20, s11, s9, $0xb8;
	[tilespmem:$0x19A00] =	vst v63  }
0x35: {  	_ =	swait.ge [sflag:s5], $0x1000  }
0x36: {  	s13 =	rddreg [dreg:$0xc];
	[sflag:s5] =	ssyncset.done $0x0  }
0x37: {  	s14 =	rddreg [dreg:$0xd];
	[sflag:s5] =	ssyncadd.s32 $0xFFFFF000  }
0x38: {  	[spmem:s2] =	stream.indirect.scatter.add.f32 [tilespmem:s14], [sflag:$0x1], $0x20, s13, s9, $0xb8;
	[tilespmem:$0x19A00] =	vst v63  }
0x39: {  	_ =	swait.ge [sflag:s5], $0x1000  }
0x3a: {  	s15 =	rddreg [dreg:$0xe];
	[sflag:s5] =	ssyncset.done $0x0  }
0x3b: {  	s16 =	rddreg [dreg:$0xf];
	[sflag:s5] =	ssyncadd.s32 $0xFFFFF000  }
0x3c: {  	[spmem:s2] =	stream.indirect.scatter.add.f32 [tilespmem:s16], [sflag:$0x1], $0x20, s15, s9, $0xb8;
	[tilespmem:$0x19A00] =	vst v63  }
0x3d: {  	_ =	swait.ge [sflag:s5], $0x1000  }
0x3e: {  	s17 =	rddreg [dreg:$0x10];
	[sflag:s5] =	ssyncset.done $0x0  }
0x3f: {  	s18 =	rddreg [dreg:$0x11];
	[sflag:s5] =	ssyncadd.s32 $0xFFFFF000  }
0x40: {  	[spmem:s2] =	stream.indirect.scatter.add.f32 [tilespmem:s18], [sflag:$0x1], $0x20, s17, s9, $0xb8;
	[tilespmem:$0x19A00] =	vst v63  }
0x41: {  	_ =	swait.ge [sflag:s5], $0x1000  }
0x42: {  	s19 =	rddreg [dreg:$0x12];
	[sflag:s5] =	ssyncset.done $0x0  }
0x43: {  	s20 =	rddreg [dreg:$0x13];
	[sflag:s5] =	ssyncadd.s32 $0xFFFFF000  }
0x44: {  	[spmem:s2] =	stream.indirect.scatter.add.f32 [tilespmem:s20], [sflag:$0x1], $0x20, s19, s9, $0xb8;
	[tilespmem:$0x19A00] =	vst v63  }
0x45: {  	_ =	swait.ge [sflag:s5], $0x1000  }
0x46: {  	s21 =	rddreg [dreg:$0x14];
	[sflag:s5] =	ssyncset.done $0x0  }
0x47: {  	s22 =	rddreg [dreg:$0x15];
	[sflag:s5] =	ssyncadd.s32 $0xFFFFF000  }
0x48: {  	[spmem:s2] =	stream.indirect.scatter.add.f32 [tilespmem:s22], [sflag:$0x1], $0x20, s21, s9, $0xb8;
	[tilespmem:$0x19A00] =	vst v63  }
0x49: {  	_ =	swait.ge [sflag:s5], $0x1000  }
0x4a: {  	s23 =	rddreg [dreg:$0x16];
	[sflag:s5] =	ssyncset.done $0x0  }
0x4b: {  	s24 =	rddreg [dreg:$0x17];
	[sflag:s5] =	ssyncadd.s32 $0xFFFFF000  }
0x4c: {  	[spmem:s2] =	stream.indirect.scatter.add.f32 [tilespmem:s24], [sflag:$0x1], $0x20, s23, s9, $0xb8;
	[tilespmem:$0x19A00] =	vst v63  }
0x4d: {  	_ =	swait.ge [sflag:s5], $0x1000  }
0x4e: {  	[sflag:s5] =	ssyncset.done $0x0  }
0x4f: {  	s26 =	simm.s32 $0xEA00;
	s25 =	rddreg [dreg:$0x18];
	[sflag:s5] =	ssyncadd.s32 $0xFFFFF000  }
0x50: {  	[spmem:s2] =	stream.indirect.scatter.add.f32 [tilespmem:s26], [sflag:$0x1], $0x20, s25, s9, $0xb8;
	[tilespmem:$0x19A00] =	vst v63  }
0x51: {  	_ =	swait.ge [sflag:s5], $0x1000  }
0x52: {  	[sflag:s5] =	ssyncset.done $0x0  }
0x53: {  	s11 =	simm.s32 $0x5500;
	s12 =	simm.s32 $0xFA00;
	[sflag:s5] =	ssyncadd.s32 $0xFFFFF000  }
0x54: {  	[spmem:s2] =	stream.indirect.scatter.add.f32 [tilespmem:s12], [sflag:$0x1], $0x20, s11, s9, $0xb8;
	[tilespmem:$0x19A00] =	vst v63  }
0x55: {  	_ =	swait.ge [sflag:s5], $0x1000  }
0x56: {  	[sflag:s5] =	ssyncset.done $0x0  }
0x57: {  	s13 =	simm.s32 $0x5580;
	s14 =	simm.s32 $0x10A00;
	[sflag:s5] =	ssyncadd.s32 $0xFFFFF000  }
0x58: {  	[spmem:s2] =	stream.indirect.scatter.add.f32 [tilespmem:s14], [sflag:$0x1], $0x20, s13, s9, $0xb8;
	[tilespmem:$0x19A00] =	vst v63  }
0x59: {  	_ =	swait.ge [sflag:s5], $0x1000  }
0x5a: {  	[sflag:s5] =	ssyncset.done $0x0  }
0x5b: {  	s15 =	simm.s32 $0x5600;
	s16 =	simm.s32 $0x11A00;
	[sflag:s5] =	ssyncadd.s32 $0xFFFFF000  }
0x5c: {  	[spmem:s2] =	stream.indirect.scatter.add.f32 [tilespmem:s16], [sflag:$0x1], $0x20, s15, s9, $0xb8;
	[tilespmem:$0x19A00] =	vst v63  }
0x5d: {  	_ =	swait.ge [sflag:s5], $0x1000  }
0x5e: {  	[sflag:s5] =	ssyncset.done $0x0  }
0x5f: {  	s17 =	simm.s32 $0x5680;
	s18 =	simm.s32 $0x12A00;
	[sflag:s5] =	ssyncadd.s32 $0xFFFFF000  }
0x60: {  	[spmem:s2] =	stream.indirect.scatter.add.f32 [tilespmem:s18], [sflag:$0x1], $0x20, s17, s9, $0xb8;
	[tilespmem:$0x19A00] =	vst v63  }
0x61: {  	_ =	swait.ge [sflag:s5], $0x1000  }
0x62: {  	[sflag:s5] =	ssyncset.done $0x0  }
0x63: {  	s19 =	simm.s32 $0x5700;
	s20 =	simm.s32 $0x13A00;
	[sflag:s5] =	ssyncadd.s32 $0xFFFFF000  }
0x64: {  	[spmem:s2] =	stream.indirect.scatter.add.f32 [tilespmem:s20], [sflag:$0x1], $0x20, s19, s9, $0xb8;
	[tilespmem:$0x19A00] =	vst v63  }
0x65: {  	_ =	swait.ge [sflag:s5], $0x1000  }
0x66: {  	[sflag:s5] =	ssyncset.done $0x0  }
0x67: {  	s21 =	simm.s32 $0x5780;
	s22 =	simm.s32 $0x14A00;
	[sflag:s5] =	ssyncadd.s32 $0xFFFFF000  }
0x68: {  	[spmem:s2] =	stream.indirect.scatter.add.f32 [tilespmem:s22], [sflag:$0x1], $0x20, s21, s9, $0xb8;
	[tilespmem:$0x19A00] =	vst v63  }
0x69: {  	_ =	swait.ge [sflag:s5], $0x1000  }
0x6a: {  	[sflag:s5] =	ssyncset.done $0x0  }
0x6b: {  	s23 =	simm.s32 $0x5800;
	s24 =	simm.s32 $0x15A00;
	[sflag:s5] =	ssyncadd.s32 $0xFFFFF000  }
0x6c: {  	[spmem:s2] =	stream.indirect.scatter.add.f32 [tilespmem:s24], [sflag:$0x1], $0x20, s23, s9, $0xb8;
	[tilespmem:$0x19A00] =	vst v63  }
0x6d: {  	_ =	swait.ge [sflag:s5], $0x1000  }
0x6e: {  	s1 =	ssub.s32 $0x2, s1;
	[sflag:s5] =	ssyncset.done $0x0  }
0x6f: {  	s25 =	simm.s32 $0x5880;
	s26 =	simm.s32 $0x16A00;
	[sflag:s5] =	ssyncadd.s32 $0xFFFFF000  }
0x70: {  	[spmem:s2] =	stream.indirect.scatter.add.f32 [tilespmem:s26], [sflag:$0x1], $0x20, s25, s9, $0xb8;
	[tilespmem:$0x19A00] =	vst v63  }
0x71: {  	s30 =	sshrl.u32 s1, $0x1;
	_ =	swait.ge [sflag:s5], $0x1000  }
0x72: {  	s28 =	simm.s32 $0x5900;
	s1 =	ssub.s32 s1, s30;
	[sflag:s5] =	ssyncset.done $0x0  }
0x73: {  	s29 =	simm.s32 $0x17A00;
	s1 =	smax.u32 s1, $0x1;
	[sflag:s5] =	ssyncadd.s32 $0xFFFFF000  }
0x74: {  	[spmem:s2] =	stream.indirect.scatter.add.f32 [tilespmem:s29], [sflag:$0x1], $0x20, s28, s9, $0xb8;
	[tilespmem:$0x19A00] =	vst v63  }
0x75: {  	p0 =	sne.s32 s1, $0x1;
	_ =	swait.ge [sflag:s5], $0x1000  }
.Ltmp0:
0x76: {  	[sflag:s5] =	ssyncset.done $0x0;
	(pc) =	sbr.rel @!p0 .LBB2_2-.Ltmp0, $4  }
0x77: {  	s31 =	simm.s32 $0x18A00;
	s30 =	simm.s32 $0x5980;
	[sflag:s5] =	ssyncadd.s32 $0xFFFFF000  }
0x78: {  	[spmem:s2] =	stream.indirect.scatter.add.f32 [tilespmem:s31], [sflag:$0x1], $0x20, s30, s9, $0xb8;
	[tilespmem:$0x19A00] =	vst v63  }
0x79: {  	_ =	swait.ge [sflag:s5], $0x1000  }
0x7a: {  	s1 =	sadd.s32 $0xFFFFFFFF, s1;
	[sflag:s5] =	ssyncset.done $0x0  }
.LBB2_1:
0x7b: {  	[sflag:s5] =	ssyncadd.s32 $0xFFFFF000  }
0x7c: {  	[bflag:$0x0] =	sbarrier.arrive $0xFFFF  }
0x7d: {  	s0 =	rddreg [dreg:$0x7]  }
0x7e: {  	[hbm:s0], [sflag:s4] =	dma.local [spmem:s6], $0xA00  }
0x7f: {  	_ =	swait.ge [sflag:s5], $0xA00  }
0x80: {  	[sflag:s5] =	ssyncset.done $0x0  }
0x81: {  	s10 =	rddreg [dreg:$0x4];
	[sflag:s5] =	ssyncadd.s32 $0xFFFFF600  }
0x82: {  	[spmem:s6], [sflag:s4] =	dma.local [hbm:s10], $0xA00  }
0x83: {  	_ =	swait.ge [sflag:s5], $0xA00  }
0x84: {  	[sflag:s5] =	ssyncset.done $0x0  }
0x85: {  	[sflag:s5] =	ssyncadd.s32 $0xFFFFF600  }
0x86: {  	[bflag:$0x0] =	sbarrier.arrive $0xFFFF  }
0x87: {  	s10 =	rddreg [dreg:$0x5]  }
0x88: {  	[tilespmem:s7], [sflag:$0x1] =	stream.linear.gather [hbm4b:s10+s3], $0xA00, $0x38;
	[tilespmem:$0x19A00] =	vst v63  }
0x89: {  	_ =	swait.ge [sflag:s5], $0xA00  }
0x8a: {  	[sflag:s5] =	ssyncset.done $0x0  }
0x8b: {  	s10 =	rddreg [dreg:$0x6];
	[sflag:s5] =	ssyncadd.s32 $0xFFFFF600  }
0x8c: {  	[tilespmem:s8], [sflag:$0x1] =	stream.linear.gather [hbm4b:s10+s3], $0x14000, $0x38;
	[tilespmem:$0x19A00] =	vst v63  }
0x8d: {  	_ =	swait.ge [sflag:s5], $0x14000  }
0x8e: {  	[sflag:s5] =	ssyncset.done $0x0  }
0x8f: {  	[sflag:s5] =	ssyncadd.s32 $0xFFFEC000  }
0x90: {  	[spmem:s2] =	stream.indirect.scatter.add.f32 [tilespmem:s8], [sflag:$0x1], $0x20, s7, s9, $0xb8;
	[tilespmem:$0x19A00] =	vst v63  }
0x91: {  	_ =	swait.ge [sflag:s5], $0x1000  }
0x92: {  	s0 =	rddreg [dreg:$0x8];
	[sflag:s5] =	ssyncset.done $0x0  }
0x93: {  	s10 =	rddreg [dreg:$0x9];
	[sflag:s5] =	ssyncadd.s32 $0xFFFFF000  }
0x94: {  	[spmem:s2] =	stream.indirect.scatter.add.f32 [tilespmem:s10], [sflag:$0x1], $0x20, s0, s9, $0xb8;
	[tilespmem:$0x19A00] =	vst v63  }
0x95: {  	_ =	swait.ge [sflag:s5], $0x1000  }
0x96: {  	[sflag:s5] =	ssyncset.done $0x0;
	s0 =	rddreg [dreg:$0xa]  }
0x97: {  	s10 =	rddreg [dreg:$0xb];
	[sflag:s5] =	ssyncadd.s32 $0xFFFFF000  }
0x98: {  	[spmem:s2] =	stream.indirect.scatter.add.f32 [tilespmem:s10], [sflag:$0x1], $0x20, s0, s9, $0xb8;
	[tilespmem:$0x19A00] =	vst v63  }
0x99: {  	_ =	swait.ge [sflag:s5], $0x1000  }
0x9a: {  	[sflag:s5] =	ssyncset.done $0x0;
	s0 =	rddreg [dreg:$0xc]  }
0x9b: {  	s10 =	rddreg [dreg:$0xd];
	[sflag:s5] =	ssyncadd.s32 $0xFFFFF000  }
0x9c: {  	[spmem:s2] =	stream.indirect.scatter.add.f32 [tilespmem:s10], [sflag:$0x1], $0x20, s0, s9, $0xb8;
	[tilespmem:$0x19A00] =	vst v63  }
0x9d: {  	_ =	swait.ge [sflag:s5], $0x1000  }
0x9e: {  	[sflag:s5] =	ssyncset.done $0x0;
	s0 =	rddreg [dreg:$0xe]  }
0x9f: {  	s10 =	rddreg [dreg:$0xf];
	[sflag:s5] =	ssyncadd.s32 $0xFFFFF000  }
0xa0: {  	[spmem:s2] =	stream.indirect.scatter.add.f32 [tilespmem:s10], [sflag:$0x1], $0x20, s0, s9, $0xb8;
	[tilespmem:$0x19A00] =	vst v63  }
0xa1: {  	_ =	swait.ge [sflag:s5], $0x1000  }
0xa2: {  	[sflag:s5] =	ssyncset.done $0x0;
	s0 =	rddreg [dreg:$0x10]  }
0xa3: {  	s10 =	rddreg [dreg:$0x11];
	[sflag:s5] =	ssyncadd.s32 $0xFFFFF000  }
0xa4: {  	[spmem:s2] =	stream.indirect.scatter.add.f32 [tilespmem:s10], [sflag:$0x1], $0x20, s0, s9, $0xb8;
	[tilespmem:$0x19A00] =	vst v63  }
0xa5: {  	_ =	swait.ge [sflag:s5], $0x1000  }
0xa6: {  	[sflag:s5] =	ssyncset.done $0x0;
	s0 =	rddreg [dreg:$0x12]  }
0xa7: {  	s10 =	rddreg [dreg:$0x13];
	[sflag:s5] =	ssyncadd.s32 $0xFFFFF000  }
0xa8: {  	[spmem:s2] =	stream.indirect.scatter.add.f32 [tilespmem:s10], [sflag:$0x1], $0x20, s0, s9, $0xb8;
	[tilespmem:$0x19A00] =	vst v63  }
0xa9: {  	_ =	swait.ge [sflag:s5], $0x1000  }
0xaa: {  	[sflag:s5] =	ssyncset.done $0x0;
	s0 =	rddreg [dreg:$0x14]  }
0xab: {  	s10 =	rddreg [dreg:$0x15];
	[sflag:s5] =	ssyncadd.s32 $0xFFFFF000  }
0xac: {  	[spmem:s2] =	stream.indirect.scatter.add.f32 [tilespmem:s10], [sflag:$0x1], $0x20, s0, s9, $0xb8;
	[tilespmem:$0x19A00] =	vst v63  }
0xad: {  	_ =	swait.ge [sflag:s5], $0x1000  }
0xae: {  	[sflag:s5] =	ssyncset.done $0x0;
	s0 =	rddreg [dreg:$0x16]  }
0xaf: {  	s10 =	rddreg [dreg:$0x17];
	[sflag:s5] =	ssyncadd.s32 $0xFFFFF000  }
0xb0: {  	[spmem:s2] =	stream.indirect.scatter.add.f32 [tilespmem:s10], [sflag:$0x1], $0x20, s0, s9, $0xb8;
	[tilespmem:$0x19A00] =	vst v63  }
0xb1: {  	_ =	swait.ge [sflag:s5], $0x1000  }
0xb2: {  	[sflag:s5] =	ssyncset.done $0x0  }
0xb3: {  	s10 =	simm.s32 $0xEA00;
	s0 =	rddreg [dreg:$0x18];
	[sflag:s5] =	ssyncadd.s32 $0xFFFFF000  }
0xb4: {  	[spmem:s2] =	stream.indirect.scatter.add.f32 [tilespmem:s10], [sflag:$0x1], $0x20, s0, s9, $0xb8;
	[tilespmem:$0x19A00] =	vst v63  }
0xb5: {  	_ =	swait.ge [sflag:s5], $0x1000  }
0xb6: {  	[sflag:s5] =	ssyncset.done $0x0  }
0xb7: {  	[sflag:s5] =	ssyncadd.s32 $0xFFFFF000  }
0xb8: {  	[spmem:s2] =	stream.indirect.scatter.add.f32 [tilespmem:s12], [sflag:$0x1], $0x20, s11, s9, $0xb8;
	[tilespmem:$0x19A00] =	vst v63  }
0xb9: {  	_ =	swait.ge [sflag:s5], $0x1000  }
0xba: {  	[sflag:s5] =	ssyncset.done $0x0  }
0xbb: {  	[sflag:s5] =	ssyncadd.s32 $0xFFFFF000  }
0xbc: {  	[spmem:s2] =	stream.indirect.scatter.add.f32 [tilespmem:s14], [sflag:$0x1], $0x20, s13, s9, $0xb8;
	[tilespmem:$0x19A00] =	vst v63  }
0xbd: {  	_ =	swait.ge [sflag:s5], $0x1000  }
0xbe: {  	[sflag:s5] =	ssyncset.done $0x0  }
0xbf: {  	[sflag:s5] =	ssyncadd.s32 $0xFFFFF000  }
0xc0: {  	[spmem:s2] =	stream.indirect.scatter.add.f32 [tilespmem:s16], [sflag:$0x1], $0x20, s15, s9, $0xb8;
	[tilespmem:$0x19A00] =	vst v63  }
0xc1: {  	_ =	swait.ge [sflag:s5], $0x1000  }
0xc2: {  	[sflag:s5] =	ssyncset.done $0x0  }
0xc3: {  	[sflag:s5] =	ssyncadd.s32 $0xFFFFF000  }
0xc4: {  	[spmem:s2] =	stream.indirect.scatter.add.f32 [tilespmem:s18], [sflag:$0x1], $0x20, s17, s9, $0xb8;
	[tilespmem:$0x19A00] =	vst v63  }
0xc5: {  	_ =	swait.ge [sflag:s5], $0x1000  }
0xc6: {  	[sflag:s5] =	ssyncset.done $0x0  }
0xc7: {  	[sflag:s5] =	ssyncadd.s32 $0xFFFFF000  }
0xc8: {  	[spmem:s2] =	stream.indirect.scatter.add.f32 [tilespmem:s20], [sflag:$0x1], $0x20, s19, s9, $0xb8;
	[tilespmem:$0x19A00] =	vst v63  }
0xc9: {  	_ =	swait.ge [sflag:s5], $0x1000  }
0xca: {  	[sflag:s5] =	ssyncset.done $0x0  }
0xcb: {  	[sflag:s5] =	ssyncadd.s32 $0xFFFFF000  }
0xcc: {  	[spmem:s2] =	stream.indirect.scatter.add.f32 [tilespmem:s22], [sflag:$0x1], $0x20, s21, s9, $0xb8;
	[tilespmem:$0x19A00] =	vst v63  }
0xcd: {  	_ =	swait.ge [sflag:s5], $0x1000  }
0xce: {  	[sflag:s5] =	ssyncset.done $0x0  }
0xcf: {  	[sflag:s5] =	ssyncadd.s32 $0xFFFFF000  }
0xd0: {  	[spmem:s2] =	stream.indirect.scatter.add.f32 [tilespmem:s24], [sflag:$0x1], $0x20, s23, s9, $0xb8;
	[tilespmem:$0x19A00] =	vst v63  }
0xd1: {  	_ =	swait.ge [sflag:s5], $0x1000  }
0xd2: {  	[sflag:s5] =	ssyncset.done $0x0  }
0xd3: {  	[sflag:s5] =	ssyncadd.s32 $0xFFFFF000  }
0xd4: {  	[spmem:s2] =	stream.indirect.scatter.add.f32 [tilespmem:s26], [sflag:$0x1], $0x20, s25, s9, $0xb8;
	[tilespmem:$0x19A00] =	vst v63  }
0xd5: {  	_ =	swait.ge [sflag:s5], $0x1000  }
0xd6: {  	[sflag:s5] =	ssyncset.done $0x0  }
0xd7: {  	[sflag:s5] =	ssyncadd.s32 $0xFFFFF000  }
0xd8: {  	[spmem:s2] =	stream.indirect.scatter.add.f32 [tilespmem:s29], [sflag:$0x1], $0x20, s28, s9, $0xb8;
	[tilespmem:$0x19A00] =	vst v63  }
0xd9: {  	p0 =	sne.s32 s1, $0x1;
	_ =	swait.ge [sflag:s5], $0x1000  }
.Ltmp1:
0xda: {  	[sflag:s5] =	ssyncset.done $0x0;
	(pc) =	sbr.rel @p0 .LBB2_1-.Ltmp1, $4  }
0xdb: {  	[sflag:s5] =	ssyncadd.s32 $0xFFFFF000  }
0xdc: {  	[spmem:s2] =	stream.indirect.scatter.add.f32 [tilespmem:s31], [sflag:$0x1], $0x20, s30, s9, $0xb8;
	[tilespmem:$0x19A00] =	vst v63  }
0xdd: {  	_ =	swait.ge [sflag:s5], $0x1000  }
0xde: {  	s1 =	sadd.s32 $0xFFFFFFFF, s1;
	[sflag:s5] =	ssyncset.done $0x0  }
.LBB2_2:
0xdf: {  	[sflag:s5] =	ssyncadd.s32 $0xFFFFF000  }
0xe0: {  	[bflag:$0x0] =	sbarrier.arrive $0xFFFF  }
0xe1: {  	s0 =	rddreg [dreg:$0x7]  }
0xe2: {  	[hbm:s0], [sflag:s4] =	dma.local [spmem:s6], $0xA00  }
0xe3: {  	_ =	swait.ge [sflag:s5], $0xA00  }
0xe4: {  	[sflag:s5] =	ssyncset.done $0x0  }
0xe5: {  	[sflag:s5] =	ssyncadd.s32 $0xFFFFF600  }
0xe6: {  	_ =	sfence.sel $0x180000  }
0xe7: {  	[bflag:$0x0] =	sbarrier.arrive $0xFFFF  }
0xe8: {  	_ =	strace $0x90000059  }
0xe9: {  	s31 =	stileid.u32;
	[bflag:$0x2] =	sbarrier.arrive $0xFFFF  }
0xea: {  	p0 =	sne.s32 s31, $0x0;
	s0 =	rddreg [dreg:$0x3]  }
0xeb: {  	s0 =	sadd.s32 @!p0 $0x100000, s0  }
0xec: {  	[sflag:s0] =	ssyncadd.tile.s32 @!p0 $0x1;
	_ =	shalt  }
.Lfunc_end2:
_tile_overlayer_lowered:
.L_overlay_start_2:
0xed: {  	(tag) =	ssettag $0x2  }
0xee: {  	s0 =	rddreg [dreg:$0x0];
	s2 =	stileid.u32  }
0xef: {  	s1 =	rddreg [dreg:$0x1];
	p0 =	sne.s32 s2, $0x0  }
0xf0: {  	s3 =	rddreg [dreg:$0x2];
	[bflag:$0x3] =	sbarrier.arrive $0xFFFF;
	s2 =	simm.s32 @!p0 $0x1C01  }
0xf1: {  	[timem:s3], [sflag:s2] =	dma.local @!p0 [hbm:s0], s1  }
0xf2: {  	s0 =	simm.s32 @!p0 $0x1  }
0xf3: {  	_ =	swait.ge @!p0 [sflag:s0], s1  }
0xf4: {  	s1 =	ssub.s32 @!p0 $0x0, s1;
	[sflag:s0] =	ssyncset.done @!p0 $0x0  }
0xf5: {  	[sflag:s0] =	ssyncadd.s32 @!p0 s1  }
0xf6: {  	[bflag:$0x3] =	sbarrier.arrive $0xFFFF  }
0xf7: {  	_ =	shalt  }

// kernel: kernel.9.cloned.1.call-start
scs
__scs_entry_jumppad:
0x0: {  	(pc) =	sbr.rel $0x88, $3  }
0x1: {  	(tag) =	ssettag $0x0;
	lr =	simm.s32 $0x1  }
0x2: {  	[smem:$0x3F97] =	sst lr;
	_ =	strace $0xD0000000  }
0x3: {  	_ = 	snop  }
0x4: {  	_ = 	snop  }
0x5: {  	_ = 	snop  }
0x6: {  	_ = 	snop  }
0x7: {  	_ = 	snop  }
__scs_overlays_trampoline_lowered:
0x8: {  	[smem:$0x3FA6] =	sst s0  }
0x9: {  	[smem:$0x3FA7] =	sst s1  }
0xa: {  	[smem:$0x3FA8] =	sst s2  }
0xb: {  	[smem:$0x3FA9] =	sst s3  }
0xc: {  	[smem:$0x3FAA] =	sst s4  }
0xd: {  	[smem:$0x3FAB] =	sst s5  }
0xe: {  	[smem:$0x3FAC] =	sst s6  }
0xf: {  	[smem:$0x3FAD] =	sst s7  }
0x10: {  	[smem:$0x3FAE] =	sst s8  }
0x11: {  	[smem:$0x3FAF] =	sst s9;
	s0 =	simm.s32 @!p0 $0x0  }
0x12: {  	s1 =	sld [smem:$0x3F95];
	s0 =	simm.s32 @p0 $0x1  }
0x13: {  	[smem:$0x3FB0] =	sst s0;
	s0 =	simm.s32 @!p1 $0x0  }
0x14: {  	s2 =	sld [smem:$0x3F94];
	s0 =	simm.s32 @p1 $0x1  }
0x15: {  	[smem:$0x3FB1] =	sst s0;
	s0 =	simm.s32 @!p2 $0x0  }
0x16: {  	s3 =	sld [smem:$0x3FDB];
	s0 =	simm.s32 @p2 $0x1  }
0x17: {  	s4 =	simm.s32 $0x1BF5;
	[smem:$0x3FB3] =	sst s0  }
0x18: {  	s0 =	sld [smem:$0x3F96];
	_ =	swait.ge [sflag:s4], $0x0  }
0x19: {  	s7 =	sld [smem:$0x3F97]  }
0x1a: {  	s8 =	sadd.s32 $0xFFFFE003, lr  }
0x1b: {  	s9 =	sadd.s32 $0xFFFFFEF7, lr;
	s5 =	simm.s32 $0xFFFFFFFF;
	p2 =	slt.u32 s8, $0xFFFFF086  }
0x1c: {  	p1 =	slt.u32 s9, $0xF7A;
	s5 =	simm.s32 @!p2 $0x0  }
0x1d: {  	s5 =	simm.s32 @p1 $0x1;
	p0 =	seq.s32 s7, s2  }
0x1e: {  	s7 =	smul.u32 @!p0 $0xF7A, s2;
	p2 =	seq.s32 @!p0 s5, $0x0  }
0x1f: {  	s9 =	smul.u32 $0xF7A, s1;
	s8 =	simm.s32 @!p0 $0x1BF5;
	p2 =	por !p2, p0  }
0x20: {  	[sflag:s8] =	ssyncset.s32 @!p0 $0xFFFFF086;
	s6 =	sadd.s32 @!p0 s3, s7;
	s7 =	simm.s32 @!p0 $0x108  }
0x21: {  	s3 =	sadd.s32 s3, s9;
	s6 =	sadd.s32 @!p0 $0x88, s6;
	s7 =	simm.s32 @p2 $0x1082  }
0x22: {  	[simem:s7], [sflag:s8] =	dma.local @!p0 [hbm:s6], $0xF7A  }
0x23: {  	s9 =	sor.u32 $0xD0000000, s2;
	s6 =	simm.s32 $0x108;
	_ =	swait.ge @!p0 [sflag:s8], $0x0  }
0x24: {  	s3 =	sadd.s32 $0x88, s3;
	s6 =	simm.s32 @!p1 $0x1082;
	[sflag:s4] =	ssyncset.s32 $0xFFFFF086  }
0x25: {  	[simem:s6], [sflag:s4] =	dma.local [hbm:s3], $0xF7A  }
0x26: {  	[smem:$0x3F97] =	sst s1;
	(tag) =	ssettag s2;
	_ =	strace s9  }
0x27: {  	s1 =	sld [smem:$0x3FA7]  }
0x28: {  	s2 =	sld [smem:$0x3FA8]  }
0x29: {  	s4 =	sld [smem:$0x3FAA]  }
0x2a: {  	p0 =	seq.s32 s5, $0x0;
	s5 =	sld [smem:$0x3FAB]  }
0x2b: {  	s6 =	sld [smem:$0x3FAC]  }
0x2c: {  	s7 =	sld [smem:$0x3FAD]  }
0x2d: {  	s3 =	simm.s32 $0x108;
	s8 =	sld [smem:$0x3FAE]  }
0x2e: {  	s3 =	simm.s32 @!p0 $0x1082;
	s9 =	sld [smem:$0x3FAF]  }
0x2f: {  	lr =	sadd.s32 s0, s3;
	s0 =	sld [smem:$0x3FA6]  }
0x30: {  	s3 =	sld [smem:$0x3FA9]  }
0x31: {  	[smem:$0x3FB2] =	sst s10  }
0x32: {  	s10 =	sld [smem:$0x3FB0];
	_ =	sdelay $0x3  }
0x33: {  	p0 =	seq.s32 s10, $0x1;
	s10 =	sld [smem:$0x3FB2];
	_ =	sdelay $0x3  }
0x34: {  	[smem:$0x3FB2] =	sst s10  }
0x35: {  	s10 =	sld [smem:$0x3FB1];
	_ =	sdelay $0x3  }
0x36: {  	p1 =	seq.s32 s10, $0x1;
	s10 =	sld [smem:$0x3FB2];
	_ =	sdelay $0x3  }
0x37: {  	[smem:$0x3FB2] =	sst s10  }
0x38: {  	s10 =	sld [smem:$0x3FB3]  }
0x39: {  	_ = 	snop;
	(pc) =	sbr.ind lr, $3  }
0x3a: {  	_ = 	snop  }
0x3b: {  	_ = 	snop  }
0x3c: {  	p2 =	seq.s32 s10, $0x1;
	s10 =	sld [smem:$0x3FB2]  }
0x3d: {  	_ =	shalt  }
0x3e: {  	_ =	shalt  }
0x3f: {  	_ =	shalt  }
0x40: {  	_ =	shalt  }
0x41: {  	_ =	shalt  }
0x42: {  	_ =	shalt  }
0x43: {  	_ =	shalt  }
0x44: {  	_ =	shalt  }
0x45: {  	_ =	shalt  }
0x46: {  	_ =	shalt  }
0x47: {  	_ =	shalt  }
0x48: {  	_ =	shalt  }
0x49: {  	_ =	shalt  }
0x4a: {  	_ =	shalt  }
0x4b: {  	_ =	shalt  }
0x4c: {  	_ =	shalt  }
0x4d: {  	_ =	shalt  }
0x4e: {  	_ =	shalt  }
0x4f: {  	_ =	shalt  }
0x50: {  	_ =	shalt  }
0x51: {  	_ =	shalt  }
0x52: {  	_ =	shalt  }
0x53: {  	_ =	shalt  }
0x54: {  	_ =	shalt  }
0x55: {  	_ =	shalt  }
0x56: {  	_ =	shalt  }
0x57: {  	_ =	shalt  }
0x58: {  	_ =	shalt  }
0x59: {  	_ =	shalt  }
0x5a: {  	_ =	shalt  }
0x5b: {  	_ =	shalt  }
0x5c: {  	_ =	shalt  }
0x5d: {  	_ =	shalt  }
0x5e: {  	_ =	shalt  }
0x5f: {  	_ =	shalt  }
0x60: {  	_ =	shalt  }
0x61: {  	_ =	shalt  }
0x62: {  	_ =	shalt  }
0x63: {  	_ =	shalt  }
0x64: {  	_ =	shalt  }
0x65: {  	_ =	shalt  }
0x66: {  	_ =	shalt  }
0x67: {  	_ =	shalt  }
0x68: {  	_ =	shalt  }
0x69: {  	_ =	shalt  }
0x6a: {  	_ =	shalt  }
0x6b: {  	_ =	shalt  }
0x6c: {  	_ =	shalt  }
0x6d: {  	_ =	shalt  }
0x6e: {  	_ =	shalt  }
0x6f: {  	_ =	shalt  }
0x70: {  	_ =	shalt  }
0x71: {  	_ =	shalt  }
0x72: {  	_ =	shalt  }
0x73: {  	_ =	shalt  }
0x74: {  	_ =	shalt  }
0x75: {  	_ =	shalt  }
0x76: {  	_ =	shalt  }
0x77: {  	_ =	shalt  }
0x78: {  	_ =	shalt  }
0x79: {  	_ =	shalt  }
0x7a: {  	_ =	shalt  }
0x7b: {  	_ =	shalt  }
0x7c: {  	_ =	shalt  }
0x7d: {  	_ =	shalt  }
0x7e: {  	_ =	shalt  }
0x7f: {  	_ =	shalt  }
0x80: {  	_ =	shalt  }
0x81: {  	_ =	shalt  }
0x82: {  	_ =	shalt  }
0x83: {  	_ =	shalt  }
0x84: {  	_ =	shalt  }
0x85: {  	_ =	shalt  }
0x86: {  	_ =	shalt  }
0x87: {  	_ =	shalt  }
.Lfunc_end0:
.L_simem_size_0:
called_computation.3_lowered:
.L_overlay_start_0:
0x88: {  	s2 =	sld [smem:$0x3FD9]  }
0x89: {  	s3 =	sld [smem:$0x3FFE];
	_ =	sdelay $0x1  }
0x8a: {  	s1 =	srdreg.scid  }
0x8b: {  	s0 =	sand.u32 $0x1, s1  }
0x8c: {  	s17 =	sshll.u32 s0, $0xA;
	s2 =	sadd.s32 s3, s2  }
0x8d: {  	s2 =	sadd.s32 s2, s17  }
0x8e: {  	[smem:$0x3FBE] =	sst s2  }
0x8f: {  	_ = 	snop  }
0x90: {  	(tm) =	ssettm $0x1  }
0x91: {  	s18 =	sld [smem:$0x3FFB];
	_ =	sdelay $0x3  }
0x92: {  	_ =	strace s18  }
0x93: {  	s2 =	sld [smem:$0x3FFC];
	_ =	sdelay $0x3  }
0x94: {  	_ =	strace s2  }
0x95: {  	s2 =	sld [smem:$0x3FFD];
	_ =	sdelay $0x3  }
0x96: {  	_ =	strace s2  }
0x97: {  	_ =	strace $0x8FFFFFFF  }
0x98: {  	s19 =	sld [smem:$0x3FDB];
	_ =	sdelay $0x1  }
0x99: {  	s20 =	simm.s32 $_scs_section_size  }
0x9a: {  	s4 =	simm.s32 $_size__tile_overlayer_lowered;
	s5 =	simm.s32 $_tile_overlayer_lowered  }
0x9b: {  	s6 =	simm.s32 $0x1BFF;
	s21 =	sshll.u32 s5, $0x1;
	s3 =	sadd.s32 s20, s19  }
0x9c: {  	s22 =	simm.s32 $0x0;
	s4 =	sshll.u32 s4, $0x1;
	s5 =	sadd.s32 s21, s3  }
0x9d: {  	[timem:s22], [sflag:s6] =	dma.local [hbm:s5], s4  }
0x9e: {  	_ =	swait.ge [sflag:s6], s4  }
0x9f: {  	s4 =	ssub.s32 $0x0, s4;
	[sflag:s6] =	ssyncset.done $0x0  }
0xa0: {  	[sflag:s6] =	ssyncadd.s32 s4;
	_ =	sdelay $0x1  }
0xa1: {  	s23 =	simm.s32 $0x1B8B  }
0xa2: {  	_ =	swait.ge [sflag:s23], $0x1  }
0xa3: {  	[sflag:s23] =	ssyncset.done $0x0  }
0xa4: {  	[sflag:s23] =	ssyncadd.s32 $0xFFFFFFFF  }
0xa5: {  	s4 =	sld [smem:$0x0]  }
0xa6: {  	s5 =	sand.u32 $0xFFFFFFFE, s1  }
0xa7: {  	p0 =	sne.s32 s1, s5  }
0xa8: {  	s5 =	sshll.u32 @p0 s5, $0xE  }
0xa9: {  	s5 =	sadd.s32 @p0 $0x11B8D, s5;
	s6 =	sshll.u32 @p0 s4, $0x11  }
0xaa: {  	s5 =	sor.u32 @p0 s6, s5  }
0xab: {  	[sflag:s5] =	ssyncadd.remote.s32 @p0 $0x1;
	_ =	sdelay $0x1  }
0xac: {  	s5 =	simm.s32 @p0 $0x1B8D  }
0xad: {  	_ =	swait.eq @p0 [sflag:s5], $0x1  }
0xae: {  	[sflag:s5] =	ssyncadd.s32 @p0 $0xFFFFFFFF  }
0xaf: {  	s6 =	sshll.u32 @!p0 s1, $0xE  }
0xb0: {  	s6 =	sor.u32 @!p0 $0x4000, s6;
	s5 =	simm.s32 @!p0 $0x1B8D  }
0xb1: {  	s4 =	sshll.u32 @!p0 s4, $0x11;
	s6 =	sadd.s32 @!p0 $0x11B8D, s6;
	_ =	swait.eq @!p0 [sflag:s5], $0x1  }
0xb2: {  	s4 =	sor.u32 @!p0 s4, s6;
	[sflag:s5] =	ssyncadd.s32 @!p0 $0xFFFFFFFF  }
0xb3: {  	s25 =	simm.s32 $0x1B8E;
	s24 =	sld [smem:$0x3FFE];
	[sflag:s4] =	ssyncadd.remote.s32 @!p0 $0x1  }
0xb4: {  	s26 =	simm.s32 $execute0_lowered;
	[smem:$0x3FD2] =	sst s25  }
0xb5: {  	s5 =	sshll.u32 s26, $0x1;
	_ =	strace $0x8000004F;
	[dreg:$0x1] =	wrdreg $0xFFFFFFFF  }
0xb6: {  	s28 =	simm.s32 $_size_execute0_lowered;
	s3 =	sadd.s32 s3, s5;
	[dreg:$0x0] =	wrdreg $0x0  }
0xb7: {  	s5 =	sshll.u32 s28, $0x1;
	[dreg:$0x2] =	wrdreg s3  }
0xb8: {  	[dreg:$0x3] =	wrdreg s5  }
0xb9: {  	[dreg:$0x4] =	wrdreg $0xC0  }
0xba: {  	_ =	task [dreg:s22], $0x5FFFF  }
0xbb: {  	[dreg:$0x1] =	wrdreg $0xFFFFFFFF  }
0xbc: {  	[dreg:$0x0] =	wrdreg $0x60  }
0xbd: {  	[dreg:$0x2] =	wrdreg s24  }
0xbe: {  	[dreg:$0x3] =	wrdreg $0xD  }
0xbf: {  	_ =	task.clear_ibuf [dreg:s22], $0x4FFFF;
	_ =	strace $0x9000004F  }
0xc0: {  	s29 =	simm.s32 $0xD;
	_ =	strace $0x80000051  }
0xc1: {  	_ =	swait.ge [sflag:s29], $0x1  }
0xc2: {  	[sflag:s29] =	ssyncadd.s32 $0xFFFFFFFF  }
0xc3: {  	_ =	strace $0x90000051  }
0xc4: {  	_ =	sfence  }
0xc5: {  	s30 =	sld [smem:$0x0];
	_ =	sdelay $0x2  }
0xc6: {  	s31 =	sshll.u32 s1, $0xD;
	s1 =	sshrl.u32 s1, $0x2  }
0xc7: {  	s4 =	sand.u32 $0x4000, s31;
	s1 =	sadd.s32 s1, s30  }
0xc8: {  	s0 =	sor.u32 s4, s0;
	s1 =	sshll.u32 s1, $0x11  }
0xc9: {  	s0 =	sor.u32 s1, s0  }
0xca: {  	s0 =	sadd.s32 $0x8F2B, s0  }
0xcb: {  	[sflag:s0] =	ssyncadd.remote.s32 $0x1  }
0xcc: {  	_ =	sfence.sel $0xFFFF  }
0xcd: {  	[dreg:$0x0] =	wrdreg $0xFFFFFFFF;
	(pc) =	sbr.abs _section_cstart, $3  }
0xce: {  	[dreg:$0x1] =	wrdreg $0xFFFFFFFF  }
0xcf: {  	_ =	task.clear_ibuf [dreg:s22], $0x2FFFF;
	_ =	strace $0x9FFFFFFF  }
0xd0: {  	(tm) =	ssettm $0x7FFFFFFF  }
0xd1: {  	_ =	shalt  }
tec
execute0_lowered:
.L_overlay_start_1:
0x0: {  	(tag) =	ssettag $0x1  }
0x1: {  	s0 =	srdreg.scid;
	s1 =	stileid.u32  }
0x2: {  	s3 =	rddreg [dreg:$0x0];
	s0 =	sand.u32 $0x1, s0;
	s1 =	sshll.u32 s1, $0x1  }
0x3: {  	s2 =	simm.s32 $0x0;
	s1 =	sor.u32 s0, s1;
	s0 =	ssub.s32 $0x2, s0  }
0x4: {  	s7 =	simm.s32 $0x80;
	s4 =	smul.u32 $0x140, s1;
	s6 =	sshrl.u32 s0, $0x1  }
0x5: {  	[smem:$0x7FF] =	sst s2;
	s1 =	smul.u32 $0x1400, s1;
	s0 =	ssub.s32 s0, s6  }
0x6: {  	_ =	strace $0x80000050;
	s4 =	sadd.s32 s4, s3;
	s0 =	smax.u32 s0, $0x1  }
0x7: {  	s1 =	sadd.s32 s1, s3;
	s5 =	sadd.s32 $0x6C00, s4;
	p1 =	sne.s32 s0, $0x1  }
.Ltmp0:
0x8: {  	s31 =	sadd.s32 $0x3B400, s1;
	[dreg:$0x2] =	wrdreg s5;
	(pc) =	sbr.rel @!p1 .LBB2_4-.Ltmp0, $4  }
0x9: {  	p0 =	por $0x0, $0x0;
	s4 =	sadd.s32 $0x4400, s4;
	[dreg:$0x3] =	wrdreg s31  }
0xa: {  	s6 =	sadd.s32 $0x18400, s3;
	s1 =	sadd.s32 $0x63400, s1;
	[dreg:$0x4] =	wrdreg s4  }
0xb: {  	s3 =	simm.s32 $0x2;
	s28 =	sadd.s32 $0xFFFFFFFF, s0;
	[dreg:$0x5] =	wrdreg s1  }
0xc: {  	s4 =	simm.s32 $0xA00;
	s5 =	simm.s32 $0x1;
	s21 =	rddreg [dreg:$0x2]  }
0xd: {  	[tilespmem:s2], [sflag:$0x2] =	stream.linear.gather [hbm4b:s21+s2], $0xA00, $0x38;
	[tilespmem:$0xAA00] =	vst v63  }
0xe: {  	_ =	swait.ge [sflag:s3], $0xA00  }
0xf: {  	[sflag:s3] =	ssyncset.done $0x0  }
0x10: {  	[sflag:s3] =	ssyncadd.s32 $0xFFFFF600  }
0x11: {  	[tilespmem:s4], [sflag:$0x1] =	stream.indirect.gather [hbm4b:s6+s7], $0x10, s2, s7, $0xb8;
	[tilespmem:$0xAA00] =	vst v63  }
0x12: {  	s23 =	simm.s32 $0x1200  }
0x13: {  	[tilespmem:s23], [sflag:$0x1] =	stream.indirect.gather [hbm4b:s6+s7], $0x10, s7, s7, $0xb8;
	[tilespmem:$0xAA00] =	vst v63  }
0x14: {  	s24 =	simm.s32 $0x100;
	s25 =	simm.s32 $0x1A00  }
0x15: {  	[tilespmem:s25], [sflag:$0x1] =	stream.indirect.gather [hbm4b:s6+s7], $0x10, s24, s7, $0xb8;
	[tilespmem:$0xAA00] =	vst v63  }
0x16: {  	s14 =	simm.s32 $0x180;
	s9 =	simm.s32 $0x2200  }
0x17: {  	[tilespmem:s9], [sflag:$0x1] =	stream.indirect.gather [hbm4b:s6+s7], $0x10, s14, s7, $0xb8;
	[tilespmem:$0xAA00] =	vst v63  }
0x18: {  	_ =	swait.ge [sflag:s5], $0x800  }
0x19: {  	[sflag:s5] =	ssyncset.done $0x0  }
0x1a: {  	[sflag:s5] =	ssyncadd.s32 $0xFFFFF800  }
0x1b: {  	_ =	swait.ge [sflag:s5], $0x800  }
0x1c: {  	[sflag:s5] =	ssyncset.done $0x0  }
0x1d: {  	[sflag:s5] =	ssyncadd.s32 $0xFFFFF800  }
0x1e: {  	_ =	swait.ge [sflag:s5], $0x800  }
0x1f: {  	[sflag:s5] =	ssyncset.done $0x0  }
0x20: {  	[sflag:s5] =	ssyncadd.s32 $0xFFFFF800  }
0x21: {  	_ =	swait.ge [sflag:s5], $0x800  }
0x22: {  	[sflag:s5] =	ssyncset.done $0x0  }
0x23: {  	s16 =	simm.s32 $0x200;
	s0 =	simm.s32 $0x2A00;
	[sflag:s5] =	ssyncadd.s32 $0xFFFFF800  }
0x24: {  	[tilespmem:s0], [sflag:$0x1] =	stream.indirect.gather [hbm4b:s6+s7], $0x10, s16, s7, $0xb8;
	[tilespmem:$0xAA00] =	vst v63  }
0x25: {  	s8 =	simm.s32 $0x280;
	s17 =	simm.s32 $0x3200  }
0x26: {  	[tilespmem:s17], [sflag:$0x1] =	stream.indirect.gather [hbm4b:s6+s7], $0x10, s8, s7, $0xb8;
	[tilespmem:$0xAA00] =	vst v63  }
0x27: {  	s10 =	simm.s32 $0x300;
	s15 =	simm.s32 $0x3A00  }
0x28: {  	[tilespmem:s15], [sflag:$0x1] =	stream.indirect.gather [hbm4b:s6+s7], $0x10, s10, s7, $0xb8;
	[tilespmem:$0xAA00] =	vst v63  }
0x29: {  	s18 =	simm.s32 $0x380;
	s11 =	simm.s32 $0x4200  }
0x2a: {  	[tilespmem:s11], [sflag:$0x1] =	stream.indirect.gather [hbm4b:s6+s7], $0x10, s18, s7, $0xb8;
	[tilespmem:$0xAA00] =	vst v63  }
0x2b: {  	_ =	swait.ge [sflag:s5], $0x800  }
0x2c: {  	[sflag:s5] =	ssyncset.done $0x0  }
0x2d: {  	[sflag:s5] =	ssyncadd.s32 $0xFFFFF800  }
0x2e: {  	_ =	swait.ge [sflag:s5], $0x800  }
0x2f: {  	[sflag:s5] =	ssyncset.done $0x0  }
0x30: {  	[sflag:s5] =	ssyncadd.s32 $0xFFFFF800  }
0x31: {  	_ =	swait.ge [sflag:s5], $0x800  }
0x32: {  	[sflag:s5] =	ssyncset.done $0x0  }
0x33: {  	[sflag:s5] =	ssyncadd.s32 $0xFFFFF800  }
0x34: {  	_ =	swait.ge [sflag:s5], $0x800  }
0x35: {  	[sflag:s5] =	ssyncset.done $0x0  }
0x36: {  	s1 =	simm.s32 $0x400;
	s31 =	simm.s32 $0x4A00;
	[sflag:s5] =	ssyncadd.s32 $0xFFFFF800  }
0x37: {  	[tilespmem:s31], [sflag:$0x1] =	stream.indirect.gather [hbm4b:s6+s7], $0x10, s1, s7, $0xb8;
	[tilespmem:$0xAA00] =	vst v63  }
0x38: {  	s26 =	simm.s32 $0x480;
	s22 =	simm.s32 $0x5200  }
0x39: {  	[tilespmem:s22], [sflag:$0x1] =	stream.indirect.gather [hbm4b:s6+s7], $0x10, s26, s7, $0xb8;
	[tilespmem:$0xAA00] =	vst v63  }
0x3a: {  	s29 =	simm.s32 $0x500;
	s12 =	simm.s32 $0x5A00  }
0x3b: {  	[tilespmem:s12], [sflag:$0x1] =	stream.indirect.gather [hbm4b:s6+s7], $0x10, s29, s7, $0xb8;
	[tilespmem:$0xAA00] =	vst v63  }
0x3c: {  	s13 =	simm.s32 $0x580;
	s30 =	simm.s32 $0x6200  }
0x3d: {  	[tilespmem:s30], [sflag:$0x1] =	stream.indirect.gather [hbm4b:s6+s7], $0x10, s13, s7, $0xb8;
	[tilespmem:$0xAA00] =	vst v63  }
0x3e: {  	_ =	swait.ge [sflag:s5], $0x800  }
0x3f: {  	[sflag:s5] =	ssyncset.done $0x0  }
0x40: {  	[sflag:s5] =	ssyncadd.s32 $0xFFFFF800  }
0x41: {  	_ =	swait.ge [sflag:s5], $0x800  }
0x42: {  	[sflag:s5] =	ssyncset.done $0x0  }
0x43: {  	[sflag:s5] =	ssyncadd.s32 $0xFFFFF800  }
0x44: {  	_ =	swait.ge [sflag:s5], $0x800  }
0x45: {  	[sflag:s5] =	ssyncset.done $0x0  }
0x46: {  	[sflag:s5] =	ssyncadd.s32 $0xFFFFF800  }
0x47: {  	_ =	swait.ge [sflag:s5], $0x800  }
0x48: {  	[sflag:s5] =	ssyncset.done $0x0  }
0x49: {  	s21 =	simm.s32 $0x600;
	s1 =	simm.s32 $0x6A00;
	[sflag:s5] =	ssyncadd.s32 $0xFFFFF800  }
0x4a: {  	[tilespmem:s1], [sflag:$0x1] =	stream.indirect.gather [hbm4b:s6+s7], $0x10, s21, s7, $0xb8;
	[tilespmem:$0xAA00] =	vst v63  }
0x4b: {  	s19 =	simm.s32 $0x680;
	s20 =	simm.s32 $0x7200  }
0x4c: {  	[tilespmem:s20], [sflag:$0x1] =	stream.indirect.gather [hbm4b:s6+s7], $0x10, s19, s7, $0xb8;
	[tilespmem:$0xAA00] =	vst v63  }
0x4d: {  	s21 =	simm.s32 $0x700;
	s1 =	simm.s32 $0x7A00  }
0x4e: {  	[tilespmem:s1], [sflag:$0x1] =	stream.indirect.gather [hbm4b:s6+s7], $0x10, s21, s7, $0xb8;
	[tilespmem:$0xAA00] =	vst v63  }
0x4f: {  	s19 =	simm.s32 $0x780;
	s20 =	simm.s32 $0x8200  }
0x50: {  	[tilespmem:s20], [sflag:$0x1] =	stream.indirect.gather [hbm4b:s6+s7], $0x10, s19, s7, $0xb8;
	[tilespmem:$0xAA00] =	vst v63  }
0x51: {  	_ =	swait.ge [sflag:s5], $0x800  }
0x52: {  	[sflag:s5] =	ssyncset.done $0x0  }
0x53: {  	[sflag:s5] =	ssyncadd.s32 $0xFFFFF800  }
0x54: {  	_ =	swait.ge [sflag:s5], $0x800  }
0x55: {  	[sflag:s5] =	ssyncset.done $0x0  }
0x56: {  	[sflag:s5] =	ssyncadd.s32 $0xFFFFF800  }
0x57: {  	_ =	swait.ge [sflag:s5], $0x800  }
0x58: {  	[sflag:s5] =	ssyncset.done $0x0  }
0x59: {  	[sflag:s5] =	ssyncadd.s32 $0xFFFFF800  }
0x5a: {  	_ =	swait.ge [sflag:s5], $0x800  }
0x5b: {  	[sflag:s5] =	ssyncset.done $0x0  }
0x5c: {  	s4 =	simm.s32 $0x8A00;
	s21 =	simm.s32 $0x800;
	[sflag:s5] =	ssyncadd.s32 $0xFFFFF800  }
0x5d: {  	[tilespmem:s4], [sflag:$0x1] =	stream.indirect.gather [hbm4b:s6+s7], $0x10, s21, s7, $0xb8;
	[tilespmem:$0xAA00] =	vst v63  }
0x5e: {  	s1 =	simm.s32 $0x9200;
	s19 =	simm.s32 $0x880  }
0x5f: {  	[tilespmem:s1], [sflag:$0x1] =	stream.indirect.gather [hbm4b:s6+s7], $0x10, s19, s7, $0xb8;
	[tilespmem:$0xAA00] =	vst v63  }
0x60: {  	s21 =	simm.s32 $0x9A00;
	s1 =	simm.s32 $0x900  }
0x61: {  	[tilespmem:s21], [sflag:$0x1] =	stream.indirect.gather [hbm4b:s6+s7], $0x10, s1, s7, $0xb8;
	[tilespmem:$0xAA00] =	vst v63  }
0x62: {  	s1 =	simm.s32 $0x980;
	s21 =	simm.s32 $0xA200  }
0x63: {  	[tilespmem:s21], [sflag:$0x1] =	stream.indirect.gather [hbm4b:s6+s7], $0x10, s1, s7, $0xb8;
	[tilespmem:$0xAA00] =	vst v63  }
0x64: {  	_ =	swait.ge [sflag:s5], $0x800  }
0x65: {  	[sflag:s5] =	ssyncset.done $0x0  }
0x66: {  	[sflag:s5] =	ssyncadd.s32 $0xFFFFF800  }
0x67: {  	_ =	swait.ge [sflag:s5], $0x800  }
0x68: {  	[sflag:s5] =	ssyncset.done $0x0  }
0x69: {  	[sflag:s5] =	ssyncadd.s32 $0xFFFFF800  }
0x6a: {  	_ =	swait.ge [sflag:s5], $0x800  }
0x6b: {  	[sflag:s5] =	ssyncset.done $0x0  }
0x6c: {  	[sflag:s5] =	ssyncadd.s32 $0xFFFFF800  }
0x6d: {  	_ =	swait.ge [sflag:s5], $0x800  }
0x6e: {  	s2 =	simm.s32 $0xA00;
	[sflag:s5] =	ssyncset.done $0x0  }
0x6f: {  	s20 =	simm.s32 $0x0;
	s21 =	rddreg [dreg:$0x3];
	[sflag:s5] =	ssyncadd.s32 $0xFFFFF800  }
0x70: {  	[hbm4b:s21+s20] =	stream.linear.scatter [tilespmem:s2], [sflag:$0x2], $0xA000, $0x38;
	[tilespmem:$0xAA00] =	vst v63  }
0x71: {  	_ =	swait.ge [sflag:s3], $0xA000  }
0x72: {  	[sflag:s3] =	ssyncset.done $0x0  }
0x73: {  	s21 =	rddreg [dreg:$0x4];
	[sflag:s3] =	ssyncadd.s32 $0xFFFF6000  }
0x74: {  	[tilespmem:s20], [sflag:$0x2] =	stream.linear.gather [hbm4b:s21+s20], $0xA00, $0x38;
	[tilespmem:$0xAA00] =	vst v63  }
0x75: {  	_ =	swait.ge [sflag:s3], $0xA00  }
0x76: {  	[sflag:s3] =	ssyncset.done $0x0  }
0x77: {  	[sflag:s3] =	ssyncadd.s32 $0xFFFFF600  }
0x78: {  	[tilespmem:s2], [sflag:$0x1] =	stream.indirect.gather [hbm4b:s6+s7], $0x10, s20, s7, $0xb8;
	[tilespmem:$0xAA00] =	vst v63  }
0x79: {  	_ = 	snop  }
0x7a: {  	[tilespmem:s23], [sflag:$0x1] =	stream.indirect.gather [hbm4b:s6+s7], $0x10, s7, s7, $0xb8;
	[tilespmem:$0xAA00] =	vst v63  }
0x7b: {  	_ = 	snop  }
0x7c: {  	[tilespmem:s25], [sflag:$0x1] =	stream.indirect.gather [hbm4b:s6+s7], $0x10, s24, s7, $0xb8;
	[tilespmem:$0xAA00] =	vst v63  }
0x7d: {  	_ = 	snop  }
0x7e: {  	[tilespmem:s9], [sflag:$0x1] =	stream.indirect.gather [hbm4b:s6+s7], $0x10, s14, s7, $0xb8;
	[tilespmem:$0xAA00] =	vst v63  }
0x7f: {  	_ =	swait.ge [sflag:s5], $0x800  }
0x80: {  	[sflag:s5] =	ssyncset.done $0x0  }
0x81: {  	[sflag:s5] =	ssyncadd.s32 $0xFFFFF800  }
0x82: {  	_ =	swait.ge [sflag:s5], $0x800  }
0x83: {  	[sflag:s5] =	ssyncset.done $0x0  }
0x84: {  	[sflag:s5] =	ssyncadd.s32 $0xFFFFF800  }
0x85: {  	_ =	swait.ge [sflag:s5], $0x800  }
0x86: {  	[sflag:s5] =	ssyncset.done $0x0  }
0x87: {  	[sflag:s5] =	ssyncadd.s32 $0xFFFFF800  }
0x88: {  	_ =	swait.ge [sflag:s5], $0x800  }
0x89: {  	[sflag:s5] =	ssyncset.done $0x0  }
0x8a: {  	[sflag:s5] =	ssyncadd.s32 $0xFFFFF800  }
0x8b: {  	[tilespmem:s0], [sflag:$0x1] =	stream.indirect.gather [hbm4b:s6+s7], $0x10, s16, s7, $0xb8;
	[tilespmem:$0xAA00] =	vst v63  }
0x8c: {  	_ = 	snop  }
0x8d: {  	[tilespmem:s17], [sflag:$0x1] =	stream.indirect.gather [hbm4b:s6+s7], $0x10, s8, s7, $0xb8;
	[tilespmem:$0xAA00] =	vst v63  }
0x8e: {  	_ = 	snop  }
0x8f: {  	[tilespmem:s15], [sflag:$0x1] =	stream.indirect.gather [hbm4b:s6+s7], $0x10, s10, s7, $0xb8;
	[tilespmem:$0xAA00] =	vst v63  }
0x90: {  	_ = 	snop  }
0x91: {  	[tilespmem:s11], [sflag:$0x1] =	stream.indirect.gather [hbm4b:s6+s7], $0x10, s18, s7, $0xb8;
	[tilespmem:$0xAA00] =	vst v63  }
0x92: {  	_ =	swait.ge [sflag:s5], $0x800  }
0x93: {  	[sflag:s5] =	ssyncset.done $0x0  }
0x94: {  	[sflag:s5] =	ssyncadd.s32 $0xFFFFF800  }
0x95: {  	_ =	swait.ge [sflag:s5], $0x800  }
0x96: {  	[sflag:s5] =	ssyncset.done $0x0  }
0x97: {  	[sflag:s5] =	ssyncadd.s32 $0xFFFFF800  }
0x98: {  	_ =	swait.ge [sflag:s5], $0x800  }
0x99: {  	[sflag:s5] =	ssyncset.done $0x0  }
0x9a: {  	[sflag:s5] =	ssyncadd.s32 $0xFFFFF800  }
0x9b: {  	_ =	swait.ge [sflag:s5], $0x800  }
0x9c: {  	[sflag:s5] =	ssyncset.done $0x0  }
0x9d: {  	s14 =	simm.s32 $0x400;
	[sflag:s5] =	ssyncadd.s32 $0xFFFFF800  }
0x9e: {  	[tilespmem:s31], [sflag:$0x1] =	stream.indirect.gather [hbm4b:s6+s7], $0x10, s14, s7, $0xb8;
	[tilespmem:$0xAA00] =	vst v63  }
0x9f: {  	_ = 	snop  }
0xa0: {  	[tilespmem:s22], [sflag:$0x1] =	stream.indirect.gather [hbm4b:s6+s7], $0x10, s26, s7, $0xb8;
	[tilespmem:$0xAA00] =	vst v63  }
0xa1: {  	_ = 	snop  }
0xa2: {  	[tilespmem:s12], [sflag:$0x1] =	stream.indirect.gather [hbm4b:s6+s7], $0x10, s29, s7, $0xb8;
	[tilespmem:$0xAA00] =	vst v63  }
0xa3: {  	_ = 	snop  }
0xa4: {  	[tilespmem:s30], [sflag:$0x1] =	stream.indirect.gather [hbm4b:s6+s7], $0x10, s13, s7, $0xb8;
	[tilespmem:$0xAA00] =	vst v63  }
0xa5: {  	_ =	swait.ge [sflag:s5], $0x800  }
0xa6: {  	[sflag:s5] =	ssyncset.done $0x0  }
0xa7: {  	[sflag:s5] =	ssyncadd.s32 $0xFFFFF800  }
0xa8: {  	_ =	swait.ge [sflag:s5], $0x800  }
0xa9: {  	[sflag:s5] =	ssyncset.done $0x0  }
0xaa: {  	[sflag:s5] =	ssyncadd.s32 $0xFFFFF800  }
0xab: {  	_ =	swait.ge [sflag:s5], $0x800  }
0xac: {  	[sflag:s5] =	ssyncset.done $0x0  }
0xad: {  	[sflag:s5] =	ssyncadd.s32 $0xFFFFF800  }
0xae: {  	_ =	swait.ge [sflag:s5], $0x800  }
0xaf: {  	[sflag:s5] =	ssyncset.done $0x0  }
0xb0: {  	s16 =	simm.s32 $0x6A00;
	s15 =	simm.s32 $0x600;
	[sflag:s5] =	ssyncadd.s32 $0xFFFFF800  }
0xb1: {  	[tilespmem:s16], [sflag:$0x1] =	stream.indirect.gather [hbm4b:s6+s7], $0x10, s15, s7, $0xb8;
	[tilespmem:$0xAA00] =	vst v63  }
0xb2: {  	s17 =	simm.s32 $0x680;
	s18 =	simm.s32 $0x7200  }
0xb3: {  	[tilespmem:s18], [sflag:$0x1] =	stream.indirect.gather [hbm4b:s6+s7], $0x10, s17, s7, $0xb8;
	[tilespmem:$0xAA00] =	vst v63  }
0xb4: {  	s21 =	simm.s32 $0x7A00;
	s20 =	simm.s32 $0x700  }
0xb5: {  	[tilespmem:s21], [sflag:$0x1] =	stream.indirect.gather [hbm4b:s6+s7], $0x10, s20, s7, $0xb8;
	[tilespmem:$0xAA00] =	vst v63  }
0xb6: {  	s23 =	simm.s32 $0x8200;
	s22 =	simm.s32 $0x780  }
0xb7: {  	[tilespmem:s23], [sflag:$0x1] =	stream.indirect.gather [hbm4b:s6+s7], $0x10, s22, s7, $0xb8;
	[tilespmem:$0xAA00] =	vst v63  }
0xb8: {  	_ =	swait.ge [sflag:s5], $0x800  }
0xb9: {  	[sflag:s5] =	ssyncset.done $0x0  }
0xba: {  	[sflag:s5] =	ssyncadd.s32 $0xFFFFF800  }
0xbb: {  	_ =	swait.ge [sflag:s5], $0x800  }
0xbc: {  	[sflag:s5] =	ssyncset.done $0x0  }
0xbd: {  	[sflag:s5] =	ssyncadd.s32 $0xFFFFF800  }
0xbe: {  	_ =	swait.ge [sflag:s5], $0x800  }
0xbf: {  	[sflag:s5] =	ssyncset.done $0x0  }
0xc0: {  	[sflag:s5] =	ssyncadd.s32 $0xFFFFF800  }
0xc1: {  	_ =	swait.ge [sflag:s5], $0x800  }
0xc2: {  	[sflag:s5] =	ssyncset.done $0x0  }
0xc3: {  	s24 =	simm.s32 $0x800;
	[sflag:s5] =	ssyncadd.s32 $0xFFFFF800  }
0xc4: {  	[tilespmem:s4], [sflag:$0x1] =	stream.indirect.gather [hbm4b:s6+s7], $0x10, s24, s7, $0xb8;
	[tilespmem:$0xAA00] =	vst v63  }
0xc5: {  	s25 =	simm.s32 $0x9200  }
0xc6: {  	[tilespmem:s25], [sflag:$0x1] =	stream.indirect.gather [hbm4b:s6+s7], $0x10, s19, s7, $0xb8;
	[tilespmem:$0xAA00] =	vst v63  }
0xc7: {  	s26 =	simm.s32 $0x9A00;
	s29 =	simm.s32 $0x900  }
0xc8: {  	[tilespmem:s26], [sflag:$0x1] =	stream.indirect.gather [hbm4b:s6+s7], $0x10, s29, s7, $0xb8;
	[tilespmem:$0xAA00] =	vst v63  }
0xc9: {  	s1 =	simm.s32 $0xA200;
	s30 =	simm.s32 $0x980  }
0xca: {  	[tilespmem:s1], [sflag:$0x1] =	stream.indirect.gather [hbm4b:s6+s7], $0x10, s30, s7, $0xb8;
	[tilespmem:$0xAA00] =	vst v63  }
0xcb: {  	_ =	swait.ge [sflag:s5], $0x800  }
0xcc: {  	[sflag:s5] =	ssyncset.done $0x0  }
0xcd: {  	[sflag:s5] =	ssyncadd.s32 $0xFFFFF800  }
0xce: {  	_ =	swait.ge [sflag:s5], $0x800  }
0xcf: {  	[sflag:s5] =	ssyncset.done $0x0  }
0xd0: {  	[sflag:s5] =	ssyncadd.s32 $0xFFFFF800  }
0xd1: {  	_ =	swait.ge [sflag:s5], $0x800  }
0xd2: {  	[sflag:s5] =	ssyncset.done $0x0  }
0xd3: {  	[sflag:s5] =	ssyncadd.s32 $0xFFFFF800  }
0xd4: {  	p1 =	sne.s32 s28, $0x1;
	_ =	swait.ge [sflag:s5], $0x800  }
.Ltmp1:
0xd5: {  	s2 =	simm.s32 $0x0;
	[sflag:s5] =	ssyncset.done $0x0;
	(pc) =	sbr.rel @!p1 .LBB2_4-.Ltmp1, $4  }
0xd6: {  	s4 =	simm.s32 $0xA00;
	s31 =	rddreg [dreg:$0x5];
	[sflag:s5] =	ssyncadd.s32 $0xFFFFF800  }
0xd7: {  	[hbm4b:s31+s2] =	stream.linear.scatter [tilespmem:s4], [sflag:$0x2], $0xA000, $0x38;
	[tilespmem:$0xAA00] =	vst v63  }
0xd8: {  	p0 =	por $0x1, $0x1;
	_ =	swait.ge [sflag:s3], $0xA000  }
0xd9: {  	s20 =	sadd.s32 $0xFFFFFFFF, s28;
	s21 =	rddreg [dreg:$0x2];
	[sflag:s3] =	ssyncset.done $0x0  }
0xda: {  	s23 =	simm.s32 $0x1200;
	s24 =	simm.s32 $0x100  }
0xdb: {  	s25 =	simm.s32 $0x1A00;
	s14 =	simm.s32 $0x180;
	s9 =	simm.s32 $0x2200  }
0xdc: {  	s10 =	simm.s32 $0x2A00;
	s17 =	simm.s32 $0x3200;
	s15 =	simm.s32 $0x3A00  }
0xdd: {  	s11 =	simm.s32 $0x4200;
	s31 =	simm.s32 $0x4A00;
	s22 =	simm.s32 $0x5200  }
0xde: {  	s29 =	simm.s32 $0x500;
	s12 =	simm.s32 $0x5A00;
	s30 =	simm.s32 $0x6200  }
0xdf: {  	s28 =	simm.s32 $0x600;
	s19 =	simm.s32 $0x6A00;
	s8 =	simm.s32 $0x7A00  }
0xe0: {  	s13 =	simm.s32 $0x8200;
	s1 =	simm.s32 $0x8A00;
	s26 =	simm.s32 $0xA200  }
.LBB2_3:
0xe1: {  	[sflag:s3] =	ssyncadd.s32 $0xFFFF6000  }
0xe2: {  	[tilespmem:s2], [sflag:$0x2] =	stream.linear.gather [hbm4b:s21+s2], $0xA00, $0x38;
	[tilespmem:$0xAA00] =	vst v63  }
0xe3: {  	_ =	swait.ge [sflag:s3], $0xA00  }
0xe4: {  	[sflag:s3] =	ssyncset.done $0x0  }
0xe5: {  	[sflag:s3] =	ssyncadd.s32 $0xFFFFF600  }
0xe6: {  	[tilespmem:s4], [sflag:$0x1] =	stream.indirect.gather [hbm4b:s6+s7], $0x10, s2, s7, $0xb8;
	[tilespmem:$0xAA00] =	vst v63  }
0xe7: {  	_ = 	snop  }
0xe8: {  	[tilespmem:s23], [sflag:$0x1] =	stream.indirect.gather [hbm4b:s6+s7], $0x10, s7, s7, $0xb8;
	[tilespmem:$0xAA00] =	vst v63  }
0xe9: {  	_ = 	snop  }
0xea: {  	[tilespmem:s25], [sflag:$0x1] =	stream.indirect.gather [hbm4b:s6+s7], $0x10, s24, s7, $0xb8;
	[tilespmem:$0xAA00] =	vst v63  }
0xeb: {  	_ = 	snop  }
0xec: {  	[tilespmem:s9], [sflag:$0x1] =	stream.indirect.gather [hbm4b:s6+s7], $0x10, s14, s7, $0xb8;
	[tilespmem:$0xAA00] =	vst v63  }
0xed: {  	_ =	swait.ge [sflag:s5], $0x800  }
0xee: {  	[sflag:s5] =	ssyncset.done $0x0  }
0xef: {  	[sflag:s5] =	ssyncadd.s32 $0xFFFFF800  }
0xf0: {  	_ =	swait.ge [sflag:s5], $0x800  }
0xf1: {  	[sflag:s5] =	ssyncset.done $0x0  }
0xf2: {  	[sflag:s5] =	ssyncadd.s32 $0xFFFFF800  }
0xf3: {  	_ =	swait.ge [sflag:s5], $0x800  }
0xf4: {  	[sflag:s5] =	ssyncset.done $0x0  }
0xf5: {  	[sflag:s5] =	ssyncadd.s32 $0xFFFFF800  }
0xf6: {  	_ =	swait.ge [sflag:s5], $0x800  }
0xf7: {  	[sflag:s5] =	ssyncset.done $0x0  }
0xf8: {  	s0 =	simm.s32 $0x200;
	[sflag:s5] =	ssyncadd.s32 $0xFFFFF800  }
0xf9: {  	[tilespmem:s10], [sflag:$0x1] =	stream.indirect.gather [hbm4b:s6+s7], $0x10, s0, s7, $0xb8;
	[tilespmem:$0xAA00] =	vst v63  }
0xfa: {  	s21 =	simm.s32 $0x280  }
0xfb: {  	[tilespmem:s17], [sflag:$0x1] =	stream.indirect.gather [hbm4b:s6+s7], $0x10, s21, s7, $0xb8;
	[tilespmem:$0xAA00] =	vst v63  }
0xfc: {  	s2 =	simm.s32 $0x300  }
0xfd: {  	[tilespmem:s15], [sflag:$0x1] =	stream.indirect.gather [hbm4b:s6+s7], $0x10, s2, s7, $0xb8;
	[tilespmem:$0xAA00] =	vst v63  }
0xfe: {  	s4 =	simm.s32 $0x380  }
0xff: {  	[tilespmem:s11], [sflag:$0x1] =	stream.indirect.gather [hbm4b:s6+s7], $0x10, s4, s7, $0xb8;
	[tilespmem:$0xAA00] =	vst v63  }
0x100: {  	_ =	swait.ge [sflag:s5], $0x800  }
0x101: {  	[sflag:s5] =	ssyncset.done $0x0  }
0x102: {  	[sflag:s5] =	ssyncadd.s32 $0xFFFFF800  }
0x103: {  	_ =	swait.ge [sflag:s5], $0x800  }
0x104: {  	[sflag:s5] =	ssyncset.done $0x0  }
0x105: {  	[sflag:s5] =	ssyncadd.s32 $0xFFFFF800  }
0x106: {  	_ =	swait.ge [sflag:s5], $0x800  }
0x107: {  	[sflag:s5] =	ssyncset.done $0x0  }
0x108: {  	[sflag:s5] =	ssyncadd.s32 $0xFFFFF800  }
0x109: {  	_ =	swait.ge [sflag:s5], $0x800  }
0x10a: {  	[sflag:s5] =	ssyncset.done $0x0  }
0x10b: {  	s16 =	simm.s32 $0x400;
	[sflag:s5] =	ssyncadd.s32 $0xFFFFF800  }
0x10c: {  	[tilespmem:s31], [sflag:$0x1] =	stream.indirect.gather [hbm4b:s6+s7], $0x10, s16, s7, $0xb8;
	[tilespmem:$0xAA00] =	vst v63  }
0x10d: {  	s18 =	simm.s32 $0x480  }
0x10e: {  	[tilespmem:s22], [sflag:$0x1] =	stream.indirect.gather [hbm4b:s6+s7], $0x10, s18, s7, $0xb8;
	[tilespmem:$0xAA00] =	vst v63  }
0x10f: {  	_ = 	snop  }
0x110: {  	[tilespmem:s12], [sflag:$0x1] =	stream.indirect.gather [hbm4b:s6+s7], $0x10, s29, s7, $0xb8;
	[tilespmem:$0xAA00] =	vst v63  }
0x111: {  	s21 =	simm.s32 $0x580  }
0x112: {  	[tilespmem:s30], [sflag:$0x1] =	stream.indirect.gather [hbm4b:s6+s7], $0x10, s21, s7, $0xb8;
	[tilespmem:$0xAA00] =	vst v63  }
0x113: {  	_ =	swait.ge [sflag:s5], $0x800  }
0x114: {  	[sflag:s5] =	ssyncset.done $0x0  }
0x115: {  	[sflag:s5] =	ssyncadd.s32 $0xFFFFF800  }
0x116: {  	_ =	swait.ge [sflag:s5], $0x800  }
0x117: {  	[sflag:s5] =	ssyncset.done $0x0  }
0x118: {  	[sflag:s5] =	ssyncadd.s32 $0xFFFFF800  }
0x119: {  	_ =	swait.ge [sflag:s5], $0x800  }
0x11a: {  	[sflag:s5] =	ssyncset.done $0x0  }
0x11b: {  	[sflag:s5] =	ssyncadd.s32 $0xFFFFF800  }
0x11c: {  	_ =	swait.ge [sflag:s5], $0x800  }
0x11d: {  	[sflag:s5] =	ssyncset.done $0x0  }
0x11e: {  	[sflag:s5] =	ssyncadd.s32 $0xFFFFF800  }
0x11f: {  	[tilespmem:s19], [sflag:$0x1] =	stream.indirect.gather [hbm4b:s6+s7], $0x10, s28, s7, $0xb8;
	[tilespmem:$0xAA00] =	vst v63  }
0x120: {  	s2 =	simm.s32 $0x680;
	s4 =	simm.s32 $0x7200  }
0x121: {  	[tilespmem:s4], [sflag:$0x1] =	stream.indirect.gather [hbm4b:s6+s7], $0x10, s2, s7, $0xb8;
	[tilespmem:$0xAA00] =	vst v63  }
0x122: {  	s16 =	simm.s32 $0x700  }
0x123: {  	[tilespmem:s8], [sflag:$0x1] =	stream.indirect.gather [hbm4b:s6+s7], $0x10, s16, s7, $0xb8;
	[tilespmem:$0xAA00] =	vst v63  }
0x124: {  	s18 =	simm.s32 $0x780  }
0x125: {  	[tilespmem:s13], [sflag:$0x1] =	stream.indirect.gather [hbm4b:s6+s7], $0x10, s18, s7, $0xb8;
	[tilespmem:$0xAA00] =	vst v63  }
0x126: {  	_ =	swait.ge [sflag:s5], $0x800  }
0x127: {  	[sflag:s5] =	ssyncset.done $0x0  }
0x128: {  	[sflag:s5] =	ssyncadd.s32 $0xFFFFF800  }
0x129: {  	_ =	swait.ge [sflag:s5], $0x800  }
0x12a: {  	[sflag:s5] =	ssyncset.done $0x0  }
0x12b: {  	[sflag:s5] =	ssyncadd.s32 $0xFFFFF800  }
0x12c: {  	_ =	swait.ge [sflag:s5], $0x800  }
0x12d: {  	[sflag:s5] =	ssyncset.done $0x0  }
0x12e: {  	[sflag:s5] =	ssyncadd.s32 $0xFFFFF800  }
0x12f: {  	_ =	swait.ge [sflag:s5], $0x800  }
0x130: {  	[sflag:s5] =	ssyncset.done $0x0  }
0x131: {  	s16 =	simm.s32 $0x800;
	[sflag:s5] =	ssyncadd.s32 $0xFFFFF800  }
0x132: {  	[tilespmem:s1], [sflag:$0x1] =	stream.indirect.gather [hbm4b:s6+s7], $0x10, s16, s7, $0xb8;
	[tilespmem:$0xAA00] =	vst v63  }
0x133: {  	s18 =	simm.s32 $0x880;
	s16 =	simm.s32 $0x9200  }
0x134: {  	[tilespmem:s16], [sflag:$0x1] =	stream.indirect.gather [hbm4b:s6+s7], $0x10, s18, s7, $0xb8;
	[tilespmem:$0xAA00] =	vst v63  }
0x135: {  	s21 =	simm.s32 $0x900;
	s18 =	simm.s32 $0x9A00  }
0x136: {  	[tilespmem:s18], [sflag:$0x1] =	stream.indirect.gather [hbm4b:s6+s7], $0x10, s21, s7, $0xb8;
	[tilespmem:$0xAA00] =	vst v63  }
0x137: {  	s21 =	simm.s32 $0x980  }
0x138: {  	[tilespmem:s26], [sflag:$0x1] =	stream.indirect.gather [hbm4b:s6+s7], $0x10, s21, s7, $0xb8;
	[tilespmem:$0xAA00] =	vst v63  }
0x139: {  	_ =	swait.ge [sflag:s5], $0x800  }
0x13a: {  	[sflag:s5] =	ssyncset.done $0x0  }
0x13b: {  	[sflag:s5] =	ssyncadd.s32 $0xFFFFF800  }
0x13c: {  	_ =	swait.ge [sflag:s5], $0x800  }
0x13d: {  	[sflag:s5] =	ssyncset.done $0x0  }
0x13e: {  	[sflag:s5] =	ssyncadd.s32 $0xFFFFF800  }
0x13f: {  	_ =	swait.ge [sflag:s5], $0x800  }
0x140: {  	[sflag:s5] =	ssyncset.done $0x0  }
0x141: {  	[sflag:s5] =	ssyncadd.s32 $0xFFFFF800  }
0x142: {  	_ =	swait.ge [sflag:s5], $0x800  }
0x143: {  	s0 =	simm.s32 $0x0;
	[sflag:s5] =	ssyncset.done $0x0  }
0x144: {  	s2 =	simm.s32 $0xA00;
	s21 =	rddreg [dreg:$0x3];
	[sflag:s5] =	ssyncadd.s32 $0xFFFFF800  }
0x145: {  	[hbm4b:s21+s0] =	stream.linear.scatter [tilespmem:s2], [sflag:$0x2], $0xA000, $0x38;
	[tilespmem:$0xAA00] =	vst v63  }
0x146: {  	_ =	swait.ge [sflag:s3], $0xA000  }
0x147: {  	[sflag:s3] =	ssyncset.done $0x0  }
0x148: {  	s21 =	rddreg [dreg:$0x4];
	[sflag:s3] =	ssyncadd.s32 $0xFFFF6000  }
0x149: {  	[tilespmem:s0], [sflag:$0x2] =	stream.linear.gather [hbm4b:s21+s0], $0xA00, $0x38;
	[tilespmem:$0xAA00] =	vst v63  }
0x14a: {  	_ =	swait.ge [sflag:s3], $0xA00  }
0x14b: {  	[sflag:s3] =	ssyncset.done $0x0  }
0x14c: {  	[sflag:s3] =	ssyncadd.s32 $0xFFFFF600  }
0x14d: {  	[tilespmem:s2], [sflag:$0x1] =	stream.indirect.gather [hbm4b:s6+s7], $0x10, s0, s7, $0xb8;
	[tilespmem:$0xAA00] =	vst v63  }
0x14e: {  	_ = 	snop  }
0x14f: {  	[tilespmem:s23], [sflag:$0x1] =	stream.indirect.gather [hbm4b:s6+s7], $0x10, s7, s7, $0xb8;
	[tilespmem:$0xAA00] =	vst v63  }
0x150: {  	_ = 	snop  }
0x151: {  	[tilespmem:s25], [sflag:$0x1] =	stream.indirect.gather [hbm4b:s6+s7], $0x10, s24, s7, $0xb8;
	[tilespmem:$0xAA00] =	vst v63  }
0x152: {  	_ = 	snop  }
0x153: {  	[tilespmem:s9], [sflag:$0x1] =	stream.indirect.gather [hbm4b:s6+s7], $0x10, s14, s7, $0xb8;
	[tilespmem:$0xAA00] =	vst v63  }
0x154: {  	_ =	swait.ge [sflag:s5], $0x800  }
0x155: {  	[sflag:s5] =	ssyncset.done $0x0  }
0x156: {  	[sflag:s5] =	ssyncadd.s32 $0xFFFFF800  }
0x157: {  	_ =	swait.ge [sflag:s5], $0x800  }
0x158: {  	[sflag:s5] =	ssyncset.done $0x0  }
0x159: {  	[sflag:s5] =	ssyncadd.s32 $0xFFFFF800  }
0x15a: {  	_ =	swait.ge [sflag:s5], $0x800  }
0x15b: {  	[sflag:s5] =	ssyncset.done $0x0  }
0x15c: {  	[sflag:s5] =	ssyncadd.s32 $0xFFFFF800  }
0x15d: {  	_ =	swait.ge [sflag:s5], $0x800  }
0x15e: {  	[sflag:s5] =	ssyncset.done $0x0  }
0x15f: {  	s21 =	simm.s32 $0x200;
	[sflag:s5] =	ssyncadd.s32 $0xFFFFF800  }
0x160: {  	[tilespmem:s10], [sflag:$0x1] =	stream.indirect.gather [hbm4b:s6+s7], $0x10, s21, s7, $0xb8;
	[tilespmem:$0xAA00] =	vst v63  }
0x161: {  	s21 =	simm.s32 $0x280  }
0x162: {  	[tilespmem:s17], [sflag:$0x1] =	stream.indirect.gather [hbm4b:s6+s7], $0x10, s21, s7, $0xb8;
	[tilespmem:$0xAA00] =	vst v63  }
0x163: {  	s21 =	simm.s32 $0x300  }
0x164: {  	[tilespmem:s15], [sflag:$0x1] =	stream.indirect.gather [hbm4b:s6+s7], $0x10, s21, s7, $0xb8;
	[tilespmem:$0xAA00] =	vst v63  }
0x165: {  	s21 =	simm.s32 $0x380  }
0x166: {  	[tilespmem:s11], [sflag:$0x1] =	stream.indirect.gather [hbm4b:s6+s7], $0x10, s21, s7, $0xb8;
	[tilespmem:$0xAA00] =	vst v63  }
0x167: {  	_ =	swait.ge [sflag:s5], $0x800  }
0x168: {  	[sflag:s5] =	ssyncset.done $0x0  }
0x169: {  	[sflag:s5] =	ssyncadd.s32 $0xFFFFF800  }
0x16a: {  	_ =	swait.ge [sflag:s5], $0x800  }
0x16b: {  	[sflag:s5] =	ssyncset.done $0x0  }
0x16c: {  	[sflag:s5] =	ssyncadd.s32 $0xFFFFF800  }
0x16d: {  	_ =	swait.ge [sflag:s5], $0x800  }
0x16e: {  	[sflag:s5] =	ssyncset.done $0x0  }
0x16f: {  	[sflag:s5] =	ssyncadd.s32 $0xFFFFF800  }
0x170: {  	_ =	swait.ge [sflag:s5], $0x800  }
0x171: {  	[sflag:s5] =	ssyncset.done $0x0  }
0x172: {  	s21 =	simm.s32 $0x400;
	[sflag:s5] =	ssyncadd.s32 $0xFFFFF800  }
0x173: {  	[tilespmem:s31], [sflag:$0x1] =	stream.indirect.gather [hbm4b:s6+s7], $0x10, s21, s7, $0xb8;
	[tilespmem:$0xAA00] =	vst v63  }
0x174: {  	s21 =	simm.s32 $0x480  }
0x175: {  	[tilespmem:s22], [sflag:$0x1] =	stream.indirect.gather [hbm4b:s6+s7], $0x10, s21, s7, $0xb8;
	[tilespmem:$0xAA00] =	vst v63  }
0x176: {  	_ = 	snop  }
0x177: {  	[tilespmem:s12], [sflag:$0x1] =	stream.indirect.gather [hbm4b:s6+s7], $0x10, s29, s7, $0xb8;
	[tilespmem:$0xAA00] =	vst v63  }
0x178: {  	s21 =	simm.s32 $0x580  }
0x179: {  	[tilespmem:s30], [sflag:$0x1] =	stream.indirect.gather [hbm4b:s6+s7], $0x10, s21, s7, $0xb8;
	[tilespmem:$0xAA00] =	vst v63  }
0x17a: {  	_ =	swait.ge [sflag:s5], $0x800  }
0x17b: {  	[sflag:s5] =	ssyncset.done $0x0  }
0x17c: {  	[sflag:s5] =	ssyncadd.s32 $0xFFFFF800  }
0x17d: {  	_ =	swait.ge [sflag:s5], $0x800  }
0x17e: {  	[sflag:s5] =	ssyncset.done $0x0  }
0x17f: {  	[sflag:s5] =	ssyncadd.s32 $0xFFFFF800  }
0x180: {  	_ =	swait.ge [sflag:s5], $0x800  }
0x181: {  	[sflag:s5] =	ssyncset.done $0x0  }
0x182: {  	[sflag:s5] =	ssyncadd.s32 $0xFFFFF800  }
0x183: {  	_ =	swait.ge [sflag:s5], $0x800  }
0x184: {  	[sflag:s5] =	ssyncset.done $0x0  }
0x185: {  	[sflag:s5] =	ssyncadd.s32 $0xFFFFF800  }
0x186: {  	[tilespmem:s19], [sflag:$0x1] =	stream.indirect.gather [hbm4b:s6+s7], $0x10, s28, s7, $0xb8;
	[tilespmem:$0xAA00] =	vst v63  }
0x187: {  	s21 =	simm.s32 $0x680  }
0x188: {  	[tilespmem:s4], [sflag:$0x1] =	stream.indirect.gather [hbm4b:s6+s7], $0x10, s21, s7, $0xb8;
	[tilespmem:$0xAA00] =	vst v63  }
0x189: {  	s4 =	simm.s32 $0x700  }
0x18a: {  	[tilespmem:s8], [sflag:$0x1] =	stream.indirect.gather [hbm4b:s6+s7], $0x10, s4, s7, $0xb8;
	[tilespmem:$0xAA00] =	vst v63  }
0x18b: {  	s21 =	simm.s32 $0x780  }
0x18c: {  	[tilespmem:s13], [sflag:$0x1] =	stream.indirect.gather [hbm4b:s6+s7], $0x10, s21, s7, $0xb8;
	[tilespmem:$0xAA00] =	vst v63  }
0x18d: {  	_ =	swait.ge [sflag:s5], $0x800  }
0x18e: {  	[sflag:s5] =	ssyncset.done $0x0  }
0x18f: {  	[sflag:s5] =	ssyncadd.s32 $0xFFFFF800  }
0x190: {  	_ =	swait.ge [sflag:s5], $0x800  }
0x191: {  	[sflag:s5] =	ssyncset.done $0x0  }
0x192: {  	[sflag:s5] =	ssyncadd.s32 $0xFFFFF800  }
0x193: {  	_ =	swait.ge [sflag:s5], $0x800  }
0x194: {  	[sflag:s5] =	ssyncset.done $0x0  }
0x195: {  	[sflag:s5] =	ssyncadd.s32 $0xFFFFF800  }
0x196: {  	_ =	swait.ge [sflag:s5], $0x800  }
0x197: {  	[sflag:s5] =	ssyncset.done $0x0  }
0x198: {  	s4 =	simm.s32 $0x800;
	[sflag:s5] =	ssyncadd.s32 $0xFFFFF800  }
0x199: {  	[tilespmem:s1], [sflag:$0x1] =	stream.indirect.gather [hbm4b:s6+s7], $0x10, s4, s7, $0xb8;
	[tilespmem:$0xAA00] =	vst v63  }
0x19a: {  	s21 =	simm.s32 $0x880  }
0x19b: {  	[tilespmem:s16], [sflag:$0x1] =	stream.indirect.gather [hbm4b:s6+s7], $0x10, s21, s7, $0xb8;
	[tilespmem:$0xAA00] =	vst v63  }
0x19c: {  	s21 =	simm.s32 $0x900  }
0x19d: {  	[tilespmem:s18], [sflag:$0x1] =	stream.indirect.gather [hbm4b:s6+s7], $0x10, s21, s7, $0xb8;
	[tilespmem:$0xAA00] =	vst v63  }
0x19e: {  	s16 =	simm.s32 $0x980  }
0x19f: {  	[tilespmem:s26], [sflag:$0x1] =	stream.indirect.gather [hbm4b:s6+s7], $0x10, s16, s7, $0xb8;
	[tilespmem:$0xAA00] =	vst v63  }
0x1a0: {  	_ =	swait.ge [sflag:s5], $0x800  }
0x1a1: {  	[sflag:s5] =	ssyncset.done $0x0  }
0x1a2: {  	[sflag:s5] =	ssyncadd.s32 $0xFFFFF800  }
0x1a3: {  	_ =	swait.ge [sflag:s5], $0x800  }
0x1a4: {  	[sflag:s5] =	ssyncset.done $0x0  }
0x1a5: {  	[sflag:s5] =	ssyncadd.s32 $0xFFFFF800  }
0x1a6: {  	_ =	swait.ge [sflag:s5], $0x800  }
0x1a7: {  	[sflag:s5] =	ssyncset.done $0x0  }
0x1a8: {  	[sflag:s5] =	ssyncadd.s32 $0xFFFFF800  }
0x1a9: {  	p1 =	sne.s32 s20, $0x1;
	_ =	swait.ge [sflag:s5], $0x800  }
.Ltmp2:
0x1aa: {  	s2 =	simm.s32 $0x0;
	[sflag:s5] =	ssyncset.done $0x0;
	(pc) =	sbr.rel @p1 .LBB2_3-.Ltmp2, $4  }
0x1ab: {  	s4 =	simm.s32 $0xA00;
	s18 =	rddreg [dreg:$0x5];
	[sflag:s5] =	ssyncadd.s32 $0xFFFFF800  }
0x1ac: {  	[hbm4b:s18+s2] =	stream.linear.scatter [tilespmem:s4], [sflag:$0x2], $0xA000, $0x38;
	[tilespmem:$0xAA00] =	vst v63  }
0x1ad: {  	_ =	swait.ge [sflag:s3], $0xA000  }
0x1ae: {  	s20 =	sadd.s32 $0xFFFFFFFF, s20;
	s21 =	rddreg [dreg:$0x2];
	[sflag:s3] =	ssyncset.done $0x0  }
.LBB2_4:
0x1af: {  	[sflag:s3] =	ssyncadd.s32 @p0 $0xFFFF6000  }
0x1b0: {  	[tilespmem:s2], [sflag:$0x2] =	stream.linear.gather [hbm4b:s21+s2], $0xA00, $0x38;
	[tilespmem:$0xAA00] =	vst v63  }
0x1b1: {  	_ =	swait.ge [sflag:s3], $0xA00  }
0x1b2: {  	[sflag:s3] =	ssyncset.done $0x0  }
0x1b3: {  	[sflag:s3] =	ssyncadd.s32 $0xFFFFF600  }
0x1b4: {  	[tilespmem:s4], [sflag:$0x1] =	stream.indirect.gather [hbm4b:s6+s7], $0x10, s2, s7, $0xb8;
	[tilespmem:$0xAA00] =	vst v63  }
0x1b5: {  	s9 =	simm.s32 $0x1200  }
0x1b6: {  	[tilespmem:s9], [sflag:$0x1] =	stream.indirect.gather [hbm4b:s6+s7], $0x10, s7, s7, $0xb8;
	[tilespmem:$0xAA00] =	vst v63  }
0x1b7: {  	s10 =	simm.s32 $0x100;
	s1 =	simm.s32 $0x1A00  }
0x1b8: {  	[tilespmem:s1], [sflag:$0x1] =	stream.indirect.gather [hbm4b:s6+s7], $0x10, s10, s7, $0xb8;
	[tilespmem:$0xAA00] =	vst v63  }
0x1b9: {  	s8 =	simm.s32 $0x180;
	s0 =	simm.s32 $0x2200  }
0x1ba: {  	[tilespmem:s0], [sflag:$0x1] =	stream.indirect.gather [hbm4b:s6+s7], $0x10, s8, s7, $0xb8;
	[tilespmem:$0xAA00] =	vst v63  }
0x1bb: {  	_ =	swait.ge [sflag:s5], $0x800  }
0x1bc: {  	[sflag:s5] =	ssyncset.done $0x0  }
0x1bd: {  	[sflag:s5] =	ssyncadd.s32 $0xFFFFF800  }
0x1be: {  	_ =	swait.ge [sflag:s5], $0x800  }
0x1bf: {  	[sflag:s5] =	ssyncset.done $0x0  }
0x1c0: {  	[sflag:s5] =	ssyncadd.s32 $0xFFFFF800  }
0x1c1: {  	_ =	swait.ge [sflag:s5], $0x800  }
0x1c2: {  	[sflag:s5] =	ssyncset.done $0x0  }
0x1c3: {  	[sflag:s5] =	ssyncadd.s32 $0xFFFFF800  }
0x1c4: {  	_ =	swait.ge [sflag:s5], $0x800  }
0x1c5: {  	[sflag:s5] =	ssyncset.done $0x0  }
0x1c6: {  	s18 =	simm.s32 $0x200;
	s17 =	simm.s32 $0x2A00;
	[sflag:s5] =	ssyncadd.s32 $0xFFFFF800  }
0x1c7: {  	[tilespmem:s17], [sflag:$0x1] =	stream.indirect.gather [hbm4b:s6+s7], $0x10, s18, s7, $0xb8;
	[tilespmem:$0xAA00] =	vst v63  }
0x1c8: {  	s16 =	simm.s32 $0x280;
	s15 =	simm.s32 $0x3200  }
0x1c9: {  	[tilespmem:s15], [sflag:$0x1] =	stream.indirect.gather [hbm4b:s6+s7], $0x10, s16, s7, $0xb8;
	[tilespmem:$0xAA00] =	vst v63  }
0x1ca: {  	s14 =	simm.s32 $0x300;
	s13 =	simm.s32 $0x3A00  }
0x1cb: {  	[tilespmem:s13], [sflag:$0x1] =	stream.indirect.gather [hbm4b:s6+s7], $0x10, s14, s7, $0xb8;
	[tilespmem:$0xAA00] =	vst v63  }
0x1cc: {  	s12 =	simm.s32 $0x380;
	s11 =	simm.s32 $0x4200  }
0x1cd: {  	[tilespmem:s11], [sflag:$0x1] =	stream.indirect.gather [hbm4b:s6+s7], $0x10, s12, s7, $0xb8;
	[tilespmem:$0xAA00] =	vst v63  }
0x1ce: {  	_ =	swait.ge [sflag:s5], $0x800  }
0x1cf: {  	[sflag:s5] =	ssyncset.done $0x0  }
0x1d0: {  	[sflag:s5] =	ssyncadd.s32 $0xFFFFF800  }
0x1d1: {  	_ =	swait.ge [sflag:s5], $0x800  }
0x1d2: {  	[sflag:s5] =	ssyncset.done $0x0  }
0x1d3: {  	[sflag:s5] =	ssyncadd.s32 $0xFFFFF800  }
0x1d4: {  	_ =	swait.ge [sflag:s5], $0x800  }
0x1d5: {  	[sflag:s5] =	ssyncset.done $0x0  }
0x1d6: {  	[sflag:s5] =	ssyncadd.s32 $0xFFFFF800  }
0x1d7: {  	_ =	swait.ge [sflag:s5], $0x800  }
0x1d8: {  	[sflag:s5] =	ssyncset.done $0x0  }
0x1d9: {  	s19 =	simm.s32 $0x400;
	s23 =	simm.s32 $0x4A00;
	[sflag:s5] =	ssyncadd.s32 $0xFFFFF800  }
0x1da: {  	[tilespmem:s23], [sflag:$0x1] =	stream.indirect.gather [hbm4b:s6+s7], $0x10, s19, s7, $0xb8;
	[tilespmem:$0xAA00] =	vst v63  }
0x1db: {  	s22 =	simm.s32 $0x480;
	s28 =	simm.s32 $0x5200  }
0x1dc: {  	[tilespmem:s28], [sflag:$0x1] =	stream.indirect.gather [hbm4b:s6+s7], $0x10, s22, s7, $0xb8;
	[tilespmem:$0xAA00] =	vst v63  }
0x1dd: {  	s24 =	simm.s32 $0x500;
	s20 =	simm.s32 $0x5A00  }
0x1de: {  	[tilespmem:s20], [sflag:$0x1] =	stream.indirect.gather [hbm4b:s6+s7], $0x10, s24, s7, $0xb8;
	[tilespmem:$0xAA00] =	vst v63  }
0x1df: {  	s25 =	simm.s32 $0x580;
	s31 =	simm.s32 $0x6200  }
0x1e0: {  	[tilespmem:s31], [sflag:$0x1] =	stream.indirect.gather [hbm4b:s6+s7], $0x10, s25, s7, $0xb8;
	[tilespmem:$0xAA00] =	vst v63  }
0x1e1: {  	_ =	swait.ge [sflag:s5], $0x800  }
0x1e2: {  	[sflag:s5] =	ssyncset.done $0x0  }
0x1e3: {  	[sflag:s5] =	ssyncadd.s32 $0xFFFFF800  }
0x1e4: {  	_ =	swait.ge [sflag:s5], $0x800  }
0x1e5: {  	[sflag:s5] =	ssyncset.done $0x0  }
0x1e6: {  	[sflag:s5] =	ssyncadd.s32 $0xFFFFF800  }
0x1e7: {  	_ =	swait.ge [sflag:s5], $0x800  }
0x1e8: {  	[sflag:s5] =	ssyncset.done $0x0  }
0x1e9: {  	[sflag:s5] =	ssyncadd.s32 $0xFFFFF800  }
0x1ea: {  	_ =	swait.ge [sflag:s5], $0x800  }
0x1eb: {  	[sflag:s5] =	ssyncset.done $0x0  }
0x1ec: {  	s26 =	simm.s32 $0x600;
	s21 =	simm.s32 $0x6A00;
	[sflag:s5] =	ssyncadd.s32 $0xFFFFF800  }
0x1ed: {  	[tilespmem:s21], [sflag:$0x1] =	stream.indirect.gather [hbm4b:s6+s7], $0x10, s26, s7, $0xb8;
	[tilespmem:$0xAA00] =	vst v63  }
0x1ee: {  	s29 =	simm.s32 $0x680;
	s30 =	simm.s32 $0x7200  }
0x1ef: {  	[tilespmem:s30], [sflag:$0x1] =	stream.indirect.gather [hbm4b:s6+s7], $0x10, s29, s7, $0xb8;
	[tilespmem:$0xAA00] =	vst v63  }
0x1f0: {  	s20 =	simm.s32 $0x700;
	s25 =	simm.s32 $0x7A00  }
0x1f1: {  	[tilespmem:s25], [sflag:$0x1] =	stream.indirect.gather [hbm4b:s6+s7], $0x10, s20, s7, $0xb8;
	[tilespmem:$0xAA00] =	vst v63  }
0x1f2: {  	s19 =	simm.s32 $0x8200;
	s22 =	simm.s32 $0x780  }
0x1f3: {  	[tilespmem:s19], [sflag:$0x1] =	stream.indirect.gather [hbm4b:s6+s7], $0x10, s22, s7, $0xb8;
	[tilespmem:$0xAA00] =	vst v63  }
0x1f4: {  	_ =	swait.ge [sflag:s5], $0x800  }
0x1f5: {  	[sflag:s5] =	ssyncset.done $0x0  }
0x1f6: {  	[sflag:s5] =	ssyncadd.s32 $0xFFFFF800  }
0x1f7: {  	_ =	swait.ge [sflag:s5], $0x800  }
0x1f8: {  	[sflag:s5] =	ssyncset.done $0x0  }
0x1f9: {  	[sflag:s5] =	ssyncadd.s32 $0xFFFFF800  }
0x1fa: {  	_ =	swait.ge [sflag:s5], $0x800  }
0x1fb: {  	[sflag:s5] =	ssyncset.done $0x0  }
0x1fc: {  	[sflag:s5] =	ssyncadd.s32 $0xFFFFF800  }
0x1fd: {  	_ =	swait.ge [sflag:s5], $0x800  }
0x1fe: {  	[sflag:s5] =	ssyncset.done $0x0  }
0x1ff: {  	s24 =	simm.s32 $0x800;
	s22 =	simm.s32 $0x8A00;
	[sflag:s5] =	ssyncadd.s32 $0xFFFFF800  }
0x200: {  	[tilespmem:s22], [sflag:$0x1] =	stream.indirect.gather [hbm4b:s6+s7], $0x10, s24, s7, $0xb8;
	[tilespmem:$0xAA00] =	vst v63  }
0x201: {  	s26 =	simm.s32 $0x880;
	s24 =	simm.s32 $0x9200  }
0x202: {  	[tilespmem:s24], [sflag:$0x1] =	stream.indirect.gather [hbm4b:s6+s7], $0x10, s26, s7, $0xb8;
	[tilespmem:$0xAA00] =	vst v63  }
0x203: {  	s29 =	simm.s32 $0x900;
	s26 =	simm.s32 $0x9A00  }
0x204: {  	[tilespmem:s26], [sflag:$0x1] =	stream.indirect.gather [hbm4b:s6+s7], $0x10, s29, s7, $0xb8;
	[tilespmem:$0xAA00] =	vst v63  }
0x205: {  	s20 =	simm.s32 $0x980;
	s29 =	simm.s32 $0xA200  }
0x206: {  	[tilespmem:s29], [sflag:$0x1] =	stream.indirect.gather [hbm4b:s6+s7], $0x10, s20, s7, $0xb8;
	[tilespmem:$0xAA00] =	vst v63  }
0x207: {  	_ =	swait.ge [sflag:s5], $0x800  }
0x208: {  	[sflag:s5] =	ssyncset.done $0x0  }
0x209: {  	[sflag:s5] =	ssyncadd.s32 $0xFFFFF800  }
0x20a: {  	_ =	swait.ge [sflag:s5], $0x800  }
0x20b: {  	[sflag:s5] =	ssyncset.done $0x0  }
0x20c: {  	[sflag:s5] =	ssyncadd.s32 $0xFFFFF800  }
0x20d: {  	_ =	swait.ge [sflag:s5], $0x800  }
0x20e: {  	[sflag:s5] =	ssyncset.done $0x0  }
0x20f: {  	[sflag:s5] =	ssyncadd.s32 $0xFFFFF800  }
0x210: {  	_ =	swait.ge [sflag:s5], $0x800  }
0x211: {  	[sflag:s5] =	ssyncset.done $0x0  }
0x212: {  	s20 =	rddreg [dreg:$0x3];
	[sflag:s5] =	ssyncadd.s32 $0xFFFFF800  }
0x213: {  	[hbm4b:s20+s2] =	stream.linear.scatter [tilespmem:s4], [sflag:$0x2], $0xA000, $0x38;
	[tilespmem:$0xAA00] =	vst v63  }
0x214: {  	_ =	swait.ge [sflag:s3], $0xA000  }
0x215: {  	[sflag:s3] =	ssyncset.done $0x0  }
0x216: {  	s20 =	rddreg [dreg:$0x4];
	[sflag:s3] =	ssyncadd.s32 $0xFFFF6000  }
0x217: {  	[tilespmem:s2], [sflag:$0x2] =	stream.linear.gather [hbm4b:s20+s2], $0xA00, $0x38;
	[tilespmem:$0xAA00] =	vst v63  }
0x218: {  	_ =	swait.ge [sflag:s3], $0xA00  }
0x219: {  	[sflag:s3] =	ssyncset.done $0x0  }
0x21a: {  	[sflag:s3] =	ssyncadd.s32 $0xFFFFF600  }
0x21b: {  	[tilespmem:s4], [sflag:$0x1] =	stream.indirect.gather [hbm4b:s6+s7], $0x10, s2, s7, $0xb8;
	[tilespmem:$0xAA00] =	vst v63  }
0x21c: {  	_ = 	snop  }
0x21d: {  	[tilespmem:s9], [sflag:$0x1] =	stream.indirect.gather [hbm4b:s6+s7], $0x10, s7, s7, $0xb8;
	[tilespmem:$0xAA00] =	vst v63  }
0x21e: {  	_ = 	snop  }
0x21f: {  	[tilespmem:s1], [sflag:$0x1] =	stream.indirect.gather [hbm4b:s6+s7], $0x10, s10, s7, $0xb8;
	[tilespmem:$0xAA00] =	vst v63  }
0x220: {  	_ = 	snop  }
0x221: {  	[tilespmem:s0], [sflag:$0x1] =	stream.indirect.gather [hbm4b:s6+s7], $0x10, s8, s7, $0xb8;
	[tilespmem:$0xAA00] =	vst v63  }
0x222: {  	_ =	swait.ge [sflag:s5], $0x800  }
0x223: {  	[sflag:s5] =	ssyncset.done $0x0  }
0x224: {  	[sflag:s5] =	ssyncadd.s32 $0xFFFFF800  }
0x225: {  	_ =	swait.ge [sflag:s5], $0x800  }
0x226: {  	[sflag:s5] =	ssyncset.done $0x0  }
0x227: {  	[sflag:s5] =	ssyncadd.s32 $0xFFFFF800  }
0x228: {  	_ =	swait.ge [sflag:s5], $0x800  }
0x229: {  	[sflag:s5] =	ssyncset.done $0x0  }
0x22a: {  	[sflag:s5] =	ssyncadd.s32 $0xFFFFF800  }
0x22b: {  	_ =	swait.ge [sflag:s5], $0x800  }
0x22c: {  	[sflag:s5] =	ssyncset.done $0x0  }
0x22d: {  	[sflag:s5] =	ssyncadd.s32 $0xFFFFF800  }
0x22e: {  	[tilespmem:s17], [sflag:$0x1] =	stream.indirect.gather [hbm4b:s6+s7], $0x10, s18, s7, $0xb8;
	[tilespmem:$0xAA00] =	vst v63  }
0x22f: {  	_ = 	snop  }
0x230: {  	[tilespmem:s15], [sflag:$0x1] =	stream.indirect.gather [hbm4b:s6+s7], $0x10, s16, s7, $0xb8;
	[tilespmem:$0xAA00] =	vst v63  }
0x231: {  	_ = 	snop  }
0x232: {  	[tilespmem:s13], [sflag:$0x1] =	stream.indirect.gather [hbm4b:s6+s7], $0x10, s14, s7, $0xb8;
	[tilespmem:$0xAA00] =	vst v63  }
0x233: {  	_ = 	snop  }
0x234: {  	[tilespmem:s11], [sflag:$0x1] =	stream.indirect.gather [hbm4b:s6+s7], $0x10, s12, s7, $0xb8;
	[tilespmem:$0xAA00] =	vst v63  }
0x235: {  	_ =	swait.ge [sflag:s5], $0x800  }
0x236: {  	[sflag:s5] =	ssyncset.done $0x0  }
0x237: {  	[sflag:s5] =	ssyncadd.s32 $0xFFFFF800  }
0x238: {  	_ =	swait.ge [sflag:s5], $0x800  }
0x239: {  	[sflag:s5] =	ssyncset.done $0x0  }
0x23a: {  	[sflag:s5] =	ssyncadd.s32 $0xFFFFF800  }
0x23b: {  	_ =	swait.ge [sflag:s5], $0x800  }
0x23c: {  	[sflag:s5] =	ssyncset.done $0x0  }
0x23d: {  	[sflag:s5] =	ssyncadd.s32 $0xFFFFF800  }
0x23e: {  	_ =	swait.ge [sflag:s5], $0x800  }
0x23f: {  	[sflag:s5] =	ssyncset.done $0x0  }
0x240: {  	s11 =	simm.s32 $0x400;
	[sflag:s5] =	ssyncadd.s32 $0xFFFFF800  }
0x241: {  	[tilespmem:s23], [sflag:$0x1] =	stream.indirect.gather [hbm4b:s6+s7], $0x10, s11, s7, $0xb8;
	[tilespmem:$0xAA00] =	vst v63  }
0x242: {  	s12 =	simm.s32 $0x480  }
0x243: {  	[tilespmem:s28], [sflag:$0x1] =	stream.indirect.gather [hbm4b:s6+s7], $0x10, s12, s7, $0xb8;
	[tilespmem:$0xAA00] =	vst v63  }
0x244: {  	s13 =	simm.s32 $0x500;
	s14 =	simm.s32 $0x5A00  }
0x245: {  	[tilespmem:s14], [sflag:$0x1] =	stream.indirect.gather [hbm4b:s6+s7], $0x10, s13, s7, $0xb8;
	[tilespmem:$0xAA00] =	vst v63  }
0x246: {  	s15 =	simm.s32 $0x580  }
0x247: {  	[tilespmem:s31], [sflag:$0x1] =	stream.indirect.gather [hbm4b:s6+s7], $0x10, s15, s7, $0xb8;
	[tilespmem:$0xAA00] =	vst v63  }
0x248: {  	_ =	swait.ge [sflag:s5], $0x800  }
0x249: {  	[sflag:s5] =	ssyncset.done $0x0  }
0x24a: {  	[sflag:s5] =	ssyncadd.s32 $0xFFFFF800  }
0x24b: {  	_ =	swait.ge [sflag:s5], $0x800  }
0x24c: {  	[sflag:s5] =	ssyncset.done $0x0  }
0x24d: {  	[sflag:s5] =	ssyncadd.s32 $0xFFFFF800  }
0x24e: {  	_ =	swait.ge [sflag:s5], $0x800  }
0x24f: {  	[sflag:s5] =	ssyncset.done $0x0  }
0x250: {  	[sflag:s5] =	ssyncadd.s32 $0xFFFFF800  }
0x251: {  	_ =	swait.ge [sflag:s5], $0x800  }
0x252: {  	[sflag:s5] =	ssyncset.done $0x0  }
0x253: {  	s16 =	simm.s32 $0x600;
	[sflag:s5] =	ssyncadd.s32 $0xFFFFF800  }
0x254: {  	[tilespmem:s21], [sflag:$0x1] =	stream.indirect.gather [hbm4b:s6+s7], $0x10, s16, s7, $0xb8;
	[tilespmem:$0xAA00] =	vst v63  }
0x255: {  	s17 =	simm.s32 $0x680  }
0x256: {  	[tilespmem:s30], [sflag:$0x1] =	stream.indirect.gather [hbm4b:s6+s7], $0x10, s17, s7, $0xb8;
	[tilespmem:$0xAA00] =	vst v63  }
0x257: {  	s18 =	simm.s32 $0x700  }
0x258: {  	[tilespmem:s25], [sflag:$0x1] =	stream.indirect.gather [hbm4b:s6+s7], $0x10, s18, s7, $0xb8;
	[tilespmem:$0xAA00] =	vst v63  }
0x259: {  	s20 =	simm.s32 $0x780  }
0x25a: {  	[tilespmem:s19], [sflag:$0x1] =	stream.indirect.gather [hbm4b:s6+s7], $0x10, s20, s7, $0xb8;
	[tilespmem:$0xAA00] =	vst v63  }
0x25b: {  	_ =	swait.ge [sflag:s5], $0x800  }
0x25c: {  	[sflag:s5] =	ssyncset.done $0x0  }
0x25d: {  	[sflag:s5] =	ssyncadd.s32 $0xFFFFF800  }
0x25e: {  	_ =	swait.ge [sflag:s5], $0x800  }
0x25f: {  	[sflag:s5] =	ssyncset.done $0x0  }
0x260: {  	[sflag:s5] =	ssyncadd.s32 $0xFFFFF800  }
0x261: {  	_ =	swait.ge [sflag:s5], $0x800  }
0x262: {  	[sflag:s5] =	ssyncset.done $0x0  }
0x263: {  	[sflag:s5] =	ssyncadd.s32 $0xFFFFF800  }
0x264: {  	_ =	swait.ge [sflag:s5], $0x800  }
0x265: {  	[sflag:s5] =	ssyncset.done $0x0  }
0x266: {  	s21 =	simm.s32 $0x800;
	[sflag:s5] =	ssyncadd.s32 $0xFFFFF800  }
0x267: {  	[tilespmem:s22], [sflag:$0x1] =	stream.indirect.gather [hbm4b:s6+s7], $0x10, s21, s7, $0xb8;
	[tilespmem:$0xAA00] =	vst v63  }
0x268: {  	s23 =	simm.s32 $0x880  }
0x269: {  	[tilespmem:s24], [sflag:$0x1] =	stream.indirect.gather [hbm4b:s6+s7], $0x10, s23, s7, $0xb8;
	[tilespmem:$0xAA00] =	vst v63  }
0x26a: {  	s25 =	simm.s32 $0x900  }
0x26b: {  	[tilespmem:s26], [sflag:$0x1] =	stream.indirect.gather [hbm4b:s6+s7], $0x10, s25, s7, $0xb8;
	[tilespmem:$0xAA00] =	vst v63  }
0x26c: {  	s28 =	simm.s32 $0x980  }
0x26d: {  	[tilespmem:s29], [sflag:$0x1] =	stream.indirect.gather [hbm4b:s6+s7], $0x10, s28, s7, $0xb8;
	[tilespmem:$0xAA00] =	vst v63  }
0x26e: {  	_ =	swait.ge [sflag:s5], $0x800  }
0x26f: {  	[sflag:s5] =	ssyncset.done $0x0  }
0x270: {  	[sflag:s5] =	ssyncadd.s32 $0xFFFFF800  }
0x271: {  	_ =	swait.ge [sflag:s5], $0x800  }
0x272: {  	[sflag:s5] =	ssyncset.done $0x0  }
0x273: {  	[sflag:s5] =	ssyncadd.s32 $0xFFFFF800  }
0x274: {  	_ =	swait.ge [sflag:s5], $0x800  }
0x275: {  	[sflag:s5] =	ssyncset.done $0x0  }
0x276: {  	[sflag:s5] =	ssyncadd.s32 $0xFFFFF800  }
0x277: {  	_ =	swait.ge [sflag:s5], $0x800  }
0x278: {  	[sflag:s5] =	ssyncset.done $0x0  }
0x279: {  	s30 =	rddreg [dreg:$0x5];
	[sflag:s5] =	ssyncadd.s32 $0xFFFFF800  }
0x27a: {  	[hbm4b:s30+s2] =	stream.linear.scatter [tilespmem:s4], [sflag:$0x2], $0xA000, $0x38;
	[tilespmem:$0xAA00] =	vst v63  }
0x27b: {  	_ =	swait.ge [sflag:s3], $0xA000  }
0x27c: {  	[sflag:s3] =	ssyncset.done $0x0  }
0x27d: {  	[sflag:s3] =	ssyncadd.s32 $0xFFFF6000  }
0x27e: {  	_ =	sfence.sel $0x180000  }
0x27f: {  	[bflag:$0x0] =	sbarrier.arrive $0xFFFF  }
0x280: {  	_ =	strace $0x90000050  }
0x281: {  	s31 =	stileid.u32;
	[bflag:$0x2] =	sbarrier.arrive $0xFFFF  }
0x282: {  	p0 =	sne.s32 s31, $0x0;
	s0 =	rddreg [dreg:$0x1]  }
0x283: {  	s0 =	sadd.s32 @!p0 $0x100000, s0  }
0x284: {  	[sflag:s0] =	ssyncadd.tile.s32 @!p0 $0x1;
	_ =	shalt  }
.Lfunc_end2:
_tile_overlayer_lowered:
.L_overlay_start_2:
0x285: {  	(tag) =	ssettag $0x2  }
0x286: {  	s0 =	rddreg [dreg:$0x0];
	s2 =	stileid.u32  }
0x287: {  	s1 =	rddreg [dreg:$0x1];
	p0 =	sne.s32 s2, $0x0  }
0x288: {  	s3 =	rddreg [dreg:$0x2];
	[bflag:$0x3] =	sbarrier.arrive $0xFFFF;
	s2 =	simm.s32 @!p0 $0x1C02  }
0x289: {  	[timem:s3], [sflag:s2] =	dma.local @!p0 [hbm:s0], s1  }
0x28a: {  	s0 =	simm.s32 @!p0 $0x2  }
0x28b: {  	_ =	swait.ge @!p0 [sflag:s0], s1  }
0x28c: {  	s1 =	ssub.s32 @!p0 $0x0, s1;
	[sflag:s0] =	ssyncset.done @!p0 $0x0  }
0x28d: {  	[sflag:s0] =	ssyncadd.s32 @!p0 s1  }
0x28e: {  	[bflag:$0x3] =	sbarrier.arrive $0xFFFF  }
0x28f: {  	_ =	shalt  }

</sc_bundles>
